<compile_context>
chip_gen: v7x
topology: tpu7x:2x2x1
jax: 0.10.2.dev20260603
libtpu: 0.0.44.dev20260713+nightly
codegen_flags: <defaults>
</compile_context>

<pallas_src>
import functools

import jax
import jax.numpy as jnp
from jax import lax
from jax.experimental import pallas as pl
from jax.experimental.pallas import tpu as pltpu
from jax.experimental.pallas import tpu_sc as plsc

N = 10000
D = 128
N_PAD = 10240
E = 320000
NC = 2
NS = 16
NW = NC * NS
CH = 128
K = 2 * (-(-E // (NW * CH * 2)))
E_PAD = NW * CH * K
NCHUNK = E_PAD // CH
KA = 80
KB = NCHUNK // NS - KA
HB = 16
ROWS_PER_TILE = N_PAD // NS
BT = 512

_mesh = plsc.VectorSubcoreMesh(core_axis_name="c", subcore_axis_name="s")


@functools.partial(
    pl.kernel,
    out_type=(
        jax.ShapeDtypeStruct((NC, N_PAD, D), jnp.float32),
        jax.ShapeDtypeStruct((NC, N_PAD, D), jnp.float32),
    ),
    mesh=_mesh,
    scratch_types=[
        pltpu.VMEM((K, CH), jnp.int32),
        pltpu.VMEM((CH, D), jnp.float32),
        pltpu.VMEM((CH, D), jnp.float32),
        pltpu.VMEM_SHARED((N_PAD, D), jnp.float32),
    ],
)
def _sc_degrees(ones_hbm, src_hbm, dst_hbm, out_s, out_d, idx_v, ones_v,
                buf_v, deg_sh):
    c = lax.axis_index("c")
    s = lax.axis_index("s")
    pltpu.sync_copy(ones_hbm.at[0], ones_v)
    w = s * NC + c

    for idx_hbm, out_hbm in ((src_hbm, out_s), (dst_hbm, out_d)):
        pltpu.sync_copy(ones_hbm.at[1], buf_v)
        pltpu.sync_copy(idx_hbm.at[pl.ds(w * K, K)], idx_v)
        for t in range(ROWS_PER_TILE // CH):
            r0 = s * ROWS_PER_TILE + t * CH
            pltpu.sync_copy(buf_v, deg_sh.at[pl.ds(r0, CH)])
        plsc.subcore_barrier()

        def body(j, carry):
            pltpu.sync_copy(ones_v, deg_sh.at[idx_v.at[j]], add=True)
            return carry

        lax.fori_loop(0, K, body, 0)
        plsc.subcore_barrier()
        for t in range(ROWS_PER_TILE // CH):
            r0 = s * ROWS_PER_TILE + t * CH
            pltpu.sync_copy(deg_sh.at[pl.ds(r0, CH)], buf_v)
            pltpu.sync_copy(buf_v, out_hbm.at[c, pl.ds(r0, CH)])
        plsc.subcore_barrier()


@functools.partial(
    pl.kernel,
    out_type=jax.ShapeDtypeStruct((NC, N_PAD, D), jnp.float32),
    mesh=_mesh,
    scratch_types=[
        pltpu.VMEM((HB, CH), jnp.int32),
        pltpu.VMEM((HB, CH), jnp.int32),
        pltpu.VMEM((CH, D), jnp.float32),
        pltpu.VMEM((CH, D), jnp.float32),
        pltpu.VMEM_SHARED((N_PAD, D), jnp.float32),
        pltpu.SemaphoreType.DMA,
        pltpu.SemaphoreType.DMA,
    ],
)
def _sc_aggregate(h_hbm, src_hbm, dst_hbm, out_hbm, src_v, dst_v, rows0,
                  rows1, agg_sh, sem0, sem1):
    c = lax.axis_index("c")
    s = lax.axis_index("s")
    zero16 = jnp.zeros((16,), jnp.float32)

    def zrow(i, carry):
        for j in range(D // 16):
            rows0[i, pl.ds(j * 16, 16)] = zero16
        return carry

    lax.fori_loop(0, CH, zrow, 0)
    for t in range(ROWS_PER_TILE // CH):
        pltpu.sync_copy(rows0, agg_sh.at[pl.ds(s * ROWS_PER_TILE + t * CH, CH)])
    plsc.subcore_barrier()

    start = jnp.where(c == 0, s * KA, NS * KA + s * KB)
    nblocks = jnp.where(c == 0, KA // HB, KB // HB)

    def block(bi, carry):
        b0 = start + bi * HB
        pltpu.sync_copy(src_hbm.at[pl.ds(b0, HB)], src_v)
        pltpu.sync_copy(dst_hbm.at[pl.ds(b0, HB)], dst_v)
        pltpu.async_copy(h_hbm.at[src_v.at[0]], rows0, sem0)

        def body(jj, carry2):
            a = 2 * jj
            pltpu.async_copy(h_hbm.at[src_v.at[a + 1]], rows1, sem1)
            pltpu.make_async_copy(h_hbm.at[src_v.at[a]], rows0, sem0).wait()
            pltpu.sync_copy(rows0, agg_sh.at[dst_v.at[a]], add=True)

            @pl.when(jj < HB // 2 - 1)
            def _():
                pltpu.async_copy(h_hbm.at[src_v.at[a + 2]], rows0, sem0)

            pltpu.make_async_copy(h_hbm.at[src_v.at[a + 1]], rows1, sem1).wait()
            pltpu.sync_copy(rows1, agg_sh.at[dst_v.at[a + 1]], add=True)
            return carry2

        lax.fori_loop(0, HB // 2, body, 0)
        return carry

    lax.fori_loop(0, nblocks, block, 0)
    plsc.subcore_barrier()
    for t in range(ROWS_PER_TILE // CH):
        r0 = s * ROWS_PER_TILE + t * CH
        pltpu.sync_copy(agg_sh.at[pl.ds(r0, CH)], rows0)
        pltpu.sync_copy(rows0, out_hbm.at[c, pl.ds(r0, CH)])


def _tc_pre_body(deg_s_ref, deg_d_ref, x_ref, rsout_ref, rsin_ref, h0_ref):
    ds_ = deg_s_ref[0] + deg_s_ref[1]
    dd_ = deg_d_ref[0] + deg_d_ref[1]
    so = lax.rsqrt(jnp.maximum(ds_[:, :1], 1.0))
    si = lax.rsqrt(jnp.maximum(dd_[:, :1], 1.0))
    rsout = jnp.broadcast_to(so, (BT, D))
    rsin = jnp.broadcast_to(si, (BT, D))
    rsout_ref[...] = rsout
    rsin_ref[...] = rsin
    h0_ref[...] = x_ref[...] * rsout


def _tc_pre(deg_s, deg_d, x):
    grid = (N_PAD // BT,)
    return pl.pallas_call(
        _tc_pre_body,
        grid=grid,
        in_specs=[
            pl.BlockSpec((NC, BT, D), lambda i: (0, i, 0)),
            pl.BlockSpec((NC, BT, D), lambda i: (0, i, 0)),
            pl.BlockSpec((BT, D), lambda i: (i, 0)),
        ],
        out_specs=[
            pl.BlockSpec((BT, D), lambda i: (i, 0)),
            pl.BlockSpec((BT, D), lambda i: (i, 0)),
            pl.BlockSpec((BT, D), lambda i: (i, 0)),
        ],
        out_shape=[
            jax.ShapeDtypeStruct((N_PAD, D), jnp.float32),
            jax.ShapeDtypeStruct((N_PAD, D), jnp.float32),
            jax.ShapeDtypeStruct((N_PAD, D), jnp.float32),
        ],
    )(deg_s, deg_d, x)


def _tc_mid_body(agg_ref, rsin_ref, rsout_ref, w_ref, b_ref, out_ref):
    a = (agg_ref[0] + agg_ref[1]) * rsin_ref[...]
    h = jnp.dot(a, w_ref[...], preferred_element_type=jnp.float32) + b_ref[...]
    out_ref[...] = jnp.maximum(h, 0.0) * rsout_ref[...]


def _tc_mid(agg, rsin, rsout, w, b):
    grid = (N_PAD // BT,)
    return pl.pallas_call(
        _tc_mid_body,
        grid=grid,
        in_specs=[
            pl.BlockSpec((NC, BT, D), lambda i: (0, i, 0)),
            pl.BlockSpec((BT, D), lambda i: (i, 0)),
            pl.BlockSpec((BT, D), lambda i: (i, 0)),
            pl.BlockSpec((D, D), lambda i: (0, 0)),
            pl.BlockSpec((1, D), lambda i: (0, 0)),
        ],
        out_specs=pl.BlockSpec((BT, D), lambda i: (i, 0)),
        out_shape=jax.ShapeDtypeStruct((N_PAD, D), jnp.float32),
    )(agg, rsin, rsout, w, b)


def _tc_fin_body(agg_ref, rsin_ref, w_ref, b_ref, out_ref):
    i = pl.program_id(0)
    a = (agg_ref[0] + agg_ref[1]) * rsin_ref[...]
    h = jnp.dot(a, w_ref[...], preferred_element_type=jnp.float32) + b_ref[...]
    h = jnp.maximum(h, 0.0)
    rows = lax.broadcasted_iota(jnp.int32, (BT, D), 0) + i * BT
    h = jnp.where(rows < N, h, 0.0)
    part = jnp.sum(h, axis=0, keepdims=True) * (1.0 / N)

    @pl.when(i == 0)
    def _():
        out_ref[...] = part

    @pl.when(i > 0)
    def _():
        out_ref[...] = out_ref[...] + part


def _tc_fin(agg, rsin, w, b):
    grid = (N_PAD // BT,)
    return pl.pallas_call(
        _tc_fin_body,
        grid=grid,
        in_specs=[
            pl.BlockSpec((NC, BT, D), lambda i: (0, i, 0)),
            pl.BlockSpec((BT, D), lambda i: (i, 0)),
            pl.BlockSpec((D, D), lambda i: (0, 0)),
            pl.BlockSpec((1, D), lambda i: (0, 0)),
        ],
        out_specs=pl.BlockSpec((1, D), lambda i: (0, 0)),
        out_shape=jax.ShapeDtypeStruct((1, D), jnp.float32),
    )(agg, rsin, w, b)


def kernel(n_feat, edge_index, W1, b1, W2, b2, W3, b3):
    src = edge_index[0].astype(jnp.int32)
    dst = edge_index[1].astype(jnp.int32)
    npad_e = E_PAD - E
    pad_iota = jnp.arange(npad_e, dtype=jnp.int32)
    pad_src = N + pad_iota % (N_PAD - N)
    pad_dst = N + (pad_iota + 128) % (N_PAD - N)
    src_p = jnp.concatenate([src, pad_src]).reshape(NCHUNK, CH)
    dst_p = jnp.concatenate([dst, pad_dst]).reshape(NCHUNK, CH)
    x_p = jnp.pad(n_feat, ((0, N_PAD - N), (0, 0)))

    ones_c = jnp.stack([jnp.ones((CH, D), jnp.float32),
                        jnp.zeros((CH, D), jnp.float32)])
    deg_s, deg_d = _sc_degrees(ones_c, src_p, dst_p)
    rsout, rsin, h = _tc_pre(deg_s, deg_d, x_p)
    for w, b in ((W1, b1), (W2, b2)):
        agg = _sc_aggregate(h, src_p, dst_p)
        h = _tc_mid(agg, rsin, rsout, w, b.reshape(1, D))
    agg = _sc_aggregate(h, src_p, dst_p)
    return _tc_fin(agg, rsin, W3, b3.reshape(1, D))

# --- scband reference (transcript-rebuilt; emitter-appended) ---
"""Pipeline reference for scband-dynamic-gcn-27367531610736 (READ-ONLY COPY).

The authoritative reference and input builder live on the scoring server;
editing this copy changes nothing except your own understanding.
"""

import jax, jax.numpy as jnp
import numpy as np

N_NODES = 10000
N_EDGES = 320000
D_IN = 128
D_H0 = 128
D_H1 = 128
D_OUT = 128


def setup_inputs(seed: int = 0) -> dict:
    key = jax.random.key(seed)
    ks = jax.random.split(key, 10)
    x = jax.random.normal(ks[0], (N_NODES, D_IN), dtype=jnp.float32)
    edge_index = jax.random.randint(ks[1], (2, N_EDGES), 0, N_NODES, dtype=jnp.int64)
    s1 = 1.0 / np.sqrt(D_IN)
    s2 = 1.0 / np.sqrt(D_H0)
    s3 = 1.0 / np.sqrt(D_H1)
    W1 = jax.random.uniform(ks[2], (D_IN, D_H0), dtype=jnp.float32, minval=-s1, maxval=s1)
    b1 = jnp.zeros((D_H0,), dtype=jnp.float32)
    W2 = jax.random.uniform(ks[3], (D_H0, D_H1), dtype=jnp.float32, minval=-s2, maxval=s2)
    b2 = jnp.zeros((D_H1,), dtype=jnp.float32)
    W3 = jax.random.uniform(ks[4], (D_H1, D_OUT), dtype=jnp.float32, minval=-s3, maxval=s3)
    b3 = jnp.zeros((D_OUT,), dtype=jnp.float32)
    return {"n_feat": x, "edge_index": edge_index, "W1": W1, "b1": b1, "W2": W2, "b2": b2, "W3": W3, "b3": b3}


def _graph_conv(h, src, dst, n_nodes, W, b):
    # DGL GraphConv with norm='both': h' = D_in^{-1/2} A D_out^{-1/2} h W + b
    ones = jnp.ones((src.shape[0],), dtype=h.dtype)
    deg_out = jax.ops.segment_sum(ones, src, num_segments=n_nodes)
    deg_out = jnp.clip(deg_out, 1.0, None)
    h = h * jnp.power(deg_out, -0.5)[:, None]
    msg = jnp.take(h, src, axis=0)
    agg = jnp.zeros((n_nodes, h.shape[1]), dtype=h.dtype).at[dst].add(msg)
    deg_in = jax.ops.segment_sum(ones, dst, num_segments=n_nodes)
    deg_in = jnp.clip(deg_in, 1.0, None)
    agg = agg * jnp.power(deg_in, -0.5)[:, None]
    return agg @ W + b


def reference(n_feat, edge_index, W1, b1, W2, b2, W3, b3):
    src = edge_index[0]
    dst = edge_index[1]
    n_nodes = n_feat.shape[0]
    # flatten is a no-op for 2D input
    h = n_feat.reshape(n_feat.shape[0], -1)
    h = jnp.clip(_graph_conv(h, src, dst, n_nodes, W1, b1), 0.0, None)
    h = jnp.clip(_graph_conv(h, src, dst, n_nodes, W2, b2), 0.0, None)
    h = jnp.clip(_graph_conv(h, src, dst, n_nodes, W3, b3), 0.0, None)
    # dgl.mean_nodes over a single graph -> [1, D_OUT]
    return jnp.mean(h, axis=0, keepdims=True)

if __name__ == "__main__":
    import jax
    _d = setup_inputs()
    print(jax.jit(kernel)(*tuple(_d.values())))

</pallas_src>

<mosaic_0001>
#map = affine_map<(d0, d1) -> (0, 0, 0)>
#map1 = affine_map<(d0, d1) -> (0, 0)>
module attributes {stable_mosaic.version = 14 : i64} {
  func.func @_sc_degrees(%arg0: i32, %arg1: i32, %arg2: memref<2x128x128xf32, #tpu.memory_space<hbm>>, %arg3: memref<2560x128xi32, #tpu.memory_space<hbm>>, %arg4: memref<2560x128xi32, #tpu.memory_space<hbm>>, %arg5: memref<2x10240x128xf32, #tpu.memory_space<hbm>>, %arg6: memref<2x10240x128xf32, #tpu.memory_space<hbm>>, %arg7: memref<80x128xi32, #tpu.memory_space<vmem>>, %arg8: memref<128x128xf32, #tpu.memory_space<vmem>>, %arg9: memref<128x128xf32, #tpu.memory_space<vmem>>, %arg10: memref<10240x128xf32, #tpu.memory_space<vmem_shared>>) attributes {dimension_semantics = [#tpu.dimension_semantics<core_parallel>, #tpu.dimension_semantics<subcore_parallel>], iteration_bounds = array<i64: 2, 16>, scalar_prefetch = 0 : i64, scratch_operands = 4 : i64, tpu.core_type = #tpu.core_type<sc_vector_subcore>, window_params = [{transform_indices = #map}, {transform_indices = #map1}, {transform_indices = #map1}, {transform_indices = #map}, {transform_indices = #map}]} {
    %run_scoped3A = arith.constant 0 : i32
    "tpu.region"() ({
      %run_scoped3A_103 = tpu.sem_alloc : memref<!tpu.dma_semaphore, #tpu.memory_space<semaphore_mem>>
      %dma_start3A = arith.constant 0 : i32
      %dma_start3A_104 = arith.constant 0 : i32
      %dma_start3A_105 = tpu.memref_slice %arg2[%run_scoped3A, %dma_start3A, %dma_start3A_104] : memref<2x128x128xf32, #tpu.memory_space<hbm>> -> memref<1x128x128xf32, #tpu.memory_space<hbm>>
      %dma_start3A_106 = tpu.memref_squeeze %dma_start3A_105 : memref<1x128x128xf32, #tpu.memory_space<hbm>> -> memref<128x128xf32, #tpu.memory_space<hbm>>
      %dma_start3A_107 = arith.constant 0 : i32
      %dma_start3A_108 = arith.constant 0 : i32
      %dma_start3A_109 = tpu.memref_slice %arg2[%run_scoped3A, %dma_start3A_107, %dma_start3A_108] : memref<2x128x128xf32, #tpu.memory_space<hbm>> -> memref<1x128x128xf32, #tpu.memory_space<hbm>>
      %dma_start3A_110 = tpu.memref_squeeze %dma_start3A_109 : memref<1x128x128xf32, #tpu.memory_space<hbm>> -> memref<128x128xf32, #tpu.memory_space<hbm>>
      tpu.enqueue_dma source(%dma_start3A_110 : memref<128x128xf32, #tpu.memory_space<hbm>>) target(%arg8 : memref<128x128xf32, #tpu.memory_space<vmem>>) target_semaphore(%run_scoped3A_103 : memref<!tpu.dma_semaphore, #tpu.memory_space<semaphore_mem>>)
      %dma_wait3A = arith.constant 0 : i32
      %dma_wait3A_111 = arith.constant 0 : i32
      %dma_wait3A_112 = tpu.memref_slice %arg2[%run_scoped3A, %dma_wait3A, %dma_wait3A_111] : memref<2x128x128xf32, #tpu.memory_space<hbm>> -> memref<1x128x128xf32, #tpu.memory_space<hbm>>
      %dma_wait3A_113 = tpu.memref_squeeze %dma_wait3A_112 : memref<1x128x128xf32, #tpu.memory_space<hbm>> -> memref<128x128xf32, #tpu.memory_space<hbm>>
      %dma_wait3A_114 = arith.constant 0 : i32
      %dma_wait3A_115 = arith.constant 0 : i32
      %dma_wait3A_116 = tpu.memref_slice %arg2[%run_scoped3A, %dma_wait3A_114, %dma_wait3A_115] : memref<2x128x128xf32, #tpu.memory_space<hbm>> -> memref<1x128x128xf32, #tpu.memory_space<hbm>>
      %dma_wait3A_117 = tpu.memref_squeeze %dma_wait3A_116 : memref<1x128x128xf32, #tpu.memory_space<hbm>> -> memref<128x128xf32, #tpu.memory_space<hbm>>
      tpu.wait_dma2 semaphore(%run_scoped3A_103 : memref<!tpu.dma_semaphore, #tpu.memory_space<semaphore_mem>>) src(%dma_wait3A_117 : memref<128x128xf32, #tpu.memory_space<hbm>>) dst(%arg8 : memref<128x128xf32, #tpu.memory_space<vmem>>)
      tpu.yield
    }) : () -> ()
    %mul3A = arith.constant 2 : i32
    %mul3A_0 = arith.muli %arg1, %mul3A : i32
    %add3A = arith.addi %mul3A_0, %arg0 : i32
    %run_scoped3A_1 = arith.constant 1 : i32
    "tpu.region"() ({
      %run_scoped3A_103 = tpu.sem_alloc : memref<!tpu.dma_semaphore, #tpu.memory_space<semaphore_mem>>
      %dma_start3A = arith.constant 0 : i32
      %dma_start3A_104 = arith.constant 0 : i32
      %dma_start3A_105 = tpu.memref_slice %arg2[%run_scoped3A_1, %dma_start3A, %dma_start3A_104] : memref<2x128x128xf32, #tpu.memory_space<hbm>> -> memref<1x128x128xf32, #tpu.memory_space<hbm>>
      %dma_start3A_106 = tpu.memref_squeeze %dma_start3A_105 : memref<1x128x128xf32, #tpu.memory_space<hbm>> -> memref<128x128xf32, #tpu.memory_space<hbm>>
      %dma_start3A_107 = arith.constant 0 : i32
      %dma_start3A_108 = arith.constant 0 : i32
      %dma_start3A_109 = tpu.memref_slice %arg2[%run_scoped3A_1, %dma_start3A_107, %dma_start3A_108] : memref<2x128x128xf32, #tpu.memory_space<hbm>> -> memref<1x128x128xf32, #tpu.memory_space<hbm>>
      %dma_start3A_110 = tpu.memref_squeeze %dma_start3A_109 : memref<1x128x128xf32, #tpu.memory_space<hbm>> -> memref<128x128xf32, #tpu.memory_space<hbm>>
      tpu.enqueue_dma source(%dma_start3A_110 : memref<128x128xf32, #tpu.memory_space<hbm>>) target(%arg9 : memref<128x128xf32, #tpu.memory_space<vmem>>) target_semaphore(%run_scoped3A_103 : memref<!tpu.dma_semaphore, #tpu.memory_space<semaphore_mem>>)
      %dma_wait3A = arith.constant 0 : i32
      %dma_wait3A_111 = arith.constant 0 : i32
      %dma_wait3A_112 = tpu.memref_slice %arg2[%run_scoped3A_1, %dma_wait3A, %dma_wait3A_111] : memref<2x128x128xf32, #tpu.memory_space<hbm>> -> memref<1x128x128xf32, #tpu.memory_space<hbm>>
      %dma_wait3A_113 = tpu.memref_squeeze %dma_wait3A_112 : memref<1x128x128xf32, #tpu.memory_space<hbm>> -> memref<128x128xf32, #tpu.memory_space<hbm>>
      %dma_wait3A_114 = arith.constant 0 : i32
      %dma_wait3A_115 = arith.constant 0 : i32
      %dma_wait3A_116 = tpu.memref_slice %arg2[%run_scoped3A_1, %dma_wait3A_114, %dma_wait3A_115] : memref<2x128x128xf32, #tpu.memory_space<hbm>> -> memref<1x128x128xf32, #tpu.memory_space<hbm>>
      %dma_wait3A_117 = tpu.memref_squeeze %dma_wait3A_116 : memref<1x128x128xf32, #tpu.memory_space<hbm>> -> memref<128x128xf32, #tpu.memory_space<hbm>>
      tpu.wait_dma2 semaphore(%run_scoped3A_103 : memref<!tpu.dma_semaphore, #tpu.memory_space<semaphore_mem>>) src(%dma_wait3A_117 : memref<128x128xf32, #tpu.memory_space<hbm>>) dst(%arg9 : memref<128x128xf32, #tpu.memory_space<vmem>>)
      tpu.yield
    }) : () -> ()
    %mul3A_2 = arith.constant 80 : i32
    %mul3A_3 = arith.muli %add3A, %mul3A_2 : i32
    "tpu.region"() ({
      %run_scoped3A_103 = tpu.sem_alloc : memref<!tpu.dma_semaphore, #tpu.memory_space<semaphore_mem>>
      %dma_start3A = arith.constant 0 : i32
      %dma_start3A_104 = tpu.memref_slice %arg3[%mul3A_3, %dma_start3A] : memref<2560x128xi32, #tpu.memory_space<hbm>> -> memref<80x128xi32, #tpu.memory_space<hbm>>
      %dma_start3A_105 = arith.constant 0 : i32
      %dma_start3A_106 = tpu.memref_slice %arg3[%mul3A_3, %dma_start3A_105] : memref<2560x128xi32, #tpu.memory_space<hbm>> -> memref<80x128xi32, #tpu.memory_space<hbm>>
      tpu.enqueue_dma source(%dma_start3A_106 : memref<80x128xi32, #tpu.memory_space<hbm>>) target(%arg7 : memref<80x128xi32, #tpu.memory_space<vmem>>) target_semaphore(%run_scoped3A_103 : memref<!tpu.dma_semaphore, #tpu.memory_space<semaphore_mem>>)
      %dma_wait3A = arith.constant 0 : i32
      %dma_wait3A_107 = tpu.memref_slice %arg3[%mul3A_3, %dma_wait3A] : memref<2560x128xi32, #tpu.memory_space<hbm>> -> memref<80x128xi32, #tpu.memory_space<hbm>>
      %dma_wait3A_108 = arith.constant 0 : i32
      %dma_wait3A_109 = tpu.memref_slice %arg3[%mul3A_3, %dma_wait3A_108] : memref<2560x128xi32, #tpu.memory_space<hbm>> -> memref<80x128xi32, #tpu.memory_space<hbm>>
      tpu.wait_dma2 semaphore(%run_scoped3A_103 : memref<!tpu.dma_semaphore, #tpu.memory_space<semaphore_mem>>) src(%dma_wait3A_109 : memref<80x128xi32, #tpu.memory_space<hbm>>) dst(%arg7 : memref<80x128xi32, #tpu.memory_space<vmem>>)
      tpu.yield
    }) : () -> ()
    %mul3A_4 = arith.constant 640 : i32
    %mul3A_5 = arith.muli %arg1, %mul3A_4 : i32
    %add3A_6 = arith.constant 0 : i32
    %add3A_7 = arith.addi %mul3A_5, %add3A_6 : i32
    "tpu.region"() ({
      %run_scoped3A_103 = tpu.sem_alloc : memref<!tpu.dma_semaphore, #tpu.memory_space<semaphore_mem>>
      %dma_start3A = arith.constant 0 : i32
      %dma_start3A_104 = tpu.memref_slice %arg10[%add3A_7, %dma_start3A] : memref<10240x128xf32, #tpu.memory_space<vmem_shared>> -> memref<128x128xf32, #tpu.memory_space<vmem_shared>>
      %dma_start3A_105 = arith.constant 0 : i32
      %dma_start3A_106 = tpu.memref_slice %arg10[%add3A_7, %dma_start3A_105] : memref<10240x128xf32, #tpu.memory_space<vmem_shared>> -> memref<128x128xf32, #tpu.memory_space<vmem_shared>>
      tpu.enqueue_dma source(%arg9 : memref<128x128xf32, #tpu.memory_space<vmem>>) target(%dma_start3A_106 : memref<128x128xf32, #tpu.memory_space<vmem_shared>>) target_semaphore(%run_scoped3A_103 : memref<!tpu.dma_semaphore, #tpu.memory_space<semaphore_mem>>)
      %dma_wait3A = arith.constant 0 : i32
      %dma_wait3A_107 = tpu.memref_slice %arg10[%add3A_7, %dma_wait3A] : memref<10240x128xf32, #tpu.memory_space<vmem_shared>> -> memref<128x128xf32, #tpu.memory_space<vmem_shared>>
      %dma_wait3A_108 = arith.constant 0 : i32
      %dma_wait3A_109 = tpu.memref_slice %arg10[%add3A_7, %dma_wait3A_108] : memref<10240x128xf32, #tpu.memory_space<vmem_shared>> -> memref<128x128xf32, #tpu.memory_space<vmem_shared>>
      tpu.wait_dma2 semaphore(%run_scoped3A_103 : memref<!tpu.dma_semaphore, #tpu.memory_space<semaphore_mem>>) src(%arg9 : memref<128x128xf32, #tpu.memory_space<vmem>>) dst(%dma_wait3A_109 : memref<128x128xf32, #tpu.memory_space<vmem_shared>>)
      tpu.yield
    }) : () -> ()
    %mul3A_8 = arith.constant 640 : i32
    %mul3A_9 = arith.muli %arg1, %mul3A_8 : i32
    %add3A_10 = arith.constant 128 : i32
    %add3A_11 = arith.addi %mul3A_9, %add3A_10 : i32
    "tpu.region"() ({
      %run_scoped3A_103 = tpu.sem_alloc : memref<!tpu.dma_semaphore, #tpu.memory_space<semaphore_mem>>
      %dma_start3A = arith.constant 0 : i32
      %dma_start3A_104 = tpu.memref_slice %arg10[%add3A_11, %dma_start3A] : memref<10240x128xf32, #tpu.memory_space<vmem_shared>> -> memref<128x128xf32, #tpu.memory_space<vmem_shared>>
      %dma_start3A_105 = arith.constant 0 : i32
      %dma_start3A_106 = tpu.memref_slice %arg10[%add3A_11, %dma_start3A_105] : memref<10240x128xf32, #tpu.memory_space<vmem_shared>> -> memref<128x128xf32, #tpu.memory_space<vmem_shared>>
      tpu.enqueue_dma source(%arg9 : memref<128x128xf32, #tpu.memory_space<vmem>>) target(%dma_start3A_106 : memref<128x128xf32, #tpu.memory_space<vmem_shared>>) target_semaphore(%run_scoped3A_103 : memref<!tpu.dma_semaphore, #tpu.memory_space<semaphore_mem>>)
      %dma_wait3A = arith.constant 0 : i32
      %dma_wait3A_107 = tpu.memref_slice %arg10[%add3A_11, %dma_wait3A] : memref<10240x128xf32, #tpu.memory_space<vmem_shared>> -> memref<128x128xf32, #tpu.memory_space<vmem_shared>>
      %dma_wait3A_108 = arith.constant 0 : i32
      %dma_wait3A_109 = tpu.memref_slice %arg10[%add3A_11, %dma_wait3A_108] : memref<10240x128xf32, #tpu.memory_space<vmem_shared>> -> memref<128x128xf32, #tpu.memory_space<vmem_shared>>
      tpu.wait_dma2 semaphore(%run_scoped3A_103 : memref<!tpu.dma_semaphore, #tpu.memory_space<semaphore_mem>>) src(%arg9 : memref<128x128xf32, #tpu.memory_space<vmem>>) dst(%dma_wait3A_109 : memref<128x128xf32, #tpu.memory_space<vmem_shared>>)
      tpu.yield
    }) : () -> ()
    %mul3A_12 = arith.constant 640 : i32
    %mul3A_13 = arith.muli %arg1, %mul3A_12 : i32
    %add3A_14 = arith.constant 256 : i32
    %add3A_15 = arith.addi %mul3A_13, %add3A_14 : i32
    "tpu.region"() ({
      %run_scoped3A_103 = tpu.sem_alloc : memref<!tpu.dma_semaphore, #tpu.memory_space<semaphore_mem>>
      %dma_start3A = arith.constant 0 : i32
      %dma_start3A_104 = tpu.memref_slice %arg10[%add3A_15, %dma_start3A] : memref<10240x128xf32, #tpu.memory_space<vmem_shared>> -> memref<128x128xf32, #tpu.memory_space<vmem_shared>>
      %dma_start3A_105 = arith.constant 0 : i32
      %dma_start3A_106 = tpu.memref_slice %arg10[%add3A_15, %dma_start3A_105] : memref<10240x128xf32, #tpu.memory_space<vmem_shared>> -> memref<128x128xf32, #tpu.memory_space<vmem_shared>>
      tpu.enqueue_dma source(%arg9 : memref<128x128xf32, #tpu.memory_space<vmem>>) target(%dma_start3A_106 : memref<128x128xf32, #tpu.memory_space<vmem_shared>>) target_semaphore(%run_scoped3A_103 : memref<!tpu.dma_semaphore, #tpu.memory_space<semaphore_mem>>)
      %dma_wait3A = arith.constant 0 : i32
      %dma_wait3A_107 = tpu.memref_slice %arg10[%add3A_15, %dma_wait3A] : memref<10240x128xf32, #tpu.memory_space<vmem_shared>> -> memref<128x128xf32, #tpu.memory_space<vmem_shared>>
      %dma_wait3A_108 = arith.constant 0 : i32
      %dma_wait3A_109 = tpu.memref_slice %arg10[%add3A_15, %dma_wait3A_108] : memref<10240x128xf32, #tpu.memory_space<vmem_shared>> -> memref<128x128xf32, #tpu.memory_space<vmem_shared>>
      tpu.wait_dma2 semaphore(%run_scoped3A_103 : memref<!tpu.dma_semaphore, #tpu.memory_space<semaphore_mem>>) src(%arg9 : memref<128x128xf32, #tpu.memory_space<vmem>>) dst(%dma_wait3A_109 : memref<128x128xf32, #tpu.memory_space<vmem_shared>>)
      tpu.yield
    }) : () -> ()
    %mul3A_16 = arith.constant 640 : i32
    %mul3A_17 = arith.muli %arg1, %mul3A_16 : i32
    %add3A_18 = arith.constant 384 : i32
    %add3A_19 = arith.addi %mul3A_17, %add3A_18 : i32
    "tpu.region"() ({
      %run_scoped3A_103 = tpu.sem_alloc : memref<!tpu.dma_semaphore, #tpu.memory_space<semaphore_mem>>
      %dma_start3A = arith.constant 0 : i32
      %dma_start3A_104 = tpu.memref_slice %arg10[%add3A_19, %dma_start3A] : memref<10240x128xf32, #tpu.memory_space<vmem_shared>> -> memref<128x128xf32, #tpu.memory_space<vmem_shared>>
      %dma_start3A_105 = arith.constant 0 : i32
      %dma_start3A_106 = tpu.memref_slice %arg10[%add3A_19, %dma_start3A_105] : memref<10240x128xf32, #tpu.memory_space<vmem_shared>> -> memref<128x128xf32, #tpu.memory_space<vmem_shared>>
      tpu.enqueue_dma source(%arg9 : memref<128x128xf32, #tpu.memory_space<vmem>>) target(%dma_start3A_106 : memref<128x128xf32, #tpu.memory_space<vmem_shared>>) target_semaphore(%run_scoped3A_103 : memref<!tpu.dma_semaphore, #tpu.memory_space<semaphore_mem>>)
      %dma_wait3A = arith.constant 0 : i32
      %dma_wait3A_107 = tpu.memref_slice %arg10[%add3A_19, %dma_wait3A] : memref<10240x128xf32, #tpu.memory_space<vmem_shared>> -> memref<128x128xf32, #tpu.memory_space<vmem_shared>>
      %dma_wait3A_108 = arith.constant 0 : i32
      %dma_wait3A_109 = tpu.memref_slice %arg10[%add3A_19, %dma_wait3A_108] : memref<10240x128xf32, #tpu.memory_space<vmem_shared>> -> memref<128x128xf32, #tpu.memory_space<vmem_shared>>
      tpu.wait_dma2 semaphore(%run_scoped3A_103 : memref<!tpu.dma_semaphore, #tpu.memory_space<semaphore_mem>>) src(%arg9 : memref<128x128xf32, #tpu.memory_space<vmem>>) dst(%dma_wait3A_109 : memref<128x128xf32, #tpu.memory_space<vmem_shared>>)
      tpu.yield
    }) : () -> ()
    %mul3A_20 = arith.constant 640 : i32
    %mul3A_21 = arith.muli %arg1, %mul3A_20 : i32
    %add3A_22 = arith.constant 512 : i32
    %add3A_23 = arith.addi %mul3A_21, %add3A_22 : i32
    "tpu.region"() ({
      %run_scoped3A_103 = tpu.sem_alloc : memref<!tpu.dma_semaphore, #tpu.memory_space<semaphore_mem>>
      %dma_start3A = arith.constant 0 : i32
      %dma_start3A_104 = tpu.memref_slice %arg10[%add3A_23, %dma_start3A] : memref<10240x128xf32, #tpu.memory_space<vmem_shared>> -> memref<128x128xf32, #tpu.memory_space<vmem_shared>>
      %dma_start3A_105 = arith.constant 0 : i32
      %dma_start3A_106 = tpu.memref_slice %arg10[%add3A_23, %dma_start3A_105] : memref<10240x128xf32, #tpu.memory_space<vmem_shared>> -> memref<128x128xf32, #tpu.memory_space<vmem_shared>>
      tpu.enqueue_dma source(%arg9 : memref<128x128xf32, #tpu.memory_space<vmem>>) target(%dma_start3A_106 : memref<128x128xf32, #tpu.memory_space<vmem_shared>>) target_semaphore(%run_scoped3A_103 : memref<!tpu.dma_semaphore, #tpu.memory_space<semaphore_mem>>)
      %dma_wait3A = arith.constant 0 : i32
      %dma_wait3A_107 = tpu.memref_slice %arg10[%add3A_23, %dma_wait3A] : memref<10240x128xf32, #tpu.memory_space<vmem_shared>> -> memref<128x128xf32, #tpu.memory_space<vmem_shared>>
      %dma_wait3A_108 = arith.constant 0 : i32
      %dma_wait3A_109 = tpu.memref_slice %arg10[%add3A_23, %dma_wait3A_108] : memref<10240x128xf32, #tpu.memory_space<vmem_shared>> -> memref<128x128xf32, #tpu.memory_space<vmem_shared>>
      tpu.wait_dma2 semaphore(%run_scoped3A_103 : memref<!tpu.dma_semaphore, #tpu.memory_space<semaphore_mem>>) src(%arg9 : memref<128x128xf32, #tpu.memory_space<vmem>>) dst(%dma_wait3A_109 : memref<128x128xf32, #tpu.memory_space<vmem_shared>>)
      tpu.yield
    }) : () -> ()
    %barrier3A = arith.constant 0 : index
    tpu.barrier barrier_id(%barrier3A)
    %scan3A = arith.constant 0 : i32
    %scan3A_24 = arith.constant 0 : i32
    %scan3A_25 = arith.constant 80 : i32
    %scan3A_26 = arith.addi %scan3A_24, %scan3A_25 : i32
    %scan3A_27 = arith.constant 1 : i32
    scf.for %scan3A_103 = %scan3A_24 to %scan3A_26 step %scan3A_27  : i32 {
      "tpu.region"() ({
        %run_scoped3A_104 = tpu.sem_alloc : memref<!tpu.dma_semaphore, #tpu.memory_space<semaphore_mem>>
        %dma_start3A = arith.constant 0 : i32
        %dma_start3A_105 = tpu.memref_slice %arg7[%scan3A_103, %dma_start3A] : memref<80x128xi32, #tpu.memory_space<vmem>> -> memref<1x128xi32, #tpu.memory_space<vmem>>
        %dma_start3A_106 = tpu.memref_squeeze %dma_start3A_105 : memref<1x128xi32, #tpu.memory_space<vmem>> -> memref<128xi32, #tpu.memory_space<vmem>>
        %dma_start3A_107 = arith.constant 0 : i32
        %dma_start3A_108 = arith.constant 0 : i32
        %dma_start3A_109 = tpu.memref_slice %arg10[%dma_start3A_107, %dma_start3A_108] : memref<10240x128xf32, #tpu.memory_space<vmem_shared>> -> memref<10240x128xf32, #tpu.memory_space<vmem_shared>>
        tpu.enqueue_indirect_dma source(%arg8 : memref<128x128xf32, #tpu.memory_space<vmem>>) target(%dma_start3A_109 : memref<10240x128xf32, #tpu.memory_space<vmem_shared>>) offsets(%dma_start3A_106 : memref<128xi32, #tpu.memory_space<vmem>>) semaphore(%run_scoped3A_104 : memref<!tpu.dma_semaphore, #tpu.memory_space<semaphore_mem>>) {add = true}
        %dma_wait3A = arith.constant 0 : i32
        %dma_wait3A_110 = tpu.memref_slice %arg7[%scan3A_103, %dma_wait3A] : memref<80x128xi32, #tpu.memory_space<vmem>> -> memref<1x128xi32, #tpu.memory_space<vmem>>
        %dma_wait3A_111 = tpu.memref_squeeze %dma_wait3A_110 : memref<1x128xi32, #tpu.memory_space<vmem>> -> memref<128xi32, #tpu.memory_space<vmem>>
        %dma_wait3A_112 = arith.constant 0 : i32
        %dma_wait3A_113 = arith.constant 0 : i32
        %dma_wait3A_114 = tpu.memref_slice %arg10[%dma_wait3A_112, %dma_wait3A_113] : memref<10240x128xf32, #tpu.memory_space<vmem_shared>> -> memref<10240x128xf32, #tpu.memory_space<vmem_shared>>
        tpu.wait_indirect_dma semaphore(%run_scoped3A_104 : memref<!tpu.dma_semaphore, #tpu.memory_space<semaphore_mem>>) src(%arg8 : memref<128x128xf32, #tpu.memory_space<vmem>>) dst(%dma_wait3A_114 : memref<10240x128xf32, #tpu.memory_space<vmem_shared>>)
        tpu.yield
      }) : () -> ()
    }
    %scan3A_28 = arith.constant 80 : i32
    %barrier3A_29 = arith.constant 0 : index
    tpu.barrier barrier_id(%barrier3A_29)
    %mul3A_30 = arith.constant 640 : i32
    %mul3A_31 = arith.muli %arg1, %mul3A_30 : i32
    %add3A_32 = arith.constant 0 : i32
    %add3A_33 = arith.addi %mul3A_31, %add3A_32 : i32
    "tpu.region"() ({
      %run_scoped3A_103 = tpu.sem_alloc : memref<!tpu.dma_semaphore, #tpu.memory_space<semaphore_mem>>
      %dma_start3A = arith.constant 0 : i32
      %dma_start3A_104 = tpu.memref_slice %arg10[%add3A_33, %dma_start3A] : memref<10240x128xf32, #tpu.memory_space<vmem_shared>> -> memref<128x128xf32, #tpu.memory_space<vmem_shared>>
      %dma_start3A_105 = arith.constant 0 : i32
      %dma_start3A_106 = tpu.memref_slice %arg10[%add3A_33, %dma_start3A_105] : memref<10240x128xf32, #tpu.memory_space<vmem_shared>> -> memref<128x128xf32, #tpu.memory_space<vmem_shared>>
      tpu.enqueue_dma source(%dma_start3A_106 : memref<128x128xf32, #tpu.memory_space<vmem_shared>>) target(%arg9 : memref<128x128xf32, #tpu.memory_space<vmem>>) target_semaphore(%run_scoped3A_103 : memref<!tpu.dma_semaphore, #tpu.memory_space<semaphore_mem>>)
      %dma_wait3A = arith.constant 0 : i32
      %dma_wait3A_107 = tpu.memref_slice %arg10[%add3A_33, %dma_wait3A] : memref<10240x128xf32, #tpu.memory_space<vmem_shared>> -> memref<128x128xf32, #tpu.memory_space<vmem_shared>>
      %dma_wait3A_108 = arith.constant 0 : i32
      %dma_wait3A_109 = tpu.memref_slice %arg10[%add3A_33, %dma_wait3A_108] : memref<10240x128xf32, #tpu.memory_space<vmem_shared>> -> memref<128x128xf32, #tpu.memory_space<vmem_shared>>
      tpu.wait_dma2 semaphore(%run_scoped3A_103 : memref<!tpu.dma_semaphore, #tpu.memory_space<semaphore_mem>>) src(%dma_wait3A_109 : memref<128x128xf32, #tpu.memory_space<vmem_shared>>) dst(%arg9 : memref<128x128xf32, #tpu.memory_space<vmem>>)
      tpu.yield
    }) : () -> ()
    "tpu.region"() ({
      %run_scoped3A_103 = tpu.sem_alloc : memref<!tpu.dma_semaphore, #tpu.memory_space<semaphore_mem>>
      %dma_start3A = arith.constant 0 : i32
      %dma_start3A_104 = tpu.memref_slice %arg5[%arg0, %add3A_33, %dma_start3A] : memref<2x10240x128xf32, #tpu.memory_space<hbm>> -> memref<1x128x128xf32, #tpu.memory_space<hbm>>
      %dma_start3A_105 = tpu.memref_squeeze %dma_start3A_104 : memref<1x128x128xf32, #tpu.memory_space<hbm>> -> memref<128x128xf32, #tpu.memory_space<hbm>>
      %dma_start3A_106 = arith.constant 0 : i32
      %dma_start3A_107 = tpu.memref_slice %arg5[%arg0, %add3A_33, %dma_start3A_106] : memref<2x10240x128xf32, #tpu.memory_space<hbm>> -> memref<1x128x128xf32, #tpu.memory_space<hbm>>
      %dma_start3A_108 = tpu.memref_squeeze %dma_start3A_107 : memref<1x128x128xf32, #tpu.memory_space<hbm>> -> memref<128x128xf32, #tpu.memory_space<hbm>>
      tpu.enqueue_dma source(%arg9 : memref<128x128xf32, #tpu.memory_space<vmem>>) target(%dma_start3A_108 : memref<128x128xf32, #tpu.memory_space<hbm>>) target_semaphore(%run_scoped3A_103 : memref<!tpu.dma_semaphore, #tpu.memory_space<semaphore_mem>>)
      %dma_wait3A = arith.constant 0 : i32
      %dma_wait3A_109 = tpu.memref_slice %arg5[%arg0, %add3A_33, %dma_wait3A] : memref<2x10240x128xf32, #tpu.memory_space<hbm>> -> memref<1x128x128xf32, #tpu.memory_space<hbm>>
      %dma_wait3A_110 = tpu.memref_squeeze %dma_wait3A_109 : memref<1x128x128xf32, #tpu.memory_space<hbm>> -> memref<128x128xf32, #tpu.memory_space<hbm>>
      %dma_wait3A_111 = arith.constant 0 : i32
      %dma_wait3A_112 = tpu.memref_slice %arg5[%arg0, %add3A_33, %dma_wait3A_111] : memref<2x10240x128xf32, #tpu.memory_space<hbm>> -> memref<1x128x128xf32, #tpu.memory_space<hbm>>
      %dma_wait3A_113 = tpu.memref_squeeze %dma_wait3A_112 : memref<1x128x128xf32, #tpu.memory_space<hbm>> -> memref<128x128xf32, #tpu.memory_space<hbm>>
      tpu.wait_dma2 semaphore(%run_scoped3A_103 : memref<!tpu.dma_semaphore, #tpu.memory_space<semaphore_mem>>) src(%arg9 : memref<128x128xf32, #tpu.memory_space<vmem>>) dst(%dma_wait3A_113 : memref<128x128xf32, #tpu.memory_space<hbm>>)
      tpu.yield
    }) : () -> ()
    %mul3A_34 = arith.constant 640 : i32
    %mul3A_35 = arith.muli %arg1, %mul3A_34 : i32
    %add3A_36 = arith.constant 128 : i32
    %add3A_37 = arith.addi %mul3A_35, %add3A_36 : i32
    "tpu.region"() ({
      %run_scoped3A_103 = tpu.sem_alloc : memref<!tpu.dma_semaphore, #tpu.memory_space<semaphore_mem>>
      %dma_start3A = arith.constant 0 : i32
      %dma_start3A_104 = tpu.memref_slice %arg10[%add3A_37, %dma_start3A] : memref<10240x128xf32, #tpu.memory_space<vmem_shared>> -> memref<128x128xf32, #tpu.memory_space<vmem_shared>>
      %dma_start3A_105 = arith.constant 0 : i32
      %dma_start3A_106 = tpu.memref_slice %arg10[%add3A_37, %dma_start3A_105] : memref<10240x128xf32, #tpu.memory_space<vmem_shared>> -> memref<128x128xf32, #tpu.memory_space<vmem_shared>>
      tpu.enqueue_dma source(%dma_start3A_106 : memref<128x128xf32, #tpu.memory_space<vmem_shared>>) target(%arg9 : memref<128x128xf32, #tpu.memory_space<vmem>>) target_semaphore(%run_scoped3A_103 : memref<!tpu.dma_semaphore, #tpu.memory_space<semaphore_mem>>)
      %dma_wait3A = arith.constant 0 : i32
      %dma_wait3A_107 = tpu.memref_slice %arg10[%add3A_37, %dma_wait3A] : memref<10240x128xf32, #tpu.memory_space<vmem_shared>> -> memref<128x128xf32, #tpu.memory_space<vmem_shared>>
      %dma_wait3A_108 = arith.constant 0 : i32
      %dma_wait3A_109 = tpu.memref_slice %arg10[%add3A_37, %dma_wait3A_108] : memref<10240x128xf32, #tpu.memory_space<vmem_shared>> -> memref<128x128xf32, #tpu.memory_space<vmem_shared>>
      tpu.wait_dma2 semaphore(%run_scoped3A_103 : memref<!tpu.dma_semaphore, #tpu.memory_space<semaphore_mem>>) src(%dma_wait3A_109 : memref<128x128xf32, #tpu.memory_space<vmem_shared>>) dst(%arg9 : memref<128x128xf32, #tpu.memory_space<vmem>>)
      tpu.yield
    }) : () -> ()
    "tpu.region"() ({
      %run_scoped3A_103 = tpu.sem_alloc : memref<!tpu.dma_semaphore, #tpu.memory_space<semaphore_mem>>
      %dma_start3A = arith.constant 0 : i32
      %dma_start3A_104 = tpu.memref_slice %arg5[%arg0, %add3A_37, %dma_start3A] : memref<2x10240x128xf32, #tpu.memory_space<hbm>> -> memref<1x128x128xf32, #tpu.memory_space<hbm>>
      %dma_start3A_105 = tpu.memref_squeeze %dma_start3A_104 : memref<1x128x128xf32, #tpu.memory_space<hbm>> -> memref<128x128xf32, #tpu.memory_space<hbm>>
      %dma_start3A_106 = arith.constant 0 : i32
      %dma_start3A_107 = tpu.memref_slice %arg5[%arg0, %add3A_37, %dma_start3A_106] : memref<2x10240x128xf32, #tpu.memory_space<hbm>> -> memref<1x128x128xf32, #tpu.memory_space<hbm>>
      %dma_start3A_108 = tpu.memref_squeeze %dma_start3A_107 : memref<1x128x128xf32, #tpu.memory_space<hbm>> -> memref<128x128xf32, #tpu.memory_space<hbm>>
      tpu.enqueue_dma source(%arg9 : memref<128x128xf32, #tpu.memory_space<vmem>>) target(%dma_start3A_108 : memref<128x128xf32, #tpu.memory_space<hbm>>) target_semaphore(%run_scoped3A_103 : memref<!tpu.dma_semaphore, #tpu.memory_space<semaphore_mem>>)
      %dma_wait3A = arith.constant 0 : i32
      %dma_wait3A_109 = tpu.memref_slice %arg5[%arg0, %add3A_37, %dma_wait3A] : memref<2x10240x128xf32, #tpu.memory_space<hbm>> -> memref<1x128x128xf32, #tpu.memory_space<hbm>>
      %dma_wait3A_110 = tpu.memref_squeeze %dma_wait3A_109 : memref<1x128x128xf32, #tpu.memory_space<hbm>> -> memref<128x128xf32, #tpu.memory_space<hbm>>
      %dma_wait3A_111 = arith.constant 0 : i32
      %dma_wait3A_112 = tpu.memref_slice %arg5[%arg0, %add3A_37, %dma_wait3A_111] : memref<2x10240x128xf32, #tpu.memory_space<hbm>> -> memref<1x128x128xf32, #tpu.memory_space<hbm>>
      %dma_wait3A_113 = tpu.memref_squeeze %dma_wait3A_112 : memref<1x128x128xf32, #tpu.memory_space<hbm>> -> memref<128x128xf32, #tpu.memory_space<hbm>>
      tpu.wait_dma2 semaphore(%run_scoped3A_103 : memref<!tpu.dma_semaphore, #tpu.memory_space<semaphore_mem>>) src(%arg9 : memref<128x128xf32, #tpu.memory_space<vmem>>) dst(%dma_wait3A_113 : memref<128x128xf32, #tpu.memory_space<hbm>>)
      tpu.yield
    }) : () -> ()
    %mul3A_38 = arith.constant 640 : i32
    %mul3A_39 = arith.muli %arg1, %mul3A_38 : i32
    %add3A_40 = arith.constant 256 : i32
    %add3A_41 = arith.addi %mul3A_39, %add3A_40 : i32
    "tpu.region"() ({
      %run_scoped3A_103 = tpu.sem_alloc : memref<!tpu.dma_semaphore, #tpu.memory_space<semaphore_mem>>
      %dma_start3A = arith.constant 0 : i32
      %dma_start3A_104 = tpu.memref_slice %arg10[%add3A_41, %dma_start3A] : memref<10240x128xf32, #tpu.memory_space<vmem_shared>> -> memref<128x128xf32, #tpu.memory_space<vmem_shared>>
      %dma_start3A_105 = arith.constant 0 : i32
      %dma_start3A_106 = tpu.memref_slice %arg10[%add3A_41, %dma_start3A_105] : memref<10240x128xf32, #tpu.memory_space<vmem_shared>> -> memref<128x128xf32, #tpu.memory_space<vmem_shared>>
      tpu.enqueue_dma source(%dma_start3A_106 : memref<128x128xf32, #tpu.memory_space<vmem_shared>>) target(%arg9 : memref<128x128xf32, #tpu.memory_space<vmem>>) target_semaphore(%run_scoped3A_103 : memref<!tpu.dma_semaphore, #tpu.memory_space<semaphore_mem>>)
      %dma_wait3A = arith.constant 0 : i32
      %dma_wait3A_107 = tpu.memref_slice %arg10[%add3A_41, %dma_wait3A] : memref<10240x128xf32, #tpu.memory_space<vmem_shared>> -> memref<128x128xf32, #tpu.memory_space<vmem_shared>>
      %dma_wait3A_108 = arith.constant 0 : i32
      %dma_wait3A_109 = tpu.memref_slice %arg10[%add3A_41, %dma_wait3A_108] : memref<10240x128xf32, #tpu.memory_space<vmem_shared>> -> memref<128x128xf32, #tpu.memory_space<vmem_shared>>
      tpu.wait_dma2 semaphore(%run_scoped3A_103 : memref<!tpu.dma_semaphore, #tpu.memory_space<semaphore_mem>>) src(%dma_wait3A_109 : memref<128x128xf32, #tpu.memory_space<vmem_shared>>) dst(%arg9 : memref<128x128xf32, #tpu.memory_space<vmem>>)
      tpu.yield
    }) : () -> ()
    "tpu.region"() ({
      %run_scoped3A_103 = tpu.sem_alloc : memref<!tpu.dma_semaphore, #tpu.memory_space<semaphore_mem>>
      %dma_start3A = arith.constant 0 : i32
      %dma_start3A_104 = tpu.memref_slice %arg5[%arg0, %add3A_41, %dma_start3A] : memref<2x10240x128xf32, #tpu.memory_space<hbm>> -> memref<1x128x128xf32, #tpu.memory_space<hbm>>
      %dma_start3A_105 = tpu.memref_squeeze %dma_start3A_104 : memref<1x128x128xf32, #tpu.memory_space<hbm>> -> memref<128x128xf32, #tpu.memory_space<hbm>>
      %dma_start3A_106 = arith.constant 0 : i32
      %dma_start3A_107 = tpu.memref_slice %arg5[%arg0, %add3A_41, %dma_start3A_106] : memref<2x10240x128xf32, #tpu.memory_space<hbm>> -> memref<1x128x128xf32, #tpu.memory_space<hbm>>
      %dma_start3A_108 = tpu.memref_squeeze %dma_start3A_107 : memref<1x128x128xf32, #tpu.memory_space<hbm>> -> memref<128x128xf32, #tpu.memory_space<hbm>>
      tpu.enqueue_dma source(%arg9 : memref<128x128xf32, #tpu.memory_space<vmem>>) target(%dma_start3A_108 : memref<128x128xf32, #tpu.memory_space<hbm>>) target_semaphore(%run_scoped3A_103 : memref<!tpu.dma_semaphore, #tpu.memory_space<semaphore_mem>>)
      %dma_wait3A = arith.constant 0 : i32
      %dma_wait3A_109 = tpu.memref_slice %arg5[%arg0, %add3A_41, %dma_wait3A] : memref<2x10240x128xf32, #tpu.memory_space<hbm>> -> memref<1x128x128xf32, #tpu.memory_space<hbm>>
      %dma_wait3A_110 = tpu.memref_squeeze %dma_wait3A_109 : memref<1x128x128xf32, #tpu.memory_space<hbm>> -> memref<128x128xf32, #tpu.memory_space<hbm>>
      %dma_wait3A_111 = arith.constant 0 : i32
      %dma_wait3A_112 = tpu.memref_slice %arg5[%arg0, %add3A_41, %dma_wait3A_111] : memref<2x10240x128xf32, #tpu.memory_space<hbm>> -> memref<1x128x128xf32, #tpu.memory_space<hbm>>
      %dma_wait3A_113 = tpu.memref_squeeze %dma_wait3A_112 : memref<1x128x128xf32, #tpu.memory_space<hbm>> -> memref<128x128xf32, #tpu.memory_space<hbm>>
      tpu.wait_dma2 semaphore(%run_scoped3A_103 : memref<!tpu.dma_semaphore, #tpu.memory_space<semaphore_mem>>) src(%arg9 : memref<128x128xf32, #tpu.memory_space<vmem>>) dst(%dma_wait3A_113 : memref<128x128xf32, #tpu.memory_space<hbm>>)
      tpu.yield
    }) : () -> ()
    %mul3A_42 = arith.constant 640 : i32
    %mul3A_43 = arith.muli %arg1, %mul3A_42 : i32
    %add3A_44 = arith.constant 384 : i32
    %add3A_45 = arith.addi %mul3A_43, %add3A_44 : i32
    "tpu.region"() ({
      %run_scoped3A_103 = tpu.sem_alloc : memref<!tpu.dma_semaphore, #tpu.memory_space<semaphore_mem>>
      %dma_start3A = arith.constant 0 : i32
      %dma_start3A_104 = tpu.memref_slice %arg10[%add3A_45, %dma_start3A] : memref<10240x128xf32, #tpu.memory_space<vmem_shared>> -> memref<128x128xf32, #tpu.memory_space<vmem_shared>>
      %dma_start3A_105 = arith.constant 0 : i32
      %dma_start3A_106 = tpu.memref_slice %arg10[%add3A_45, %dma_start3A_105] : memref<10240x128xf32, #tpu.memory_space<vmem_shared>> -> memref<128x128xf32, #tpu.memory_space<vmem_shared>>
      tpu.enqueue_dma source(%dma_start3A_106 : memref<128x128xf32, #tpu.memory_space<vmem_shared>>) target(%arg9 : memref<128x128xf32, #tpu.memory_space<vmem>>) target_semaphore(%run_scoped3A_103 : memref<!tpu.dma_semaphore, #tpu.memory_space<semaphore_mem>>)
      %dma_wait3A = arith.constant 0 : i32
      %dma_wait3A_107 = tpu.memref_slice %arg10[%add3A_45, %dma_wait3A] : memref<10240x128xf32, #tpu.memory_space<vmem_shared>> -> memref<128x128xf32, #tpu.memory_space<vmem_shared>>
      %dma_wait3A_108 = arith.constant 0 : i32
      %dma_wait3A_109 = tpu.memref_slice %arg10[%add3A_45, %dma_wait3A_108] : memref<10240x128xf32, #tpu.memory_space<vmem_shared>> -> memref<128x128xf32, #tpu.memory_space<vmem_shared>>
      tpu.wait_dma2 semaphore(%run_scoped3A_103 : memref<!tpu.dma_semaphore, #tpu.memory_space<semaphore_mem>>) src(%dma_wait3A_109 : memref<128x128xf32, #tpu.memory_space<vmem_shared>>) dst(%arg9 : memref<128x128xf32, #tpu.memory_space<vmem>>)
      tpu.yield
    }) : () -> ()
    "tpu.region"() ({
      %run_scoped3A_103 = tpu.sem_alloc : memref<!tpu.dma_semaphore, #tpu.memory_space<semaphore_mem>>
      %dma_start3A = arith.constant 0 : i32
      %dma_start3A_104 = tpu.memref_slice %arg5[%arg0, %add3A_45, %dma_start3A] : memref<2x10240x128xf32, #tpu.memory_space<hbm>> -> memref<1x128x128xf32, #tpu.memory_space<hbm>>
      %dma_start3A_105 = tpu.memref_squeeze %dma_start3A_104 : memref<1x128x128xf32, #tpu.memory_space<hbm>> -> memref<128x128xf32, #tpu.memory_space<hbm>>
      %dma_start3A_106 = arith.constant 0 : i32
      %dma_start3A_107 = tpu.memref_slice %arg5[%arg0, %add3A_45, %dma_start3A_106] : memref<2x10240x128xf32, #tpu.memory_space<hbm>> -> memref<1x128x128xf32, #tpu.memory_space<hbm>>
      %dma_start3A_108 = tpu.memref_squeeze %dma_start3A_107 : memref<1x128x128xf32, #tpu.memory_space<hbm>> -> memref<128x128xf32, #tpu.memory_space<hbm>>
      tpu.enqueue_dma source(%arg9 : memref<128x128xf32, #tpu.memory_space<vmem>>) target(%dma_start3A_108 : memref<128x128xf32, #tpu.memory_space<hbm>>) target_semaphore(%run_scoped3A_103 : memref<!tpu.dma_semaphore, #tpu.memory_space<semaphore_mem>>)
      %dma_wait3A = arith.constant 0 : i32
      %dma_wait3A_109 = tpu.memref_slice %arg5[%arg0, %add3A_45, %dma_wait3A] : memref<2x10240x128xf32, #tpu.memory_space<hbm>> -> memref<1x128x128xf32, #tpu.memory_space<hbm>>
      %dma_wait3A_110 = tpu.memref_squeeze %dma_wait3A_109 : memref<1x128x128xf32, #tpu.memory_space<hbm>> -> memref<128x128xf32, #tpu.memory_space<hbm>>
      %dma_wait3A_111 = arith.constant 0 : i32
      %dma_wait3A_112 = tpu.memref_slice %arg5[%arg0, %add3A_45, %dma_wait3A_111] : memref<2x10240x128xf32, #tpu.memory_space<hbm>> -> memref<1x128x128xf32, #tpu.memory_space<hbm>>
      %dma_wait3A_113 = tpu.memref_squeeze %dma_wait3A_112 : memref<1x128x128xf32, #tpu.memory_space<hbm>> -> memref<128x128xf32, #tpu.memory_space<hbm>>
      tpu.wait_dma2 semaphore(%run_scoped3A_103 : memref<!tpu.dma_semaphore, #tpu.memory_space<semaphore_mem>>) src(%arg9 : memref<128x128xf32, #tpu.memory_space<vmem>>) dst(%dma_wait3A_113 : memref<128x128xf32, #tpu.memory_space<hbm>>)
      tpu.yield
    }) : () -> ()
    %mul3A_46 = arith.constant 640 : i32
    %mul3A_47 = arith.muli %arg1, %mul3A_46 : i32
    %add3A_48 = arith.constant 512 : i32
    %add3A_49 = arith.addi %mul3A_47, %add3A_48 : i32
    "tpu.region"() ({
      %run_scoped3A_103 = tpu.sem_alloc : memref<!tpu.dma_semaphore, #tpu.memory_space<semaphore_mem>>
      %dma_start3A = arith.constant 0 : i32
      %dma_start3A_104 = tpu.memref_slice %arg10[%add3A_49, %dma_start3A] : memref<10240x128xf32, #tpu.memory_space<vmem_shared>> -> memref<128x128xf32, #tpu.memory_space<vmem_shared>>
      %dma_start3A_105 = arith.constant 0 : i32
      %dma_start3A_106 = tpu.memref_slice %arg10[%add3A_49, %dma_start3A_105] : memref<10240x128xf32, #tpu.memory_space<vmem_shared>> -> memref<128x128xf32, #tpu.memory_space<vmem_shared>>
      tpu.enqueue_dma source(%dma_start3A_106 : memref<128x128xf32, #tpu.memory_space<vmem_shared>>) target(%arg9 : memref<128x128xf32, #tpu.memory_space<vmem>>) target_semaphore(%run_scoped3A_103 : memref<!tpu.dma_semaphore, #tpu.memory_space<semaphore_mem>>)
      %dma_wait3A = arith.constant 0 : i32
      %dma_wait3A_107 = tpu.memref_slice %arg10[%add3A_49, %dma_wait3A] : memref<10240x128xf32, #tpu.memory_space<vmem_shared>> -> memref<128x128xf32, #tpu.memory_space<vmem_shared>>
      %dma_wait3A_108 = arith.constant 0 : i32
      %dma_wait3A_109 = tpu.memref_slice %arg10[%add3A_49, %dma_wait3A_108] : memref<10240x128xf32, #tpu.memory_space<vmem_shared>> -> memref<128x128xf32, #tpu.memory_space<vmem_shared>>
      tpu.wait_dma2 semaphore(%run_scoped3A_103 : memref<!tpu.dma_semaphore, #tpu.memory_space<semaphore_mem>>) src(%dma_wait3A_109 : memref<128x128xf32, #tpu.memory_space<vmem_shared>>) dst(%arg9 : memref<128x128xf32, #tpu.memory_space<vmem>>)
      tpu.yield
    }) : () -> ()
    "tpu.region"() ({
      %run_scoped3A_103 = tpu.sem_alloc : memref<!tpu.dma_semaphore, #tpu.memory_space<semaphore_mem>>
      %dma_start3A = arith.constant 0 : i32
      %dma_start3A_104 = tpu.memref_slice %arg5[%arg0, %add3A_49, %dma_start3A] : memref<2x10240x128xf32, #tpu.memory_space<hbm>> -> memref<1x128x128xf32, #tpu.memory_space<hbm>>
      %dma_start3A_105 = tpu.memref_squeeze %dma_start3A_104 : memref<1x128x128xf32, #tpu.memory_space<hbm>> -> memref<128x128xf32, #tpu.memory_space<hbm>>
      %dma_start3A_106 = arith.constant 0 : i32
      %dma_start3A_107 = tpu.memref_slice %arg5[%arg0, %add3A_49, %dma_start3A_106] : memref<2x10240x128xf32, #tpu.memory_space<hbm>> -> memref<1x128x128xf32, #tpu.memory_space<hbm>>
      %dma_start3A_108 = tpu.memref_squeeze %dma_start3A_107 : memref<1x128x128xf32, #tpu.memory_space<hbm>> -> memref<128x128xf32, #tpu.memory_space<hbm>>
      tpu.enqueue_dma source(%arg9 : memref<128x128xf32, #tpu.memory_space<vmem>>) target(%dma_start3A_108 : memref<128x128xf32, #tpu.memory_space<hbm>>) target_semaphore(%run_scoped3A_103 : memref<!tpu.dma_semaphore, #tpu.memory_space<semaphore_mem>>)
      %dma_wait3A = arith.constant 0 : i32
      %dma_wait3A_109 = tpu.memref_slice %arg5[%arg0, %add3A_49, %dma_wait3A] : memref<2x10240x128xf32, #tpu.memory_space<hbm>> -> memref<1x128x128xf32, #tpu.memory_space<hbm>>
      %dma_wait3A_110 = tpu.memref_squeeze %dma_wait3A_109 : memref<1x128x128xf32, #tpu.memory_space<hbm>> -> memref<128x128xf32, #tpu.memory_space<hbm>>
      %dma_wait3A_111 = arith.constant 0 : i32
      %dma_wait3A_112 = tpu.memref_slice %arg5[%arg0, %add3A_49, %dma_wait3A_111] : memref<2x10240x128xf32, #tpu.memory_space<hbm>> -> memref<1x128x128xf32, #tpu.memory_space<hbm>>
      %dma_wait3A_113 = tpu.memref_squeeze %dma_wait3A_112 : memref<1x128x128xf32, #tpu.memory_space<hbm>> -> memref<128x128xf32, #tpu.memory_space<hbm>>
      tpu.wait_dma2 semaphore(%run_scoped3A_103 : memref<!tpu.dma_semaphore, #tpu.memory_space<semaphore_mem>>) src(%arg9 : memref<128x128xf32, #tpu.memory_space<vmem>>) dst(%dma_wait3A_113 : memref<128x128xf32, #tpu.memory_space<hbm>>)
      tpu.yield
    }) : () -> ()
    %barrier3A_50 = arith.constant 0 : index
    tpu.barrier barrier_id(%barrier3A_50)
    %run_scoped3A_51 = arith.constant 1 : i32
    "tpu.region"() ({
      %run_scoped3A_103 = tpu.sem_alloc : memref<!tpu.dma_semaphore, #tpu.memory_space<semaphore_mem>>
      %dma_start3A = arith.constant 0 : i32
      %dma_start3A_104 = arith.constant 0 : i32
      %dma_start3A_105 = tpu.memref_slice %arg2[%run_scoped3A_51, %dma_start3A, %dma_start3A_104] : memref<2x128x128xf32, #tpu.memory_space<hbm>> -> memref<1x128x128xf32, #tpu.memory_space<hbm>>
      %dma_start3A_106 = tpu.memref_squeeze %dma_start3A_105 : memref<1x128x128xf32, #tpu.memory_space<hbm>> -> memref<128x128xf32, #tpu.memory_space<hbm>>
      %dma_start3A_107 = arith.constant 0 : i32
      %dma_start3A_108 = arith.constant 0 : i32
      %dma_start3A_109 = tpu.memref_slice %arg2[%run_scoped3A_51, %dma_start3A_107, %dma_start3A_108] : memref<2x128x128xf32, #tpu.memory_space<hbm>> -> memref<1x128x128xf32, #tpu.memory_space<hbm>>
      %dma_start3A_110 = tpu.memref_squeeze %dma_start3A_109 : memref<1x128x128xf32, #tpu.memory_space<hbm>> -> memref<128x128xf32, #tpu.memory_space<hbm>>
      tpu.enqueue_dma source(%dma_start3A_110 : memref<128x128xf32, #tpu.memory_space<hbm>>) target(%arg9 : memref<128x128xf32, #tpu.memory_space<vmem>>) target_semaphore(%run_scoped3A_103 : memref<!tpu.dma_semaphore, #tpu.memory_space<semaphore_mem>>)
      %dma_wait3A = arith.constant 0 : i32
      %dma_wait3A_111 = arith.constant 0 : i32
      %dma_wait3A_112 = tpu.memref_slice %arg2[%run_scoped3A_51, %dma_wait3A, %dma_wait3A_111] : memref<2x128x128xf32, #tpu.memory_space<hbm>> -> memref<1x128x128xf32, #tpu.memory_space<hbm>>
      %dma_wait3A_113 = tpu.memref_squeeze %dma_wait3A_112 : memref<1x128x128xf32, #tpu.memory_space<hbm>> -> memref<128x128xf32, #tpu.memory_space<hbm>>
      %dma_wait3A_114 = arith.constant 0 : i32
      %dma_wait3A_115 = arith.constant 0 : i32
      %dma_wait3A_116 = tpu.memref_slice %arg2[%run_scoped3A_51, %dma_wait3A_114, %dma_wait3A_115] : memref<2x128x128xf32, #tpu.memory_space<hbm>> -> memref<1x128x128xf32, #tpu.memory_space<hbm>>
      %dma_wait3A_117 = tpu.memref_squeeze %dma_wait3A_116 : memref<1x128x128xf32, #tpu.memory_space<hbm>> -> memref<128x128xf32, #tpu.memory_space<hbm>>
      tpu.wait_dma2 semaphore(%run_scoped3A_103 : memref<!tpu.dma_semaphore, #tpu.memory_space<semaphore_mem>>) src(%dma_wait3A_117 : memref<128x128xf32, #tpu.memory_space<hbm>>) dst(%arg9 : memref<128x128xf32, #tpu.memory_space<vmem>>)
      tpu.yield
    }) : () -> ()
    %mul3A_52 = arith.constant 80 : i32
    %mul3A_53 = arith.muli %add3A, %mul3A_52 : i32
    "tpu.region"() ({
      %run_scoped3A_103 = tpu.sem_alloc : memref<!tpu.dma_semaphore, #tpu.memory_space<semaphore_mem>>
      %dma_start3A = arith.constant 0 : i32
      %dma_start3A_104 = tpu.memref_slice %arg4[%mul3A_53, %dma_start3A] : memref<2560x128xi32, #tpu.memory_space<hbm>> -> memref<80x128xi32, #tpu.memory_space<hbm>>
      %dma_start3A_105 = arith.constant 0 : i32
      %dma_start3A_106 = tpu.memref_slice %arg4[%mul3A_53, %dma_start3A_105] : memref<2560x128xi32, #tpu.memory_space<hbm>> -> memref<80x128xi32, #tpu.memory_space<hbm>>
      tpu.enqueue_dma source(%dma_start3A_106 : memref<80x128xi32, #tpu.memory_space<hbm>>) target(%arg7 : memref<80x128xi32, #tpu.memory_space<vmem>>) target_semaphore(%run_scoped3A_103 : memref<!tpu.dma_semaphore, #tpu.memory_space<semaphore_mem>>)
      %dma_wait3A = arith.constant 0 : i32
      %dma_wait3A_107 = tpu.memref_slice %arg4[%mul3A_53, %dma_wait3A] : memref<2560x128xi32, #tpu.memory_space<hbm>> -> memref<80x128xi32, #tpu.memory_space<hbm>>
      %dma_wait3A_108 = arith.constant 0 : i32
      %dma_wait3A_109 = tpu.memref_slice %arg4[%mul3A_53, %dma_wait3A_108] : memref<2560x128xi32, #tpu.memory_space<hbm>> -> memref<80x128xi32, #tpu.memory_space<hbm>>
      tpu.wait_dma2 semaphore(%run_scoped3A_103 : memref<!tpu.dma_semaphore, #tpu.memory_space<semaphore_mem>>) src(%dma_wait3A_109 : memref<80x128xi32, #tpu.memory_space<hbm>>) dst(%arg7 : memref<80x128xi32, #tpu.memory_space<vmem>>)
      tpu.yield
    }) : () -> ()
    %mul3A_54 = arith.constant 640 : i32
    %mul3A_55 = arith.muli %arg1, %mul3A_54 : i32
    %add3A_56 = arith.constant 0 : i32
    %add3A_57 = arith.addi %mul3A_55, %add3A_56 : i32
    "tpu.region"() ({
      %run_scoped3A_103 = tpu.sem_alloc : memref<!tpu.dma_semaphore, #tpu.memory_space<semaphore_mem>>
      %dma_start3A = arith.constant 0 : i32
      %dma_start3A_104 = tpu.memref_slice %arg10[%add3A_57, %dma_start3A] : memref<10240x128xf32, #tpu.memory_space<vmem_shared>> -> memref<128x128xf32, #tpu.memory_space<vmem_shared>>
      %dma_start3A_105 = arith.constant 0 : i32
      %dma_start3A_106 = tpu.memref_slice %arg10[%add3A_57, %dma_start3A_105] : memref<10240x128xf32, #tpu.memory_space<vmem_shared>> -> memref<128x128xf32, #tpu.memory_space<vmem_shared>>
      tpu.enqueue_dma source(%arg9 : memref<128x128xf32, #tpu.memory_space<vmem>>) target(%dma_start3A_106 : memref<128x128xf32, #tpu.memory_space<vmem_shared>>) target_semaphore(%run_scoped3A_103 : memref<!tpu.dma_semaphore, #tpu.memory_space<semaphore_mem>>)
      %dma_wait3A = arith.constant 0 : i32
      %dma_wait3A_107 = tpu.memref_slice %arg10[%add3A_57, %dma_wait3A] : memref<10240x128xf32, #tpu.memory_space<vmem_shared>> -> memref<128x128xf32, #tpu.memory_space<vmem_shared>>
      %dma_wait3A_108 = arith.constant 0 : i32
      %dma_wait3A_109 = tpu.memref_slice %arg10[%add3A_57, %dma_wait3A_108] : memref<10240x128xf32, #tpu.memory_space<vmem_shared>> -> memref<128x128xf32, #tpu.memory_space<vmem_shared>>
      tpu.wait_dma2 semaphore(%run_scoped3A_103 : memref<!tpu.dma_semaphore, #tpu.memory_space<semaphore_mem>>) src(%arg9 : memref<128x128xf32, #tpu.memory_space<vmem>>) dst(%dma_wait3A_109 : memref<128x128xf32, #tpu.memory_space<vmem_shared>>)
      tpu.yield
    }) : () -> ()
    %mul3A_58 = arith.constant 640 : i32
    %mul3A_59 = arith.muli %arg1, %mul3A_58 : i32
    %add3A_60 = arith.constant 128 : i32
    %add3A_61 = arith.addi %mul3A_59, %add3A_60 : i32
    "tpu.region"() ({
      %run_scoped3A_103 = tpu.sem_alloc : memref<!tpu.dma_semaphore, #tpu.memory_space<semaphore_mem>>
      %dma_start3A = arith.constant 0 : i32
      %dma_start3A_104 = tpu.memref_slice %arg10[%add3A_61, %dma_start3A] : memref<10240x128xf32, #tpu.memory_space<vmem_shared>> -> memref<128x128xf32, #tpu.memory_space<vmem_shared>>
      %dma_start3A_105 = arith.constant 0 : i32
      %dma_start3A_106 = tpu.memref_slice %arg10[%add3A_61, %dma_start3A_105] : memref<10240x128xf32, #tpu.memory_space<vmem_shared>> -> memref<128x128xf32, #tpu.memory_space<vmem_shared>>
      tpu.enqueue_dma source(%arg9 : memref<128x128xf32, #tpu.memory_space<vmem>>) target(%dma_start3A_106 : memref<128x128xf32, #tpu.memory_space<vmem_shared>>) target_semaphore(%run_scoped3A_103 : memref<!tpu.dma_semaphore, #tpu.memory_space<semaphore_mem>>)
      %dma_wait3A = arith.constant 0 : i32
      %dma_wait3A_107 = tpu.memref_slice %arg10[%add3A_61, %dma_wait3A] : memref<10240x128xf32, #tpu.memory_space<vmem_shared>> -> memref<128x128xf32, #tpu.memory_space<vmem_shared>>
      %dma_wait3A_108 = arith.constant 0 : i32
      %dma_wait3A_109 = tpu.memref_slice %arg10[%add3A_61, %dma_wait3A_108] : memref<10240x128xf32, #tpu.memory_space<vmem_shared>> -> memref<128x128xf32, #tpu.memory_space<vmem_shared>>
      tpu.wait_dma2 semaphore(%run_scoped3A_103 : memref<!tpu.dma_semaphore, #tpu.memory_space<semaphore_mem>>) src(%arg9 : memref<128x128xf32, #tpu.memory_space<vmem>>) dst(%dma_wait3A_109 : memref<128x128xf32, #tpu.memory_space<vmem_shared>>)
      tpu.yield
    }) : () -> ()
    %mul3A_62 = arith.constant 640 : i32
    %mul3A_63 = arith.muli %arg1, %mul3A_62 : i32
    %add3A_64 = arith.constant 256 : i32
    %add3A_65 = arith.addi %mul3A_63, %add3A_64 : i32
    "tpu.region"() ({
      %run_scoped3A_103 = tpu.sem_alloc : memref<!tpu.dma_semaphore, #tpu.memory_space<semaphore_mem>>
      %dma_start3A = arith.constant 0 : i32
      %dma_start3A_104 = tpu.memref_slice %arg10[%add3A_65, %dma_start3A] : memref<10240x128xf32, #tpu.memory_space<vmem_shared>> -> memref<128x128xf32, #tpu.memory_space<vmem_shared>>
      %dma_start3A_105 = arith.constant 0 : i32
      %dma_start3A_106 = tpu.memref_slice %arg10[%add3A_65, %dma_start3A_105] : memref<10240x128xf32, #tpu.memory_space<vmem_shared>> -> memref<128x128xf32, #tpu.memory_space<vmem_shared>>
      tpu.enqueue_dma source(%arg9 : memref<128x128xf32, #tpu.memory_space<vmem>>) target(%dma_start3A_106 : memref<128x128xf32, #tpu.memory_space<vmem_shared>>) target_semaphore(%run_scoped3A_103 : memref<!tpu.dma_semaphore, #tpu.memory_space<semaphore_mem>>)
      %dma_wait3A = arith.constant 0 : i32
      %dma_wait3A_107 = tpu.memref_slice %arg10[%add3A_65, %dma_wait3A] : memref<10240x128xf32, #tpu.memory_space<vmem_shared>> -> memref<128x128xf32, #tpu.memory_space<vmem_shared>>
      %dma_wait3A_108 = arith.constant 0 : i32
      %dma_wait3A_109 = tpu.memref_slice %arg10[%add3A_65, %dma_wait3A_108] : memref<10240x128xf32, #tpu.memory_space<vmem_shared>> -> memref<128x128xf32, #tpu.memory_space<vmem_shared>>
      tpu.wait_dma2 semaphore(%run_scoped3A_103 : memref<!tpu.dma_semaphore, #tpu.memory_space<semaphore_mem>>) src(%arg9 : memref<128x128xf32, #tpu.memory_space<vmem>>) dst(%dma_wait3A_109 : memref<128x128xf32, #tpu.memory_space<vmem_shared>>)
      tpu.yield
    }) : () -> ()
    %mul3A_66 = arith.constant 640 : i32
    %mul3A_67 = arith.muli %arg1, %mul3A_66 : i32
    %add3A_68 = arith.constant 384 : i32
    %add3A_69 = arith.addi %mul3A_67, %add3A_68 : i32
    "tpu.region"() ({
      %run_scoped3A_103 = tpu.sem_alloc : memref<!tpu.dma_semaphore, #tpu.memory_space<semaphore_mem>>
      %dma_start3A = arith.constant 0 : i32
      %dma_start3A_104 = tpu.memref_slice %arg10[%add3A_69, %dma_start3A] : memref<10240x128xf32, #tpu.memory_space<vmem_shared>> -> memref<128x128xf32, #tpu.memory_space<vmem_shared>>
      %dma_start3A_105 = arith.constant 0 : i32
      %dma_start3A_106 = tpu.memref_slice %arg10[%add3A_69, %dma_start3A_105] : memref<10240x128xf32, #tpu.memory_space<vmem_shared>> -> memref<128x128xf32, #tpu.memory_space<vmem_shared>>
      tpu.enqueue_dma source(%arg9 : memref<128x128xf32, #tpu.memory_space<vmem>>) target(%dma_start3A_106 : memref<128x128xf32, #tpu.memory_space<vmem_shared>>) target_semaphore(%run_scoped3A_103 : memref<!tpu.dma_semaphore, #tpu.memory_space<semaphore_mem>>)
      %dma_wait3A = arith.constant 0 : i32
      %dma_wait3A_107 = tpu.memref_slice %arg10[%add3A_69, %dma_wait3A] : memref<10240x128xf32, #tpu.memory_space<vmem_shared>> -> memref<128x128xf32, #tpu.memory_space<vmem_shared>>
      %dma_wait3A_108 = arith.constant 0 : i32
      %dma_wait3A_109 = tpu.memref_slice %arg10[%add3A_69, %dma_wait3A_108] : memref<10240x128xf32, #tpu.memory_space<vmem_shared>> -> memref<128x128xf32, #tpu.memory_space<vmem_shared>>
      tpu.wait_dma2 semaphore(%run_scoped3A_103 : memref<!tpu.dma_semaphore, #tpu.memory_space<semaphore_mem>>) src(%arg9 : memref<128x128xf32, #tpu.memory_space<vmem>>) dst(%dma_wait3A_109 : memref<128x128xf32, #tpu.memory_space<vmem_shared>>)
      tpu.yield
    }) : () -> ()
    %mul3A_70 = arith.constant 640 : i32
    %mul3A_71 = arith.muli %arg1, %mul3A_70 : i32
    %add3A_72 = arith.constant 512 : i32
    %add3A_73 = arith.addi %mul3A_71, %add3A_72 : i32
    "tpu.region"() ({
      %run_scoped3A_103 = tpu.sem_alloc : memref<!tpu.dma_semaphore, #tpu.memory_space<semaphore_mem>>
      %dma_start3A = arith.constant 0 : i32
      %dma_start3A_104 = tpu.memref_slice %arg10[%add3A_73, %dma_start3A] : memref<10240x128xf32, #tpu.memory_space<vmem_shared>> -> memref<128x128xf32, #tpu.memory_space<vmem_shared>>
      %dma_start3A_105 = arith.constant 0 : i32
      %dma_start3A_106 = tpu.memref_slice %arg10[%add3A_73, %dma_start3A_105] : memref<10240x128xf32, #tpu.memory_space<vmem_shared>> -> memref<128x128xf32, #tpu.memory_space<vmem_shared>>
      tpu.enqueue_dma source(%arg9 : memref<128x128xf32, #tpu.memory_space<vmem>>) target(%dma_start3A_106 : memref<128x128xf32, #tpu.memory_space<vmem_shared>>) target_semaphore(%run_scoped3A_103 : memref<!tpu.dma_semaphore, #tpu.memory_space<semaphore_mem>>)
      %dma_wait3A = arith.constant 0 : i32
      %dma_wait3A_107 = tpu.memref_slice %arg10[%add3A_73, %dma_wait3A] : memref<10240x128xf32, #tpu.memory_space<vmem_shared>> -> memref<128x128xf32, #tpu.memory_space<vmem_shared>>
      %dma_wait3A_108 = arith.constant 0 : i32
      %dma_wait3A_109 = tpu.memref_slice %arg10[%add3A_73, %dma_wait3A_108] : memref<10240x128xf32, #tpu.memory_space<vmem_shared>> -> memref<128x128xf32, #tpu.memory_space<vmem_shared>>
      tpu.wait_dma2 semaphore(%run_scoped3A_103 : memref<!tpu.dma_semaphore, #tpu.memory_space<semaphore_mem>>) src(%arg9 : memref<128x128xf32, #tpu.memory_space<vmem>>) dst(%dma_wait3A_109 : memref<128x128xf32, #tpu.memory_space<vmem_shared>>)
      tpu.yield
    }) : () -> ()
    %barrier3A_74 = arith.constant 0 : index
    tpu.barrier barrier_id(%barrier3A_74)
    %scan3A_75 = arith.constant 0 : i32
    %scan3A_76 = arith.constant 0 : i32
    %scan3A_77 = arith.constant 80 : i32
    %scan3A_78 = arith.addi %scan3A_76, %scan3A_77 : i32
    %scan3A_79 = arith.constant 1 : i32
    scf.for %scan3A_103 = %scan3A_76 to %scan3A_78 step %scan3A_79  : i32 {
      "tpu.region"() ({
        %run_scoped3A_104 = tpu.sem_alloc : memref<!tpu.dma_semaphore, #tpu.memory_space<semaphore_mem>>
        %dma_start3A = arith.constant 0 : i32
        %dma_start3A_105 = tpu.memref_slice %arg7[%scan3A_103, %dma_start3A] : memref<80x128xi32, #tpu.memory_space<vmem>> -> memref<1x128xi32, #tpu.memory_space<vmem>>
        %dma_start3A_106 = tpu.memref_squeeze %dma_start3A_105 : memref<1x128xi32, #tpu.memory_space<vmem>> -> memref<128xi32, #tpu.memory_space<vmem>>
        %dma_start3A_107 = arith.constant 0 : i32
        %dma_start3A_108 = arith.constant 0 : i32
        %dma_start3A_109 = tpu.memref_slice %arg10[%dma_start3A_107, %dma_start3A_108] : memref<10240x128xf32, #tpu.memory_space<vmem_shared>> -> memref<10240x128xf32, #tpu.memory_space<vmem_shared>>
        tpu.enqueue_indirect_dma source(%arg8 : memref<128x128xf32, #tpu.memory_space<vmem>>) target(%dma_start3A_109 : memref<10240x128xf32, #tpu.memory_space<vmem_shared>>) offsets(%dma_start3A_106 : memref<128xi32, #tpu.memory_space<vmem>>) semaphore(%run_scoped3A_104 : memref<!tpu.dma_semaphore, #tpu.memory_space<semaphore_mem>>) {add = true}
        %dma_wait3A = arith.constant 0 : i32
        %dma_wait3A_110 = tpu.memref_slice %arg7[%scan3A_103, %dma_wait3A] : memref<80x128xi32, #tpu.memory_space<vmem>> -> memref<1x128xi32, #tpu.memory_space<vmem>>
        %dma_wait3A_111 = tpu.memref_squeeze %dma_wait3A_110 : memref<1x128xi32, #tpu.memory_space<vmem>> -> memref<128xi32, #tpu.memory_space<vmem>>
        %dma_wait3A_112 = arith.constant 0 : i32
        %dma_wait3A_113 = arith.constant 0 : i32
        %dma_wait3A_114 = tpu.memref_slice %arg10[%dma_wait3A_112, %dma_wait3A_113] : memref<10240x128xf32, #tpu.memory_space<vmem_shared>> -> memref<10240x128xf32, #tpu.memory_space<vmem_shared>>
        tpu.wait_indirect_dma semaphore(%run_scoped3A_104 : memref<!tpu.dma_semaphore, #tpu.memory_space<semaphore_mem>>) src(%arg8 : memref<128x128xf32, #tpu.memory_space<vmem>>) dst(%dma_wait3A_114 : memref<10240x128xf32, #tpu.memory_space<vmem_shared>>)
        tpu.yield
      }) : () -> ()
    }
    %scan3A_80 = arith.constant 80 : i32
    %barrier3A_81 = arith.constant 0 : index
    tpu.barrier barrier_id(%barrier3A_81)
    %mul3A_82 = arith.constant 640 : i32
    %mul3A_83 = arith.muli %arg1, %mul3A_82 : i32
    %add3A_84 = arith.constant 0 : i32
    %add3A_85 = arith.addi %mul3A_83, %add3A_84 : i32
    "tpu.region"() ({
      %run_scoped3A_103 = tpu.sem_alloc : memref<!tpu.dma_semaphore, #tpu.memory_space<semaphore_mem>>
      %dma_start3A = arith.constant 0 : i32
      %dma_start3A_104 = tpu.memref_slice %arg10[%add3A_85, %dma_start3A] : memref<10240x128xf32, #tpu.memory_space<vmem_shared>> -> memref<128x128xf32, #tpu.memory_space<vmem_shared>>
      %dma_start3A_105 = arith.constant 0 : i32
      %dma_start3A_106 = tpu.memref_slice %arg10[%add3A_85, %dma_start3A_105] : memref<10240x128xf32, #tpu.memory_space<vmem_shared>> -> memref<128x128xf32, #tpu.memory_space<vmem_shared>>
      tpu.enqueue_dma source(%dma_start3A_106 : memref<128x128xf32, #tpu.memory_space<vmem_shared>>) target(%arg9 : memref<128x128xf32, #tpu.memory_space<vmem>>) target_semaphore(%run_scoped3A_103 : memref<!tpu.dma_semaphore, #tpu.memory_space<semaphore_mem>>)
      %dma_wait3A = arith.constant 0 : i32
      %dma_wait3A_107 = tpu.memref_slice %arg10[%add3A_85, %dma_wait3A] : memref<10240x128xf32, #tpu.memory_space<vmem_shared>> -> memref<128x128xf32, #tpu.memory_space<vmem_shared>>
      %dma_wait3A_108 = arith.constant 0 : i32
      %dma_wait3A_109 = tpu.memref_slice %arg10[%add3A_85, %dma_wait3A_108] : memref<10240x128xf32, #tpu.memory_space<vmem_shared>> -> memref<128x128xf32, #tpu.memory_space<vmem_shared>>
      tpu.wait_dma2 semaphore(%run_scoped3A_103 : memref<!tpu.dma_semaphore, #tpu.memory_space<semaphore_mem>>) src(%dma_wait3A_109 : memref<128x128xf32, #tpu.memory_space<vmem_shared>>) dst(%arg9 : memref<128x128xf32, #tpu.memory_space<vmem>>)
      tpu.yield
    }) : () -> ()
    "tpu.region"() ({
      %run_scoped3A_103 = tpu.sem_alloc : memref<!tpu.dma_semaphore, #tpu.memory_space<semaphore_mem>>
      %dma_start3A = arith.constant 0 : i32
      %dma_start3A_104 = tpu.memref_slice %arg6[%arg0, %add3A_85, %dma_start3A] : memref<2x10240x128xf32, #tpu.memory_space<hbm>> -> memref<1x128x128xf32, #tpu.memory_space<hbm>>
      %dma_start3A_105 = tpu.memref_squeeze %dma_start3A_104 : memref<1x128x128xf32, #tpu.memory_space<hbm>> -> memref<128x128xf32, #tpu.memory_space<hbm>>
      %dma_start3A_106 = arith.constant 0 : i32
      %dma_start3A_107 = tpu.memref_slice %arg6[%arg0, %add3A_85, %dma_start3A_106] : memref<2x10240x128xf32, #tpu.memory_space<hbm>> -> memref<1x128x128xf32, #tpu.memory_space<hbm>>
      %dma_start3A_108 = tpu.memref_squeeze %dma_start3A_107 : memref<1x128x128xf32, #tpu.memory_space<hbm>> -> memref<128x128xf32, #tpu.memory_space<hbm>>
      tpu.enqueue_dma source(%arg9 : memref<128x128xf32, #tpu.memory_space<vmem>>) target(%dma_start3A_108 : memref<128x128xf32, #tpu.memory_space<hbm>>) target_semaphore(%run_scoped3A_103 : memref<!tpu.dma_semaphore, #tpu.memory_space<semaphore_mem>>)
      %dma_wait3A = arith.constant 0 : i32
      %dma_wait3A_109 = tpu.memref_slice %arg6[%arg0, %add3A_85, %dma_wait3A] : memref<2x10240x128xf32, #tpu.memory_space<hbm>> -> memref<1x128x128xf32, #tpu.memory_space<hbm>>
      %dma_wait3A_110 = tpu.memref_squeeze %dma_wait3A_109 : memref<1x128x128xf32, #tpu.memory_space<hbm>> -> memref<128x128xf32, #tpu.memory_space<hbm>>
      %dma_wait3A_111 = arith.constant 0 : i32
      %dma_wait3A_112 = tpu.memref_slice %arg6[%arg0, %add3A_85, %dma_wait3A_111] : memref<2x10240x128xf32, #tpu.memory_space<hbm>> -> memref<1x128x128xf32, #tpu.memory_space<hbm>>
      %dma_wait3A_113 = tpu.memref_squeeze %dma_wait3A_112 : memref<1x128x128xf32, #tpu.memory_space<hbm>> -> memref<128x128xf32, #tpu.memory_space<hbm>>
      tpu.wait_dma2 semaphore(%run_scoped3A_103 : memref<!tpu.dma_semaphore, #tpu.memory_space<semaphore_mem>>) src(%arg9 : memref<128x128xf32, #tpu.memory_space<vmem>>) dst(%dma_wait3A_113 : memref<128x128xf32, #tpu.memory_space<hbm>>)
      tpu.yield
    }) : () -> ()
    %mul3A_86 = arith.constant 640 : i32
    %mul3A_87 = arith.muli %arg1, %mul3A_86 : i32
    %add3A_88 = arith.constant 128 : i32
    %add3A_89 = arith.addi %mul3A_87, %add3A_88 : i32
    "tpu.region"() ({
      %run_scoped3A_103 = tpu.sem_alloc : memref<!tpu.dma_semaphore, #tpu.memory_space<semaphore_mem>>
      %dma_start3A = arith.constant 0 : i32
      %dma_start3A_104 = tpu.memref_slice %arg10[%add3A_89, %dma_start3A] : memref<10240x128xf32, #tpu.memory_space<vmem_shared>> -> memref<128x128xf32, #tpu.memory_space<vmem_shared>>
      %dma_start3A_105 = arith.constant 0 : i32
      %dma_start3A_106 = tpu.memref_slice %arg10[%add3A_89, %dma_start3A_105] : memref<10240x128xf32, #tpu.memory_space<vmem_shared>> -> memref<128x128xf32, #tpu.memory_space<vmem_shared>>
      tpu.enqueue_dma source(%dma_start3A_106 : memref<128x128xf32, #tpu.memory_space<vmem_shared>>) target(%arg9 : memref<128x128xf32, #tpu.memory_space<vmem>>) target_semaphore(%run_scoped3A_103 : memref<!tpu.dma_semaphore, #tpu.memory_space<semaphore_mem>>)
      %dma_wait3A = arith.constant 0 : i32
      %dma_wait3A_107 = tpu.memref_slice %arg10[%add3A_89, %dma_wait3A] : memref<10240x128xf32, #tpu.memory_space<vmem_shared>> -> memref<128x128xf32, #tpu.memory_space<vmem_shared>>
      %dma_wait3A_108 = arith.constant 0 : i32
      %dma_wait3A_109 = tpu.memref_slice %arg10[%add3A_89, %dma_wait3A_108] : memref<10240x128xf32, #tpu.memory_space<vmem_shared>> -> memref<128x128xf32, #tpu.memory_space<vmem_shared>>
      tpu.wait_dma2 semaphore(%run_scoped3A_103 : memref<!tpu.dma_semaphore, #tpu.memory_space<semaphore_mem>>) src(%dma_wait3A_109 : memref<128x128xf32, #tpu.memory_space<vmem_shared>>) dst(%arg9 : memref<128x128xf32, #tpu.memory_space<vmem>>)
      tpu.yield
    }) : () -> ()
    "tpu.region"() ({
      %run_scoped3A_103 = tpu.sem_alloc : memref<!tpu.dma_semaphore, #tpu.memory_space<semaphore_mem>>
      %dma_start3A = arith.constant 0 : i32
      %dma_start3A_104 = tpu.memref_slice %arg6[%arg0, %add3A_89, %dma_start3A] : memref<2x10240x128xf32, #tpu.memory_space<hbm>> -> memref<1x128x128xf32, #tpu.memory_space<hbm>>
      %dma_start3A_105 = tpu.memref_squeeze %dma_start3A_104 : memref<1x128x128xf32, #tpu.memory_space<hbm>> -> memref<128x128xf32, #tpu.memory_space<hbm>>
      %dma_start3A_106 = arith.constant 0 : i32
      %dma_start3A_107 = tpu.memref_slice %arg6[%arg0, %add3A_89, %dma_start3A_106] : memref<2x10240x128xf32, #tpu.memory_space<hbm>> -> memref<1x128x128xf32, #tpu.memory_space<hbm>>
      %dma_start3A_108 = tpu.memref_squeeze %dma_start3A_107 : memref<1x128x128xf32, #tpu.memory_space<hbm>> -> memref<128x128xf32, #tpu.memory_space<hbm>>
      tpu.enqueue_dma source(%arg9 : memref<128x128xf32, #tpu.memory_space<vmem>>) target(%dma_start3A_108 : memref<128x128xf32, #tpu.memory_space<hbm>>) target_semaphore(%run_scoped3A_103 : memref<!tpu.dma_semaphore, #tpu.memory_space<semaphore_mem>>)
      %dma_wait3A = arith.constant 0 : i32
      %dma_wait3A_109 = tpu.memref_slice %arg6[%arg0, %add3A_89, %dma_wait3A] : memref<2x10240x128xf32, #tpu.memory_space<hbm>> -> memref<1x128x128xf32, #tpu.memory_space<hbm>>
      %dma_wait3A_110 = tpu.memref_squeeze %dma_wait3A_109 : memref<1x128x128xf32, #tpu.memory_space<hbm>> -> memref<128x128xf32, #tpu.memory_space<hbm>>
      %dma_wait3A_111 = arith.constant 0 : i32
      %dma_wait3A_112 = tpu.memref_slice %arg6[%arg0, %add3A_89, %dma_wait3A_111] : memref<2x10240x128xf32, #tpu.memory_space<hbm>> -> memref<1x128x128xf32, #tpu.memory_space<hbm>>
      %dma_wait3A_113 = tpu.memref_squeeze %dma_wait3A_112 : memref<1x128x128xf32, #tpu.memory_space<hbm>> -> memref<128x128xf32, #tpu.memory_space<hbm>>
      tpu.wait_dma2 semaphore(%run_scoped3A_103 : memref<!tpu.dma_semaphore, #tpu.memory_space<semaphore_mem>>) src(%arg9 : memref<128x128xf32, #tpu.memory_space<vmem>>) dst(%dma_wait3A_113 : memref<128x128xf32, #tpu.memory_space<hbm>>)
      tpu.yield
    }) : () -> ()
    %mul3A_90 = arith.constant 640 : i32
    %mul3A_91 = arith.muli %arg1, %mul3A_90 : i32
    %add3A_92 = arith.constant 256 : i32
    %add3A_93 = arith.addi %mul3A_91, %add3A_92 : i32
    "tpu.region"() ({
      %run_scoped3A_103 = tpu.sem_alloc : memref<!tpu.dma_semaphore, #tpu.memory_space<semaphore_mem>>
      %dma_start3A = arith.constant 0 : i32
      %dma_start3A_104 = tpu.memref_slice %arg10[%add3A_93, %dma_start3A] : memref<10240x128xf32, #tpu.memory_space<vmem_shared>> -> memref<128x128xf32, #tpu.memory_space<vmem_shared>>
      %dma_start3A_105 = arith.constant 0 : i32
      %dma_start3A_106 = tpu.memref_slice %arg10[%add3A_93, %dma_start3A_105] : memref<10240x128xf32, #tpu.memory_space<vmem_shared>> -> memref<128x128xf32, #tpu.memory_space<vmem_shared>>
      tpu.enqueue_dma source(%dma_start3A_106 : memref<128x128xf32, #tpu.memory_space<vmem_shared>>) target(%arg9 : memref<128x128xf32, #tpu.memory_space<vmem>>) target_semaphore(%run_scoped3A_103 : memref<!tpu.dma_semaphore, #tpu.memory_space<semaphore_mem>>)
      %dma_wait3A = arith.constant 0 : i32
      %dma_wait3A_107 = tpu.memref_slice %arg10[%add3A_93, %dma_wait3A] : memref<10240x128xf32, #tpu.memory_space<vmem_shared>> -> memref<128x128xf32, #tpu.memory_space<vmem_shared>>
      %dma_wait3A_108 = arith.constant 0 : i32
      %dma_wait3A_109 = tpu.memref_slice %arg10[%add3A_93, %dma_wait3A_108] : memref<10240x128xf32, #tpu.memory_space<vmem_shared>> -> memref<128x128xf32, #tpu.memory_space<vmem_shared>>
      tpu.wait_dma2 semaphore(%run_scoped3A_103 : memref<!tpu.dma_semaphore, #tpu.memory_space<semaphore_mem>>) src(%dma_wait3A_109 : memref<128x128xf32, #tpu.memory_space<vmem_shared>>) dst(%arg9 : memref<128x128xf32, #tpu.memory_space<vmem>>)
      tpu.yield
    }) : () -> ()
    "tpu.region"() ({
      %run_scoped3A_103 = tpu.sem_alloc : memref<!tpu.dma_semaphore, #tpu.memory_space<semaphore_mem>>
      %dma_start3A = arith.constant 0 : i32
      %dma_start3A_104 = tpu.memref_slice %arg6[%arg0, %add3A_93, %dma_start3A] : memref<2x10240x128xf32, #tpu.memory_space<hbm>> -> memref<1x128x128xf32, #tpu.memory_space<hbm>>
      %dma_start3A_105 = tpu.memref_squeeze %dma_start3A_104 : memref<1x128x128xf32, #tpu.memory_space<hbm>> -> memref<128x128xf32, #tpu.memory_space<hbm>>
      %dma_start3A_106 = arith.constant 0 : i32
      %dma_start3A_107 = tpu.memref_slice %arg6[%arg0, %add3A_93, %dma_start3A_106] : memref<2x10240x128xf32, #tpu.memory_space<hbm>> -> memref<1x128x128xf32, #tpu.memory_space<hbm>>
      %dma_start3A_108 = tpu.memref_squeeze %dma_start3A_107 : memref<1x128x128xf32, #tpu.memory_space<hbm>> -> memref<128x128xf32, #tpu.memory_space<hbm>>
      tpu.enqueue_dma source(%arg9 : memref<128x128xf32, #tpu.memory_space<vmem>>) target(%dma_start3A_108 : memref<128x128xf32, #tpu.memory_space<hbm>>) target_semaphore(%run_scoped3A_103 : memref<!tpu.dma_semaphore, #tpu.memory_space<semaphore_mem>>)
      %dma_wait3A = arith.constant 0 : i32
      %dma_wait3A_109 = tpu.memref_slice %arg6[%arg0, %add3A_93, %dma_wait3A] : memref<2x10240x128xf32, #tpu.memory_space<hbm>> -> memref<1x128x128xf32, #tpu.memory_space<hbm>>
      %dma_wait3A_110 = tpu.memref_squeeze %dma_wait3A_109 : memref<1x128x128xf32, #tpu.memory_space<hbm>> -> memref<128x128xf32, #tpu.memory_space<hbm>>
      %dma_wait3A_111 = arith.constant 0 : i32
      %dma_wait3A_112 = tpu.memref_slice %arg6[%arg0, %add3A_93, %dma_wait3A_111] : memref<2x10240x128xf32, #tpu.memory_space<hbm>> -> memref<1x128x128xf32, #tpu.memory_space<hbm>>
      %dma_wait3A_113 = tpu.memref_squeeze %dma_wait3A_112 : memref<1x128x128xf32, #tpu.memory_space<hbm>> -> memref<128x128xf32, #tpu.memory_space<hbm>>
      tpu.wait_dma2 semaphore(%run_scoped3A_103 : memref<!tpu.dma_semaphore, #tpu.memory_space<semaphore_mem>>) src(%arg9 : memref<128x128xf32, #tpu.memory_space<vmem>>) dst(%dma_wait3A_113 : memref<128x128xf32, #tpu.memory_space<hbm>>)
      tpu.yield
    }) : () -> ()
    %mul3A_94 = arith.constant 640 : i32
    %mul3A_95 = arith.muli %arg1, %mul3A_94 : i32
    %add3A_96 = arith.constant 384 : i32
    %add3A_97 = arith.addi %mul3A_95, %add3A_96 : i32
    "tpu.region"() ({
      %run_scoped3A_103 = tpu.sem_alloc : memref<!tpu.dma_semaphore, #tpu.memory_space<semaphore_mem>>
      %dma_start3A = arith.constant 0 : i32
      %dma_start3A_104 = tpu.memref_slice %arg10[%add3A_97, %dma_start3A] : memref<10240x128xf32, #tpu.memory_space<vmem_shared>> -> memref<128x128xf32, #tpu.memory_space<vmem_shared>>
      %dma_start3A_105 = arith.constant 0 : i32
      %dma_start3A_106 = tpu.memref_slice %arg10[%add3A_97, %dma_start3A_105] : memref<10240x128xf32, #tpu.memory_space<vmem_shared>> -> memref<128x128xf32, #tpu.memory_space<vmem_shared>>
      tpu.enqueue_dma source(%dma_start3A_106 : memref<128x128xf32, #tpu.memory_space<vmem_shared>>) target(%arg9 : memref<128x128xf32, #tpu.memory_space<vmem>>) target_semaphore(%run_scoped3A_103 : memref<!tpu.dma_semaphore, #tpu.memory_space<semaphore_mem>>)
      %dma_wait3A = arith.constant 0 : i32
      %dma_wait3A_107 = tpu.memref_slice %arg10[%add3A_97, %dma_wait3A] : memref<10240x128xf32, #tpu.memory_space<vmem_shared>> -> memref<128x128xf32, #tpu.memory_space<vmem_shared>>
      %dma_wait3A_108 = arith.constant 0 : i32
      %dma_wait3A_109 = tpu.memref_slice %arg10[%add3A_97, %dma_wait3A_108] : memref<10240x128xf32, #tpu.memory_space<vmem_shared>> -> memref<128x128xf32, #tpu.memory_space<vmem_shared>>
      tpu.wait_dma2 semaphore(%run_scoped3A_103 : memref<!tpu.dma_semaphore, #tpu.memory_space<semaphore_mem>>) src(%dma_wait3A_109 : memref<128x128xf32, #tpu.memory_space<vmem_shared>>) dst(%arg9 : memref<128x128xf32, #tpu.memory_space<vmem>>)
      tpu.yield
    }) : () -> ()
    "tpu.region"() ({
      %run_scoped3A_103 = tpu.sem_alloc : memref<!tpu.dma_semaphore, #tpu.memory_space<semaphore_mem>>
      %dma_start3A = arith.constant 0 : i32
      %dma_start3A_104 = tpu.memref_slice %arg6[%arg0, %add3A_97, %dma_start3A] : memref<2x10240x128xf32, #tpu.memory_space<hbm>> -> memref<1x128x128xf32, #tpu.memory_space<hbm>>
      %dma_start3A_105 = tpu.memref_squeeze %dma_start3A_104 : memref<1x128x128xf32, #tpu.memory_space<hbm>> -> memref<128x128xf32, #tpu.memory_space<hbm>>
      %dma_start3A_106 = arith.constant 0 : i32
      %dma_start3A_107 = tpu.memref_slice %arg6[%arg0, %add3A_97, %dma_start3A_106] : memref<2x10240x128xf32, #tpu.memory_space<hbm>> -> memref<1x128x128xf32, #tpu.memory_space<hbm>>
      %dma_start3A_108 = tpu.memref_squeeze %dma_start3A_107 : memref<1x128x128xf32, #tpu.memory_space<hbm>> -> memref<128x128xf32, #tpu.memory_space<hbm>>
      tpu.enqueue_dma source(%arg9 : memref<128x128xf32, #tpu.memory_space<vmem>>) target(%dma_start3A_108 : memref<128x128xf32, #tpu.memory_space<hbm>>) target_semaphore(%run_scoped3A_103 : memref<!tpu.dma_semaphore, #tpu.memory_space<semaphore_mem>>)
      %dma_wait3A = arith.constant 0 : i32
      %dma_wait3A_109 = tpu.memref_slice %arg6[%arg0, %add3A_97, %dma_wait3A] : memref<2x10240x128xf32, #tpu.memory_space<hbm>> -> memref<1x128x128xf32, #tpu.memory_space<hbm>>
      %dma_wait3A_110 = tpu.memref_squeeze %dma_wait3A_109 : memref<1x128x128xf32, #tpu.memory_space<hbm>> -> memref<128x128xf32, #tpu.memory_space<hbm>>
      %dma_wait3A_111 = arith.constant 0 : i32
      %dma_wait3A_112 = tpu.memref_slice %arg6[%arg0, %add3A_97, %dma_wait3A_111] : memref<2x10240x128xf32, #tpu.memory_space<hbm>> -> memref<1x128x128xf32, #tpu.memory_space<hbm>>
      %dma_wait3A_113 = tpu.memref_squeeze %dma_wait3A_112 : memref<1x128x128xf32, #tpu.memory_space<hbm>> -> memref<128x128xf32, #tpu.memory_space<hbm>>
      tpu.wait_dma2 semaphore(%run_scoped3A_103 : memref<!tpu.dma_semaphore, #tpu.memory_space<semaphore_mem>>) src(%arg9 : memref<128x128xf32, #tpu.memory_space<vmem>>) dst(%dma_wait3A_113 : memref<128x128xf32, #tpu.memory_space<hbm>>)
      tpu.yield
    }) : () -> ()
    %mul3A_98 = arith.constant 640 : i32
    %mul3A_99 = arith.muli %arg1, %mul3A_98 : i32
    %add3A_100 = arith.constant 512 : i32
    %add3A_101 = arith.addi %mul3A_99, %add3A_100 : i32
    "tpu.region"() ({
      %run_scoped3A_103 = tpu.sem_alloc : memref<!tpu.dma_semaphore, #tpu.memory_space<semaphore_mem>>
      %dma_start3A = arith.constant 0 : i32
      %dma_start3A_104 = tpu.memref_slice %arg10[%add3A_101, %dma_start3A] : memref<10240x128xf32, #tpu.memory_space<vmem_shared>> -> memref<128x128xf32, #tpu.memory_space<vmem_shared>>
      %dma_start3A_105 = arith.constant 0 : i32
      %dma_start3A_106 = tpu.memref_slice %arg10[%add3A_101, %dma_start3A_105] : memref<10240x128xf32, #tpu.memory_space<vmem_shared>> -> memref<128x128xf32, #tpu.memory_space<vmem_shared>>
      tpu.enqueue_dma source(%dma_start3A_106 : memref<128x128xf32, #tpu.memory_space<vmem_shared>>) target(%arg9 : memref<128x128xf32, #tpu.memory_space<vmem>>) target_semaphore(%run_scoped3A_103 : memref<!tpu.dma_semaphore, #tpu.memory_space<semaphore_mem>>)
      %dma_wait3A = arith.constant 0 : i32
      %dma_wait3A_107 = tpu.memref_slice %arg10[%add3A_101, %dma_wait3A] : memref<10240x128xf32, #tpu.memory_space<vmem_shared>> -> memref<128x128xf32, #tpu.memory_space<vmem_shared>>
      %dma_wait3A_108 = arith.constant 0 : i32
      %dma_wait3A_109 = tpu.memref_slice %arg10[%add3A_101, %dma_wait3A_108] : memref<10240x128xf32, #tpu.memory_space<vmem_shared>> -> memref<128x128xf32, #tpu.memory_space<vmem_shared>>
      tpu.wait_dma2 semaphore(%run_scoped3A_103 : memref<!tpu.dma_semaphore, #tpu.memory_space<semaphore_mem>>) src(%dma_wait3A_109 : memref<128x128xf32, #tpu.memory_space<vmem_shared>>) dst(%arg9 : memref<128x128xf32, #tpu.memory_space<vmem>>)
      tpu.yield
    }) : () -> ()
    "tpu.region"() ({
      %run_scoped3A_103 = tpu.sem_alloc : memref<!tpu.dma_semaphore, #tpu.memory_space<semaphore_mem>>
      %dma_start3A = arith.constant 0 : i32
      %dma_start3A_104 = tpu.memref_slice %arg6[%arg0, %add3A_101, %dma_start3A] : memref<2x10240x128xf32, #tpu.memory_space<hbm>> -> memref<1x128x128xf32, #tpu.memory_space<hbm>>
      %dma_start3A_105 = tpu.memref_squeeze %dma_start3A_104 : memref<1x128x128xf32, #tpu.memory_space<hbm>> -> memref<128x128xf32, #tpu.memory_space<hbm>>
      %dma_start3A_106 = arith.constant 0 : i32
      %dma_start3A_107 = tpu.memref_slice %arg6[%arg0, %add3A_101, %dma_start3A_106] : memref<2x10240x128xf32, #tpu.memory_space<hbm>> -> memref<1x128x128xf32, #tpu.memory_space<hbm>>
      %dma_start3A_108 = tpu.memref_squeeze %dma_start3A_107 : memref<1x128x128xf32, #tpu.memory_space<hbm>> -> memref<128x128xf32, #tpu.memory_space<hbm>>
      tpu.enqueue_dma source(%arg9 : memref<128x128xf32, #tpu.memory_space<vmem>>) target(%dma_start3A_108 : memref<128x128xf32, #tpu.memory_space<hbm>>) target_semaphore(%run_scoped3A_103 : memref<!tpu.dma_semaphore, #tpu.memory_space<semaphore_mem>>)
      %dma_wait3A = arith.constant 0 : i32
      %dma_wait3A_109 = tpu.memref_slice %arg6[%arg0, %add3A_101, %dma_wait3A] : memref<2x10240x128xf32, #tpu.memory_space<hbm>> -> memref<1x128x128xf32, #tpu.memory_space<hbm>>
      %dma_wait3A_110 = tpu.memref_squeeze %dma_wait3A_109 : memref<1x128x128xf32, #tpu.memory_space<hbm>> -> memref<128x128xf32, #tpu.memory_space<hbm>>
      %dma_wait3A_111 = arith.constant 0 : i32
      %dma_wait3A_112 = tpu.memref_slice %arg6[%arg0, %add3A_101, %dma_wait3A_111] : memref<2x10240x128xf32, #tpu.memory_space<hbm>> -> memref<1x128x128xf32, #tpu.memory_space<hbm>>
      %dma_wait3A_113 = tpu.memref_squeeze %dma_wait3A_112 : memref<1x128x128xf32, #tpu.memory_space<hbm>> -> memref<128x128xf32, #tpu.memory_space<hbm>>
      tpu.wait_dma2 semaphore(%run_scoped3A_103 : memref<!tpu.dma_semaphore, #tpu.memory_space<semaphore_mem>>) src(%arg9 : memref<128x128xf32, #tpu.memory_space<vmem>>) dst(%dma_wait3A_113 : memref<128x128xf32, #tpu.memory_space<hbm>>)
      tpu.yield
    }) : () -> ()
    %barrier3A_102 = arith.constant 0 : index
    tpu.barrier barrier_id(%barrier3A_102)
    return
  }
}

#map = affine_map<(d0, d1) -> (0, 0)>
#map1 = affine_map<(d0, d1) -> (0, 0, 0)>
module attributes {stable_mosaic.version = 14 : i64} {
  func.func @_sc_aggregate(%arg0: i32, %arg1: i32, %arg2: memref<10240x128xf32, #tpu.memory_space<hbm>>, %arg3: memref<2560x128xi32, #tpu.memory_space<hbm>>, %arg4: memref<2560x128xi32, #tpu.memory_space<hbm>>, %arg5: memref<2x10240x128xf32, #tpu.memory_space<hbm>>, %arg6: memref<16x128xi32, #tpu.memory_space<vmem>>, %arg7: memref<16x128xi32, #tpu.memory_space<vmem>>, %arg8: memref<128x128xf32, #tpu.memory_space<vmem>>, %arg9: memref<128x128xf32, #tpu.memory_space<vmem>>, %arg10: memref<10240x128xf32, #tpu.memory_space<vmem_shared>>, %arg11: memref<!tpu.dma_semaphore, #tpu.memory_space<semaphore_mem>>, %arg12: memref<!tpu.dma_semaphore, #tpu.memory_space<semaphore_mem>>) attributes {dimension_semantics = [#tpu.dimension_semantics<core_parallel>, #tpu.dimension_semantics<subcore_parallel>], iteration_bounds = array<i64: 2, 16>, scalar_prefetch = 0 : i64, scratch_operands = 7 : i64, tpu.core_type = #tpu.core_type<sc_vector_subcore>, window_params = [{transform_indices = #map}, {transform_indices = #map}, {transform_indices = #map}, {transform_indices = #map1}]} {
    %broadcast_in_dim3A = arith.constant 0.000000e+00 : f32
    %broadcast_in_dim3A_0 = vector.broadcast %broadcast_in_dim3A : f32 to vector<16xf32>
    %scan3A = arith.constant 0 : i32
    %scan3A_1 = arith.constant 0 : i32
    %scan3A_2 = arith.constant 128 : i32
    %scan3A_3 = arith.addi %scan3A_1, %scan3A_2 : i32
    %scan3A_4 = arith.constant 1 : i32
    scf.for %scan3A_65 = %scan3A_1 to %scan3A_3 step %scan3A_4  : i32 {
      %swap3A = arith.index_cast %scan3A_65 : i32 to index
      %swap3A_66 = arith.constant 0 : index
      %swap3A_67 = tpu.vector_load %arg8[%swap3A, %swap3A_66] {strides = array<i32>} : memref<128x128xf32, #tpu.memory_space<vmem>>, vector<1x16xf32>,
      %swap3A_68 = vector.shape_cast %swap3A_67 : vector<1x16xf32> to vector<16xf32>
      %swap3A_69 = vector.shape_cast %broadcast_in_dim3A_0 : vector<16xf32> to vector<1x16xf32>
      tpu.vector_store %arg8[%swap3A, %swap3A_66], %swap3A_69 {strides = array<i32>} : memref<128x128xf32, #tpu.memory_space<vmem>>, vector<1x16xf32>,
      %swap3A_70 = arith.index_cast %scan3A_65 : i32 to index
      %swap3A_71 = arith.constant 16 : index
      %swap3A_72 = tpu.vector_load %arg8[%swap3A_70, %swap3A_71] {strides = array<i32>} : memref<128x128xf32, #tpu.memory_space<vmem>>, vector<1x16xf32>,
      %swap3A_73 = vector.shape_cast %swap3A_72 : vector<1x16xf32> to vector<16xf32>
      %swap3A_74 = vector.shape_cast %broadcast_in_dim3A_0 : vector<16xf32> to vector<1x16xf32>
      tpu.vector_store %arg8[%swap3A_70, %swap3A_71], %swap3A_74 {strides = array<i32>} : memref<128x128xf32, #tpu.memory_space<vmem>>, vector<1x16xf32>,
      %swap3A_75 = arith.index_cast %scan3A_65 : i32 to index
      %swap3A_76 = arith.constant 32 : index
      %swap3A_77 = tpu.vector_load %arg8[%swap3A_75, %swap3A_76] {strides = array<i32>} : memref<128x128xf32, #tpu.memory_space<vmem>>, vector<1x16xf32>,
      %swap3A_78 = vector.shape_cast %swap3A_77 : vector<1x16xf32> to vector<16xf32>
      %swap3A_79 = vector.shape_cast %broadcast_in_dim3A_0 : vector<16xf32> to vector<1x16xf32>
      tpu.vector_store %arg8[%swap3A_75, %swap3A_76], %swap3A_79 {strides = array<i32>} : memref<128x128xf32, #tpu.memory_space<vmem>>, vector<1x16xf32>,
      %swap3A_80 = arith.index_cast %scan3A_65 : i32 to index
      %swap3A_81 = arith.constant 48 : index
      %swap3A_82 = tpu.vector_load %arg8[%swap3A_80, %swap3A_81] {strides = array<i32>} : memref<128x128xf32, #tpu.memory_space<vmem>>, vector<1x16xf32>,
      %swap3A_83 = vector.shape_cast %swap3A_82 : vector<1x16xf32> to vector<16xf32>
      %swap3A_84 = vector.shape_cast %broadcast_in_dim3A_0 : vector<16xf32> to vector<1x16xf32>
      tpu.vector_store %arg8[%swap3A_80, %swap3A_81], %swap3A_84 {strides = array<i32>} : memref<128x128xf32, #tpu.memory_space<vmem>>, vector<1x16xf32>,
      %swap3A_85 = arith.index_cast %scan3A_65 : i32 to index
      %swap3A_86 = arith.constant 64 : index
      %swap3A_87 = tpu.vector_load %arg8[%swap3A_85, %swap3A_86] {strides = array<i32>} : memref<128x128xf32, #tpu.memory_space<vmem>>, vector<1x16xf32>,
      %swap3A_88 = vector.shape_cast %swap3A_87 : vector<1x16xf32> to vector<16xf32>
      %swap3A_89 = vector.shape_cast %broadcast_in_dim3A_0 : vector<16xf32> to vector<1x16xf32>
      tpu.vector_store %arg8[%swap3A_85, %swap3A_86], %swap3A_89 {strides = array<i32>} : memref<128x128xf32, #tpu.memory_space<vmem>>, vector<1x16xf32>,
      %swap3A_90 = arith.index_cast %scan3A_65 : i32 to index
      %swap3A_91 = arith.constant 80 : index
      %swap3A_92 = tpu.vector_load %arg8[%swap3A_90, %swap3A_91] {strides = array<i32>} : memref<128x128xf32, #tpu.memory_space<vmem>>, vector<1x16xf32>,
      %swap3A_93 = vector.shape_cast %swap3A_92 : vector<1x16xf32> to vector<16xf32>
      %swap3A_94 = vector.shape_cast %broadcast_in_dim3A_0 : vector<16xf32> to vector<1x16xf32>
      tpu.vector_store %arg8[%swap3A_90, %swap3A_91], %swap3A_94 {strides = array<i32>} : memref<128x128xf32, #tpu.memory_space<vmem>>, vector<1x16xf32>,
      %swap3A_95 = arith.index_cast %scan3A_65 : i32 to index
      %swap3A_96 = arith.constant 96 : index
      %swap3A_97 = tpu.vector_load %arg8[%swap3A_95, %swap3A_96] {strides = array<i32>} : memref<128x128xf32, #tpu.memory_space<vmem>>, vector<1x16xf32>,
      %swap3A_98 = vector.shape_cast %swap3A_97 : vector<1x16xf32> to vector<16xf32>
      %swap3A_99 = vector.shape_cast %broadcast_in_dim3A_0 : vector<16xf32> to vector<1x16xf32>
      tpu.vector_store %arg8[%swap3A_95, %swap3A_96], %swap3A_99 {strides = array<i32>} : memref<128x128xf32, #tpu.memory_space<vmem>>, vector<1x16xf32>,
      %swap3A_100 = arith.index_cast %scan3A_65 : i32 to index
      %swap3A_101 = arith.constant 112 : index
      %swap3A_102 = tpu.vector_load %arg8[%swap3A_100, %swap3A_101] {strides = array<i32>} : memref<128x128xf32, #tpu.memory_space<vmem>>, vector<1x16xf32>,
      %swap3A_103 = vector.shape_cast %swap3A_102 : vector<1x16xf32> to vector<16xf32>
      %swap3A_104 = vector.shape_cast %broadcast_in_dim3A_0 : vector<16xf32> to vector<1x16xf32>
      tpu.vector_store %arg8[%swap3A_100, %swap3A_101], %swap3A_104 {strides = array<i32>} : memref<128x128xf32, #tpu.memory_space<vmem>>, vector<1x16xf32>,
    }
    %scan3A_5 = arith.constant 128 : i32
    %mul3A = arith.constant 640 : i32
    %mul3A_6 = arith.muli %arg1, %mul3A : i32
    %add3A = arith.constant 0 : i32
    %add3A_7 = arith.addi %mul3A_6, %add3A : i32
    "tpu.region"() ({
      %run_scoped3A = tpu.sem_alloc : memref<!tpu.dma_semaphore, #tpu.memory_space<semaphore_mem>>
      %dma_start3A = arith.constant 0 : i32
      %dma_start3A_65 = tpu.memref_slice %arg10[%add3A_7, %dma_start3A] : memref<10240x128xf32, #tpu.memory_space<vmem_shared>> -> memref<128x128xf32, #tpu.memory_space<vmem_shared>>
      %dma_start3A_66 = arith.constant 0 : i32
      %dma_start3A_67 = tpu.memref_slice %arg10[%add3A_7, %dma_start3A_66] : memref<10240x128xf32, #tpu.memory_space<vmem_shared>> -> memref<128x128xf32, #tpu.memory_space<vmem_shared>>
      tpu.enqueue_dma source(%arg8 : memref<128x128xf32, #tpu.memory_space<vmem>>) target(%dma_start3A_67 : memref<128x128xf32, #tpu.memory_space<vmem_shared>>) target_semaphore(%run_scoped3A : memref<!tpu.dma_semaphore, #tpu.memory_space<semaphore_mem>>)
      %dma_wait3A = arith.constant 0 : i32
      %dma_wait3A_68 = tpu.memref_slice %arg10[%add3A_7, %dma_wait3A] : memref<10240x128xf32, #tpu.memory_space<vmem_shared>> -> memref<128x128xf32, #tpu.memory_space<vmem_shared>>
      %dma_wait3A_69 = arith.constant 0 : i32
      %dma_wait3A_70 = tpu.memref_slice %arg10[%add3A_7, %dma_wait3A_69] : memref<10240x128xf32, #tpu.memory_space<vmem_shared>> -> memref<128x128xf32, #tpu.memory_space<vmem_shared>>
      tpu.wait_dma2 semaphore(%run_scoped3A : memref<!tpu.dma_semaphore, #tpu.memory_space<semaphore_mem>>) src(%arg8 : memref<128x128xf32, #tpu.memory_space<vmem>>) dst(%dma_wait3A_70 : memref<128x128xf32, #tpu.memory_space<vmem_shared>>)
      tpu.yield
    }) : () -> ()
    %mul3A_8 = arith.constant 640 : i32
    %mul3A_9 = arith.muli %arg1, %mul3A_8 : i32
    %add3A_10 = arith.constant 128 : i32
    %add3A_11 = arith.addi %mul3A_9, %add3A_10 : i32
    "tpu.region"() ({
      %run_scoped3A = tpu.sem_alloc : memref<!tpu.dma_semaphore, #tpu.memory_space<semaphore_mem>>
      %dma_start3A = arith.constant 0 : i32
      %dma_start3A_65 = tpu.memref_slice %arg10[%add3A_11, %dma_start3A] : memref<10240x128xf32, #tpu.memory_space<vmem_shared>> -> memref<128x128xf32, #tpu.memory_space<vmem_shared>>
      %dma_start3A_66 = arith.constant 0 : i32
      %dma_start3A_67 = tpu.memref_slice %arg10[%add3A_11, %dma_start3A_66] : memref<10240x128xf32, #tpu.memory_space<vmem_shared>> -> memref<128x128xf32, #tpu.memory_space<vmem_shared>>
      tpu.enqueue_dma source(%arg8 : memref<128x128xf32, #tpu.memory_space<vmem>>) target(%dma_start3A_67 : memref<128x128xf32, #tpu.memory_space<vmem_shared>>) target_semaphore(%run_scoped3A : memref<!tpu.dma_semaphore, #tpu.memory_space<semaphore_mem>>)
      %dma_wait3A = arith.constant 0 : i32
      %dma_wait3A_68 = tpu.memref_slice %arg10[%add3A_11, %dma_wait3A] : memref<10240x128xf32, #tpu.memory_space<vmem_shared>> -> memref<128x128xf32, #tpu.memory_space<vmem_shared>>
      %dma_wait3A_69 = arith.constant 0 : i32
      %dma_wait3A_70 = tpu.memref_slice %arg10[%add3A_11, %dma_wait3A_69] : memref<10240x128xf32, #tpu.memory_space<vmem_shared>> -> memref<128x128xf32, #tpu.memory_space<vmem_shared>>
      tpu.wait_dma2 semaphore(%run_scoped3A : memref<!tpu.dma_semaphore, #tpu.memory_space<semaphore_mem>>) src(%arg8 : memref<128x128xf32, #tpu.memory_space<vmem>>) dst(%dma_wait3A_70 : memref<128x128xf32, #tpu.memory_space<vmem_shared>>)
      tpu.yield
    }) : () -> ()
    %mul3A_12 = arith.constant 640 : i32
    %mul3A_13 = arith.muli %arg1, %mul3A_12 : i32
    %add3A_14 = arith.constant 256 : i32
    %add3A_15 = arith.addi %mul3A_13, %add3A_14 : i32
    "tpu.region"() ({
      %run_scoped3A = tpu.sem_alloc : memref<!tpu.dma_semaphore, #tpu.memory_space<semaphore_mem>>
      %dma_start3A = arith.constant 0 : i32
      %dma_start3A_65 = tpu.memref_slice %arg10[%add3A_15, %dma_start3A] : memref<10240x128xf32, #tpu.memory_space<vmem_shared>> -> memref<128x128xf32, #tpu.memory_space<vmem_shared>>
      %dma_start3A_66 = arith.constant 0 : i32
      %dma_start3A_67 = tpu.memref_slice %arg10[%add3A_15, %dma_start3A_66] : memref<10240x128xf32, #tpu.memory_space<vmem_shared>> -> memref<128x128xf32, #tpu.memory_space<vmem_shared>>
      tpu.enqueue_dma source(%arg8 : memref<128x128xf32, #tpu.memory_space<vmem>>) target(%dma_start3A_67 : memref<128x128xf32, #tpu.memory_space<vmem_shared>>) target_semaphore(%run_scoped3A : memref<!tpu.dma_semaphore, #tpu.memory_space<semaphore_mem>>)
      %dma_wait3A = arith.constant 0 : i32
      %dma_wait3A_68 = tpu.memref_slice %arg10[%add3A_15, %dma_wait3A] : memref<10240x128xf32, #tpu.memory_space<vmem_shared>> -> memref<128x128xf32, #tpu.memory_space<vmem_shared>>
      %dma_wait3A_69 = arith.constant 0 : i32
      %dma_wait3A_70 = tpu.memref_slice %arg10[%add3A_15, %dma_wait3A_69] : memref<10240x128xf32, #tpu.memory_space<vmem_shared>> -> memref<128x128xf32, #tpu.memory_space<vmem_shared>>
      tpu.wait_dma2 semaphore(%run_scoped3A : memref<!tpu.dma_semaphore, #tpu.memory_space<semaphore_mem>>) src(%arg8 : memref<128x128xf32, #tpu.memory_space<vmem>>) dst(%dma_wait3A_70 : memref<128x128xf32, #tpu.memory_space<vmem_shared>>)
      tpu.yield
    }) : () -> ()
    %mul3A_16 = arith.constant 640 : i32
    %mul3A_17 = arith.muli %arg1, %mul3A_16 : i32
    %add3A_18 = arith.constant 384 : i32
    %add3A_19 = arith.addi %mul3A_17, %add3A_18 : i32
    "tpu.region"() ({
      %run_scoped3A = tpu.sem_alloc : memref<!tpu.dma_semaphore, #tpu.memory_space<semaphore_mem>>
      %dma_start3A = arith.constant 0 : i32
      %dma_start3A_65 = tpu.memref_slice %arg10[%add3A_19, %dma_start3A] : memref<10240x128xf32, #tpu.memory_space<vmem_shared>> -> memref<128x128xf32, #tpu.memory_space<vmem_shared>>
      %dma_start3A_66 = arith.constant 0 : i32
      %dma_start3A_67 = tpu.memref_slice %arg10[%add3A_19, %dma_start3A_66] : memref<10240x128xf32, #tpu.memory_space<vmem_shared>> -> memref<128x128xf32, #tpu.memory_space<vmem_shared>>
      tpu.enqueue_dma source(%arg8 : memref<128x128xf32, #tpu.memory_space<vmem>>) target(%dma_start3A_67 : memref<128x128xf32, #tpu.memory_space<vmem_shared>>) target_semaphore(%run_scoped3A : memref<!tpu.dma_semaphore, #tpu.memory_space<semaphore_mem>>)
      %dma_wait3A = arith.constant 0 : i32
      %dma_wait3A_68 = tpu.memref_slice %arg10[%add3A_19, %dma_wait3A] : memref<10240x128xf32, #tpu.memory_space<vmem_shared>> -> memref<128x128xf32, #tpu.memory_space<vmem_shared>>
      %dma_wait3A_69 = arith.constant 0 : i32
      %dma_wait3A_70 = tpu.memref_slice %arg10[%add3A_19, %dma_wait3A_69] : memref<10240x128xf32, #tpu.memory_space<vmem_shared>> -> memref<128x128xf32, #tpu.memory_space<vmem_shared>>
      tpu.wait_dma2 semaphore(%run_scoped3A : memref<!tpu.dma_semaphore, #tpu.memory_space<semaphore_mem>>) src(%arg8 : memref<128x128xf32, #tpu.memory_space<vmem>>) dst(%dma_wait3A_70 : memref<128x128xf32, #tpu.memory_space<vmem_shared>>)
      tpu.yield
    }) : () -> ()
    %mul3A_20 = arith.constant 640 : i32
    %mul3A_21 = arith.muli %arg1, %mul3A_20 : i32
    %add3A_22 = arith.constant 512 : i32
    %add3A_23 = arith.addi %mul3A_21, %add3A_22 : i32
    "tpu.region"() ({
      %run_scoped3A = tpu.sem_alloc : memref<!tpu.dma_semaphore, #tpu.memory_space<semaphore_mem>>
      %dma_start3A = arith.constant 0 : i32
      %dma_start3A_65 = tpu.memref_slice %arg10[%add3A_23, %dma_start3A] : memref<10240x128xf32, #tpu.memory_space<vmem_shared>> -> memref<128x128xf32, #tpu.memory_space<vmem_shared>>
      %dma_start3A_66 = arith.constant 0 : i32
      %dma_start3A_67 = tpu.memref_slice %arg10[%add3A_23, %dma_start3A_66] : memref<10240x128xf32, #tpu.memory_space<vmem_shared>> -> memref<128x128xf32, #tpu.memory_space<vmem_shared>>
      tpu.enqueue_dma source(%arg8 : memref<128x128xf32, #tpu.memory_space<vmem>>) target(%dma_start3A_67 : memref<128x128xf32, #tpu.memory_space<vmem_shared>>) target_semaphore(%run_scoped3A : memref<!tpu.dma_semaphore, #tpu.memory_space<semaphore_mem>>)
      %dma_wait3A = arith.constant 0 : i32
      %dma_wait3A_68 = tpu.memref_slice %arg10[%add3A_23, %dma_wait3A] : memref<10240x128xf32, #tpu.memory_space<vmem_shared>> -> memref<128x128xf32, #tpu.memory_space<vmem_shared>>
      %dma_wait3A_69 = arith.constant 0 : i32
      %dma_wait3A_70 = tpu.memref_slice %arg10[%add3A_23, %dma_wait3A_69] : memref<10240x128xf32, #tpu.memory_space<vmem_shared>> -> memref<128x128xf32, #tpu.memory_space<vmem_shared>>
      tpu.wait_dma2 semaphore(%run_scoped3A : memref<!tpu.dma_semaphore, #tpu.memory_space<semaphore_mem>>) src(%arg8 : memref<128x128xf32, #tpu.memory_space<vmem>>) dst(%dma_wait3A_70 : memref<128x128xf32, #tpu.memory_space<vmem_shared>>)
      tpu.yield
    }) : () -> ()
    %barrier3A = arith.constant 0 : index
    tpu.barrier barrier_id(%barrier3A)
    %eq3A = arith.constant 0 : i32
    %eq3A_24 = arith.cmpi eq, %arg0, %eq3A : i32
    %mul3A_25 = arith.constant 80 : i32
    %mul3A_26 = arith.muli %arg1, %mul3A_25 : i32
    %mul3A_27 = arith.constant 80 : i32
    %mul3A_28 = arith.muli %arg1, %mul3A_27 : i32
    %add3A_29 = arith.constant 1280 : i32
    %add3A_30 = arith.addi %add3A_29, %mul3A_28 : i32
    %select_n3A = arith.select %eq3A_24, %mul3A_26, %add3A_30 : i32
    %eq3A_31 = arith.constant 0 : i32
    %eq3A_32 = arith.cmpi eq, %arg0, %eq3A_31 : i32
    %jit3A = arith.constant 5 : i32
    %jit3A_33 = arith.constant 5 : i32
    %select_n3A_34 = arith.select %eq3A_32, %jit3A, %jit3A_33 : i32
    %while3A = arith.constant 0 : i32
    %while3A_35 = arith.constant 0 : i32
    %while3A_36 = arith.subi %select_n3A_34, %while3A_35 : i32
    %while3A_37 = arith.addi %while3A_35, %while3A_36 : i32
    %while3A_38 = arith.constant 1 : i32
    %while3A_39 = arith.divsi %while3A_36, %while3A_38 : i32
    %while3A_40 = arith.muli %while3A_39, %while3A_38 : i32
    %while3A_41 = arith.addi %while3A_35, %while3A_40 : i32
    %while3A_42 = arith.constant 1 : i32
    scf.for %while3A_65 = %while3A_35 to %while3A_41 step %while3A_42  : i32 {
      %mul3A_66 = arith.constant 16 : i32
      %mul3A_67 = arith.muli %while3A_65, %mul3A_66 : i32
      %add3A_68 = arith.addi %select_n3A, %mul3A_67 : i32
      "tpu.region"() ({
        %run_scoped3A = tpu.sem_alloc : memref<!tpu.dma_semaphore, #tpu.memory_space<semaphore_mem>>
        %dma_start3A_81 = arith.constant 0 : i32
        %dma_start3A_82 = tpu.memref_slice %arg3[%add3A_68, %dma_start3A_81] : memref<2560x128xi32, #tpu.memory_space<hbm>> -> memref<16x128xi32, #tpu.memory_space<hbm>>
        %dma_start3A_83 = arith.constant 0 : i32
        %dma_start3A_84 = tpu.memref_slice %arg3[%add3A_68, %dma_start3A_83] : memref<2560x128xi32, #tpu.memory_space<hbm>> -> memref<16x128xi32, #tpu.memory_space<hbm>>
        tpu.enqueue_dma source(%dma_start3A_84 : memref<16x128xi32, #tpu.memory_space<hbm>>) target(%arg6 : memref<16x128xi32, #tpu.memory_space<vmem>>) target_semaphore(%run_scoped3A : memref<!tpu.dma_semaphore, #tpu.memory_space<semaphore_mem>>)
        %dma_wait3A = arith.constant 0 : i32
        %dma_wait3A_85 = tpu.memref_slice %arg3[%add3A_68, %dma_wait3A] : memref<2560x128xi32, #tpu.memory_space<hbm>> -> memref<16x128xi32, #tpu.memory_space<hbm>>
        %dma_wait3A_86 = arith.constant 0 : i32
        %dma_wait3A_87 = tpu.memref_slice %arg3[%add3A_68, %dma_wait3A_86] : memref<2560x128xi32, #tpu.memory_space<hbm>> -> memref<16x128xi32, #tpu.memory_space<hbm>>
        tpu.wait_dma2 semaphore(%run_scoped3A : memref<!tpu.dma_semaphore, #tpu.memory_space<semaphore_mem>>) src(%dma_wait3A_87 : memref<16x128xi32, #tpu.memory_space<hbm>>) dst(%arg6 : memref<16x128xi32, #tpu.memory_space<vmem>>)
        tpu.yield
      }) : () -> ()
      "tpu.region"() ({
        %run_scoped3A = tpu.sem_alloc : memref<!tpu.dma_semaphore, #tpu.memory_space<semaphore_mem>>
        %dma_start3A_81 = arith.constant 0 : i32
        %dma_start3A_82 = tpu.memref_slice %arg4[%add3A_68, %dma_start3A_81] : memref<2560x128xi32, #tpu.memory_space<hbm>> -> memref<16x128xi32, #tpu.memory_space<hbm>>
        %dma_start3A_83 = arith.constant 0 : i32
        %dma_start3A_84 = tpu.memref_slice %arg4[%add3A_68, %dma_start3A_83] : memref<2560x128xi32, #tpu.memory_space<hbm>> -> memref<16x128xi32, #tpu.memory_space<hbm>>
        tpu.enqueue_dma source(%dma_start3A_84 : memref<16x128xi32, #tpu.memory_space<hbm>>) target(%arg7 : memref<16x128xi32, #tpu.memory_space<vmem>>) target_semaphore(%run_scoped3A : memref<!tpu.dma_semaphore, #tpu.memory_space<semaphore_mem>>)
        %dma_wait3A = arith.constant 0 : i32
        %dma_wait3A_85 = tpu.memref_slice %arg4[%add3A_68, %dma_wait3A] : memref<2560x128xi32, #tpu.memory_space<hbm>> -> memref<16x128xi32, #tpu.memory_space<hbm>>
        %dma_wait3A_86 = arith.constant 0 : i32
        %dma_wait3A_87 = tpu.memref_slice %arg4[%add3A_68, %dma_wait3A_86] : memref<2560x128xi32, #tpu.memory_space<hbm>> -> memref<16x128xi32, #tpu.memory_space<hbm>>
        tpu.wait_dma2 semaphore(%run_scoped3A : memref<!tpu.dma_semaphore, #tpu.memory_space<semaphore_mem>>) src(%dma_wait3A_87 : memref<16x128xi32, #tpu.memory_space<hbm>>) dst(%arg7 : memref<16x128xi32, #tpu.memory_space<vmem>>)
        tpu.yield
      }) : () -> ()
      %dma_start3A = arith.constant 0 : i32
      %dma_start3A_69 = arith.constant 0 : i32
      %dma_start3A_70 = tpu.memref_slice %arg6[%dma_start3A, %dma_start3A_69] : memref<16x128xi32, #tpu.memory_space<vmem>> -> memref<1x128xi32, #tpu.memory_space<vmem>>
      %dma_start3A_71 = tpu.memref_squeeze %dma_start3A_70 : memref<1x128xi32, #tpu.memory_space<vmem>> -> memref<128xi32, #tpu.memory_space<vmem>>
      %dma_start3A_72 = arith.constant 0 : i32
      %dma_start3A_73 = arith.constant 0 : i32
      %dma_start3A_74 = tpu.memref_slice %arg2[%dma_start3A_72, %dma_start3A_73] : memref<10240x128xf32, #tpu.memory_space<hbm>> -> memref<10240x128xf32, #tpu.memory_space<hbm>>
      tpu.enqueue_indirect_dma source(%dma_start3A_74 : memref<10240x128xf32, #tpu.memory_space<hbm>>) target(%arg8 : memref<128x128xf32, #tpu.memory_space<vmem>>) offsets(%dma_start3A_71 : memref<128xi32, #tpu.memory_space<vmem>>) semaphore(%arg11 : memref<!tpu.dma_semaphore, #tpu.memory_space<semaphore_mem>>)
      %scan3A_75 = arith.constant 0 : i32
      %scan3A_76 = arith.constant 0 : i32
      %scan3A_77 = arith.constant 8 : i32
      %scan3A_78 = arith.addi %scan3A_76, %scan3A_77 : i32
      %scan3A_79 = arith.constant 1 : i32
      scf.for %scan3A_81 = %scan3A_76 to %scan3A_78 step %scan3A_79  : i32 {
        %mul3A_82 = arith.constant 2 : i32
        %mul3A_83 = arith.muli %mul3A_82, %scan3A_81 : i32
        %add3A_84 = arith.constant 1 : i32
        %add3A_85 = arith.addi %mul3A_83, %add3A_84 : i32
        %dma_start3A_86 = arith.constant 0 : i32
        %dma_start3A_87 = tpu.memref_slice %arg6[%add3A_85, %dma_start3A_86] : memref<16x128xi32, #tpu.memory_space<vmem>> -> memref<1x128xi32, #tpu.memory_space<vmem>>
        %dma_start3A_88 = tpu.memref_squeeze %dma_start3A_87 : memref<1x128xi32, #tpu.memory_space<vmem>> -> memref<128xi32, #tpu.memory_space<vmem>>
        %dma_start3A_89 = arith.constant 0 : i32
        %dma_start3A_90 = arith.constant 0 : i32
        %dma_start3A_91 = tpu.memref_slice %arg2[%dma_start3A_89, %dma_start3A_90] : memref<10240x128xf32, #tpu.memory_space<hbm>> -> memref<10240x128xf32, #tpu.memory_space<hbm>>
        tpu.enqueue_indirect_dma source(%dma_start3A_91 : memref<10240x128xf32, #tpu.memory_space<hbm>>) target(%arg9 : memref<128x128xf32, #tpu.memory_space<vmem>>) offsets(%dma_start3A_88 : memref<128xi32, #tpu.memory_space<vmem>>) semaphore(%arg12 : memref<!tpu.dma_semaphore, #tpu.memory_space<semaphore_mem>>)
        %dma_wait3A = arith.constant 0 : i32
        %dma_wait3A_92 = tpu.memref_slice %arg6[%mul3A_83, %dma_wait3A] : memref<16x128xi32, #tpu.memory_space<vmem>> -> memref<1x128xi32, #tpu.memory_space<vmem>>
        %dma_wait3A_93 = tpu.memref_squeeze %dma_wait3A_92 : memref<1x128xi32, #tpu.memory_space<vmem>> -> memref<128xi32, #tpu.memory_space<vmem>>
        %dma_wait3A_94 = arith.constant 0 : i32
        %dma_wait3A_95 = arith.constant 0 : i32
        %dma_wait3A_96 = tpu.memref_slice %arg2[%dma_wait3A_94, %dma_wait3A_95] : memref<10240x128xf32, #tpu.memory_space<hbm>> -> memref<10240x128xf32, #tpu.memory_space<hbm>>
        tpu.wait_indirect_dma semaphore(%arg11 : memref<!tpu.dma_semaphore, #tpu.memory_space<semaphore_mem>>) src(%dma_wait3A_96 : memref<10240x128xf32, #tpu.memory_space<hbm>>) dst(%arg8 : memref<128x128xf32, #tpu.memory_space<vmem>>)
        "tpu.region"() ({
          %run_scoped3A = tpu.sem_alloc : memref<!tpu.dma_semaphore, #tpu.memory_space<semaphore_mem>>
          %dma_start3A_109 = arith.constant 0 : i32
          %dma_start3A_110 = tpu.memref_slice %arg7[%mul3A_83, %dma_start3A_109] : memref<16x128xi32, #tpu.memory_space<vmem>> -> memref<1x128xi32, #tpu.memory_space<vmem>>
          %dma_start3A_111 = tpu.memref_squeeze %dma_start3A_110 : memref<1x128xi32, #tpu.memory_space<vmem>> -> memref<128xi32, #tpu.memory_space<vmem>>
          %dma_start3A_112 = arith.constant 0 : i32
          %dma_start3A_113 = arith.constant 0 : i32
          %dma_start3A_114 = tpu.memref_slice %arg10[%dma_start3A_112, %dma_start3A_113] : memref<10240x128xf32, #tpu.memory_space<vmem_shared>> -> memref<10240x128xf32, #tpu.memory_space<vmem_shared>>
          tpu.enqueue_indirect_dma source(%arg8 : memref<128x128xf32, #tpu.memory_space<vmem>>) target(%dma_start3A_114 : memref<10240x128xf32, #tpu.memory_space<vmem_shared>>) offsets(%dma_start3A_111 : memref<128xi32, #tpu.memory_space<vmem>>) semaphore(%run_scoped3A : memref<!tpu.dma_semaphore, #tpu.memory_space<semaphore_mem>>) {add = true}
          %dma_wait3A_115 = arith.constant 0 : i32
          %dma_wait3A_116 = tpu.memref_slice %arg7[%mul3A_83, %dma_wait3A_115] : memref<16x128xi32, #tpu.memory_space<vmem>> -> memref<1x128xi32, #tpu.memory_space<vmem>>
          %dma_wait3A_117 = tpu.memref_squeeze %dma_wait3A_116 : memref<1x128xi32, #tpu.memory_space<vmem>> -> memref<128xi32, #tpu.memory_space<vmem>>
          %dma_wait3A_118 = arith.constant 0 : i32
          %dma_wait3A_119 = arith.constant 0 : i32
          %dma_wait3A_120 = tpu.memref_slice %arg10[%dma_wait3A_118, %dma_wait3A_119] : memref<10240x128xf32, #tpu.memory_space<vmem_shared>> -> memref<10240x128xf32, #tpu.memory_space<vmem_shared>>
          tpu.wait_indirect_dma semaphore(%run_scoped3A : memref<!tpu.dma_semaphore, #tpu.memory_space<semaphore_mem>>) src(%arg8 : memref<128x128xf32, #tpu.memory_space<vmem>>) dst(%dma_wait3A_120 : memref<10240x128xf32, #tpu.memory_space<vmem_shared>>)
          tpu.yield
        }) : () -> ()
        %lt3A = arith.constant 7 : i32
        %lt3A_97 = arith.cmpi slt, %scan3A_81, %lt3A : i32
        %convert_element_type3A = arith.extui %lt3A_97 : i1 to i32
        %cond3A = arith.constant 0 : i32
        %cond3A_98 = arith.cmpi ne, %convert_element_type3A, %cond3A : i32
        scf.if %cond3A_98 {
          %add3A_109 = arith.constant 2 : i32
          %add3A_110 = arith.addi %mul3A_83, %add3A_109 : i32
          %dma_start3A_111 = arith.constant 0 : i32
          %dma_start3A_112 = tpu.memref_slice %arg6[%add3A_110, %dma_start3A_111] : memref<16x128xi32, #tpu.memory_space<vmem>> -> memref<1x128xi32, #tpu.memory_space<vmem>>
          %dma_start3A_113 = tpu.memref_squeeze %dma_start3A_112 : memref<1x128xi32, #tpu.memory_space<vmem>> -> memref<128xi32, #tpu.memory_space<vmem>>
          %dma_start3A_114 = arith.constant 0 : i32
          %dma_start3A_115 = arith.constant 0 : i32
          %dma_start3A_116 = tpu.memref_slice %arg2[%dma_start3A_114, %dma_start3A_115] : memref<10240x128xf32, #tpu.memory_space<hbm>> -> memref<10240x128xf32, #tpu.memory_space<hbm>>
          tpu.enqueue_indirect_dma source(%dma_start3A_116 : memref<10240x128xf32, #tpu.memory_space<hbm>>) target(%arg8 : memref<128x128xf32, #tpu.memory_space<vmem>>) offsets(%dma_start3A_113 : memref<128xi32, #tpu.memory_space<vmem>>) semaphore(%arg11 : memref<!tpu.dma_semaphore, #tpu.memory_space<semaphore_mem>>)
        } else {
        }
        %add3A_99 = arith.constant 1 : i32
        %add3A_100 = arith.addi %mul3A_83, %add3A_99 : i32
        %dma_wait3A_101 = arith.constant 0 : i32
        %dma_wait3A_102 = tpu.memref_slice %arg6[%add3A_100, %dma_wait3A_101] : memref<16x128xi32, #tpu.memory_space<vmem>> -> memref<1x128xi32, #tpu.memory_space<vmem>>
        %dma_wait3A_103 = tpu.memref_squeeze %dma_wait3A_102 : memref<1x128xi32, #tpu.memory_space<vmem>> -> memref<128xi32, #tpu.memory_space<vmem>>
        %dma_wait3A_104 = arith.constant 0 : i32
        %dma_wait3A_105 = arith.constant 0 : i32
        %dma_wait3A_106 = tpu.memref_slice %arg2[%dma_wait3A_104, %dma_wait3A_105] : memref<10240x128xf32, #tpu.memory_space<hbm>> -> memref<10240x128xf32, #tpu.memory_space<hbm>>
        tpu.wait_indirect_dma semaphore(%arg12 : memref<!tpu.dma_semaphore, #tpu.memory_space<semaphore_mem>>) src(%dma_wait3A_106 : memref<10240x128xf32, #tpu.memory_space<hbm>>) dst(%arg9 : memref<128x128xf32, #tpu.memory_space<vmem>>)
        %add3A_107 = arith.constant 1 : i32
        %add3A_108 = arith.addi %mul3A_83, %add3A_107 : i32
        "tpu.region"() ({
          %run_scoped3A = tpu.sem_alloc : memref<!tpu.dma_semaphore, #tpu.memory_space<semaphore_mem>>
          %dma_start3A_109 = arith.constant 0 : i32
          %dma_start3A_110 = tpu.memref_slice %arg7[%add3A_108, %dma_start3A_109] : memref<16x128xi32, #tpu.memory_space<vmem>> -> memref<1x128xi32, #tpu.memory_space<vmem>>
          %dma_start3A_111 = tpu.memref_squeeze %dma_start3A_110 : memref<1x128xi32, #tpu.memory_space<vmem>> -> memref<128xi32, #tpu.memory_space<vmem>>
          %dma_start3A_112 = arith.constant 0 : i32
          %dma_start3A_113 = arith.constant 0 : i32
          %dma_start3A_114 = tpu.memref_slice %arg10[%dma_start3A_112, %dma_start3A_113] : memref<10240x128xf32, #tpu.memory_space<vmem_shared>> -> memref<10240x128xf32, #tpu.memory_space<vmem_shared>>
          tpu.enqueue_indirect_dma source(%arg9 : memref<128x128xf32, #tpu.memory_space<vmem>>) target(%dma_start3A_114 : memref<10240x128xf32, #tpu.memory_space<vmem_shared>>) offsets(%dma_start3A_111 : memref<128xi32, #tpu.memory_space<vmem>>) semaphore(%run_scoped3A : memref<!tpu.dma_semaphore, #tpu.memory_space<semaphore_mem>>) {add = true}
          %dma_wait3A_115 = arith.constant 0 : i32
          %dma_wait3A_116 = tpu.memref_slice %arg7[%add3A_108, %dma_wait3A_115] : memref<16x128xi32, #tpu.memory_space<vmem>> -> memref<1x128xi32, #tpu.memory_space<vmem>>
          %dma_wait3A_117 = tpu.memref_squeeze %dma_wait3A_116 : memref<1x128xi32, #tpu.memory_space<vmem>> -> memref<128xi32, #tpu.memory_space<vmem>>
          %dma_wait3A_118 = arith.constant 0 : i32
          %dma_wait3A_119 = arith.constant 0 : i32
          %dma_wait3A_120 = tpu.memref_slice %arg10[%dma_wait3A_118, %dma_wait3A_119] : memref<10240x128xf32, #tpu.memory_space<vmem_shared>> -> memref<10240x128xf32, #tpu.memory_space<vmem_shared>>
          tpu.wait_indirect_dma semaphore(%run_scoped3A : memref<!tpu.dma_semaphore, #tpu.memory_space<semaphore_mem>>) src(%arg9 : memref<128x128xf32, #tpu.memory_space<vmem>>) dst(%dma_wait3A_120 : memref<10240x128xf32, #tpu.memory_space<vmem_shared>>)
          tpu.yield
        }) : () -> ()
      }
      %scan3A_80 = arith.constant 8 : i32
    }
    %while3A_43 = arith.constant 1 : i32
    scf.for %while3A_65 = %while3A_41 to %while3A_37 step %while3A_43  : i32 {
      %mul3A_66 = arith.constant 16 : i32
      %mul3A_67 = arith.muli %while3A_65, %mul3A_66 : i32
      %add3A_68 = arith.addi %select_n3A, %mul3A_67 : i32
      "tpu.region"() ({
        %run_scoped3A = tpu.sem_alloc : memref<!tpu.dma_semaphore, #tpu.memory_space<semaphore_mem>>
        %dma_start3A_81 = arith.constant 0 : i32
        %dma_start3A_82 = tpu.memref_slice %arg3[%add3A_68, %dma_start3A_81] : memref<2560x128xi32, #tpu.memory_space<hbm>> -> memref<16x128xi32, #tpu.memory_space<hbm>>
        %dma_start3A_83 = arith.constant 0 : i32
        %dma_start3A_84 = tpu.memref_slice %arg3[%add3A_68, %dma_start3A_83] : memref<2560x128xi32, #tpu.memory_space<hbm>> -> memref<16x128xi32, #tpu.memory_space<hbm>>
        tpu.enqueue_dma source(%dma_start3A_84 : memref<16x128xi32, #tpu.memory_space<hbm>>) target(%arg6 : memref<16x128xi32, #tpu.memory_space<vmem>>) target_semaphore(%run_scoped3A : memref<!tpu.dma_semaphore, #tpu.memory_space<semaphore_mem>>)
        %dma_wait3A = arith.constant 0 : i32
        %dma_wait3A_85 = tpu.memref_slice %arg3[%add3A_68, %dma_wait3A] : memref<2560x128xi32, #tpu.memory_space<hbm>> -> memref<16x128xi32, #tpu.memory_space<hbm>>
        %dma_wait3A_86 = arith.constant 0 : i32
        %dma_wait3A_87 = tpu.memref_slice %arg3[%add3A_68, %dma_wait3A_86] : memref<2560x128xi32, #tpu.memory_space<hbm>> -> memref<16x128xi32, #tpu.memory_space<hbm>>
        tpu.wait_dma2 semaphore(%run_scoped3A : memref<!tpu.dma_semaphore, #tpu.memory_space<semaphore_mem>>) src(%dma_wait3A_87 : memref<16x128xi32, #tpu.memory_space<hbm>>) dst(%arg6 : memref<16x128xi32, #tpu.memory_space<vmem>>)
        tpu.yield
      }) : () -> ()
      "tpu.region"() ({
        %run_scoped3A = tpu.sem_alloc : memref<!tpu.dma_semaphore, #tpu.memory_space<semaphore_mem>>
        %dma_start3A_81 = arith.constant 0 : i32
        %dma_start3A_82 = tpu.memref_slice %arg4[%add3A_68, %dma_start3A_81] : memref<2560x128xi32, #tpu.memory_space<hbm>> -> memref<16x128xi32, #tpu.memory_space<hbm>>
        %dma_start3A_83 = arith.constant 0 : i32
        %dma_start3A_84 = tpu.memref_slice %arg4[%add3A_68, %dma_start3A_83] : memref<2560x128xi32, #tpu.memory_space<hbm>> -> memref<16x128xi32, #tpu.memory_space<hbm>>
        tpu.enqueue_dma source(%dma_start3A_84 : memref<16x128xi32, #tpu.memory_space<hbm>>) target(%arg7 : memref<16x128xi32, #tpu.memory_space<vmem>>) target_semaphore(%run_scoped3A : memref<!tpu.dma_semaphore, #tpu.memory_space<semaphore_mem>>)
        %dma_wait3A = arith.constant 0 : i32
        %dma_wait3A_85 = tpu.memref_slice %arg4[%add3A_68, %dma_wait3A] : memref<2560x128xi32, #tpu.memory_space<hbm>> -> memref<16x128xi32, #tpu.memory_space<hbm>>
        %dma_wait3A_86 = arith.constant 0 : i32
        %dma_wait3A_87 = tpu.memref_slice %arg4[%add3A_68, %dma_wait3A_86] : memref<2560x128xi32, #tpu.memory_space<hbm>> -> memref<16x128xi32, #tpu.memory_space<hbm>>
        tpu.wait_dma2 semaphore(%run_scoped3A : memref<!tpu.dma_semaphore, #tpu.memory_space<semaphore_mem>>) src(%dma_wait3A_87 : memref<16x128xi32, #tpu.memory_space<hbm>>) dst(%arg7 : memref<16x128xi32, #tpu.memory_space<vmem>>)
        tpu.yield
      }) : () -> ()
      %dma_start3A = arith.constant 0 : i32
      %dma_start3A_69 = arith.constant 0 : i32
      %dma_start3A_70 = tpu.memref_slice %arg6[%dma_start3A, %dma_start3A_69] : memref<16x128xi32, #tpu.memory_space<vmem>> -> memref<1x128xi32, #tpu.memory_space<vmem>>
      %dma_start3A_71 = tpu.memref_squeeze %dma_start3A_70 : memref<1x128xi32, #tpu.memory_space<vmem>> -> memref<128xi32, #tpu.memory_space<vmem>>
      %dma_start3A_72 = arith.constant 0 : i32
      %dma_start3A_73 = arith.constant 0 : i32
      %dma_start3A_74 = tpu.memref_slice %arg2[%dma_start3A_72, %dma_start3A_73] : memref<10240x128xf32, #tpu.memory_space<hbm>> -> memref<10240x128xf32, #tpu.memory_space<hbm>>
      tpu.enqueue_indirect_dma source(%dma_start3A_74 : memref<10240x128xf32, #tpu.memory_space<hbm>>) target(%arg8 : memref<128x128xf32, #tpu.memory_space<vmem>>) offsets(%dma_start3A_71 : memref<128xi32, #tpu.memory_space<vmem>>) semaphore(%arg11 : memref<!tpu.dma_semaphore, #tpu.memory_space<semaphore_mem>>)
      %scan3A_75 = arith.constant 0 : i32
      %scan3A_76 = arith.constant 0 : i32
      %scan3A_77 = arith.constant 8 : i32
      %scan3A_78 = arith.addi %scan3A_76, %scan3A_77 : i32
      %scan3A_79 = arith.constant 1 : i32
      scf.for %scan3A_81 = %scan3A_76 to %scan3A_78 step %scan3A_79  : i32 {
        %mul3A_82 = arith.constant 2 : i32
        %mul3A_83 = arith.muli %mul3A_82, %scan3A_81 : i32
        %add3A_84 = arith.constant 1 : i32
        %add3A_85 = arith.addi %mul3A_83, %add3A_84 : i32
        %dma_start3A_86 = arith.constant 0 : i32
        %dma_start3A_87 = tpu.memref_slice %arg6[%add3A_85, %dma_start3A_86] : memref<16x128xi32, #tpu.memory_space<vmem>> -> memref<1x128xi32, #tpu.memory_space<vmem>>
        %dma_start3A_88 = tpu.memref_squeeze %dma_start3A_87 : memref<1x128xi32, #tpu.memory_space<vmem>> -> memref<128xi32, #tpu.memory_space<vmem>>
        %dma_start3A_89 = arith.constant 0 : i32
        %dma_start3A_90 = arith.constant 0 : i32
        %dma_start3A_91 = tpu.memref_slice %arg2[%dma_start3A_89, %dma_start3A_90] : memref<10240x128xf32, #tpu.memory_space<hbm>> -> memref<10240x128xf32, #tpu.memory_space<hbm>>
        tpu.enqueue_indirect_dma source(%dma_start3A_91 : memref<10240x128xf32, #tpu.memory_space<hbm>>) target(%arg9 : memref<128x128xf32, #tpu.memory_space<vmem>>) offsets(%dma_start3A_88 : memref<128xi32, #tpu.memory_space<vmem>>) semaphore(%arg12 : memref<!tpu.dma_semaphore, #tpu.memory_space<semaphore_mem>>)
        %dma_wait3A = arith.constant 0 : i32
        %dma_wait3A_92 = tpu.memref_slice %arg6[%mul3A_83, %dma_wait3A] : memref<16x128xi32, #tpu.memory_space<vmem>> -> memref<1x128xi32, #tpu.memory_space<vmem>>
        %dma_wait3A_93 = tpu.memref_squeeze %dma_wait3A_92 : memref<1x128xi32, #tpu.memory_space<vmem>> -> memref<128xi32, #tpu.memory_space<vmem>>
        %dma_wait3A_94 = arith.constant 0 : i32
        %dma_wait3A_95 = arith.constant 0 : i32
        %dma_wait3A_96 = tpu.memref_slice %arg2[%dma_wait3A_94, %dma_wait3A_95] : memref<10240x128xf32, #tpu.memory_space<hbm>> -> memref<10240x128xf32, #tpu.memory_space<hbm>>
        tpu.wait_indirect_dma semaphore(%arg11 : memref<!tpu.dma_semaphore, #tpu.memory_space<semaphore_mem>>) src(%dma_wait3A_96 : memref<10240x128xf32, #tpu.memory_space<hbm>>) dst(%arg8 : memref<128x128xf32, #tpu.memory_space<vmem>>)
        "tpu.region"() ({
          %run_scoped3A = tpu.sem_alloc : memref<!tpu.dma_semaphore, #tpu.memory_space<semaphore_mem>>
          %dma_start3A_109 = arith.constant 0 : i32
          %dma_start3A_110 = tpu.memref_slice %arg7[%mul3A_83, %dma_start3A_109] : memref<16x128xi32, #tpu.memory_space<vmem>> -> memref<1x128xi32, #tpu.memory_space<vmem>>
          %dma_start3A_111 = tpu.memref_squeeze %dma_start3A_110 : memref<1x128xi32, #tpu.memory_space<vmem>> -> memref<128xi32, #tpu.memory_space<vmem>>
          %dma_start3A_112 = arith.constant 0 : i32
          %dma_start3A_113 = arith.constant 0 : i32
          %dma_start3A_114 = tpu.memref_slice %arg10[%dma_start3A_112, %dma_start3A_113] : memref<10240x128xf32, #tpu.memory_space<vmem_shared>> -> memref<10240x128xf32, #tpu.memory_space<vmem_shared>>
          tpu.enqueue_indirect_dma source(%arg8 : memref<128x128xf32, #tpu.memory_space<vmem>>) target(%dma_start3A_114 : memref<10240x128xf32, #tpu.memory_space<vmem_shared>>) offsets(%dma_start3A_111 : memref<128xi32, #tpu.memory_space<vmem>>) semaphore(%run_scoped3A : memref<!tpu.dma_semaphore, #tpu.memory_space<semaphore_mem>>) {add = true}
          %dma_wait3A_115 = arith.constant 0 : i32
          %dma_wait3A_116 = tpu.memref_slice %arg7[%mul3A_83, %dma_wait3A_115] : memref<16x128xi32, #tpu.memory_space<vmem>> -> memref<1x128xi32, #tpu.memory_space<vmem>>
          %dma_wait3A_117 = tpu.memref_squeeze %dma_wait3A_116 : memref<1x128xi32, #tpu.memory_space<vmem>> -> memref<128xi32, #tpu.memory_space<vmem>>
          %dma_wait3A_118 = arith.constant 0 : i32
          %dma_wait3A_119 = arith.constant 0 : i32
          %dma_wait3A_120 = tpu.memref_slice %arg10[%dma_wait3A_118, %dma_wait3A_119] : memref<10240x128xf32, #tpu.memory_space<vmem_shared>> -> memref<10240x128xf32, #tpu.memory_space<vmem_shared>>
          tpu.wait_indirect_dma semaphore(%run_scoped3A : memref<!tpu.dma_semaphore, #tpu.memory_space<semaphore_mem>>) src(%arg8 : memref<128x128xf32, #tpu.memory_space<vmem>>) dst(%dma_wait3A_120 : memref<10240x128xf32, #tpu.memory_space<vmem_shared>>)
          tpu.yield
        }) : () -> ()
        %lt3A = arith.constant 7 : i32
        %lt3A_97 = arith.cmpi slt, %scan3A_81, %lt3A : i32
        %convert_element_type3A = arith.extui %lt3A_97 : i1 to i32
        %cond3A = arith.constant 0 : i32
        %cond3A_98 = arith.cmpi ne, %convert_element_type3A, %cond3A : i32
        scf.if %cond3A_98 {
          %add3A_109 = arith.constant 2 : i32
          %add3A_110 = arith.addi %mul3A_83, %add3A_109 : i32
          %dma_start3A_111 = arith.constant 0 : i32
          %dma_start3A_112 = tpu.memref_slice %arg6[%add3A_110, %dma_start3A_111] : memref<16x128xi32, #tpu.memory_space<vmem>> -> memref<1x128xi32, #tpu.memory_space<vmem>>
          %dma_start3A_113 = tpu.memref_squeeze %dma_start3A_112 : memref<1x128xi32, #tpu.memory_space<vmem>> -> memref<128xi32, #tpu.memory_space<vmem>>
          %dma_start3A_114 = arith.constant 0 : i32
          %dma_start3A_115 = arith.constant 0 : i32
          %dma_start3A_116 = tpu.memref_slice %arg2[%dma_start3A_114, %dma_start3A_115] : memref<10240x128xf32, #tpu.memory_space<hbm>> -> memref<10240x128xf32, #tpu.memory_space<hbm>>
          tpu.enqueue_indirect_dma source(%dma_start3A_116 : memref<10240x128xf32, #tpu.memory_space<hbm>>) target(%arg8 : memref<128x128xf32, #tpu.memory_space<vmem>>) offsets(%dma_start3A_113 : memref<128xi32, #tpu.memory_space<vmem>>) semaphore(%arg11 : memref<!tpu.dma_semaphore, #tpu.memory_space<semaphore_mem>>)
        } else {
        }
        %add3A_99 = arith.constant 1 : i32
        %add3A_100 = arith.addi %mul3A_83, %add3A_99 : i32
        %dma_wait3A_101 = arith.constant 0 : i32
        %dma_wait3A_102 = tpu.memref_slice %arg6[%add3A_100, %dma_wait3A_101] : memref<16x128xi32, #tpu.memory_space<vmem>> -> memref<1x128xi32, #tpu.memory_space<vmem>>
        %dma_wait3A_103 = tpu.memref_squeeze %dma_wait3A_102 : memref<1x128xi32, #tpu.memory_space<vmem>> -> memref<128xi32, #tpu.memory_space<vmem>>
        %dma_wait3A_104 = arith.constant 0 : i32
        %dma_wait3A_105 = arith.constant 0 : i32
        %dma_wait3A_106 = tpu.memref_slice %arg2[%dma_wait3A_104, %dma_wait3A_105] : memref<10240x128xf32, #tpu.memory_space<hbm>> -> memref<10240x128xf32, #tpu.memory_space<hbm>>
        tpu.wait_indirect_dma semaphore(%arg12 : memref<!tpu.dma_semaphore, #tpu.memory_space<semaphore_mem>>) src(%dma_wait3A_106 : memref<10240x128xf32, #tpu.memory_space<hbm>>) dst(%arg9 : memref<128x128xf32, #tpu.memory_space<vmem>>)
        %add3A_107 = arith.constant 1 : i32
        %add3A_108 = arith.addi %mul3A_83, %add3A_107 : i32
        "tpu.region"() ({
          %run_scoped3A = tpu.sem_alloc : memref<!tpu.dma_semaphore, #tpu.memory_space<semaphore_mem>>
          %dma_start3A_109 = arith.constant 0 : i32
          %dma_start3A_110 = tpu.memref_slice %arg7[%add3A_108, %dma_start3A_109] : memref<16x128xi32, #tpu.memory_space<vmem>> -> memref<1x128xi32, #tpu.memory_space<vmem>>
          %dma_start3A_111 = tpu.memref_squeeze %dma_start3A_110 : memref<1x128xi32, #tpu.memory_space<vmem>> -> memref<128xi32, #tpu.memory_space<vmem>>
          %dma_start3A_112 = arith.constant 0 : i32
          %dma_start3A_113 = arith.constant 0 : i32
          %dma_start3A_114 = tpu.memref_slice %arg10[%dma_start3A_112, %dma_start3A_113] : memref<10240x128xf32, #tpu.memory_space<vmem_shared>> -> memref<10240x128xf32, #tpu.memory_space<vmem_shared>>
          tpu.enqueue_indirect_dma source(%arg9 : memref<128x128xf32, #tpu.memory_space<vmem>>) target(%dma_start3A_114 : memref<10240x128xf32, #tpu.memory_space<vmem_shared>>) offsets(%dma_start3A_111 : memref<128xi32, #tpu.memory_space<vmem>>) semaphore(%run_scoped3A : memref<!tpu.dma_semaphore, #tpu.memory_space<semaphore_mem>>) {add = true}
          %dma_wait3A_115 = arith.constant 0 : i32
          %dma_wait3A_116 = tpu.memref_slice %arg7[%add3A_108, %dma_wait3A_115] : memref<16x128xi32, #tpu.memory_space<vmem>> -> memref<1x128xi32, #tpu.memory_space<vmem>>
          %dma_wait3A_117 = tpu.memref_squeeze %dma_wait3A_116 : memref<1x128xi32, #tpu.memory_space<vmem>> -> memref<128xi32, #tpu.memory_space<vmem>>
          %dma_wait3A_118 = arith.constant 0 : i32
          %dma_wait3A_119 = arith.constant 0 : i32
          %dma_wait3A_120 = tpu.memref_slice %arg10[%dma_wait3A_118, %dma_wait3A_119] : memref<10240x128xf32, #tpu.memory_space<vmem_shared>> -> memref<10240x128xf32, #tpu.memory_space<vmem_shared>>
          tpu.wait_indirect_dma semaphore(%run_scoped3A : memref<!tpu.dma_semaphore, #tpu.memory_space<semaphore_mem>>) src(%arg9 : memref<128x128xf32, #tpu.memory_space<vmem>>) dst(%dma_wait3A_120 : memref<10240x128xf32, #tpu.memory_space<vmem_shared>>)
          tpu.yield
        }) : () -> ()
      }
      %scan3A_80 = arith.constant 8 : i32
    }
    %barrier3A_44 = arith.constant 0 : index
    tpu.barrier barrier_id(%barrier3A_44)
    %mul3A_45 = arith.constant 640 : i32
    %mul3A_46 = arith.muli %arg1, %mul3A_45 : i32
    %add3A_47 = arith.constant 0 : i32
    %add3A_48 = arith.addi %mul3A_46, %add3A_47 : i32
    "tpu.region"() ({
      %run_scoped3A = tpu.sem_alloc : memref<!tpu.dma_semaphore, #tpu.memory_space<semaphore_mem>>
      %dma_start3A = arith.constant 0 : i32
      %dma_start3A_65 = tpu.memref_slice %arg10[%add3A_48, %dma_start3A] : memref<10240x128xf32, #tpu.memory_space<vmem_shared>> -> memref<128x128xf32, #tpu.memory_space<vmem_shared>>
      %dma_start3A_66 = arith.constant 0 : i32
      %dma_start3A_67 = tpu.memref_slice %arg10[%add3A_48, %dma_start3A_66] : memref<10240x128xf32, #tpu.memory_space<vmem_shared>> -> memref<128x128xf32, #tpu.memory_space<vmem_shared>>
      tpu.enqueue_dma source(%dma_start3A_67 : memref<128x128xf32, #tpu.memory_space<vmem_shared>>) target(%arg8 : memref<128x128xf32, #tpu.memory_space<vmem>>) target_semaphore(%run_scoped3A : memref<!tpu.dma_semaphore, #tpu.memory_space<semaphore_mem>>)
      %dma_wait3A = arith.constant 0 : i32
      %dma_wait3A_68 = tpu.memref_slice %arg10[%add3A_48, %dma_wait3A] : memref<10240x128xf32, #tpu.memory_space<vmem_shared>> -> memref<128x128xf32, #tpu.memory_space<vmem_shared>>
      %dma_wait3A_69 = arith.constant 0 : i32
      %dma_wait3A_70 = tpu.memref_slice %arg10[%add3A_48, %dma_wait3A_69] : memref<10240x128xf32, #tpu.memory_space<vmem_shared>> -> memref<128x128xf32, #tpu.memory_space<vmem_shared>>
      tpu.wait_dma2 semaphore(%run_scoped3A : memref<!tpu.dma_semaphore, #tpu.memory_space<semaphore_mem>>) src(%dma_wait3A_70 : memref<128x128xf32, #tpu.memory_space<vmem_shared>>) dst(%arg8 : memref<128x128xf32, #tpu.memory_space<vmem>>)
      tpu.yield
    }) : () -> ()
    "tpu.region"() ({
      %run_scoped3A = tpu.sem_alloc : memref<!tpu.dma_semaphore, #tpu.memory_space<semaphore_mem>>
      %dma_start3A = arith.constant 0 : i32
      %dma_start3A_65 = tpu.memref_slice %arg5[%arg0, %add3A_48, %dma_start3A] : memref<2x10240x128xf32, #tpu.memory_space<hbm>> -> memref<1x128x128xf32, #tpu.memory_space<hbm>>
      %dma_start3A_66 = tpu.memref_squeeze %dma_start3A_65 : memref<1x128x128xf32, #tpu.memory_space<hbm>> -> memref<128x128xf32, #tpu.memory_space<hbm>>
      %dma_start3A_67 = arith.constant 0 : i32
      %dma_start3A_68 = tpu.memref_slice %arg5[%arg0, %add3A_48, %dma_start3A_67] : memref<2x10240x128xf32, #tpu.memory_space<hbm>> -> memref<1x128x128xf32, #tpu.memory_space<hbm>>
      %dma_start3A_69 = tpu.memref_squeeze %dma_start3A_68 : memref<1x128x128xf32, #tpu.memory_space<hbm>> -> memref<128x128xf32, #tpu.memory_space<hbm>>
      tpu.enqueue_dma source(%arg8 : memref<128x128xf32, #tpu.memory_space<vmem>>) target(%dma_start3A_69 : memref<128x128xf32, #tpu.memory_space<hbm>>) target_semaphore(%run_scoped3A : memref<!tpu.dma_semaphore, #tpu.memory_space<semaphore_mem>>)
      %dma_wait3A = arith.constant 0 : i32
      %dma_wait3A_70 = tpu.memref_slice %arg5[%arg0, %add3A_48, %dma_wait3A] : memref<2x10240x128xf32, #tpu.memory_space<hbm>> -> memref<1x128x128xf32, #tpu.memory_space<hbm>>
      %dma_wait3A_71 = tpu.memref_squeeze %dma_wait3A_70 : memref<1x128x128xf32, #tpu.memory_space<hbm>> -> memref<128x128xf32, #tpu.memory_space<hbm>>
      %dma_wait3A_72 = arith.constant 0 : i32
      %dma_wait3A_73 = tpu.memref_slice %arg5[%arg0, %add3A_48, %dma_wait3A_72] : memref<2x10240x128xf32, #tpu.memory_space<hbm>> -> memref<1x128x128xf32, #tpu.memory_space<hbm>>
      %dma_wait3A_74 = tpu.memref_squeeze %dma_wait3A_73 : memref<1x128x128xf32, #tpu.memory_space<hbm>> -> memref<128x128xf32, #tpu.memory_space<hbm>>
      tpu.wait_dma2 semaphore(%run_scoped3A : memref<!tpu.dma_semaphore, #tpu.memory_space<semaphore_mem>>) src(%arg8 : memref<128x128xf32, #tpu.memory_space<vmem>>) dst(%dma_wait3A_74 : memref<128x128xf32, #tpu.memory_space<hbm>>)
      tpu.yield
    }) : () -> ()
    %mul3A_49 = arith.constant 640 : i32
    %mul3A_50 = arith.muli %arg1, %mul3A_49 : i32
    %add3A_51 = arith.constant 128 : i32
    %add3A_52 = arith.addi %mul3A_50, %add3A_51 : i32
    "tpu.region"() ({
      %run_scoped3A = tpu.sem_alloc : memref<!tpu.dma_semaphore, #tpu.memory_space<semaphore_mem>>
      %dma_start3A = arith.constant 0 : i32
      %dma_start3A_65 = tpu.memref_slice %arg10[%add3A_52, %dma_start3A] : memref<10240x128xf32, #tpu.memory_space<vmem_shared>> -> memref<128x128xf32, #tpu.memory_space<vmem_shared>>
      %dma_start3A_66 = arith.constant 0 : i32
      %dma_start3A_67 = tpu.memref_slice %arg10[%add3A_52, %dma_start3A_66] : memref<10240x128xf32, #tpu.memory_space<vmem_shared>> -> memref<128x128xf32, #tpu.memory_space<vmem_shared>>
      tpu.enqueue_dma source(%dma_start3A_67 : memref<128x128xf32, #tpu.memory_space<vmem_shared>>) target(%arg8 : memref<128x128xf32, #tpu.memory_space<vmem>>) target_semaphore(%run_scoped3A : memref<!tpu.dma_semaphore, #tpu.memory_space<semaphore_mem>>)
      %dma_wait3A = arith.constant 0 : i32
      %dma_wait3A_68 = tpu.memref_slice %arg10[%add3A_52, %dma_wait3A] : memref<10240x128xf32, #tpu.memory_space<vmem_shared>> -> memref<128x128xf32, #tpu.memory_space<vmem_shared>>
      %dma_wait3A_69 = arith.constant 0 : i32
      %dma_wait3A_70 = tpu.memref_slice %arg10[%add3A_52, %dma_wait3A_69] : memref<10240x128xf32, #tpu.memory_space<vmem_shared>> -> memref<128x128xf32, #tpu.memory_space<vmem_shared>>
      tpu.wait_dma2 semaphore(%run_scoped3A : memref<!tpu.dma_semaphore, #tpu.memory_space<semaphore_mem>>) src(%dma_wait3A_70 : memref<128x128xf32, #tpu.memory_space<vmem_shared>>) dst(%arg8 : memref<128x128xf32, #tpu.memory_space<vmem>>)
      tpu.yield
    }) : () -> ()
    "tpu.region"() ({
      %run_scoped3A = tpu.sem_alloc : memref<!tpu.dma_semaphore, #tpu.memory_space<semaphore_mem>>
      %dma_start3A = arith.constant 0 : i32
      %dma_start3A_65 = tpu.memref_slice %arg5[%arg0, %add3A_52, %dma_start3A] : memref<2x10240x128xf32, #tpu.memory_space<hbm>> -> memref<1x128x128xf32, #tpu.memory_space<hbm>>
      %dma_start3A_66 = tpu.memref_squeeze %dma_start3A_65 : memref<1x128x128xf32, #tpu.memory_space<hbm>> -> memref<128x128xf32, #tpu.memory_space<hbm>>
      %dma_start3A_67 = arith.constant 0 : i32
      %dma_start3A_68 = tpu.memref_slice %arg5[%arg0, %add3A_52, %dma_start3A_67] : memref<2x10240x128xf32, #tpu.memory_space<hbm>> -> memref<1x128x128xf32, #tpu.memory_space<hbm>>
      %dma_start3A_69 = tpu.memref_squeeze %dma_start3A_68 : memref<1x128x128xf32, #tpu.memory_space<hbm>> -> memref<128x128xf32, #tpu.memory_space<hbm>>
      tpu.enqueue_dma source(%arg8 : memref<128x128xf32, #tpu.memory_space<vmem>>) target(%dma_start3A_69 : memref<128x128xf32, #tpu.memory_space<hbm>>) target_semaphore(%run_scoped3A : memref<!tpu.dma_semaphore, #tpu.memory_space<semaphore_mem>>)
      %dma_wait3A = arith.constant 0 : i32
      %dma_wait3A_70 = tpu.memref_slice %arg5[%arg0, %add3A_52, %dma_wait3A] : memref<2x10240x128xf32, #tpu.memory_space<hbm>> -> memref<1x128x128xf32, #tpu.memory_space<hbm>>
      %dma_wait3A_71 = tpu.memref_squeeze %dma_wait3A_70 : memref<1x128x128xf32, #tpu.memory_space<hbm>> -> memref<128x128xf32, #tpu.memory_space<hbm>>
      %dma_wait3A_72 = arith.constant 0 : i32
      %dma_wait3A_73 = tpu.memref_slice %arg5[%arg0, %add3A_52, %dma_wait3A_72] : memref<2x10240x128xf32, #tpu.memory_space<hbm>> -> memref<1x128x128xf32, #tpu.memory_space<hbm>>
      %dma_wait3A_74 = tpu.memref_squeeze %dma_wait3A_73 : memref<1x128x128xf32, #tpu.memory_space<hbm>> -> memref<128x128xf32, #tpu.memory_space<hbm>>
      tpu.wait_dma2 semaphore(%run_scoped3A : memref<!tpu.dma_semaphore, #tpu.memory_space<semaphore_mem>>) src(%arg8 : memref<128x128xf32, #tpu.memory_space<vmem>>) dst(%dma_wait3A_74 : memref<128x128xf32, #tpu.memory_space<hbm>>)
      tpu.yield
    }) : () -> ()
    %mul3A_53 = arith.constant 640 : i32
    %mul3A_54 = arith.muli %arg1, %mul3A_53 : i32
    %add3A_55 = arith.constant 256 : i32
    %add3A_56 = arith.addi %mul3A_54, %add3A_55 : i32
    "tpu.region"() ({
      %run_scoped3A = tpu.sem_alloc : memref<!tpu.dma_semaphore, #tpu.memory_space<semaphore_mem>>
      %dma_start3A = arith.constant 0 : i32
      %dma_start3A_65 = tpu.memref_slice %arg10[%add3A_56, %dma_start3A] : memref<10240x128xf32, #tpu.memory_space<vmem_shared>> -> memref<128x128xf32, #tpu.memory_space<vmem_shared>>
      %dma_start3A_66 = arith.constant 0 : i32
      %dma_start3A_67 = tpu.memref_slice %arg10[%add3A_56, %dma_start3A_66] : memref<10240x128xf32, #tpu.memory_space<vmem_shared>> -> memref<128x128xf32, #tpu.memory_space<vmem_shared>>
      tpu.enqueue_dma source(%dma_start3A_67 : memref<128x128xf32, #tpu.memory_space<vmem_shared>>) target(%arg8 : memref<128x128xf32, #tpu.memory_space<vmem>>) target_semaphore(%run_scoped3A : memref<!tpu.dma_semaphore, #tpu.memory_space<semaphore_mem>>)
      %dma_wait3A = arith.constant 0 : i32
      %dma_wait3A_68 = tpu.memref_slice %arg10[%add3A_56, %dma_wait3A] : memref<10240x128xf32, #tpu.memory_space<vmem_shared>> -> memref<128x128xf32, #tpu.memory_space<vmem_shared>>
      %dma_wait3A_69 = arith.constant 0 : i32
      %dma_wait3A_70 = tpu.memref_slice %arg10[%add3A_56, %dma_wait3A_69] : memref<10240x128xf32, #tpu.memory_space<vmem_shared>> -> memref<128x128xf32, #tpu.memory_space<vmem_shared>>
      tpu.wait_dma2 semaphore(%run_scoped3A : memref<!tpu.dma_semaphore, #tpu.memory_space<semaphore_mem>>) src(%dma_wait3A_70 : memref<128x128xf32, #tpu.memory_space<vmem_shared>>) dst(%arg8 : memref<128x128xf32, #tpu.memory_space<vmem>>)
      tpu.yield
    }) : () -> ()
    "tpu.region"() ({
      %run_scoped3A = tpu.sem_alloc : memref<!tpu.dma_semaphore, #tpu.memory_space<semaphore_mem>>
      %dma_start3A = arith.constant 0 : i32
      %dma_start3A_65 = tpu.memref_slice %arg5[%arg0, %add3A_56, %dma_start3A] : memref<2x10240x128xf32, #tpu.memory_space<hbm>> -> memref<1x128x128xf32, #tpu.memory_space<hbm>>
      %dma_start3A_66 = tpu.memref_squeeze %dma_start3A_65 : memref<1x128x128xf32, #tpu.memory_space<hbm>> -> memref<128x128xf32, #tpu.memory_space<hbm>>
      %dma_start3A_67 = arith.constant 0 : i32
      %dma_start3A_68 = tpu.memref_slice %arg5[%arg0, %add3A_56, %dma_start3A_67] : memref<2x10240x128xf32, #tpu.memory_space<hbm>> -> memref<1x128x128xf32, #tpu.memory_space<hbm>>
      %dma_start3A_69 = tpu.memref_squeeze %dma_start3A_68 : memref<1x128x128xf32, #tpu.memory_space<hbm>> -> memref<128x128xf32, #tpu.memory_space<hbm>>
      tpu.enqueue_dma source(%arg8 : memref<128x128xf32, #tpu.memory_space<vmem>>) target(%dma_start3A_69 : memref<128x128xf32, #tpu.memory_space<hbm>>) target_semaphore(%run_scoped3A : memref<!tpu.dma_semaphore, #tpu.memory_space<semaphore_mem>>)
      %dma_wait3A = arith.constant 0 : i32
      %dma_wait3A_70 = tpu.memref_slice %arg5[%arg0, %add3A_56, %dma_wait3A] : memref<2x10240x128xf32, #tpu.memory_space<hbm>> -> memref<1x128x128xf32, #tpu.memory_space<hbm>>
      %dma_wait3A_71 = tpu.memref_squeeze %dma_wait3A_70 : memref<1x128x128xf32, #tpu.memory_space<hbm>> -> memref<128x128xf32, #tpu.memory_space<hbm>>
      %dma_wait3A_72 = arith.constant 0 : i32
      %dma_wait3A_73 = tpu.memref_slice %arg5[%arg0, %add3A_56, %dma_wait3A_72] : memref<2x10240x128xf32, #tpu.memory_space<hbm>> -> memref<1x128x128xf32, #tpu.memory_space<hbm>>
      %dma_wait3A_74 = tpu.memref_squeeze %dma_wait3A_73 : memref<1x128x128xf32, #tpu.memory_space<hbm>> -> memref<128x128xf32, #tpu.memory_space<hbm>>
      tpu.wait_dma2 semaphore(%run_scoped3A : memref<!tpu.dma_semaphore, #tpu.memory_space<semaphore_mem>>) src(%arg8 : memref<128x128xf32, #tpu.memory_space<vmem>>) dst(%dma_wait3A_74 : memref<128x128xf32, #tpu.memory_space<hbm>>)
      tpu.yield
    }) : () -> ()
    %mul3A_57 = arith.constant 640 : i32
    %mul3A_58 = arith.muli %arg1, %mul3A_57 : i32
    %add3A_59 = arith.constant 384 : i32
    %add3A_60 = arith.addi %mul3A_58, %add3A_59 : i32
    "tpu.region"() ({
      %run_scoped3A = tpu.sem_alloc : memref<!tpu.dma_semaphore, #tpu.memory_space<semaphore_mem>>
      %dma_start3A = arith.constant 0 : i32
      %dma_start3A_65 = tpu.memref_slice %arg10[%add3A_60, %dma_start3A] : memref<10240x128xf32, #tpu.memory_space<vmem_shared>> -> memref<128x128xf32, #tpu.memory_space<vmem_shared>>
      %dma_start3A_66 = arith.constant 0 : i32
      %dma_start3A_67 = tpu.memref_slice %arg10[%add3A_60, %dma_start3A_66] : memref<10240x128xf32, #tpu.memory_space<vmem_shared>> -> memref<128x128xf32, #tpu.memory_space<vmem_shared>>
      tpu.enqueue_dma source(%dma_start3A_67 : memref<128x128xf32, #tpu.memory_space<vmem_shared>>) target(%arg8 : memref<128x128xf32, #tpu.memory_space<vmem>>) target_semaphore(%run_scoped3A : memref<!tpu.dma_semaphore, #tpu.memory_space<semaphore_mem>>)
      %dma_wait3A = arith.constant 0 : i32
      %dma_wait3A_68 = tpu.memref_slice %arg10[%add3A_60, %dma_wait3A] : memref<10240x128xf32, #tpu.memory_space<vmem_shared>> -> memref<128x128xf32, #tpu.memory_space<vmem_shared>>
      %dma_wait3A_69 = arith.constant 0 : i32
      %dma_wait3A_70 = tpu.memref_slice %arg10[%add3A_60, %dma_wait3A_69] : memref<10240x128xf32, #tpu.memory_space<vmem_shared>> -> memref<128x128xf32, #tpu.memory_space<vmem_shared>>
      tpu.wait_dma2 semaphore(%run_scoped3A : memref<!tpu.dma_semaphore, #tpu.memory_space<semaphore_mem>>) src(%dma_wait3A_70 : memref<128x128xf32, #tpu.memory_space<vmem_shared>>) dst(%arg8 : memref<128x128xf32, #tpu.memory_space<vmem>>)
      tpu.yield
    }) : () -> ()
    "tpu.region"() ({
      %run_scoped3A = tpu.sem_alloc : memref<!tpu.dma_semaphore, #tpu.memory_space<semaphore_mem>>
      %dma_start3A = arith.constant 0 : i32
      %dma_start3A_65 = tpu.memref_slice %arg5[%arg0, %add3A_60, %dma_start3A] : memref<2x10240x128xf32, #tpu.memory_space<hbm>> -> memref<1x128x128xf32, #tpu.memory_space<hbm>>
      %dma_start3A_66 = tpu.memref_squeeze %dma_start3A_65 : memref<1x128x128xf32, #tpu.memory_space<hbm>> -> memref<128x128xf32, #tpu.memory_space<hbm>>
      %dma_start3A_67 = arith.constant 0 : i32
      %dma_start3A_68 = tpu.memref_slice %arg5[%arg0, %add3A_60, %dma_start3A_67] : memref<2x10240x128xf32, #tpu.memory_space<hbm>> -> memref<1x128x128xf32, #tpu.memory_space<hbm>>
      %dma_start3A_69 = tpu.memref_squeeze %dma_start3A_68 : memref<1x128x128xf32, #tpu.memory_space<hbm>> -> memref<128x128xf32, #tpu.memory_space<hbm>>
      tpu.enqueue_dma source(%arg8 : memref<128x128xf32, #tpu.memory_space<vmem>>) target(%dma_start3A_69 : memref<128x128xf32, #tpu.memory_space<hbm>>) target_semaphore(%run_scoped3A : memref<!tpu.dma_semaphore, #tpu.memory_space<semaphore_mem>>)
      %dma_wait3A = arith.constant 0 : i32
      %dma_wait3A_70 = tpu.memref_slice %arg5[%arg0, %add3A_60, %dma_wait3A] : memref<2x10240x128xf32, #tpu.memory_space<hbm>> -> memref<1x128x128xf32, #tpu.memory_space<hbm>>
      %dma_wait3A_71 = tpu.memref_squeeze %dma_wait3A_70 : memref<1x128x128xf32, #tpu.memory_space<hbm>> -> memref<128x128xf32, #tpu.memory_space<hbm>>
      %dma_wait3A_72 = arith.constant 0 : i32
      %dma_wait3A_73 = tpu.memref_slice %arg5[%arg0, %add3A_60, %dma_wait3A_72] : memref<2x10240x128xf32, #tpu.memory_space<hbm>> -> memref<1x128x128xf32, #tpu.memory_space<hbm>>
      %dma_wait3A_74 = tpu.memref_squeeze %dma_wait3A_73 : memref<1x128x128xf32, #tpu.memory_space<hbm>> -> memref<128x128xf32, #tpu.memory_space<hbm>>
      tpu.wait_dma2 semaphore(%run_scoped3A : memref<!tpu.dma_semaphore, #tpu.memory_space<semaphore_mem>>) src(%arg8 : memref<128x128xf32, #tpu.memory_space<vmem>>) dst(%dma_wait3A_74 : memref<128x128xf32, #tpu.memory_space<hbm>>)
      tpu.yield
    }) : () -> ()
    %mul3A_61 = arith.constant 640 : i32
    %mul3A_62 = arith.muli %arg1, %mul3A_61 : i32
    %add3A_63 = arith.constant 512 : i32
    %add3A_64 = arith.addi %mul3A_62, %add3A_63 : i32
    "tpu.region"() ({
      %run_scoped3A = tpu.sem_alloc : memref<!tpu.dma_semaphore, #tpu.memory_space<semaphore_mem>>
      %dma_start3A = arith.constant 0 : i32
      %dma_start3A_65 = tpu.memref_slice %arg10[%add3A_64, %dma_start3A] : memref<10240x128xf32, #tpu.memory_space<vmem_shared>> -> memref<128x128xf32, #tpu.memory_space<vmem_shared>>
      %dma_start3A_66 = arith.constant 0 : i32
      %dma_start3A_67 = tpu.memref_slice %arg10[%add3A_64, %dma_start3A_66] : memref<10240x128xf32, #tpu.memory_space<vmem_shared>> -> memref<128x128xf32, #tpu.memory_space<vmem_shared>>
      tpu.enqueue_dma source(%dma_start3A_67 : memref<128x128xf32, #tpu.memory_space<vmem_shared>>) target(%arg8 : memref<128x128xf32, #tpu.memory_space<vmem>>) target_semaphore(%run_scoped3A : memref<!tpu.dma_semaphore, #tpu.memory_space<semaphore_mem>>)
      %dma_wait3A = arith.constant 0 : i32
      %dma_wait3A_68 = tpu.memref_slice %arg10[%add3A_64, %dma_wait3A] : memref<10240x128xf32, #tpu.memory_space<vmem_shared>> -> memref<128x128xf32, #tpu.memory_space<vmem_shared>>
      %dma_wait3A_69 = arith.constant 0 : i32
      %dma_wait3A_70 = tpu.memref_slice %arg10[%add3A_64, %dma_wait3A_69] : memref<10240x128xf32, #tpu.memory_space<vmem_shared>> -> memref<128x128xf32, #tpu.memory_space<vmem_shared>>
      tpu.wait_dma2 semaphore(%run_scoped3A : memref<!tpu.dma_semaphore, #tpu.memory_space<semaphore_mem>>) src(%dma_wait3A_70 : memref<128x128xf32, #tpu.memory_space<vmem_shared>>) dst(%arg8 : memref<128x128xf32, #tpu.memory_space<vmem>>)
      tpu.yield
    }) : () -> ()
    "tpu.region"() ({
      %run_scoped3A = tpu.sem_alloc : memref<!tpu.dma_semaphore, #tpu.memory_space<semaphore_mem>>
      %dma_start3A = arith.constant 0 : i32
      %dma_start3A_65 = tpu.memref_slice %arg5[%arg0, %add3A_64, %dma_start3A] : memref<2x10240x128xf32, #tpu.memory_space<hbm>> -> memref<1x128x128xf32, #tpu.memory_space<hbm>>
      %dma_start3A_66 = tpu.memref_squeeze %dma_start3A_65 : memref<1x128x128xf32, #tpu.memory_space<hbm>> -> memref<128x128xf32, #tpu.memory_space<hbm>>
      %dma_start3A_67 = arith.constant 0 : i32
      %dma_start3A_68 = tpu.memref_slice %arg5[%arg0, %add3A_64, %dma_start3A_67] : memref<2x10240x128xf32, #tpu.memory_space<hbm>> -> memref<1x128x128xf32, #tpu.memory_space<hbm>>
      %dma_start3A_69 = tpu.memref_squeeze %dma_start3A_68 : memref<1x128x128xf32, #tpu.memory_space<hbm>> -> memref<128x128xf32, #tpu.memory_space<hbm>>
      tpu.enqueue_dma source(%arg8 : memref<128x128xf32, #tpu.memory_space<vmem>>) target(%dma_start3A_69 : memref<128x128xf32, #tpu.memory_space<hbm>>) target_semaphore(%run_scoped3A : memref<!tpu.dma_semaphore, #tpu.memory_space<semaphore_mem>>)
      %dma_wait3A = arith.constant 0 : i32
      %dma_wait3A_70 = tpu.memref_slice %arg5[%arg0, %add3A_64, %dma_wait3A] : memref<2x10240x128xf32, #tpu.memory_space<hbm>> -> memref<1x128x128xf32, #tpu.memory_space<hbm>>
      %dma_wait3A_71 = tpu.memref_squeeze %dma_wait3A_70 : memref<1x128x128xf32, #tpu.memory_space<hbm>> -> memref<128x128xf32, #tpu.memory_space<hbm>>
      %dma_wait3A_72 = arith.constant 0 : i32
      %dma_wait3A_73 = tpu.memref_slice %arg5[%arg0, %add3A_64, %dma_wait3A_72] : memref<2x10240x128xf32, #tpu.memory_space<hbm>> -> memref<1x128x128xf32, #tpu.memory_space<hbm>>
      %dma_wait3A_74 = tpu.memref_squeeze %dma_wait3A_73 : memref<1x128x128xf32, #tpu.memory_space<hbm>> -> memref<128x128xf32, #tpu.memory_space<hbm>>
      tpu.wait_dma2 semaphore(%run_scoped3A : memref<!tpu.dma_semaphore, #tpu.memory_space<semaphore_mem>>) src(%arg8 : memref<128x128xf32, #tpu.memory_space<vmem>>) dst(%dma_wait3A_74 : memref<128x128xf32, #tpu.memory_space<hbm>>)
      tpu.yield
    }) : () -> ()
    return
  }
}

#map = affine_map<(d0, d1) -> (0, 0)>
#map1 = affine_map<(d0, d1) -> (0, 0, 0)>
module attributes {stable_mosaic.version = 14 : i64} {
  func.func @_sc_aggregate(%arg0: i32, %arg1: i32, %arg2: memref<10240x128xf32, #tpu.memory_space<hbm>>, %arg3: memref<2560x128xi32, #tpu.memory_space<hbm>>, %arg4: memref<2560x128xi32, #tpu.memory_space<hbm>>, %arg5: memref<2x10240x128xf32, #tpu.memory_space<hbm>>, %arg6: memref<16x128xi32, #tpu.memory_space<vmem>>, %arg7: memref<16x128xi32, #tpu.memory_space<vmem>>, %arg8: memref<128x128xf32, #tpu.memory_space<vmem>>, %arg9: memref<128x128xf32, #tpu.memory_space<vmem>>, %arg10: memref<10240x128xf32, #tpu.memory_space<vmem_shared>>, %arg11: memref<!tpu.dma_semaphore, #tpu.memory_space<semaphore_mem>>, %arg12: memref<!tpu.dma_semaphore, #tpu.memory_space<semaphore_mem>>) attributes {dimension_semantics = [#tpu.dimension_semantics<core_parallel>, #tpu.dimension_semantics<subcore_parallel>], iteration_bounds = array<i64: 2, 16>, scalar_prefetch = 0 : i64, scratch_operands = 7 : i64, tpu.core_type = #tpu.core_type<sc_vector_subcore>, window_params = [{transform_indices = #map}, {transform_indices = #map}, {transform_indices = #map}, {transform_indices = #map1}]} {
    %broadcast_in_dim3A = arith.constant 0.000000e+00 : f32
    %broadcast_in_dim3A_0 = vector.broadcast %broadcast_in_dim3A : f32 to vector<16xf32>
    %scan3A = arith.constant 0 : i32
    %scan3A_1 = arith.constant 0 : i32
    %scan3A_2 = arith.constant 128 : i32
    %scan3A_3 = arith.addi %scan3A_1, %scan3A_2 : i32
    %scan3A_4 = arith.constant 1 : i32
    scf.for %scan3A_65 = %scan3A_1 to %scan3A_3 step %scan3A_4  : i32 {
      %swap3A = arith.index_cast %scan3A_65 : i32 to index
      %swap3A_66 = arith.constant 0 : index
      %swap3A_67 = tpu.vector_load %arg8[%swap3A, %swap3A_66] {strides = array<i32>} : memref<128x128xf32, #tpu.memory_space<vmem>>, vector<1x16xf32>,
      %swap3A_68 = vector.shape_cast %swap3A_67 : vector<1x16xf32> to vector<16xf32>
      %swap3A_69 = vector.shape_cast %broadcast_in_dim3A_0 : vector<16xf32> to vector<1x16xf32>
      tpu.vector_store %arg8[%swap3A, %swap3A_66], %swap3A_69 {strides = array<i32>} : memref<128x128xf32, #tpu.memory_space<vmem>>, vector<1x16xf32>,
      %swap3A_70 = arith.index_cast %scan3A_65 : i32 to index
      %swap3A_71 = arith.constant 16 : index
      %swap3A_72 = tpu.vector_load %arg8[%swap3A_70, %swap3A_71] {strides = array<i32>} : memref<128x128xf32, #tpu.memory_space<vmem>>, vector<1x16xf32>,
      %swap3A_73 = vector.shape_cast %swap3A_72 : vector<1x16xf32> to vector<16xf32>
      %swap3A_74 = vector.shape_cast %broadcast_in_dim3A_0 : vector<16xf32> to vector<1x16xf32>
      tpu.vector_store %arg8[%swap3A_70, %swap3A_71], %swap3A_74 {strides = array<i32>} : memref<128x128xf32, #tpu.memory_space<vmem>>, vector<1x16xf32>,
      %swap3A_75 = arith.index_cast %scan3A_65 : i32 to index
      %swap3A_76 = arith.constant 32 : index
      %swap3A_77 = tpu.vector_load %arg8[%swap3A_75, %swap3A_76] {strides = array<i32>} : memref<128x128xf32, #tpu.memory_space<vmem>>, vector<1x16xf32>,
      %swap3A_78 = vector.shape_cast %swap3A_77 : vector<1x16xf32> to vector<16xf32>
      %swap3A_79 = vector.shape_cast %broadcast_in_dim3A_0 : vector<16xf32> to vector<1x16xf32>
      tpu.vector_store %arg8[%swap3A_75, %swap3A_76], %swap3A_79 {strides = array<i32>} : memref<128x128xf32, #tpu.memory_space<vmem>>, vector<1x16xf32>,
      %swap3A_80 = arith.index_cast %scan3A_65 : i32 to index
      %swap3A_81 = arith.constant 48 : index
      %swap3A_82 = tpu.vector_load %arg8[%swap3A_80, %swap3A_81] {strides = array<i32>} : memref<128x128xf32, #tpu.memory_space<vmem>>, vector<1x16xf32>,
      %swap3A_83 = vector.shape_cast %swap3A_82 : vector<1x16xf32> to vector<16xf32>
      %swap3A_84 = vector.shape_cast %broadcast_in_dim3A_0 : vector<16xf32> to vector<1x16xf32>
      tpu.vector_store %arg8[%swap3A_80, %swap3A_81], %swap3A_84 {strides = array<i32>} : memref<128x128xf32, #tpu.memory_space<vmem>>, vector<1x16xf32>,
      %swap3A_85 = arith.index_cast %scan3A_65 : i32 to index
      %swap3A_86 = arith.constant 64 : index
      %swap3A_87 = tpu.vector_load %arg8[%swap3A_85, %swap3A_86] {strides = array<i32>} : memref<128x128xf32, #tpu.memory_space<vmem>>, vector<1x16xf32>,
      %swap3A_88 = vector.shape_cast %swap3A_87 : vector<1x16xf32> to vector<16xf32>
      %swap3A_89 = vector.shape_cast %broadcast_in_dim3A_0 : vector<16xf32> to vector<1x16xf32>
      tpu.vector_store %arg8[%swap3A_85, %swap3A_86], %swap3A_89 {strides = array<i32>} : memref<128x128xf32, #tpu.memory_space<vmem>>, vector<1x16xf32>,
      %swap3A_90 = arith.index_cast %scan3A_65 : i32 to index
      %swap3A_91 = arith.constant 80 : index
      %swap3A_92 = tpu.vector_load %arg8[%swap3A_90, %swap3A_91] {strides = array<i32>} : memref<128x128xf32, #tpu.memory_space<vmem>>, vector<1x16xf32>,
      %swap3A_93 = vector.shape_cast %swap3A_92 : vector<1x16xf32> to vector<16xf32>
      %swap3A_94 = vector.shape_cast %broadcast_in_dim3A_0 : vector<16xf32> to vector<1x16xf32>
      tpu.vector_store %arg8[%swap3A_90, %swap3A_91], %swap3A_94 {strides = array<i32>} : memref<128x128xf32, #tpu.memory_space<vmem>>, vector<1x16xf32>,
      %swap3A_95 = arith.index_cast %scan3A_65 : i32 to index
      %swap3A_96 = arith.constant 96 : index
      %swap3A_97 = tpu.vector_load %arg8[%swap3A_95, %swap3A_96] {strides = array<i32>} : memref<128x128xf32, #tpu.memory_space<vmem>>, vector<1x16xf32>,
      %swap3A_98 = vector.shape_cast %swap3A_97 : vector<1x16xf32> to vector<16xf32>
      %swap3A_99 = vector.shape_cast %broadcast_in_dim3A_0 : vector<16xf32> to vector<1x16xf32>
      tpu.vector_store %arg8[%swap3A_95, %swap3A_96], %swap3A_99 {strides = array<i32>} : memref<128x128xf32, #tpu.memory_space<vmem>>, vector<1x16xf32>,
      %swap3A_100 = arith.index_cast %scan3A_65 : i32 to index
      %swap3A_101 = arith.constant 112 : index
      %swap3A_102 = tpu.vector_load %arg8[%swap3A_100, %swap3A_101] {strides = array<i32>} : memref<128x128xf32, #tpu.memory_space<vmem>>, vector<1x16xf32>,
      %swap3A_103 = vector.shape_cast %swap3A_102 : vector<1x16xf32> to vector<16xf32>
      %swap3A_104 = vector.shape_cast %broadcast_in_dim3A_0 : vector<16xf32> to vector<1x16xf32>
      tpu.vector_store %arg8[%swap3A_100, %swap3A_101], %swap3A_104 {strides = array<i32>} : memref<128x128xf32, #tpu.memory_space<vmem>>, vector<1x16xf32>,
    }
    %scan3A_5 = arith.constant 128 : i32
    %mul3A = arith.constant 640 : i32
    %mul3A_6 = arith.muli %arg1, %mul3A : i32
    %add3A = arith.constant 0 : i32
    %add3A_7 = arith.addi %mul3A_6, %add3A : i32
    "tpu.region"() ({
      %run_scoped3A = tpu.sem_alloc : memref<!tpu.dma_semaphore, #tpu.memory_space<semaphore_mem>>
      %dma_start3A = arith.constant 0 : i32
      %dma_start3A_65 = tpu.memref_slice %arg10[%add3A_7, %dma_start3A] : memref<10240x128xf32, #tpu.memory_space<vmem_shared>> -> memref<128x128xf32, #tpu.memory_space<vmem_shared>>
      %dma_start3A_66 = arith.constant 0 : i32
      %dma_start3A_67 = tpu.memref_slice %arg10[%add3A_7, %dma_start3A_66] : memref<10240x128xf32, #tpu.memory_space<vmem_shared>> -> memref<128x128xf32, #tpu.memory_space<vmem_shared>>
      tpu.enqueue_dma source(%arg8 : memref<128x128xf32, #tpu.memory_space<vmem>>) target(%dma_start3A_67 : memref<128x128xf32, #tpu.memory_space<vmem_shared>>) target_semaphore(%run_scoped3A : memref<!tpu.dma_semaphore, #tpu.memory_space<semaphore_mem>>)
      %dma_wait3A = arith.constant 0 : i32
      %dma_wait3A_68 = tpu.memref_slice %arg10[%add3A_7, %dma_wait3A] : memref<10240x128xf32, #tpu.memory_space<vmem_shared>> -> memref<128x128xf32, #tpu.memory_space<vmem_shared>>
      %dma_wait3A_69 = arith.constant 0 : i32
      %dma_wait3A_70 = tpu.memref_slice %arg10[%add3A_7, %dma_wait3A_69] : memref<10240x128xf32, #tpu.memory_space<vmem_shared>> -> memref<128x128xf32, #tpu.memory_space<vmem_shared>>
      tpu.wait_dma2 semaphore(%run_scoped3A : memref<!tpu.dma_semaphore, #tpu.memory_space<semaphore_mem>>) src(%arg8 : memref<128x128xf32, #tpu.memory_space<vmem>>) dst(%dma_wait3A_70 : memref<128x128xf32, #tpu.memory_space<vmem_shared>>)
      tpu.yield
    }) : () -> ()
    %mul3A_8 = arith.constant 640 : i32
    %mul3A_9 = arith.muli %arg1, %mul3A_8 : i32
    %add3A_10 = arith.constant 128 : i32
    %add3A_11 = arith.addi %mul3A_9, %add3A_10 : i32
    "tpu.region"() ({
      %run_scoped3A = tpu.sem_alloc : memref<!tpu.dma_semaphore, #tpu.memory_space<semaphore_mem>>
      %dma_start3A = arith.constant 0 : i32
      %dma_start3A_65 = tpu.memref_slice %arg10[%add3A_11, %dma_start3A] : memref<10240x128xf32, #tpu.memory_space<vmem_shared>> -> memref<128x128xf32, #tpu.memory_space<vmem_shared>>
      %dma_start3A_66 = arith.constant 0 : i32
      %dma_start3A_67 = tpu.memref_slice %arg10[%add3A_11, %dma_start3A_66] : memref<10240x128xf32, #tpu.memory_space<vmem_shared>> -> memref<128x128xf32, #tpu.memory_space<vmem_shared>>
      tpu.enqueue_dma source(%arg8 : memref<128x128xf32, #tpu.memory_space<vmem>>) target(%dma_start3A_67 : memref<128x128xf32, #tpu.memory_space<vmem_shared>>) target_semaphore(%run_scoped3A : memref<!tpu.dma_semaphore, #tpu.memory_space<semaphore_mem>>)
      %dma_wait3A = arith.constant 0 : i32
      %dma_wait3A_68 = tpu.memref_slice %arg10[%add3A_11, %dma_wait3A] : memref<10240x128xf32, #tpu.memory_space<vmem_shared>> -> memref<128x128xf32, #tpu.memory_space<vmem_shared>>
      %dma_wait3A_69 = arith.constant 0 : i32
      %dma_wait3A_70 = tpu.memref_slice %arg10[%add3A_11, %dma_wait3A_69] : memref<10240x128xf32, #tpu.memory_space<vmem_shared>> -> memref<128x128xf32, #tpu.memory_space<vmem_shared>>
      tpu.wait_dma2 semaphore(%run_scoped3A : memref<!tpu.dma_semaphore, #tpu.memory_space<semaphore_mem>>) src(%arg8 : memref<128x128xf32, #tpu.memory_space<vmem>>) dst(%dma_wait3A_70 : memref<128x128xf32, #tpu.memory_space<vmem_shared>>)
      tpu.yield
    }) : () -> ()
    %mul3A_12 = arith.constant 640 : i32
    %mul3A_13 = arith.muli %arg1, %mul3A_12 : i32
    %add3A_14 = arith.constant 256 : i32
    %add3A_15 = arith.addi %mul3A_13, %add3A_14 : i32
    "tpu.region"() ({
      %run_scoped3A = tpu.sem_alloc : memref<!tpu.dma_semaphore, #tpu.memory_space<semaphore_mem>>
      %dma_start3A = arith.constant 0 : i32
      %dma_start3A_65 = tpu.memref_slice %arg10[%add3A_15, %dma_start3A] : memref<10240x128xf32, #tpu.memory_space<vmem_shared>> -> memref<128x128xf32, #tpu.memory_space<vmem_shared>>
      %dma_start3A_66 = arith.constant 0 : i32
      %dma_start3A_67 = tpu.memref_slice %arg10[%add3A_15, %dma_start3A_66] : memref<10240x128xf32, #tpu.memory_space<vmem_shared>> -> memref<128x128xf32, #tpu.memory_space<vmem_shared>>
      tpu.enqueue_dma source(%arg8 : memref<128x128xf32, #tpu.memory_space<vmem>>) target(%dma_start3A_67 : memref<128x128xf32, #tpu.memory_space<vmem_shared>>) target_semaphore(%run_scoped3A : memref<!tpu.dma_semaphore, #tpu.memory_space<semaphore_mem>>)
      %dma_wait3A = arith.constant 0 : i32
      %dma_wait3A_68 = tpu.memref_slice %arg10[%add3A_15, %dma_wait3A] : memref<10240x128xf32, #tpu.memory_space<vmem_shared>> -> memref<128x128xf32, #tpu.memory_space<vmem_shared>>
      %dma_wait3A_69 = arith.constant 0 : i32
      %dma_wait3A_70 = tpu.memref_slice %arg10[%add3A_15, %dma_wait3A_69] : memref<10240x128xf32, #tpu.memory_space<vmem_shared>> -> memref<128x128xf32, #tpu.memory_space<vmem_shared>>
      tpu.wait_dma2 semaphore(%run_scoped3A : memref<!tpu.dma_semaphore, #tpu.memory_space<semaphore_mem>>) src(%arg8 : memref<128x128xf32, #tpu.memory_space<vmem>>) dst(%dma_wait3A_70 : memref<128x128xf32, #tpu.memory_space<vmem_shared>>)
      tpu.yield
    }) : () -> ()
    %mul3A_16 = arith.constant 640 : i32
    %mul3A_17 = arith.muli %arg1, %mul3A_16 : i32
    %add3A_18 = arith.constant 384 : i32
    %add3A_19 = arith.addi %mul3A_17, %add3A_18 : i32
    "tpu.region"() ({
      %run_scoped3A = tpu.sem_alloc : memref<!tpu.dma_semaphore, #tpu.memory_space<semaphore_mem>>
      %dma_start3A = arith.constant 0 : i32
      %dma_start3A_65 = tpu.memref_slice %arg10[%add3A_19, %dma_start3A] : memref<10240x128xf32, #tpu.memory_space<vmem_shared>> -> memref<128x128xf32, #tpu.memory_space<vmem_shared>>
      %dma_start3A_66 = arith.constant 0 : i32
      %dma_start3A_67 = tpu.memref_slice %arg10[%add3A_19, %dma_start3A_66] : memref<10240x128xf32, #tpu.memory_space<vmem_shared>> -> memref<128x128xf32, #tpu.memory_space<vmem_shared>>
      tpu.enqueue_dma source(%arg8 : memref<128x128xf32, #tpu.memory_space<vmem>>) target(%dma_start3A_67 : memref<128x128xf32, #tpu.memory_space<vmem_shared>>) target_semaphore(%run_scoped3A : memref<!tpu.dma_semaphore, #tpu.memory_space<semaphore_mem>>)
      %dma_wait3A = arith.constant 0 : i32
      %dma_wait3A_68 = tpu.memref_slice %arg10[%add3A_19, %dma_wait3A] : memref<10240x128xf32, #tpu.memory_space<vmem_shared>> -> memref<128x128xf32, #tpu.memory_space<vmem_shared>>
      %dma_wait3A_69 = arith.constant 0 : i32
      %dma_wait3A_70 = tpu.memref_slice %arg10[%add3A_19, %dma_wait3A_69] : memref<10240x128xf32, #tpu.memory_space<vmem_shared>> -> memref<128x128xf32, #tpu.memory_space<vmem_shared>>
      tpu.wait_dma2 semaphore(%run_scoped3A : memref<!tpu.dma_semaphore, #tpu.memory_space<semaphore_mem>>) src(%arg8 : memref<128x128xf32, #tpu.memory_space<vmem>>) dst(%dma_wait3A_70 : memref<128x128xf32, #tpu.memory_space<vmem_shared>>)
      tpu.yield
    }) : () -> ()
    %mul3A_20 = arith.constant 640 : i32
    %mul3A_21 = arith.muli %arg1, %mul3A_20 : i32
    %add3A_22 = arith.constant 512 : i32
    %add3A_23 = arith.addi %mul3A_21, %add3A_22 : i32
    "tpu.region"() ({
      %run_scoped3A = tpu.sem_alloc : memref<!tpu.dma_semaphore, #tpu.memory_space<semaphore_mem>>
      %dma_start3A = arith.constant 0 : i32
      %dma_start3A_65 = tpu.memref_slice %arg10[%add3A_23, %dma_start3A] : memref<10240x128xf32, #tpu.memory_space<vmem_shared>> -> memref<128x128xf32, #tpu.memory_space<vmem_shared>>
      %dma_start3A_66 = arith.constant 0 : i32
      %dma_start3A_67 = tpu.memref_slice %arg10[%add3A_23, %dma_start3A_66] : memref<10240x128xf32, #tpu.memory_space<vmem_shared>> -> memref<128x128xf32, #tpu.memory_space<vmem_shared>>
      tpu.enqueue_dma source(%arg8 : memref<128x128xf32, #tpu.memory_space<vmem>>) target(%dma_start3A_67 : memref<128x128xf32, #tpu.memory_space<vmem_shared>>) target_semaphore(%run_scoped3A : memref<!tpu.dma_semaphore, #tpu.memory_space<semaphore_mem>>)
      %dma_wait3A = arith.constant 0 : i32
      %dma_wait3A_68 = tpu.memref_slice %arg10[%add3A_23, %dma_wait3A] : memref<10240x128xf32, #tpu.memory_space<vmem_shared>> -> memref<128x128xf32, #tpu.memory_space<vmem_shared>>
      %dma_wait3A_69 = arith.constant 0 : i32
      %dma_wait3A_70 = tpu.memref_slice %arg10[%add3A_23, %dma_wait3A_69] : memref<10240x128xf32, #tpu.memory_space<vmem_shared>> -> memref<128x128xf32, #tpu.memory_space<vmem_shared>>
      tpu.wait_dma2 semaphore(%run_scoped3A : memref<!tpu.dma_semaphore, #tpu.memory_space<semaphore_mem>>) src(%arg8 : memref<128x128xf32, #tpu.memory_space<vmem>>) dst(%dma_wait3A_70 : memref<128x128xf32, #tpu.memory_space<vmem_shared>>)
      tpu.yield
    }) : () -> ()
    %barrier3A = arith.constant 0 : index
    tpu.barrier barrier_id(%barrier3A)
    %eq3A = arith.constant 0 : i32
    %eq3A_24 = arith.cmpi eq, %arg0, %eq3A : i32
    %mul3A_25 = arith.constant 80 : i32
    %mul3A_26 = arith.muli %arg1, %mul3A_25 : i32
    %mul3A_27 = arith.constant 80 : i32
    %mul3A_28 = arith.muli %arg1, %mul3A_27 : i32
    %add3A_29 = arith.constant 1280 : i32
    %add3A_30 = arith.addi %add3A_29, %mul3A_28 : i32
    %select_n3A = arith.select %eq3A_24, %mul3A_26, %add3A_30 : i32
    %eq3A_31 = arith.constant 0 : i32
    %eq3A_32 = arith.cmpi eq, %arg0, %eq3A_31 : i32
    %jit3A = arith.constant 5 : i32
    %jit3A_33 = arith.constant 5 : i32
    %select_n3A_34 = arith.select %eq3A_32, %jit3A, %jit3A_33 : i32
    %while3A = arith.constant 0 : i32
    %while3A_35 = arith.constant 0 : i32
    %while3A_36 = arith.subi %select_n3A_34, %while3A_35 : i32
    %while3A_37 = arith.addi %while3A_35, %while3A_36 : i32
    %while3A_38 = arith.constant 1 : i32
    %while3A_39 = arith.divsi %while3A_36, %while3A_38 : i32
    %while3A_40 = arith.muli %while3A_39, %while3A_38 : i32
    %while3A_41 = arith.addi %while3A_35, %while3A_40 : i32
    %while3A_42 = arith.constant 1 : i32
    scf.for %while3A_65 = %while3A_35 to %while3A_41 step %while3A_42  : i32 {
      %mul3A_66 = arith.constant 16 : i32
      %mul3A_67 = arith.muli %while3A_65, %mul3A_66 : i32
      %add3A_68 = arith.addi %select_n3A, %mul3A_67 : i32
      "tpu.region"() ({
        %run_scoped3A = tpu.sem_alloc : memref<!tpu.dma_semaphore, #tpu.memory_space<semaphore_mem>>
        %dma_start3A_81 = arith.constant 0 : i32
        %dma_start3A_82 = tpu.memref_slice %arg3[%add3A_68, %dma_start3A_81] : memref<2560x128xi32, #tpu.memory_space<hbm>> -> memref<16x128xi32, #tpu.memory_space<hbm>>
        %dma_start3A_83 = arith.constant 0 : i32
        %dma_start3A_84 = tpu.memref_slice %arg3[%add3A_68, %dma_start3A_83] : memref<2560x128xi32, #tpu.memory_space<hbm>> -> memref<16x128xi32, #tpu.memory_space<hbm>>
        tpu.enqueue_dma source(%dma_start3A_84 : memref<16x128xi32, #tpu.memory_space<hbm>>) target(%arg6 : memref<16x128xi32, #tpu.memory_space<vmem>>) target_semaphore(%run_scoped3A : memref<!tpu.dma_semaphore, #tpu.memory_space<semaphore_mem>>)
        %dma_wait3A = arith.constant 0 : i32
        %dma_wait3A_85 = tpu.memref_slice %arg3[%add3A_68, %dma_wait3A] : memref<2560x128xi32, #tpu.memory_space<hbm>> -> memref<16x128xi32, #tpu.memory_space<hbm>>
        %dma_wait3A_86 = arith.constant 0 : i32
        %dma_wait3A_87 = tpu.memref_slice %arg3[%add3A_68, %dma_wait3A_86] : memref<2560x128xi32, #tpu.memory_space<hbm>> -> memref<16x128xi32, #tpu.memory_space<hbm>>
        tpu.wait_dma2 semaphore(%run_scoped3A : memref<!tpu.dma_semaphore, #tpu.memory_space<semaphore_mem>>) src(%dma_wait3A_87 : memref<16x128xi32, #tpu.memory_space<hbm>>) dst(%arg6 : memref<16x128xi32, #tpu.memory_space<vmem>>)
        tpu.yield
      }) : () -> ()
      "tpu.region"() ({
        %run_scoped3A = tpu.sem_alloc : memref<!tpu.dma_semaphore, #tpu.memory_space<semaphore_mem>>
        %dma_start3A_81 = arith.constant 0 : i32
        %dma_start3A_82 = tpu.memref_slice %arg4[%add3A_68, %dma_start3A_81] : memref<2560x128xi32, #tpu.memory_space<hbm>> -> memref<16x128xi32, #tpu.memory_space<hbm>>
        %dma_start3A_83 = arith.constant 0 : i32
        %dma_start3A_84 = tpu.memref_slice %arg4[%add3A_68, %dma_start3A_83] : memref<2560x128xi32, #tpu.memory_space<hbm>> -> memref<16x128xi32, #tpu.memory_space<hbm>>
        tpu.enqueue_dma source(%dma_start3A_84 : memref<16x128xi32, #tpu.memory_space<hbm>>) target(%arg7 : memref<16x128xi32, #tpu.memory_space<vmem>>) target_semaphore(%run_scoped3A : memref<!tpu.dma_semaphore, #tpu.memory_space<semaphore_mem>>)
        %dma_wait3A = arith.constant 0 : i32
        %dma_wait3A_85 = tpu.memref_slice %arg4[%add3A_68, %dma_wait3A] : memref<2560x128xi32, #tpu.memory_space<hbm>> -> memref<16x128xi32, #tpu.memory_space<hbm>>
        %dma_wait3A_86 = arith.constant 0 : i32
        %dma_wait3A_87 = tpu.memref_slice %arg4[%add3A_68, %dma_wait3A_86] : memref<2560x128xi32, #tpu.memory_space<hbm>> -> memref<16x128xi32, #tpu.memory_space<hbm>>
        tpu.wait_dma2 semaphore(%run_scoped3A : memref<!tpu.dma_semaphore, #tpu.memory_space<semaphore_mem>>) src(%dma_wait3A_87 : memref<16x128xi32, #tpu.memory_space<hbm>>) dst(%arg7 : memref<16x128xi32, #tpu.memory_space<vmem>>)
        tpu.yield
      }) : () -> ()
      %dma_start3A = arith.constant 0 : i32
      %dma_start3A_69 = arith.constant 0 : i32
      %dma_start3A_70 = tpu.memref_slice %arg6[%dma_start3A, %dma_start3A_69] : memref<16x128xi32, #tpu.memory_space<vmem>> -> memref<1x128xi32, #tpu.memory_space<vmem>>
      %dma_start3A_71 = tpu.memref_squeeze %dma_start3A_70 : memref<1x128xi32, #tpu.memory_space<vmem>> -> memref<128xi32, #tpu.memory_space<vmem>>
      %dma_start3A_72 = arith.constant 0 : i32
      %dma_start3A_73 = arith.constant 0 : i32
      %dma_start3A_74 = tpu.memref_slice %arg2[%dma_start3A_72, %dma_start3A_73] : memref<10240x128xf32, #tpu.memory_space<hbm>> -> memref<10240x128xf32, #tpu.memory_space<hbm>>
      tpu.enqueue_indirect_dma source(%dma_start3A_74 : memref<10240x128xf32, #tpu.memory_space<hbm>>) target(%arg8 : memref<128x128xf32, #tpu.memory_space<vmem>>) offsets(%dma_start3A_71 : memref<128xi32, #tpu.memory_space<vmem>>) semaphore(%arg11 : memref<!tpu.dma_semaphore, #tpu.memory_space<semaphore_mem>>)
      %scan3A_75 = arith.constant 0 : i32
      %scan3A_76 = arith.constant 0 : i32
      %scan3A_77 = arith.constant 8 : i32
      %scan3A_78 = arith.addi %scan3A_76, %scan3A_77 : i32
      %scan3A_79 = arith.constant 1 : i32
      scf.for %scan3A_81 = %scan3A_76 to %scan3A_78 step %scan3A_79  : i32 {
        %mul3A_82 = arith.constant 2 : i32
        %mul3A_83 = arith.muli %mul3A_82, %scan3A_81 : i32
        %add3A_84 = arith.constant 1 : i32
        %add3A_85 = arith.addi %mul3A_83, %add3A_84 : i32
        %dma_start3A_86 = arith.constant 0 : i32
        %dma_start3A_87 = tpu.memref_slice %arg6[%add3A_85, %dma_start3A_86] : memref<16x128xi32, #tpu.memory_space<vmem>> -> memref<1x128xi32, #tpu.memory_space<vmem>>
        %dma_start3A_88 = tpu.memref_squeeze %dma_start3A_87 : memref<1x128xi32, #tpu.memory_space<vmem>> -> memref<128xi32, #tpu.memory_space<vmem>>
        %dma_start3A_89 = arith.constant 0 : i32
        %dma_start3A_90 = arith.constant 0 : i32
        %dma_start3A_91 = tpu.memref_slice %arg2[%dma_start3A_89, %dma_start3A_90] : memref<10240x128xf32, #tpu.memory_space<hbm>> -> memref<10240x128xf32, #tpu.memory_space<hbm>>
        tpu.enqueue_indirect_dma source(%dma_start3A_91 : memref<10240x128xf32, #tpu.memory_space<hbm>>) target(%arg9 : memref<128x128xf32, #tpu.memory_space<vmem>>) offsets(%dma_start3A_88 : memref<128xi32, #tpu.memory_space<vmem>>) semaphore(%arg12 : memref<!tpu.dma_semaphore, #tpu.memory_space<semaphore_mem>>)
        %dma_wait3A = arith.constant 0 : i32
        %dma_wait3A_92 = tpu.memref_slice %arg6[%mul3A_83, %dma_wait3A] : memref<16x128xi32, #tpu.memory_space<vmem>> -> memref<1x128xi32, #tpu.memory_space<vmem>>
        %dma_wait3A_93 = tpu.memref_squeeze %dma_wait3A_92 : memref<1x128xi32, #tpu.memory_space<vmem>> -> memref<128xi32, #tpu.memory_space<vmem>>
        %dma_wait3A_94 = arith.constant 0 : i32
        %dma_wait3A_95 = arith.constant 0 : i32
        %dma_wait3A_96 = tpu.memref_slice %arg2[%dma_wait3A_94, %dma_wait3A_95] : memref<10240x128xf32, #tpu.memory_space<hbm>> -> memref<10240x128xf32, #tpu.memory_space<hbm>>
        tpu.wait_indirect_dma semaphore(%arg11 : memref<!tpu.dma_semaphore, #tpu.memory_space<semaphore_mem>>) src(%dma_wait3A_96 : memref<10240x128xf32, #tpu.memory_space<hbm>>) dst(%arg8 : memref<128x128xf32, #tpu.memory_space<vmem>>)
        "tpu.region"() ({
          %run_scoped3A = tpu.sem_alloc : memref<!tpu.dma_semaphore, #tpu.memory_space<semaphore_mem>>
          %dma_start3A_109 = arith.constant 0 : i32
          %dma_start3A_110 = tpu.memref_slice %arg7[%mul3A_83, %dma_start3A_109] : memref<16x128xi32, #tpu.memory_space<vmem>> -> memref<1x128xi32, #tpu.memory_space<vmem>>
          %dma_start3A_111 = tpu.memref_squeeze %dma_start3A_110 : memref<1x128xi32, #tpu.memory_space<vmem>> -> memref<128xi32, #tpu.memory_space<vmem>>
          %dma_start3A_112 = arith.constant 0 : i32
          %dma_start3A_113 = arith.constant 0 : i32
          %dma_start3A_114 = tpu.memref_slice %arg10[%dma_start3A_112, %dma_start3A_113] : memref<10240x128xf32, #tpu.memory_space<vmem_shared>> -> memref<10240x128xf32, #tpu.memory_space<vmem_shared>>
          tpu.enqueue_indirect_dma source(%arg8 : memref<128x128xf32, #tpu.memory_space<vmem>>) target(%dma_start3A_114 : memref<10240x128xf32, #tpu.memory_space<vmem_shared>>) offsets(%dma_start3A_111 : memref<128xi32, #tpu.memory_space<vmem>>) semaphore(%run_scoped3A : memref<!tpu.dma_semaphore, #tpu.memory_space<semaphore_mem>>) {add = true}
          %dma_wait3A_115 = arith.constant 0 : i32
          %dma_wait3A_116 = tpu.memref_slice %arg7[%mul3A_83, %dma_wait3A_115] : memref<16x128xi32, #tpu.memory_space<vmem>> -> memref<1x128xi32, #tpu.memory_space<vmem>>
          %dma_wait3A_117 = tpu.memref_squeeze %dma_wait3A_116 : memref<1x128xi32, #tpu.memory_space<vmem>> -> memref<128xi32, #tpu.memory_space<vmem>>
          %dma_wait3A_118 = arith.constant 0 : i32
          %dma_wait3A_119 = arith.constant 0 : i32
          %dma_wait3A_120 = tpu.memref_slice %arg10[%dma_wait3A_118, %dma_wait3A_119] : memref<10240x128xf32, #tpu.memory_space<vmem_shared>> -> memref<10240x128xf32, #tpu.memory_space<vmem_shared>>
          tpu.wait_indirect_dma semaphore(%run_scoped3A : memref<!tpu.dma_semaphore, #tpu.memory_space<semaphore_mem>>) src(%arg8 : memref<128x128xf32, #tpu.memory_space<vmem>>) dst(%dma_wait3A_120 : memref<10240x128xf32, #tpu.memory_space<vmem_shared>>)
          tpu.yield
        }) : () -> ()
        %lt3A = arith.constant 7 : i32
        %lt3A_97 = arith.cmpi slt, %scan3A_81, %lt3A : i32
        %convert_element_type3A = arith.extui %lt3A_97 : i1 to i32
        %cond3A = arith.constant 0 : i32
        %cond3A_98 = arith.cmpi ne, %convert_element_type3A, %cond3A : i32
        scf.if %cond3A_98 {
          %add3A_109 = arith.constant 2 : i32
          %add3A_110 = arith.addi %mul3A_83, %add3A_109 : i32
          %dma_start3A_111 = arith.constant 0 : i32
          %dma_start3A_112 = tpu.memref_slice %arg6[%add3A_110, %dma_start3A_111] : memref<16x128xi32, #tpu.memory_space<vmem>> -> memref<1x128xi32, #tpu.memory_space<vmem>>
          %dma_start3A_113 = tpu.memref_squeeze %dma_start3A_112 : memref<1x128xi32, #tpu.memory_space<vmem>> -> memref<128xi32, #tpu.memory_space<vmem>>
          %dma_start3A_114 = arith.constant 0 : i32
          %dma_start3A_115 = arith.constant 0 : i32
          %dma_start3A_116 = tpu.memref_slice %arg2[%dma_start3A_114, %dma_start3A_115] : memref<10240x128xf32, #tpu.memory_space<hbm>> -> memref<10240x128xf32, #tpu.memory_space<hbm>>
          tpu.enqueue_indirect_dma source(%dma_start3A_116 : memref<10240x128xf32, #tpu.memory_space<hbm>>) target(%arg8 : memref<128x128xf32, #tpu.memory_space<vmem>>) offsets(%dma_start3A_113 : memref<128xi32, #tpu.memory_space<vmem>>) semaphore(%arg11 : memref<!tpu.dma_semaphore, #tpu.memory_space<semaphore_mem>>)
        } else {
        }
        %add3A_99 = arith.constant 1 : i32
        %add3A_100 = arith.addi %mul3A_83, %add3A_99 : i32
        %dma_wait3A_101 = arith.constant 0 : i32
        %dma_wait3A_102 = tpu.memref_slice %arg6[%add3A_100, %dma_wait3A_101] : memref<16x128xi32, #tpu.memory_space<vmem>> -> memref<1x128xi32, #tpu.memory_space<vmem>>
        %dma_wait3A_103 = tpu.memref_squeeze %dma_wait3A_102 : memref<1x128xi32, #tpu.memory_space<vmem>> -> memref<128xi32, #tpu.memory_space<vmem>>
        %dma_wait3A_104 = arith.constant 0 : i32
        %dma_wait3A_105 = arith.constant 0 : i32
        %dma_wait3A_106 = tpu.memref_slice %arg2[%dma_wait3A_104, %dma_wait3A_105] : memref<10240x128xf32, #tpu.memory_space<hbm>> -> memref<10240x128xf32, #tpu.memory_space<hbm>>
        tpu.wait_indirect_dma semaphore(%arg12 : memref<!tpu.dma_semaphore, #tpu.memory_space<semaphore_mem>>) src(%dma_wait3A_106 : memref<10240x128xf32, #tpu.memory_space<hbm>>) dst(%arg9 : memref<128x128xf32, #tpu.memory_space<vmem>>)
        %add3A_107 = arith.constant 1 : i32
        %add3A_108 = arith.addi %mul3A_83, %add3A_107 : i32
        "tpu.region"() ({
          %run_scoped3A = tpu.sem_alloc : memref<!tpu.dma_semaphore, #tpu.memory_space<semaphore_mem>>
          %dma_start3A_109 = arith.constant 0 : i32
          %dma_start3A_110 = tpu.memref_slice %arg7[%add3A_108, %dma_start3A_109] : memref<16x128xi32, #tpu.memory_space<vmem>> -> memref<1x128xi32, #tpu.memory_space<vmem>>
          %dma_start3A_111 = tpu.memref_squeeze %dma_start3A_110 : memref<1x128xi32, #tpu.memory_space<vmem>> -> memref<128xi32, #tpu.memory_space<vmem>>
          %dma_start3A_112 = arith.constant 0 : i32
          %dma_start3A_113 = arith.constant 0 : i32
          %dma_start3A_114 = tpu.memref_slice %arg10[%dma_start3A_112, %dma_start3A_113] : memref<10240x128xf32, #tpu.memory_space<vmem_shared>> -> memref<10240x128xf32, #tpu.memory_space<vmem_shared>>
          tpu.enqueue_indirect_dma source(%arg9 : memref<128x128xf32, #tpu.memory_space<vmem>>) target(%dma_start3A_114 : memref<10240x128xf32, #tpu.memory_space<vmem_shared>>) offsets(%dma_start3A_111 : memref<128xi32, #tpu.memory_space<vmem>>) semaphore(%run_scoped3A : memref<!tpu.dma_semaphore, #tpu.memory_space<semaphore_mem>>) {add = true}
          %dma_wait3A_115 = arith.constant 0 : i32
          %dma_wait3A_116 = tpu.memref_slice %arg7[%add3A_108, %dma_wait3A_115] : memref<16x128xi32, #tpu.memory_space<vmem>> -> memref<1x128xi32, #tpu.memory_space<vmem>>
          %dma_wait3A_117 = tpu.memref_squeeze %dma_wait3A_116 : memref<1x128xi32, #tpu.memory_space<vmem>> -> memref<128xi32, #tpu.memory_space<vmem>>
          %dma_wait3A_118 = arith.constant 0 : i32
          %dma_wait3A_119 = arith.constant 0 : i32
          %dma_wait3A_120 = tpu.memref_slice %arg10[%dma_wait3A_118, %dma_wait3A_119] : memref<10240x128xf32, #tpu.memory_space<vmem_shared>> -> memref<10240x128xf32, #tpu.memory_space<vmem_shared>>
          tpu.wait_indirect_dma semaphore(%run_scoped3A : memref<!tpu.dma_semaphore, #tpu.memory_space<semaphore_mem>>) src(%arg9 : memref<128x128xf32, #tpu.memory_space<vmem>>) dst(%dma_wait3A_120 : memref<10240x128xf32, #tpu.memory_space<vmem_shared>>)
          tpu.yield
        }) : () -> ()
      }
      %scan3A_80 = arith.constant 8 : i32
    }
    %while3A_43 = arith.constant 1 : i32
    scf.for %while3A_65 = %while3A_41 to %while3A_37 step %while3A_43  : i32 {
      %mul3A_66 = arith.constant 16 : i32
      %mul3A_67 = arith.muli %while3A_65, %mul3A_66 : i32
      %add3A_68 = arith.addi %select_n3A, %mul3A_67 : i32
      "tpu.region"() ({
        %run_scoped3A = tpu.sem_alloc : memref<!tpu.dma_semaphore, #tpu.memory_space<semaphore_mem>>
        %dma_start3A_81 = arith.constant 0 : i32
        %dma_start3A_82 = tpu.memref_slice %arg3[%add3A_68, %dma_start3A_81] : memref<2560x128xi32, #tpu.memory_space<hbm>> -> memref<16x128xi32, #tpu.memory_space<hbm>>
        %dma_start3A_83 = arith.constant 0 : i32
        %dma_start3A_84 = tpu.memref_slice %arg3[%add3A_68, %dma_start3A_83] : memref<2560x128xi32, #tpu.memory_space<hbm>> -> memref<16x128xi32, #tpu.memory_space<hbm>>
        tpu.enqueue_dma source(%dma_start3A_84 : memref<16x128xi32, #tpu.memory_space<hbm>>) target(%arg6 : memref<16x128xi32, #tpu.memory_space<vmem>>) target_semaphore(%run_scoped3A : memref<!tpu.dma_semaphore, #tpu.memory_space<semaphore_mem>>)
        %dma_wait3A = arith.constant 0 : i32
        %dma_wait3A_85 = tpu.memref_slice %arg3[%add3A_68, %dma_wait3A] : memref<2560x128xi32, #tpu.memory_space<hbm>> -> memref<16x128xi32, #tpu.memory_space<hbm>>
        %dma_wait3A_86 = arith.constant 0 : i32
        %dma_wait3A_87 = tpu.memref_slice %arg3[%add3A_68, %dma_wait3A_86] : memref<2560x128xi32, #tpu.memory_space<hbm>> -> memref<16x128xi32, #tpu.memory_space<hbm>>
        tpu.wait_dma2 semaphore(%run_scoped3A : memref<!tpu.dma_semaphore, #tpu.memory_space<semaphore_mem>>) src(%dma_wait3A_87 : memref<16x128xi32, #tpu.memory_space<hbm>>) dst(%arg6 : memref<16x128xi32, #tpu.memory_space<vmem>>)
        tpu.yield
      }) : () -> ()
      "tpu.region"() ({
        %run_scoped3A = tpu.sem_alloc : memref<!tpu.dma_semaphore, #tpu.memory_space<semaphore_mem>>
        %dma_start3A_81 = arith.constant 0 : i32
        %dma_start3A_82 = tpu.memref_slice %arg4[%add3A_68, %dma_start3A_81] : memref<2560x128xi32, #tpu.memory_space<hbm>> -> memref<16x128xi32, #tpu.memory_space<hbm>>
        %dma_start3A_83 = arith.constant 0 : i32
        %dma_start3A_84 = tpu.memref_slice %arg4[%add3A_68, %dma_start3A_83] : memref<2560x128xi32, #tpu.memory_space<hbm>> -> memref<16x128xi32, #tpu.memory_space<hbm>>
        tpu.enqueue_dma source(%dma_start3A_84 : memref<16x128xi32, #tpu.memory_space<hbm>>) target(%arg7 : memref<16x128xi32, #tpu.memory_space<vmem>>) target_semaphore(%run_scoped3A : memref<!tpu.dma_semaphore, #tpu.memory_space<semaphore_mem>>)
        %dma_wait3A = arith.constant 0 : i32
        %dma_wait3A_85 = tpu.memref_slice %arg4[%add3A_68, %dma_wait3A] : memref<2560x128xi32, #tpu.memory_space<hbm>> -> memref<16x128xi32, #tpu.memory_space<hbm>>
        %dma_wait3A_86 = arith.constant 0 : i32
        %dma_wait3A_87 = tpu.memref_slice %arg4[%add3A_68, %dma_wait3A_86] : memref<2560x128xi32, #tpu.memory_space<hbm>> -> memref<16x128xi32, #tpu.memory_space<hbm>>
        tpu.wait_dma2 semaphore(%run_scoped3A : memref<!tpu.dma_semaphore, #tpu.memory_space<semaphore_mem>>) src(%dma_wait3A_87 : memref<16x128xi32, #tpu.memory_space<hbm>>) dst(%arg7 : memref<16x128xi32, #tpu.memory_space<vmem>>)
        tpu.yield
      }) : () -> ()
      %dma_start3A = arith.constant 0 : i32
      %dma_start3A_69 = arith.constant 0 : i32
      %dma_start3A_70 = tpu.memref_slice %arg6[%dma_start3A, %dma_start3A_69] : memref<16x128xi32, #tpu.memory_space<vmem>> -> memref<1x128xi32, #tpu.memory_space<vmem>>
      %dma_start3A_71 = tpu.memref_squeeze %dma_start3A_70 : memref<1x128xi32, #tpu.memory_space<vmem>> -> memref<128xi32, #tpu.memory_space<vmem>>
      %dma_start3A_72 = arith.constant 0 : i32
      %dma_start3A_73 = arith.constant 0 : i32
      %dma_start3A_74 = tpu.memref_slice %arg2[%dma_start3A_72, %dma_start3A_73] : memref<10240x128xf32, #tpu.memory_space<hbm>> -> memref<10240x128xf32, #tpu.memory_space<hbm>>
      tpu.enqueue_indirect_dma source(%dma_start3A_74 : memref<10240x128xf32, #tpu.memory_space<hbm>>) target(%arg8 : memref<128x128xf32, #tpu.memory_space<vmem>>) offsets(%dma_start3A_71 : memref<128xi32, #tpu.memory_space<vmem>>) semaphore(%arg11 : memref<!tpu.dma_semaphore, #tpu.memory_space<semaphore_mem>>)
      %scan3A_75 = arith.constant 0 : i32
      %scan3A_76 = arith.constant 0 : i32
      %scan3A_77 = arith.constant 8 : i32
      %scan3A_78 = arith.addi %scan3A_76, %scan3A_77 : i32
      %scan3A_79 = arith.constant 1 : i32
      scf.for %scan3A_81 = %scan3A_76 to %scan3A_78 step %scan3A_79  : i32 {
        %mul3A_82 = arith.constant 2 : i32
        %mul3A_83 = arith.muli %mul3A_82, %scan3A_81 : i32
        %add3A_84 = arith.constant 1 : i32
        %add3A_85 = arith.addi %mul3A_83, %add3A_84 : i32
        %dma_start3A_86 = arith.constant 0 : i32
        %dma_start3A_87 = tpu.memref_slice %arg6[%add3A_85, %dma_start3A_86] : memref<16x128xi32, #tpu.memory_space<vmem>> -> memref<1x128xi32, #tpu.memory_space<vmem>>
        %dma_start3A_88 = tpu.memref_squeeze %dma_start3A_87 : memref<1x128xi32, #tpu.memory_space<vmem>> -> memref<128xi32, #tpu.memory_space<vmem>>
        %dma_start3A_89 = arith.constant 0 : i32
        %dma_start3A_90 = arith.constant 0 : i32
        %dma_start3A_91 = tpu.memref_slice %arg2[%dma_start3A_89, %dma_start3A_90] : memref<10240x128xf32, #tpu.memory_space<hbm>> -> memref<10240x128xf32, #tpu.memory_space<hbm>>
        tpu.enqueue_indirect_dma source(%dma_start3A_91 : memref<10240x128xf32, #tpu.memory_space<hbm>>) target(%arg9 : memref<128x128xf32, #tpu.memory_space<vmem>>) offsets(%dma_start3A_88 : memref<128xi32, #tpu.memory_space<vmem>>) semaphore(%arg12 : memref<!tpu.dma_semaphore, #tpu.memory_space<semaphore_mem>>)
        %dma_wait3A = arith.constant 0 : i32
        %dma_wait3A_92 = tpu.memref_slice %arg6[%mul3A_83, %dma_wait3A] : memref<16x128xi32, #tpu.memory_space<vmem>> -> memref<1x128xi32, #tpu.memory_space<vmem>>
        %dma_wait3A_93 = tpu.memref_squeeze %dma_wait3A_92 : memref<1x128xi32, #tpu.memory_space<vmem>> -> memref<128xi32, #tpu.memory_space<vmem>>
        %dma_wait3A_94 = arith.constant 0 : i32
        %dma_wait3A_95 = arith.constant 0 : i32
        %dma_wait3A_96 = tpu.memref_slice %arg2[%dma_wait3A_94, %dma_wait3A_95] : memref<10240x128xf32, #tpu.memory_space<hbm>> -> memref<10240x128xf32, #tpu.memory_space<hbm>>
        tpu.wait_indirect_dma semaphore(%arg11 : memref<!tpu.dma_semaphore, #tpu.memory_space<semaphore_mem>>) src(%dma_wait3A_96 : memref<10240x128xf32, #tpu.memory_space<hbm>>) dst(%arg8 : memref<128x128xf32, #tpu.memory_space<vmem>>)
        "tpu.region"() ({
          %run_scoped3A = tpu.sem_alloc : memref<!tpu.dma_semaphore, #tpu.memory_space<semaphore_mem>>
          %dma_start3A_109 = arith.constant 0 : i32
          %dma_start3A_110 = tpu.memref_slice %arg7[%mul3A_83, %dma_start3A_109] : memref<16x128xi32, #tpu.memory_space<vmem>> -> memref<1x128xi32, #tpu.memory_space<vmem>>
          %dma_start3A_111 = tpu.memref_squeeze %dma_start3A_110 : memref<1x128xi32, #tpu.memory_space<vmem>> -> memref<128xi32, #tpu.memory_space<vmem>>
          %dma_start3A_112 = arith.constant 0 : i32
          %dma_start3A_113 = arith.constant 0 : i32
          %dma_start3A_114 = tpu.memref_slice %arg10[%dma_start3A_112, %dma_start3A_113] : memref<10240x128xf32, #tpu.memory_space<vmem_shared>> -> memref<10240x128xf32, #tpu.memory_space<vmem_shared>>
          tpu.enqueue_indirect_dma source(%arg8 : memref<128x128xf32, #tpu.memory_space<vmem>>) target(%dma_start3A_114 : memref<10240x128xf32, #tpu.memory_space<vmem_shared>>) offsets(%dma_start3A_111 : memref<128xi32, #tpu.memory_space<vmem>>) semaphore(%run_scoped3A : memref<!tpu.dma_semaphore, #tpu.memory_space<semaphore_mem>>) {add = true}
          %dma_wait3A_115 = arith.constant 0 : i32
          %dma_wait3A_116 = tpu.memref_slice %arg7[%mul3A_83, %dma_wait3A_115] : memref<16x128xi32, #tpu.memory_space<vmem>> -> memref<1x128xi32, #tpu.memory_space<vmem>>
          %dma_wait3A_117 = tpu.memref_squeeze %dma_wait3A_116 : memref<1x128xi32, #tpu.memory_space<vmem>> -> memref<128xi32, #tpu.memory_space<vmem>>
          %dma_wait3A_118 = arith.constant 0 : i32
          %dma_wait3A_119 = arith.constant 0 : i32
          %dma_wait3A_120 = tpu.memref_slice %arg10[%dma_wait3A_118, %dma_wait3A_119] : memref<10240x128xf32, #tpu.memory_space<vmem_shared>> -> memref<10240x128xf32, #tpu.memory_space<vmem_shared>>
          tpu.wait_indirect_dma semaphore(%run_scoped3A : memref<!tpu.dma_semaphore, #tpu.memory_space<semaphore_mem>>) src(%arg8 : memref<128x128xf32, #tpu.memory_space<vmem>>) dst(%dma_wait3A_120 : memref<10240x128xf32, #tpu.memory_space<vmem_shared>>)
          tpu.yield
        }) : () -> ()
        %lt3A = arith.constant 7 : i32
        %lt3A_97 = arith.cmpi slt, %scan3A_81, %lt3A : i32
        %convert_element_type3A = arith.extui %lt3A_97 : i1 to i32
        %cond3A = arith.constant 0 : i32
        %cond3A_98 = arith.cmpi ne, %convert_element_type3A, %cond3A : i32
        scf.if %cond3A_98 {
          %add3A_109 = arith.constant 2 : i32
          %add3A_110 = arith.addi %mul3A_83, %add3A_109 : i32
          %dma_start3A_111 = arith.constant 0 : i32
          %dma_start3A_112 = tpu.memref_slice %arg6[%add3A_110, %dma_start3A_111] : memref<16x128xi32, #tpu.memory_space<vmem>> -> memref<1x128xi32, #tpu.memory_space<vmem>>
          %dma_start3A_113 = tpu.memref_squeeze %dma_start3A_112 : memref<1x128xi32, #tpu.memory_space<vmem>> -> memref<128xi32, #tpu.memory_space<vmem>>
          %dma_start3A_114 = arith.constant 0 : i32
          %dma_start3A_115 = arith.constant 0 : i32
          %dma_start3A_116 = tpu.memref_slice %arg2[%dma_start3A_114, %dma_start3A_115] : memref<10240x128xf32, #tpu.memory_space<hbm>> -> memref<10240x128xf32, #tpu.memory_space<hbm>>
          tpu.enqueue_indirect_dma source(%dma_start3A_116 : memref<10240x128xf32, #tpu.memory_space<hbm>>) target(%arg8 : memref<128x128xf32, #tpu.memory_space<vmem>>) offsets(%dma_start3A_113 : memref<128xi32, #tpu.memory_space<vmem>>) semaphore(%arg11 : memref<!tpu.dma_semaphore, #tpu.memory_space<semaphore_mem>>)
        } else {
        }
        %add3A_99 = arith.constant 1 : i32
        %add3A_100 = arith.addi %mul3A_83, %add3A_99 : i32
        %dma_wait3A_101 = arith.constant 0 : i32
        %dma_wait3A_102 = tpu.memref_slice %arg6[%add3A_100, %dma_wait3A_101] : memref<16x128xi32, #tpu.memory_space<vmem>> -> memref<1x128xi32, #tpu.memory_space<vmem>>
        %dma_wait3A_103 = tpu.memref_squeeze %dma_wait3A_102 : memref<1x128xi32, #tpu.memory_space<vmem>> -> memref<128xi32, #tpu.memory_space<vmem>>
        %dma_wait3A_104 = arith.constant 0 : i32
        %dma_wait3A_105 = arith.constant 0 : i32
        %dma_wait3A_106 = tpu.memref_slice %arg2[%dma_wait3A_104, %dma_wait3A_105] : memref<10240x128xf32, #tpu.memory_space<hbm>> -> memref<10240x128xf32, #tpu.memory_space<hbm>>
        tpu.wait_indirect_dma semaphore(%arg12 : memref<!tpu.dma_semaphore, #tpu.memory_space<semaphore_mem>>) src(%dma_wait3A_106 : memref<10240x128xf32, #tpu.memory_space<hbm>>) dst(%arg9 : memref<128x128xf32, #tpu.memory_space<vmem>>)
        %add3A_107 = arith.constant 1 : i32
        %add3A_108 = arith.addi %mul3A_83, %add3A_107 : i32
        "tpu.region"() ({
          %run_scoped3A = tpu.sem_alloc : memref<!tpu.dma_semaphore, #tpu.memory_space<semaphore_mem>>
          %dma_start3A_109 = arith.constant 0 : i32
          %dma_start3A_110 = tpu.memref_slice %arg7[%add3A_108, %dma_start3A_109] : memref<16x128xi32, #tpu.memory_space<vmem>> -> memref<1x128xi32, #tpu.memory_space<vmem>>
          %dma_start3A_111 = tpu.memref_squeeze %dma_start3A_110 : memref<1x128xi32, #tpu.memory_space<vmem>> -> memref<128xi32, #tpu.memory_space<vmem>>
          %dma_start3A_112 = arith.constant 0 : i32
          %dma_start3A_113 = arith.constant 0 : i32
          %dma_start3A_114 = tpu.memref_slice %arg10[%dma_start3A_112, %dma_start3A_113] : memref<10240x128xf32, #tpu.memory_space<vmem_shared>> -> memref<10240x128xf32, #tpu.memory_space<vmem_shared>>
          tpu.enqueue_indirect_dma source(%arg9 : memref<128x128xf32, #tpu.memory_space<vmem>>) target(%dma_start3A_114 : memref<10240x128xf32, #tpu.memory_space<vmem_shared>>) offsets(%dma_start3A_111 : memref<128xi32, #tpu.memory_space<vmem>>) semaphore(%run_scoped3A : memref<!tpu.dma_semaphore, #tpu.memory_space<semaphore_mem>>) {add = true}
          %dma_wait3A_115 = arith.constant 0 : i32
          %dma_wait3A_116 = tpu.memref_slice %arg7[%add3A_108, %dma_wait3A_115] : memref<16x128xi32, #tpu.memory_space<vmem>> -> memref<1x128xi32, #tpu.memory_space<vmem>>
          %dma_wait3A_117 = tpu.memref_squeeze %dma_wait3A_116 : memref<1x128xi32, #tpu.memory_space<vmem>> -> memref<128xi32, #tpu.memory_space<vmem>>
          %dma_wait3A_118 = arith.constant 0 : i32
          %dma_wait3A_119 = arith.constant 0 : i32
          %dma_wait3A_120 = tpu.memref_slice %arg10[%dma_wait3A_118, %dma_wait3A_119] : memref<10240x128xf32, #tpu.memory_space<vmem_shared>> -> memref<10240x128xf32, #tpu.memory_space<vmem_shared>>
          tpu.wait_indirect_dma semaphore(%run_scoped3A : memref<!tpu.dma_semaphore, #tpu.memory_space<semaphore_mem>>) src(%arg9 : memref<128x128xf32, #tpu.memory_space<vmem>>) dst(%dma_wait3A_120 : memref<10240x128xf32, #tpu.memory_space<vmem_shared>>)
          tpu.yield
        }) : () -> ()
      }
      %scan3A_80 = arith.constant 8 : i32
    }
    %barrier3A_44 = arith.constant 0 : index
    tpu.barrier barrier_id(%barrier3A_44)
    %mul3A_45 = arith.constant 640 : i32
    %mul3A_46 = arith.muli %arg1, %mul3A_45 : i32
    %add3A_47 = arith.constant 0 : i32
    %add3A_48 = arith.addi %mul3A_46, %add3A_47 : i32
    "tpu.region"() ({
      %run_scoped3A = tpu.sem_alloc : memref<!tpu.dma_semaphore, #tpu.memory_space<semaphore_mem>>
      %dma_start3A = arith.constant 0 : i32
      %dma_start3A_65 = tpu.memref_slice %arg10[%add3A_48, %dma_start3A] : memref<10240x128xf32, #tpu.memory_space<vmem_shared>> -> memref<128x128xf32, #tpu.memory_space<vmem_shared>>
      %dma_start3A_66 = arith.constant 0 : i32
      %dma_start3A_67 = tpu.memref_slice %arg10[%add3A_48, %dma_start3A_66] : memref<10240x128xf32, #tpu.memory_space<vmem_shared>> -> memref<128x128xf32, #tpu.memory_space<vmem_shared>>
      tpu.enqueue_dma source(%dma_start3A_67 : memref<128x128xf32, #tpu.memory_space<vmem_shared>>) target(%arg8 : memref<128x128xf32, #tpu.memory_space<vmem>>) target_semaphore(%run_scoped3A : memref<!tpu.dma_semaphore, #tpu.memory_space<semaphore_mem>>)
      %dma_wait3A = arith.constant 0 : i32
      %dma_wait3A_68 = tpu.memref_slice %arg10[%add3A_48, %dma_wait3A] : memref<10240x128xf32, #tpu.memory_space<vmem_shared>> -> memref<128x128xf32, #tpu.memory_space<vmem_shared>>
      %dma_wait3A_69 = arith.constant 0 : i32
      %dma_wait3A_70 = tpu.memref_slice %arg10[%add3A_48, %dma_wait3A_69] : memref<10240x128xf32, #tpu.memory_space<vmem_shared>> -> memref<128x128xf32, #tpu.memory_space<vmem_shared>>
      tpu.wait_dma2 semaphore(%run_scoped3A : memref<!tpu.dma_semaphore, #tpu.memory_space<semaphore_mem>>) src(%dma_wait3A_70 : memref<128x128xf32, #tpu.memory_space<vmem_shared>>) dst(%arg8 : memref<128x128xf32, #tpu.memory_space<vmem>>)
      tpu.yield
    }) : () -> ()
    "tpu.region"() ({
      %run_scoped3A = tpu.sem_alloc : memref<!tpu.dma_semaphore, #tpu.memory_space<semaphore_mem>>
      %dma_start3A = arith.constant 0 : i32
      %dma_start3A_65 = tpu.memref_slice %arg5[%arg0, %add3A_48, %dma_start3A] : memref<2x10240x128xf32, #tpu.memory_space<hbm>> -> memref<1x128x128xf32, #tpu.memory_space<hbm>>
      %dma_start3A_66 = tpu.memref_squeeze %dma_start3A_65 : memref<1x128x128xf32, #tpu.memory_space<hbm>> -> memref<128x128xf32, #tpu.memory_space<hbm>>
      %dma_start3A_67 = arith.constant 0 : i32
      %dma_start3A_68 = tpu.memref_slice %arg5[%arg0, %add3A_48, %dma_start3A_67] : memref<2x10240x128xf32, #tpu.memory_space<hbm>> -> memref<1x128x128xf32, #tpu.memory_space<hbm>>
      %dma_start3A_69 = tpu.memref_squeeze %dma_start3A_68 : memref<1x128x128xf32, #tpu.memory_space<hbm>> -> memref<128x128xf32, #tpu.memory_space<hbm>>
      tpu.enqueue_dma source(%arg8 : memref<128x128xf32, #tpu.memory_space<vmem>>) target(%dma_start3A_69 : memref<128x128xf32, #tpu.memory_space<hbm>>) target_semaphore(%run_scoped3A : memref<!tpu.dma_semaphore, #tpu.memory_space<semaphore_mem>>)
      %dma_wait3A = arith.constant 0 : i32
      %dma_wait3A_70 = tpu.memref_slice %arg5[%arg0, %add3A_48, %dma_wait3A] : memref<2x10240x128xf32, #tpu.memory_space<hbm>> -> memref<1x128x128xf32, #tpu.memory_space<hbm>>
      %dma_wait3A_71 = tpu.memref_squeeze %dma_wait3A_70 : memref<1x128x128xf32, #tpu.memory_space<hbm>> -> memref<128x128xf32, #tpu.memory_space<hbm>>
      %dma_wait3A_72 = arith.constant 0 : i32
      %dma_wait3A_73 = tpu.memref_slice %arg5[%arg0, %add3A_48, %dma_wait3A_72] : memref<2x10240x128xf32, #tpu.memory_space<hbm>> -> memref<1x128x128xf32, #tpu.memory_space<hbm>>
      %dma_wait3A_74 = tpu.memref_squeeze %dma_wait3A_73 : memref<1x128x128xf32, #tpu.memory_space<hbm>> -> memref<128x128xf32, #tpu.memory_space<hbm>>
      tpu.wait_dma2 semaphore(%run_scoped3A : memref<!tpu.dma_semaphore, #tpu.memory_space<semaphore_mem>>) src(%arg8 : memref<128x128xf32, #tpu.memory_space<vmem>>) dst(%dma_wait3A_74 : memref<128x128xf32, #tpu.memory_space<hbm>>)
      tpu.yield
    }) : () -> ()
    %mul3A_49 = arith.constant 640 : i32
    %mul3A_50 = arith.muli %arg1, %mul3A_49 : i32
    %add3A_51 = arith.constant 128 : i32
    %add3A_52 = arith.addi %mul3A_50, %add3A_51 : i32
    "tpu.region"() ({
      %run_scoped3A = tpu.sem_alloc : memref<!tpu.dma_semaphore, #tpu.memory_space<semaphore_mem>>
      %dma_start3A = arith.constant 0 : i32
      %dma_start3A_65 = tpu.memref_slice %arg10[%add3A_52, %dma_start3A] : memref<10240x128xf32, #tpu.memory_space<vmem_shared>> -> memref<128x128xf32, #tpu.memory_space<vmem_shared>>
      %dma_start3A_66 = arith.constant 0 : i32
      %dma_start3A_67 = tpu.memref_slice %arg10[%add3A_52, %dma_start3A_66] : memref<10240x128xf32, #tpu.memory_space<vmem_shared>> -> memref<128x128xf32, #tpu.memory_space<vmem_shared>>
      tpu.enqueue_dma source(%dma_start3A_67 : memref<128x128xf32, #tpu.memory_space<vmem_shared>>) target(%arg8 : memref<128x128xf32, #tpu.memory_space<vmem>>) target_semaphore(%run_scoped3A : memref<!tpu.dma_semaphore, #tpu.memory_space<semaphore_mem>>)
      %dma_wait3A = arith.constant 0 : i32
      %dma_wait3A_68 = tpu.memref_slice %arg10[%add3A_52, %dma_wait3A] : memref<10240x128xf32, #tpu.memory_space<vmem_shared>> -> memref<128x128xf32, #tpu.memory_space<vmem_shared>>
      %dma_wait3A_69 = arith.constant 0 : i32
      %dma_wait3A_70 = tpu.memref_slice %arg10[%add3A_52, %dma_wait3A_69] : memref<10240x128xf32, #tpu.memory_space<vmem_shared>> -> memref<128x128xf32, #tpu.memory_space<vmem_shared>>
      tpu.wait_dma2 semaphore(%run_scoped3A : memref<!tpu.dma_semaphore, #tpu.memory_space<semaphore_mem>>) src(%dma_wait3A_70 : memref<128x128xf32, #tpu.memory_space<vmem_shared>>) dst(%arg8 : memref<128x128xf32, #tpu.memory_space<vmem>>)
      tpu.yield
    }) : () -> ()
    "tpu.region"() ({
      %run_scoped3A = tpu.sem_alloc : memref<!tpu.dma_semaphore, #tpu.memory_space<semaphore_mem>>
      %dma_start3A = arith.constant 0 : i32
      %dma_start3A_65 = tpu.memref_slice %arg5[%arg0, %add3A_52, %dma_start3A] : memref<2x10240x128xf32, #tpu.memory_space<hbm>> -> memref<1x128x128xf32, #tpu.memory_space<hbm>>
      %dma_start3A_66 = tpu.memref_squeeze %dma_start3A_65 : memref<1x128x128xf32, #tpu.memory_space<hbm>> -> memref<128x128xf32, #tpu.memory_space<hbm>>
      %dma_start3A_67 = arith.constant 0 : i32
      %dma_start3A_68 = tpu.memref_slice %arg5[%arg0, %add3A_52, %dma_start3A_67] : memref<2x10240x128xf32, #tpu.memory_space<hbm>> -> memref<1x128x128xf32, #tpu.memory_space<hbm>>
      %dma_start3A_69 = tpu.memref_squeeze %dma_start3A_68 : memref<1x128x128xf32, #tpu.memory_space<hbm>> -> memref<128x128xf32, #tpu.memory_space<hbm>>
      tpu.enqueue_dma source(%arg8 : memref<128x128xf32, #tpu.memory_space<vmem>>) target(%dma_start3A_69 : memref<128x128xf32, #tpu.memory_space<hbm>>) target_semaphore(%run_scoped3A : memref<!tpu.dma_semaphore, #tpu.memory_space<semaphore_mem>>)
      %dma_wait3A = arith.constant 0 : i32
      %dma_wait3A_70 = tpu.memref_slice %arg5[%arg0, %add3A_52, %dma_wait3A] : memref<2x10240x128xf32, #tpu.memory_space<hbm>> -> memref<1x128x128xf32, #tpu.memory_space<hbm>>
      %dma_wait3A_71 = tpu.memref_squeeze %dma_wait3A_70 : memref<1x128x128xf32, #tpu.memory_space<hbm>> -> memref<128x128xf32, #tpu.memory_space<hbm>>
      %dma_wait3A_72 = arith.constant 0 : i32
      %dma_wait3A_73 = tpu.memref_slice %arg5[%arg0, %add3A_52, %dma_wait3A_72] : memref<2x10240x128xf32, #tpu.memory_space<hbm>> -> memref<1x128x128xf32, #tpu.memory_space<hbm>>
      %dma_wait3A_74 = tpu.memref_squeeze %dma_wait3A_73 : memref<1x128x128xf32, #tpu.memory_space<hbm>> -> memref<128x128xf32, #tpu.memory_space<hbm>>
      tpu.wait_dma2 semaphore(%run_scoped3A : memref<!tpu.dma_semaphore, #tpu.memory_space<semaphore_mem>>) src(%arg8 : memref<128x128xf32, #tpu.memory_space<vmem>>) dst(%dma_wait3A_74 : memref<128x128xf32, #tpu.memory_space<hbm>>)
      tpu.yield
    }) : () -> ()
    %mul3A_53 = arith.constant 640 : i32
    %mul3A_54 = arith.muli %arg1, %mul3A_53 : i32
    %add3A_55 = arith.constant 256 : i32
    %add3A_56 = arith.addi %mul3A_54, %add3A_55 : i32
    "tpu.region"() ({
      %run_scoped3A = tpu.sem_alloc : memref<!tpu.dma_semaphore, #tpu.memory_space<semaphore_mem>>
      %dma_start3A = arith.constant 0 : i32
      %dma_start3A_65 = tpu.memref_slice %arg10[%add3A_56, %dma_start3A] : memref<10240x128xf32, #tpu.memory_space<vmem_shared>> -> memref<128x128xf32, #tpu.memory_space<vmem_shared>>
      %dma_start3A_66 = arith.constant 0 : i32
      %dma_start3A_67 = tpu.memref_slice %arg10[%add3A_56, %dma_start3A_66] : memref<10240x128xf32, #tpu.memory_space<vmem_shared>> -> memref<128x128xf32, #tpu.memory_space<vmem_shared>>
      tpu.enqueue_dma source(%dma_start3A_67 : memref<128x128xf32, #tpu.memory_space<vmem_shared>>) target(%arg8 : memref<128x128xf32, #tpu.memory_space<vmem>>) target_semaphore(%run_scoped3A : memref<!tpu.dma_semaphore, #tpu.memory_space<semaphore_mem>>)
      %dma_wait3A = arith.constant 0 : i32
      %dma_wait3A_68 = tpu.memref_slice %arg10[%add3A_56, %dma_wait3A] : memref<10240x128xf32, #tpu.memory_space<vmem_shared>> -> memref<128x128xf32, #tpu.memory_space<vmem_shared>>
      %dma_wait3A_69 = arith.constant 0 : i32
      %dma_wait3A_70 = tpu.memref_slice %arg10[%add3A_56, %dma_wait3A_69] : memref<10240x128xf32, #tpu.memory_space<vmem_shared>> -> memref<128x128xf32, #tpu.memory_space<vmem_shared>>
      tpu.wait_dma2 semaphore(%run_scoped3A : memref<!tpu.dma_semaphore, #tpu.memory_space<semaphore_mem>>) src(%dma_wait3A_70 : memref<128x128xf32, #tpu.memory_space<vmem_shared>>) dst(%arg8 : memref<128x128xf32, #tpu.memory_space<vmem>>)
      tpu.yield
    }) : () -> ()
    "tpu.region"() ({
      %run_scoped3A = tpu.sem_alloc : memref<!tpu.dma_semaphore, #tpu.memory_space<semaphore_mem>>
      %dma_start3A = arith.constant 0 : i32
      %dma_start3A_65 = tpu.memref_slice %arg5[%arg0, %add3A_56, %dma_start3A] : memref<2x10240x128xf32, #tpu.memory_space<hbm>> -> memref<1x128x128xf32, #tpu.memory_space<hbm>>
      %dma_start3A_66 = tpu.memref_squeeze %dma_start3A_65 : memref<1x128x128xf32, #tpu.memory_space<hbm>> -> memref<128x128xf32, #tpu.memory_space<hbm>>
      %dma_start3A_67 = arith.constant 0 : i32
      %dma_start3A_68 = tpu.memref_slice %arg5[%arg0, %add3A_56, %dma_start3A_67] : memref<2x10240x128xf32, #tpu.memory_space<hbm>> -> memref<1x128x128xf32, #tpu.memory_space<hbm>>
      %dma_start3A_69 = tpu.memref_squeeze %dma_start3A_68 : memref<1x128x128xf32, #tpu.memory_space<hbm>> -> memref<128x128xf32, #tpu.memory_space<hbm>>
      tpu.enqueue_dma source(%arg8 : memref<128x128xf32, #tpu.memory_space<vmem>>) target(%dma_start3A_69 : memref<128x128xf32, #tpu.memory_space<hbm>>) target_semaphore(%run_scoped3A : memref<!tpu.dma_semaphore, #tpu.memory_space<semaphore_mem>>)
      %dma_wait3A = arith.constant 0 : i32
      %dma_wait3A_70 = tpu.memref_slice %arg5[%arg0, %add3A_56, %dma_wait3A] : memref<2x10240x128xf32, #tpu.memory_space<hbm>> -> memref<1x128x128xf32, #tpu.memory_space<hbm>>
      %dma_wait3A_71 = tpu.memref_squeeze %dma_wait3A_70 : memref<1x128x128xf32, #tpu.memory_space<hbm>> -> memref<128x128xf32, #tpu.memory_space<hbm>>
      %dma_wait3A_72 = arith.constant 0 : i32
      %dma_wait3A_73 = tpu.memref_slice %arg5[%arg0, %add3A_56, %dma_wait3A_72] : memref<2x10240x128xf32, #tpu.memory_space<hbm>> -> memref<1x128x128xf32, #tpu.memory_space<hbm>>
      %dma_wait3A_74 = tpu.memref_squeeze %dma_wait3A_73 : memref<1x128x128xf32, #tpu.memory_space<hbm>> -> memref<128x128xf32, #tpu.memory_space<hbm>>
      tpu.wait_dma2 semaphore(%run_scoped3A : memref<!tpu.dma_semaphore, #tpu.memory_space<semaphore_mem>>) src(%arg8 : memref<128x128xf32, #tpu.memory_space<vmem>>) dst(%dma_wait3A_74 : memref<128x128xf32, #tpu.memory_space<hbm>>)
      tpu.yield
    }) : () -> ()
    %mul3A_57 = arith.constant 640 : i32
    %mul3A_58 = arith.muli %arg1, %mul3A_57 : i32
    %add3A_59 = arith.constant 384 : i32
    %add3A_60 = arith.addi %mul3A_58, %add3A_59 : i32
    "tpu.region"() ({
      %run_scoped3A = tpu.sem_alloc : memref<!tpu.dma_semaphore, #tpu.memory_space<semaphore_mem>>
      %dma_start3A = arith.constant 0 : i32
      %dma_start3A_65 = tpu.memref_slice %arg10[%add3A_60, %dma_start3A] : memref<10240x128xf32, #tpu.memory_space<vmem_shared>> -> memref<128x128xf32, #tpu.memory_space<vmem_shared>>
      %dma_start3A_66 = arith.constant 0 : i32
      %dma_start3A_67 = tpu.memref_slice %arg10[%add3A_60, %dma_start3A_66] : memref<10240x128xf32, #tpu.memory_space<vmem_shared>> -> memref<128x128xf32, #tpu.memory_space<vmem_shared>>
      tpu.enqueue_dma source(%dma_start3A_67 : memref<128x128xf32, #tpu.memory_space<vmem_shared>>) target(%arg8 : memref<128x128xf32, #tpu.memory_space<vmem>>) target_semaphore(%run_scoped3A : memref<!tpu.dma_semaphore, #tpu.memory_space<semaphore_mem>>)
      %dma_wait3A = arith.constant 0 : i32
      %dma_wait3A_68 = tpu.memref_slice %arg10[%add3A_60, %dma_wait3A] : memref<10240x128xf32, #tpu.memory_space<vmem_shared>> -> memref<128x128xf32, #tpu.memory_space<vmem_shared>>
      %dma_wait3A_69 = arith.constant 0 : i32
      %dma_wait3A_70 = tpu.memref_slice %arg10[%add3A_60, %dma_wait3A_69] : memref<10240x128xf32, #tpu.memory_space<vmem_shared>> -> memref<128x128xf32, #tpu.memory_space<vmem_shared>>
      tpu.wait_dma2 semaphore(%run_scoped3A : memref<!tpu.dma_semaphore, #tpu.memory_space<semaphore_mem>>) src(%dma_wait3A_70 : memref<128x128xf32, #tpu.memory_space<vmem_shared>>) dst(%arg8 : memref<128x128xf32, #tpu.memory_space<vmem>>)
      tpu.yield
    }) : () -> ()
    "tpu.region"() ({
      %run_scoped3A = tpu.sem_alloc : memref<!tpu.dma_semaphore, #tpu.memory_space<semaphore_mem>>
      %dma_start3A = arith.constant 0 : i32
      %dma_start3A_65 = tpu.memref_slice %arg5[%arg0, %add3A_60, %dma_start3A] : memref<2x10240x128xf32, #tpu.memory_space<hbm>> -> memref<1x128x128xf32, #tpu.memory_space<hbm>>
      %dma_start3A_66 = tpu.memref_squeeze %dma_start3A_65 : memref<1x128x128xf32, #tpu.memory_space<hbm>> -> memref<128x128xf32, #tpu.memory_space<hbm>>
      %dma_start3A_67 = arith.constant 0 : i32
      %dma_start3A_68 = tpu.memref_slice %arg5[%arg0, %add3A_60, %dma_start3A_67] : memref<2x10240x128xf32, #tpu.memory_space<hbm>> -> memref<1x128x128xf32, #tpu.memory_space<hbm>>
      %dma_start3A_69 = tpu.memref_squeeze %dma_start3A_68 : memref<1x128x128xf32, #tpu.memory_space<hbm>> -> memref<128x128xf32, #tpu.memory_space<hbm>>
      tpu.enqueue_dma source(%arg8 : memref<128x128xf32, #tpu.memory_space<vmem>>) target(%dma_start3A_69 : memref<128x128xf32, #tpu.memory_space<hbm>>) target_semaphore(%run_scoped3A : memref<!tpu.dma_semaphore, #tpu.memory_space<semaphore_mem>>)
      %dma_wait3A = arith.constant 0 : i32
      %dma_wait3A_70 = tpu.memref_slice %arg5[%arg0, %add3A_60, %dma_wait3A] : memref<2x10240x128xf32, #tpu.memory_space<hbm>> -> memref<1x128x128xf32, #tpu.memory_space<hbm>>
      %dma_wait3A_71 = tpu.memref_squeeze %dma_wait3A_70 : memref<1x128x128xf32, #tpu.memory_space<hbm>> -> memref<128x128xf32, #tpu.memory_space<hbm>>
      %dma_wait3A_72 = arith.constant 0 : i32
      %dma_wait3A_73 = tpu.memref_slice %arg5[%arg0, %add3A_60, %dma_wait3A_72] : memref<2x10240x128xf32, #tpu.memory_space<hbm>> -> memref<1x128x128xf32, #tpu.memory_space<hbm>>
      %dma_wait3A_74 = tpu.memref_squeeze %dma_wait3A_73 : memref<1x128x128xf32, #tpu.memory_space<hbm>> -> memref<128x128xf32, #tpu.memory_space<hbm>>
      tpu.wait_dma2 semaphore(%run_scoped3A : memref<!tpu.dma_semaphore, #tpu.memory_space<semaphore_mem>>) src(%arg8 : memref<128x128xf32, #tpu.memory_space<vmem>>) dst(%dma_wait3A_74 : memref<128x128xf32, #tpu.memory_space<hbm>>)
      tpu.yield
    }) : () -> ()
    %mul3A_61 = arith.constant 640 : i32
    %mul3A_62 = arith.muli %arg1, %mul3A_61 : i32
    %add3A_63 = arith.constant 512 : i32
    %add3A_64 = arith.addi %mul3A_62, %add3A_63 : i32
    "tpu.region"() ({
      %run_scoped3A = tpu.sem_alloc : memref<!tpu.dma_semaphore, #tpu.memory_space<semaphore_mem>>
      %dma_start3A = arith.constant 0 : i32
      %dma_start3A_65 = tpu.memref_slice %arg10[%add3A_64, %dma_start3A] : memref<10240x128xf32, #tpu.memory_space<vmem_shared>> -> memref<128x128xf32, #tpu.memory_space<vmem_shared>>
      %dma_start3A_66 = arith.constant 0 : i32
      %dma_start3A_67 = tpu.memref_slice %arg10[%add3A_64, %dma_start3A_66] : memref<10240x128xf32, #tpu.memory_space<vmem_shared>> -> memref<128x128xf32, #tpu.memory_space<vmem_shared>>
      tpu.enqueue_dma source(%dma_start3A_67 : memref<128x128xf32, #tpu.memory_space<vmem_shared>>) target(%arg8 : memref<128x128xf32, #tpu.memory_space<vmem>>) target_semaphore(%run_scoped3A : memref<!tpu.dma_semaphore, #tpu.memory_space<semaphore_mem>>)
      %dma_wait3A = arith.constant 0 : i32
      %dma_wait3A_68 = tpu.memref_slice %arg10[%add3A_64, %dma_wait3A] : memref<10240x128xf32, #tpu.memory_space<vmem_shared>> -> memref<128x128xf32, #tpu.memory_space<vmem_shared>>
      %dma_wait3A_69 = arith.constant 0 : i32
      %dma_wait3A_70 = tpu.memref_slice %arg10[%add3A_64, %dma_wait3A_69] : memref<10240x128xf32, #tpu.memory_space<vmem_shared>> -> memref<128x128xf32, #tpu.memory_space<vmem_shared>>
      tpu.wait_dma2 semaphore(%run_scoped3A : memref<!tpu.dma_semaphore, #tpu.memory_space<semaphore_mem>>) src(%dma_wait3A_70 : memref<128x128xf32, #tpu.memory_space<vmem_shared>>) dst(%arg8 : memref<128x128xf32, #tpu.memory_space<vmem>>)
      tpu.yield
    }) : () -> ()
    "tpu.region"() ({
      %run_scoped3A = tpu.sem_alloc : memref<!tpu.dma_semaphore, #tpu.memory_space<semaphore_mem>>
      %dma_start3A = arith.constant 0 : i32
      %dma_start3A_65 = tpu.memref_slice %arg5[%arg0, %add3A_64, %dma_start3A] : memref<2x10240x128xf32, #tpu.memory_space<hbm>> -> memref<1x128x128xf32, #tpu.memory_space<hbm>>
      %dma_start3A_66 = tpu.memref_squeeze %dma_start3A_65 : memref<1x128x128xf32, #tpu.memory_space<hbm>> -> memref<128x128xf32, #tpu.memory_space<hbm>>
      %dma_start3A_67 = arith.constant 0 : i32
      %dma_start3A_68 = tpu.memref_slice %arg5[%arg0, %add3A_64, %dma_start3A_67] : memref<2x10240x128xf32, #tpu.memory_space<hbm>> -> memref<1x128x128xf32, #tpu.memory_space<hbm>>
      %dma_start3A_69 = tpu.memref_squeeze %dma_start3A_68 : memref<1x128x128xf32, #tpu.memory_space<hbm>> -> memref<128x128xf32, #tpu.memory_space<hbm>>
      tpu.enqueue_dma source(%arg8 : memref<128x128xf32, #tpu.memory_space<vmem>>) target(%dma_start3A_69 : memref<128x128xf32, #tpu.memory_space<hbm>>) target_semaphore(%run_scoped3A : memref<!tpu.dma_semaphore, #tpu.memory_space<semaphore_mem>>)
      %dma_wait3A = arith.constant 0 : i32
      %dma_wait3A_70 = tpu.memref_slice %arg5[%arg0, %add3A_64, %dma_wait3A] : memref<2x10240x128xf32, #tpu.memory_space<hbm>> -> memref<1x128x128xf32, #tpu.memory_space<hbm>>
      %dma_wait3A_71 = tpu.memref_squeeze %dma_wait3A_70 : memref<1x128x128xf32, #tpu.memory_space<hbm>> -> memref<128x128xf32, #tpu.memory_space<hbm>>
      %dma_wait3A_72 = arith.constant 0 : i32
      %dma_wait3A_73 = tpu.memref_slice %arg5[%arg0, %add3A_64, %dma_wait3A_72] : memref<2x10240x128xf32, #tpu.memory_space<hbm>> -> memref<1x128x128xf32, #tpu.memory_space<hbm>>
      %dma_wait3A_74 = tpu.memref_squeeze %dma_wait3A_73 : memref<1x128x128xf32, #tpu.memory_space<hbm>> -> memref<128x128xf32, #tpu.memory_space<hbm>>
      tpu.wait_dma2 semaphore(%run_scoped3A : memref<!tpu.dma_semaphore, #tpu.memory_space<semaphore_mem>>) src(%arg8 : memref<128x128xf32, #tpu.memory_space<vmem>>) dst(%dma_wait3A_74 : memref<128x128xf32, #tpu.memory_space<hbm>>)
      tpu.yield
    }) : () -> ()
    return
  }
}

#map = affine_map<(d0, d1) -> (0, 0)>
#map1 = affine_map<(d0, d1) -> (0, 0, 0)>
module attributes {stable_mosaic.version = 14 : i64} {
  func.func @_sc_aggregate(%arg0: i32, %arg1: i32, %arg2: memref<10240x128xf32, #tpu.memory_space<hbm>>, %arg3: memref<2560x128xi32, #tpu.memory_space<hbm>>, %arg4: memref<2560x128xi32, #tpu.memory_space<hbm>>, %arg5: memref<2x10240x128xf32, #tpu.memory_space<hbm>>, %arg6: memref<16x128xi32, #tpu.memory_space<vmem>>, %arg7: memref<16x128xi32, #tpu.memory_space<vmem>>, %arg8: memref<128x128xf32, #tpu.memory_space<vmem>>, %arg9: memref<128x128xf32, #tpu.memory_space<vmem>>, %arg10: memref<10240x128xf32, #tpu.memory_space<vmem_shared>>, %arg11: memref<!tpu.dma_semaphore, #tpu.memory_space<semaphore_mem>>, %arg12: memref<!tpu.dma_semaphore, #tpu.memory_space<semaphore_mem>>) attributes {dimension_semantics = [#tpu.dimension_semantics<core_parallel>, #tpu.dimension_semantics<subcore_parallel>], iteration_bounds = array<i64: 2, 16>, scalar_prefetch = 0 : i64, scratch_operands = 7 : i64, tpu.core_type = #tpu.core_type<sc_vector_subcore>, window_params = [{transform_indices = #map}, {transform_indices = #map}, {transform_indices = #map}, {transform_indices = #map1}]} {
    %broadcast_in_dim3A = arith.constant 0.000000e+00 : f32
    %broadcast_in_dim3A_0 = vector.broadcast %broadcast_in_dim3A : f32 to vector<16xf32>
    %scan3A = arith.constant 0 : i32
    %scan3A_1 = arith.constant 0 : i32
    %scan3A_2 = arith.constant 128 : i32
    %scan3A_3 = arith.addi %scan3A_1, %scan3A_2 : i32
    %scan3A_4 = arith.constant 1 : i32
    scf.for %scan3A_65 = %scan3A_1 to %scan3A_3 step %scan3A_4  : i32 {
      %swap3A = arith.index_cast %scan3A_65 : i32 to index
      %swap3A_66 = arith.constant 0 : index
      %swap3A_67 = tpu.vector_load %arg8[%swap3A, %swap3A_66] {strides = array<i32>} : memref<128x128xf32, #tpu.memory_space<vmem>>, vector<1x16xf32>,
      %swap3A_68 = vector.shape_cast %swap3A_67 : vector<1x16xf32> to vector<16xf32>
      %swap3A_69 = vector.shape_cast %broadcast_in_dim3A_0 : vector<16xf32> to vector<1x16xf32>
      tpu.vector_store %arg8[%swap3A, %swap3A_66], %swap3A_69 {strides = array<i32>} : memref<128x128xf32, #tpu.memory_space<vmem>>, vector<1x16xf32>,
      %swap3A_70 = arith.index_cast %scan3A_65 : i32 to index
      %swap3A_71 = arith.constant 16 : index
      %swap3A_72 = tpu.vector_load %arg8[%swap3A_70, %swap3A_71] {strides = array<i32>} : memref<128x128xf32, #tpu.memory_space<vmem>>, vector<1x16xf32>,
      %swap3A_73 = vector.shape_cast %swap3A_72 : vector<1x16xf32> to vector<16xf32>
      %swap3A_74 = vector.shape_cast %broadcast_in_dim3A_0 : vector<16xf32> to vector<1x16xf32>
      tpu.vector_store %arg8[%swap3A_70, %swap3A_71], %swap3A_74 {strides = array<i32>} : memref<128x128xf32, #tpu.memory_space<vmem>>, vector<1x16xf32>,
      %swap3A_75 = arith.index_cast %scan3A_65 : i32 to index
      %swap3A_76 = arith.constant 32 : index
      %swap3A_77 = tpu.vector_load %arg8[%swap3A_75, %swap3A_76] {strides = array<i32>} : memref<128x128xf32, #tpu.memory_space<vmem>>, vector<1x16xf32>,
      %swap3A_78 = vector.shape_cast %swap3A_77 : vector<1x16xf32> to vector<16xf32>
      %swap3A_79 = vector.shape_cast %broadcast_in_dim3A_0 : vector<16xf32> to vector<1x16xf32>
      tpu.vector_store %arg8[%swap3A_75, %swap3A_76], %swap3A_79 {strides = array<i32>} : memref<128x128xf32, #tpu.memory_space<vmem>>, vector<1x16xf32>,
      %swap3A_80 = arith.index_cast %scan3A_65 : i32 to index
      %swap3A_81 = arith.constant 48 : index
      %swap3A_82 = tpu.vector_load %arg8[%swap3A_80, %swap3A_81] {strides = array<i32>} : memref<128x128xf32, #tpu.memory_space<vmem>>, vector<1x16xf32>,
      %swap3A_83 = vector.shape_cast %swap3A_82 : vector<1x16xf32> to vector<16xf32>
      %swap3A_84 = vector.shape_cast %broadcast_in_dim3A_0 : vector<16xf32> to vector<1x16xf32>
      tpu.vector_store %arg8[%swap3A_80, %swap3A_81], %swap3A_84 {strides = array<i32>} : memref<128x128xf32, #tpu.memory_space<vmem>>, vector<1x16xf32>,
      %swap3A_85 = arith.index_cast %scan3A_65 : i32 to index
      %swap3A_86 = arith.constant 64 : index
      %swap3A_87 = tpu.vector_load %arg8[%swap3A_85, %swap3A_86] {strides = array<i32>} : memref<128x128xf32, #tpu.memory_space<vmem>>, vector<1x16xf32>,
      %swap3A_88 = vector.shape_cast %swap3A_87 : vector<1x16xf32> to vector<16xf32>
      %swap3A_89 = vector.shape_cast %broadcast_in_dim3A_0 : vector<16xf32> to vector<1x16xf32>
      tpu.vector_store %arg8[%swap3A_85, %swap3A_86], %swap3A_89 {strides = array<i32>} : memref<128x128xf32, #tpu.memory_space<vmem>>, vector<1x16xf32>,
      %swap3A_90 = arith.index_cast %scan3A_65 : i32 to index
      %swap3A_91 = arith.constant 80 : index
      %swap3A_92 = tpu.vector_load %arg8[%swap3A_90, %swap3A_91] {strides = array<i32>} : memref<128x128xf32, #tpu.memory_space<vmem>>, vector<1x16xf32>,
      %swap3A_93 = vector.shape_cast %swap3A_92 : vector<1x16xf32> to vector<16xf32>
      %swap3A_94 = vector.shape_cast %broadcast_in_dim3A_0 : vector<16xf32> to vector<1x16xf32>
      tpu.vector_store %arg8[%swap3A_90, %swap3A_91], %swap3A_94 {strides = array<i32>} : memref<128x128xf32, #tpu.memory_space<vmem>>, vector<1x16xf32>,
      %swap3A_95 = arith.index_cast %scan3A_65 : i32 to index
      %swap3A_96 = arith.constant 96 : index
      %swap3A_97 = tpu.vector_load %arg8[%swap3A_95, %swap3A_96] {strides = array<i32>} : memref<128x128xf32, #tpu.memory_space<vmem>>, vector<1x16xf32>,
      %swap3A_98 = vector.shape_cast %swap3A_97 : vector<1x16xf32> to vector<16xf32>
      %swap3A_99 = vector.shape_cast %broadcast_in_dim3A_0 : vector<16xf32> to vector<1x16xf32>
      tpu.vector_store %arg8[%swap3A_95, %swap3A_96], %swap3A_99 {strides = array<i32>} : memref<128x128xf32, #tpu.memory_space<vmem>>, vector<1x16xf32>,
      %swap3A_100 = arith.index_cast %scan3A_65 : i32 to index
      %swap3A_101 = arith.constant 112 : index
      %swap3A_102 = tpu.vector_load %arg8[%swap3A_100, %swap3A_101] {strides = array<i32>} : memref<128x128xf32, #tpu.memory_space<vmem>>, vector<1x16xf32>,
      %swap3A_103 = vector.shape_cast %swap3A_102 : vector<1x16xf32> to vector<16xf32>
      %swap3A_104 = vector.shape_cast %broadcast_in_dim3A_0 : vector<16xf32> to vector<1x16xf32>
      tpu.vector_store %arg8[%swap3A_100, %swap3A_101], %swap3A_104 {strides = array<i32>} : memref<128x128xf32, #tpu.memory_space<vmem>>, vector<1x16xf32>,
    }
    %scan3A_5 = arith.constant 128 : i32
    %mul3A = arith.constant 640 : i32
    %mul3A_6 = arith.muli %arg1, %mul3A : i32
    %add3A = arith.constant 0 : i32
    %add3A_7 = arith.addi %mul3A_6, %add3A : i32
    "tpu.region"() ({
      %run_scoped3A = tpu.sem_alloc : memref<!tpu.dma_semaphore, #tpu.memory_space<semaphore_mem>>
      %dma_start3A = arith.constant 0 : i32
      %dma_start3A_65 = tpu.memref_slice %arg10[%add3A_7, %dma_start3A] : memref<10240x128xf32, #tpu.memory_space<vmem_shared>> -> memref<128x128xf32, #tpu.memory_space<vmem_shared>>
      %dma_start3A_66 = arith.constant 0 : i32
      %dma_start3A_67 = tpu.memref_slice %arg10[%add3A_7, %dma_start3A_66] : memref<10240x128xf32, #tpu.memory_space<vmem_shared>> -> memref<128x128xf32, #tpu.memory_space<vmem_shared>>
      tpu.enqueue_dma source(%arg8 : memref<128x128xf32, #tpu.memory_space<vmem>>) target(%dma_start3A_67 : memref<128x128xf32, #tpu.memory_space<vmem_shared>>) target_semaphore(%run_scoped3A : memref<!tpu.dma_semaphore, #tpu.memory_space<semaphore_mem>>)
      %dma_wait3A = arith.constant 0 : i32
      %dma_wait3A_68 = tpu.memref_slice %arg10[%add3A_7, %dma_wait3A] : memref<10240x128xf32, #tpu.memory_space<vmem_shared>> -> memref<128x128xf32, #tpu.memory_space<vmem_shared>>
      %dma_wait3A_69 = arith.constant 0 : i32
      %dma_wait3A_70 = tpu.memref_slice %arg10[%add3A_7, %dma_wait3A_69] : memref<10240x128xf32, #tpu.memory_space<vmem_shared>> -> memref<128x128xf32, #tpu.memory_space<vmem_shared>>
      tpu.wait_dma2 semaphore(%run_scoped3A : memref<!tpu.dma_semaphore, #tpu.memory_space<semaphore_mem>>) src(%arg8 : memref<128x128xf32, #tpu.memory_space<vmem>>) dst(%dma_wait3A_70 : memref<128x128xf32, #tpu.memory_space<vmem_shared>>)
      tpu.yield
    }) : () -> ()
    %mul3A_8 = arith.constant 640 : i32
    %mul3A_9 = arith.muli %arg1, %mul3A_8 : i32
    %add3A_10 = arith.constant 128 : i32
    %add3A_11 = arith.addi %mul3A_9, %add3A_10 : i32
    "tpu.region"() ({
      %run_scoped3A = tpu.sem_alloc : memref<!tpu.dma_semaphore, #tpu.memory_space<semaphore_mem>>
      %dma_start3A = arith.constant 0 : i32
      %dma_start3A_65 = tpu.memref_slice %arg10[%add3A_11, %dma_start3A] : memref<10240x128xf32, #tpu.memory_space<vmem_shared>> -> memref<128x128xf32, #tpu.memory_space<vmem_shared>>
      %dma_start3A_66 = arith.constant 0 : i32
      %dma_start3A_67 = tpu.memref_slice %arg10[%add3A_11, %dma_start3A_66] : memref<10240x128xf32, #tpu.memory_space<vmem_shared>> -> memref<128x128xf32, #tpu.memory_space<vmem_shared>>
      tpu.enqueue_dma source(%arg8 : memref<128x128xf32, #tpu.memory_space<vmem>>) target(%dma_start3A_67 : memref<128x128xf32, #tpu.memory_space<vmem_shared>>) target_semaphore(%run_scoped3A : memref<!tpu.dma_semaphore, #tpu.memory_space<semaphore_mem>>)
      %dma_wait3A = arith.constant 0 : i32
      %dma_wait3A_68 = tpu.memref_slice %arg10[%add3A_11, %dma_wait3A] : memref<10240x128xf32, #tpu.memory_space<vmem_shared>> -> memref<128x128xf32, #tpu.memory_space<vmem_shared>>
      %dma_wait3A_69 = arith.constant 0 : i32
      %dma_wait3A_70 = tpu.memref_slice %arg10[%add3A_11, %dma_wait3A_69] : memref<10240x128xf32, #tpu.memory_space<vmem_shared>> -> memref<128x128xf32, #tpu.memory_space<vmem_shared>>
      tpu.wait_dma2 semaphore(%run_scoped3A : memref<!tpu.dma_semaphore, #tpu.memory_space<semaphore_mem>>) src(%arg8 : memref<128x128xf32, #tpu.memory_space<vmem>>) dst(%dma_wait3A_70 : memref<128x128xf32, #tpu.memory_space<vmem_shared>>)
      tpu.yield
    }) : () -> ()
    %mul3A_12 = arith.constant 640 : i32
    %mul3A_13 = arith.muli %arg1, %mul3A_12 : i32
    %add3A_14 = arith.constant 256 : i32
    %add3A_15 = arith.addi %mul3A_13, %add3A_14 : i32
    "tpu.region"() ({
      %run_scoped3A = tpu.sem_alloc : memref<!tpu.dma_semaphore, #tpu.memory_space<semaphore_mem>>
      %dma_start3A = arith.constant 0 : i32
      %dma_start3A_65 = tpu.memref_slice %arg10[%add3A_15, %dma_start3A] : memref<10240x128xf32, #tpu.memory_space<vmem_shared>> -> memref<128x128xf32, #tpu.memory_space<vmem_shared>>
      %dma_start3A_66 = arith.constant 0 : i32
      %dma_start3A_67 = tpu.memref_slice %arg10[%add3A_15, %dma_start3A_66] : memref<10240x128xf32, #tpu.memory_space<vmem_shared>> -> memref<128x128xf32, #tpu.memory_space<vmem_shared>>
      tpu.enqueue_dma source(%arg8 : memref<128x128xf32, #tpu.memory_space<vmem>>) target(%dma_start3A_67 : memref<128x128xf32, #tpu.memory_space<vmem_shared>>) target_semaphore(%run_scoped3A : memref<!tpu.dma_semaphore, #tpu.memory_space<semaphore_mem>>)
      %dma_wait3A = arith.constant 0 : i32
      %dma_wait3A_68 = tpu.memref_slice %arg10[%add3A_15, %dma_wait3A] : memref<10240x128xf32, #tpu.memory_space<vmem_shared>> -> memref<128x128xf32, #tpu.memory_space<vmem_shared>>
      %dma_wait3A_69 = arith.constant 0 : i32
      %dma_wait3A_70 = tpu.memref_slice %arg10[%add3A_15, %dma_wait3A_69] : memref<10240x128xf32, #tpu.memory_space<vmem_shared>> -> memref<128x128xf32, #tpu.memory_space<vmem_shared>>
      tpu.wait_dma2 semaphore(%run_scoped3A : memref<!tpu.dma_semaphore, #tpu.memory_space<semaphore_mem>>) src(%arg8 : memref<128x128xf32, #tpu.memory_space<vmem>>) dst(%dma_wait3A_70 : memref<128x128xf32, #tpu.memory_space<vmem_shared>>)
      tpu.yield
    }) : () -> ()
    %mul3A_16 = arith.constant 640 : i32
    %mul3A_17 = arith.muli %arg1, %mul3A_16 : i32
    %add3A_18 = arith.constant 384 : i32
    %add3A_19 = arith.addi %mul3A_17, %add3A_18 : i32
    "tpu.region"() ({
      %run_scoped3A = tpu.sem_alloc : memref<!tpu.dma_semaphore, #tpu.memory_space<semaphore_mem>>
      %dma_start3A = arith.constant 0 : i32
      %dma_start3A_65 = tpu.memref_slice %arg10[%add3A_19, %dma_start3A] : memref<10240x128xf32, #tpu.memory_space<vmem_shared>> -> memref<128x128xf32, #tpu.memory_space<vmem_shared>>
      %dma_start3A_66 = arith.constant 0 : i32
      %dma_start3A_67 = tpu.memref_slice %arg10[%add3A_19, %dma_start3A_66] : memref<10240x128xf32, #tpu.memory_space<vmem_shared>> -> memref<128x128xf32, #tpu.memory_space<vmem_shared>>
      tpu.enqueue_dma source(%arg8 : memref<128x128xf32, #tpu.memory_space<vmem>>) target(%dma_start3A_67 : memref<128x128xf32, #tpu.memory_space<vmem_shared>>) target_semaphore(%run_scoped3A : memref<!tpu.dma_semaphore, #tpu.memory_space<semaphore_mem>>)
      %dma_wait3A = arith.constant 0 : i32
      %dma_wait3A_68 = tpu.memref_slice %arg10[%add3A_19, %dma_wait3A] : memref<10240x128xf32, #tpu.memory_space<vmem_shared>> -> memref<128x128xf32, #tpu.memory_space<vmem_shared>>
      %dma_wait3A_69 = arith.constant 0 : i32
      %dma_wait3A_70 = tpu.memref_slice %arg10[%add3A_19, %dma_wait3A_69] : memref<10240x128xf32, #tpu.memory_space<vmem_shared>> -> memref<128x128xf32, #tpu.memory_space<vmem_shared>>
      tpu.wait_dma2 semaphore(%run_scoped3A : memref<!tpu.dma_semaphore, #tpu.memory_space<semaphore_mem>>) src(%arg8 : memref<128x128xf32, #tpu.memory_space<vmem>>) dst(%dma_wait3A_70 : memref<128x128xf32, #tpu.memory_space<vmem_shared>>)
      tpu.yield
    }) : () -> ()
    %mul3A_20 = arith.constant 640 : i32
    %mul3A_21 = arith.muli %arg1, %mul3A_20 : i32
    %add3A_22 = arith.constant 512 : i32
    %add3A_23 = arith.addi %mul3A_21, %add3A_22 : i32
    "tpu.region"() ({
      %run_scoped3A = tpu.sem_alloc : memref<!tpu.dma_semaphore, #tpu.memory_space<semaphore_mem>>
      %dma_start3A = arith.constant 0 : i32
      %dma_start3A_65 = tpu.memref_slice %arg10[%add3A_23, %dma_start3A] : memref<10240x128xf32, #tpu.memory_space<vmem_shared>> -> memref<128x128xf32, #tpu.memory_space<vmem_shared>>
      %dma_start3A_66 = arith.constant 0 : i32
      %dma_start3A_67 = tpu.memref_slice %arg10[%add3A_23, %dma_start3A_66] : memref<10240x128xf32, #tpu.memory_space<vmem_shared>> -> memref<128x128xf32, #tpu.memory_space<vmem_shared>>
      tpu.enqueue_dma source(%arg8 : memref<128x128xf32, #tpu.memory_space<vmem>>) target(%dma_start3A_67 : memref<128x128xf32, #tpu.memory_space<vmem_shared>>) target_semaphore(%run_scoped3A : memref<!tpu.dma_semaphore, #tpu.memory_space<semaphore_mem>>)
      %dma_wait3A = arith.constant 0 : i32
      %dma_wait3A_68 = tpu.memref_slice %arg10[%add3A_23, %dma_wait3A] : memref<10240x128xf32, #tpu.memory_space<vmem_shared>> -> memref<128x128xf32, #tpu.memory_space<vmem_shared>>
      %dma_wait3A_69 = arith.constant 0 : i32
      %dma_wait3A_70 = tpu.memref_slice %arg10[%add3A_23, %dma_wait3A_69] : memref<10240x128xf32, #tpu.memory_space<vmem_shared>> -> memref<128x128xf32, #tpu.memory_space<vmem_shared>>
      tpu.wait_dma2 semaphore(%run_scoped3A : memref<!tpu.dma_semaphore, #tpu.memory_space<semaphore_mem>>) src(%arg8 : memref<128x128xf32, #tpu.memory_space<vmem>>) dst(%dma_wait3A_70 : memref<128x128xf32, #tpu.memory_space<vmem_shared>>)
      tpu.yield
    }) : () -> ()
    %barrier3A = arith.constant 0 : index
    tpu.barrier barrier_id(%barrier3A)
    %eq3A = arith.constant 0 : i32
    %eq3A_24 = arith.cmpi eq, %arg0, %eq3A : i32
    %mul3A_25 = arith.constant 80 : i32
    %mul3A_26 = arith.muli %arg1, %mul3A_25 : i32
    %mul3A_27 = arith.constant 80 : i32
    %mul3A_28 = arith.muli %arg1, %mul3A_27 : i32
    %add3A_29 = arith.constant 1280 : i32
    %add3A_30 = arith.addi %add3A_29, %mul3A_28 : i32
    %select_n3A = arith.select %eq3A_24, %mul3A_26, %add3A_30 : i32
    %eq3A_31 = arith.constant 0 : i32
    %eq3A_32 = arith.cmpi eq, %arg0, %eq3A_31 : i32
    %jit3A = arith.constant 5 : i32
    %jit3A_33 = arith.constant 5 : i32
    %select_n3A_34 = arith.select %eq3A_32, %jit3A, %jit3A_33 : i32
    %while3A = arith.constant 0 : i32
    %while3A_35 = arith.constant 0 : i32
    %while3A_36 = arith.subi %select_n3A_34, %while3A_35 : i32
    %while3A_37 = arith.addi %while3A_35, %while3A_36 : i32
    %while3A_38 = arith.constant 1 : i32
    %while3A_39 = arith.divsi %while3A_36, %while3A_38 : i32
    %while3A_40 = arith.muli %while3A_39, %while3A_38 : i32
    %while3A_41 = arith.addi %while3A_35, %while3A_40 : i32
    %while3A_42 = arith.constant 1 : i32
    scf.for %while3A_65 = %while3A_35 to %while3A_41 step %while3A_42  : i32 {
      %mul3A_66 = arith.constant 16 : i32
      %mul3A_67 = arith.muli %while3A_65, %mul3A_66 : i32
      %add3A_68 = arith.addi %select_n3A, %mul3A_67 : i32
      "tpu.region"() ({
        %run_scoped3A = tpu.sem_alloc : memref<!tpu.dma_semaphore, #tpu.memory_space<semaphore_mem>>
        %dma_start3A_81 = arith.constant 0 : i32
        %dma_start3A_82 = tpu.memref_slice %arg3[%add3A_68, %dma_start3A_81] : memref<2560x128xi32, #tpu.memory_space<hbm>> -> memref<16x128xi32, #tpu.memory_space<hbm>>
        %dma_start3A_83 = arith.constant 0 : i32
        %dma_start3A_84 = tpu.memref_slice %arg3[%add3A_68, %dma_start3A_83] : memref<2560x128xi32, #tpu.memory_space<hbm>> -> memref<16x128xi32, #tpu.memory_space<hbm>>
        tpu.enqueue_dma source(%dma_start3A_84 : memref<16x128xi32, #tpu.memory_space<hbm>>) target(%arg6 : memref<16x128xi32, #tpu.memory_space<vmem>>) target_semaphore(%run_scoped3A : memref<!tpu.dma_semaphore, #tpu.memory_space<semaphore_mem>>)
        %dma_wait3A = arith.constant 0 : i32
        %dma_wait3A_85 = tpu.memref_slice %arg3[%add3A_68, %dma_wait3A] : memref<2560x128xi32, #tpu.memory_space<hbm>> -> memref<16x128xi32, #tpu.memory_space<hbm>>
        %dma_wait3A_86 = arith.constant 0 : i32
        %dma_wait3A_87 = tpu.memref_slice %arg3[%add3A_68, %dma_wait3A_86] : memref<2560x128xi32, #tpu.memory_space<hbm>> -> memref<16x128xi32, #tpu.memory_space<hbm>>
        tpu.wait_dma2 semaphore(%run_scoped3A : memref<!tpu.dma_semaphore, #tpu.memory_space<semaphore_mem>>) src(%dma_wait3A_87 : memref<16x128xi32, #tpu.memory_space<hbm>>) dst(%arg6 : memref<16x128xi32, #tpu.memory_space<vmem>>)
        tpu.yield
      }) : () -> ()
      "tpu.region"() ({
        %run_scoped3A = tpu.sem_alloc : memref<!tpu.dma_semaphore, #tpu.memory_space<semaphore_mem>>
        %dma_start3A_81 = arith.constant 0 : i32
        %dma_start3A_82 = tpu.memref_slice %arg4[%add3A_68, %dma_start3A_81] : memref<2560x128xi32, #tpu.memory_space<hbm>> -> memref<16x128xi32, #tpu.memory_space<hbm>>
        %dma_start3A_83 = arith.constant 0 : i32
        %dma_start3A_84 = tpu.memref_slice %arg4[%add3A_68, %dma_start3A_83] : memref<2560x128xi32, #tpu.memory_space<hbm>> -> memref<16x128xi32, #tpu.memory_space<hbm>>
        tpu.enqueue_dma source(%dma_start3A_84 : memref<16x128xi32, #tpu.memory_space<hbm>>) target(%arg7 : memref<16x128xi32, #tpu.memory_space<vmem>>) target_semaphore(%run_scoped3A : memref<!tpu.dma_semaphore, #tpu.memory_space<semaphore_mem>>)
        %dma_wait3A = arith.constant 0 : i32
        %dma_wait3A_85 = tpu.memref_slice %arg4[%add3A_68, %dma_wait3A] : memref<2560x128xi32, #tpu.memory_space<hbm>> -> memref<16x128xi32, #tpu.memory_space<hbm>>
        %dma_wait3A_86 = arith.constant 0 : i32
        %dma_wait3A_87 = tpu.memref_slice %arg4[%add3A_68, %dma_wait3A_86] : memref<2560x128xi32, #tpu.memory_space<hbm>> -> memref<16x128xi32, #tpu.memory_space<hbm>>
        tpu.wait_dma2 semaphore(%run_scoped3A : memref<!tpu.dma_semaphore, #tpu.memory_space<semaphore_mem>>) src(%dma_wait3A_87 : memref<16x128xi32, #tpu.memory_space<hbm>>) dst(%arg7 : memref<16x128xi32, #tpu.memory_space<vmem>>)
        tpu.yield
      }) : () -> ()
      %dma_start3A = arith.constant 0 : i32
      %dma_start3A_69 = arith.constant 0 : i32
      %dma_start3A_70 = tpu.memref_slice %arg6[%dma_start3A, %dma_start3A_69] : memref<16x128xi32, #tpu.memory_space<vmem>> -> memref<1x128xi32, #tpu.memory_space<vmem>>
      %dma_start3A_71 = tpu.memref_squeeze %dma_start3A_70 : memref<1x128xi32, #tpu.memory_space<vmem>> -> memref<128xi32, #tpu.memory_space<vmem>>
      %dma_start3A_72 = arith.constant 0 : i32
      %dma_start3A_73 = arith.constant 0 : i32
      %dma_start3A_74 = tpu.memref_slice %arg2[%dma_start3A_72, %dma_start3A_73] : memref<10240x128xf32, #tpu.memory_space<hbm>> -> memref<10240x128xf32, #tpu.memory_space<hbm>>
      tpu.enqueue_indirect_dma source(%dma_start3A_74 : memref<10240x128xf32, #tpu.memory_space<hbm>>) target(%arg8 : memref<128x128xf32, #tpu.memory_space<vmem>>) offsets(%dma_start3A_71 : memref<128xi32, #tpu.memory_space<vmem>>) semaphore(%arg11 : memref<!tpu.dma_semaphore, #tpu.memory_space<semaphore_mem>>)
      %scan3A_75 = arith.constant 0 : i32
      %scan3A_76 = arith.constant 0 : i32
      %scan3A_77 = arith.constant 8 : i32
      %scan3A_78 = arith.addi %scan3A_76, %scan3A_77 : i32
      %scan3A_79 = arith.constant 1 : i32
      scf.for %scan3A_81 = %scan3A_76 to %scan3A_78 step %scan3A_79  : i32 {
        %mul3A_82 = arith.constant 2 : i32
        %mul3A_83 = arith.muli %mul3A_82, %scan3A_81 : i32
        %add3A_84 = arith.constant 1 : i32
        %add3A_85 = arith.addi %mul3A_83, %add3A_84 : i32
        %dma_start3A_86 = arith.constant 0 : i32
        %dma_start3A_87 = tpu.memref_slice %arg6[%add3A_85, %dma_start3A_86] : memref<16x128xi32, #tpu.memory_space<vmem>> -> memref<1x128xi32, #tpu.memory_space<vmem>>
        %dma_start3A_88 = tpu.memref_squeeze %dma_start3A_87 : memref<1x128xi32, #tpu.memory_space<vmem>> -> memref<128xi32, #tpu.memory_space<vmem>>
        %dma_start3A_89 = arith.constant 0 : i32
        %dma_start3A_90 = arith.constant 0 : i32
        %dma_start3A_91 = tpu.memref_slice %arg2[%dma_start3A_89, %dma_start3A_90] : memref<10240x128xf32, #tpu.memory_space<hbm>> -> memref<10240x128xf32, #tpu.memory_space<hbm>>
        tpu.enqueue_indirect_dma source(%dma_start3A_91 : memref<10240x128xf32, #tpu.memory_space<hbm>>) target(%arg9 : memref<128x128xf32, #tpu.memory_space<vmem>>) offsets(%dma_start3A_88 : memref<128xi32, #tpu.memory_space<vmem>>) semaphore(%arg12 : memref<!tpu.dma_semaphore, #tpu.memory_space<semaphore_mem>>)
        %dma_wait3A = arith.constant 0 : i32
        %dma_wait3A_92 = tpu.memref_slice %arg6[%mul3A_83, %dma_wait3A] : memref<16x128xi32, #tpu.memory_space<vmem>> -> memref<1x128xi32, #tpu.memory_space<vmem>>
        %dma_wait3A_93 = tpu.memref_squeeze %dma_wait3A_92 : memref<1x128xi32, #tpu.memory_space<vmem>> -> memref<128xi32, #tpu.memory_space<vmem>>
        %dma_wait3A_94 = arith.constant 0 : i32
        %dma_wait3A_95 = arith.constant 0 : i32
        %dma_wait3A_96 = tpu.memref_slice %arg2[%dma_wait3A_94, %dma_wait3A_95] : memref<10240x128xf32, #tpu.memory_space<hbm>> -> memref<10240x128xf32, #tpu.memory_space<hbm>>
        tpu.wait_indirect_dma semaphore(%arg11 : memref<!tpu.dma_semaphore, #tpu.memory_space<semaphore_mem>>) src(%dma_wait3A_96 : memref<10240x128xf32, #tpu.memory_space<hbm>>) dst(%arg8 : memref<128x128xf32, #tpu.memory_space<vmem>>)
        "tpu.region"() ({
          %run_scoped3A = tpu.sem_alloc : memref<!tpu.dma_semaphore, #tpu.memory_space<semaphore_mem>>
          %dma_start3A_109 = arith.constant 0 : i32
          %dma_start3A_110 = tpu.memref_slice %arg7[%mul3A_83, %dma_start3A_109] : memref<16x128xi32, #tpu.memory_space<vmem>> -> memref<1x128xi32, #tpu.memory_space<vmem>>
          %dma_start3A_111 = tpu.memref_squeeze %dma_start3A_110 : memref<1x128xi32, #tpu.memory_space<vmem>> -> memref<128xi32, #tpu.memory_space<vmem>>
          %dma_start3A_112 = arith.constant 0 : i32
          %dma_start3A_113 = arith.constant 0 : i32
          %dma_start3A_114 = tpu.memref_slice %arg10[%dma_start3A_112, %dma_start3A_113] : memref<10240x128xf32, #tpu.memory_space<vmem_shared>> -> memref<10240x128xf32, #tpu.memory_space<vmem_shared>>
          tpu.enqueue_indirect_dma source(%arg8 : memref<128x128xf32, #tpu.memory_space<vmem>>) target(%dma_start3A_114 : memref<10240x128xf32, #tpu.memory_space<vmem_shared>>) offsets(%dma_start3A_111 : memref<128xi32, #tpu.memory_space<vmem>>) semaphore(%run_scoped3A : memref<!tpu.dma_semaphore, #tpu.memory_space<semaphore_mem>>) {add = true}
          %dma_wait3A_115 = arith.constant 0 : i32
          %dma_wait3A_116 = tpu.memref_slice %arg7[%mul3A_83, %dma_wait3A_115] : memref<16x128xi32, #tpu.memory_space<vmem>> -> memref<1x128xi32, #tpu.memory_space<vmem>>
          %dma_wait3A_117 = tpu.memref_squeeze %dma_wait3A_116 : memref<1x128xi32, #tpu.memory_space<vmem>> -> memref<128xi32, #tpu.memory_space<vmem>>
          %dma_wait3A_118 = arith.constant 0 : i32
          %dma_wait3A_119 = arith.constant 0 : i32
          %dma_wait3A_120 = tpu.memref_slice %arg10[%dma_wait3A_118, %dma_wait3A_119] : memref<10240x128xf32, #tpu.memory_space<vmem_shared>> -> memref<10240x128xf32, #tpu.memory_space<vmem_shared>>
          tpu.wait_indirect_dma semaphore(%run_scoped3A : memref<!tpu.dma_semaphore, #tpu.memory_space<semaphore_mem>>) src(%arg8 : memref<128x128xf32, #tpu.memory_space<vmem>>) dst(%dma_wait3A_120 : memref<10240x128xf32, #tpu.memory_space<vmem_shared>>)
          tpu.yield
        }) : () -> ()
        %lt3A = arith.constant 7 : i32
        %lt3A_97 = arith.cmpi slt, %scan3A_81, %lt3A : i32
        %convert_element_type3A = arith.extui %lt3A_97 : i1 to i32
        %cond3A = arith.constant 0 : i32
        %cond3A_98 = arith.cmpi ne, %convert_element_type3A, %cond3A : i32
        scf.if %cond3A_98 {
          %add3A_109 = arith.constant 2 : i32
          %add3A_110 = arith.addi %mul3A_83, %add3A_109 : i32
          %dma_start3A_111 = arith.constant 0 : i32
          %dma_start3A_112 = tpu.memref_slice %arg6[%add3A_110, %dma_start3A_111] : memref<16x128xi32, #tpu.memory_space<vmem>> -> memref<1x128xi32, #tpu.memory_space<vmem>>
          %dma_start3A_113 = tpu.memref_squeeze %dma_start3A_112 : memref<1x128xi32, #tpu.memory_space<vmem>> -> memref<128xi32, #tpu.memory_space<vmem>>
          %dma_start3A_114 = arith.constant 0 : i32
          %dma_start3A_115 = arith.constant 0 : i32
          %dma_start3A_116 = tpu.memref_slice %arg2[%dma_start3A_114, %dma_start3A_115] : memref<10240x128xf32, #tpu.memory_space<hbm>> -> memref<10240x128xf32, #tpu.memory_space<hbm>>
          tpu.enqueue_indirect_dma source(%dma_start3A_116 : memref<10240x128xf32, #tpu.memory_space<hbm>>) target(%arg8 : memref<128x128xf32, #tpu.memory_space<vmem>>) offsets(%dma_start3A_113 : memref<128xi32, #tpu.memory_space<vmem>>) semaphore(%arg11 : memref<!tpu.dma_semaphore, #tpu.memory_space<semaphore_mem>>)
        } else {
        }
        %add3A_99 = arith.constant 1 : i32
        %add3A_100 = arith.addi %mul3A_83, %add3A_99 : i32
        %dma_wait3A_101 = arith.constant 0 : i32
        %dma_wait3A_102 = tpu.memref_slice %arg6[%add3A_100, %dma_wait3A_101] : memref<16x128xi32, #tpu.memory_space<vmem>> -> memref<1x128xi32, #tpu.memory_space<vmem>>
        %dma_wait3A_103 = tpu.memref_squeeze %dma_wait3A_102 : memref<1x128xi32, #tpu.memory_space<vmem>> -> memref<128xi32, #tpu.memory_space<vmem>>
        %dma_wait3A_104 = arith.constant 0 : i32
        %dma_wait3A_105 = arith.constant 0 : i32
        %dma_wait3A_106 = tpu.memref_slice %arg2[%dma_wait3A_104, %dma_wait3A_105] : memref<10240x128xf32, #tpu.memory_space<hbm>> -> memref<10240x128xf32, #tpu.memory_space<hbm>>
        tpu.wait_indirect_dma semaphore(%arg12 : memref<!tpu.dma_semaphore, #tpu.memory_space<semaphore_mem>>) src(%dma_wait3A_106 : memref<10240x128xf32, #tpu.memory_space<hbm>>) dst(%arg9 : memref<128x128xf32, #tpu.memory_space<vmem>>)
        %add3A_107 = arith.constant 1 : i32
        %add3A_108 = arith.addi %mul3A_83, %add3A_107 : i32
        "tpu.region"() ({
          %run_scoped3A = tpu.sem_alloc : memref<!tpu.dma_semaphore, #tpu.memory_space<semaphore_mem>>
          %dma_start3A_109 = arith.constant 0 : i32
          %dma_start3A_110 = tpu.memref_slice %arg7[%add3A_108, %dma_start3A_109] : memref<16x128xi32, #tpu.memory_space<vmem>> -> memref<1x128xi32, #tpu.memory_space<vmem>>
          %dma_start3A_111 = tpu.memref_squeeze %dma_start3A_110 : memref<1x128xi32, #tpu.memory_space<vmem>> -> memref<128xi32, #tpu.memory_space<vmem>>
          %dma_start3A_112 = arith.constant 0 : i32
          %dma_start3A_113 = arith.constant 0 : i32
          %dma_start3A_114 = tpu.memref_slice %arg10[%dma_start3A_112, %dma_start3A_113] : memref<10240x128xf32, #tpu.memory_space<vmem_shared>> -> memref<10240x128xf32, #tpu.memory_space<vmem_shared>>
          tpu.enqueue_indirect_dma source(%arg9 : memref<128x128xf32, #tpu.memory_space<vmem>>) target(%dma_start3A_114 : memref<10240x128xf32, #tpu.memory_space<vmem_shared>>) offsets(%dma_start3A_111 : memref<128xi32, #tpu.memory_space<vmem>>) semaphore(%run_scoped3A : memref<!tpu.dma_semaphore, #tpu.memory_space<semaphore_mem>>) {add = true}
          %dma_wait3A_115 = arith.constant 0 : i32
          %dma_wait3A_116 = tpu.memref_slice %arg7[%add3A_108, %dma_wait3A_115] : memref<16x128xi32, #tpu.memory_space<vmem>> -> memref<1x128xi32, #tpu.memory_space<vmem>>
          %dma_wait3A_117 = tpu.memref_squeeze %dma_wait3A_116 : memref<1x128xi32, #tpu.memory_space<vmem>> -> memref<128xi32, #tpu.memory_space<vmem>>
          %dma_wait3A_118 = arith.constant 0 : i32
          %dma_wait3A_119 = arith.constant 0 : i32
          %dma_wait3A_120 = tpu.memref_slice %arg10[%dma_wait3A_118, %dma_wait3A_119] : memref<10240x128xf32, #tpu.memory_space<vmem_shared>> -> memref<10240x128xf32, #tpu.memory_space<vmem_shared>>
          tpu.wait_indirect_dma semaphore(%run_scoped3A : memref<!tpu.dma_semaphore, #tpu.memory_space<semaphore_mem>>) src(%arg9 : memref<128x128xf32, #tpu.memory_space<vmem>>) dst(%dma_wait3A_120 : memref<10240x128xf32, #tpu.memory_space<vmem_shared>>)
          tpu.yield
        }) : () -> ()
      }
      %scan3A_80 = arith.constant 8 : i32
    }
    %while3A_43 = arith.constant 1 : i32
    scf.for %while3A_65 = %while3A_41 to %while3A_37 step %while3A_43  : i32 {
      %mul3A_66 = arith.constant 16 : i32
      %mul3A_67 = arith.muli %while3A_65, %mul3A_66 : i32
      %add3A_68 = arith.addi %select_n3A, %mul3A_67 : i32
      "tpu.region"() ({
        %run_scoped3A = tpu.sem_alloc : memref<!tpu.dma_semaphore, #tpu.memory_space<semaphore_mem>>
        %dma_start3A_81 = arith.constant 0 : i32
        %dma_start3A_82 = tpu.memref_slice %arg3[%add3A_68, %dma_start3A_81] : memref<2560x128xi32, #tpu.memory_space<hbm>> -> memref<16x128xi32, #tpu.memory_space<hbm>>
        %dma_start3A_83 = arith.constant 0 : i32
        %dma_start3A_84 = tpu.memref_slice %arg3[%add3A_68, %dma_start3A_83] : memref<2560x128xi32, #tpu.memory_space<hbm>> -> memref<16x128xi32, #tpu.memory_space<hbm>>
        tpu.enqueue_dma source(%dma_start3A_84 : memref<16x128xi32, #tpu.memory_space<hbm>>) target(%arg6 : memref<16x128xi32, #tpu.memory_space<vmem>>) target_semaphore(%run_scoped3A : memref<!tpu.dma_semaphore, #tpu.memory_space<semaphore_mem>>)
        %dma_wait3A = arith.constant 0 : i32
        %dma_wait3A_85 = tpu.memref_slice %arg3[%add3A_68, %dma_wait3A] : memref<2560x128xi32, #tpu.memory_space<hbm>> -> memref<16x128xi32, #tpu.memory_space<hbm>>
        %dma_wait3A_86 = arith.constant 0 : i32
        %dma_wait3A_87 = tpu.memref_slice %arg3[%add3A_68, %dma_wait3A_86] : memref<2560x128xi32, #tpu.memory_space<hbm>> -> memref<16x128xi32, #tpu.memory_space<hbm>>
        tpu.wait_dma2 semaphore(%run_scoped3A : memref<!tpu.dma_semaphore, #tpu.memory_space<semaphore_mem>>) src(%dma_wait3A_87 : memref<16x128xi32, #tpu.memory_space<hbm>>) dst(%arg6 : memref<16x128xi32, #tpu.memory_space<vmem>>)
        tpu.yield
      }) : () -> ()
      "tpu.region"() ({
        %run_scoped3A = tpu.sem_alloc : memref<!tpu.dma_semaphore, #tpu.memory_space<semaphore_mem>>
        %dma_start3A_81 = arith.constant 0 : i32
        %dma_start3A_82 = tpu.memref_slice %arg4[%add3A_68, %dma_start3A_81] : memref<2560x128xi32, #tpu.memory_space<hbm>> -> memref<16x128xi32, #tpu.memory_space<hbm>>
        %dma_start3A_83 = arith.constant 0 : i32
        %dma_start3A_84 = tpu.memref_slice %arg4[%add3A_68, %dma_start3A_83] : memref<2560x128xi32, #tpu.memory_space<hbm>> -> memref<16x128xi32, #tpu.memory_space<hbm>>
        tpu.enqueue_dma source(%dma_start3A_84 : memref<16x128xi32, #tpu.memory_space<hbm>>) target(%arg7 : memref<16x128xi32, #tpu.memory_space<vmem>>) target_semaphore(%run_scoped3A : memref<!tpu.dma_semaphore, #tpu.memory_space<semaphore_mem>>)
        %dma_wait3A = arith.constant 0 : i32
        %dma_wait3A_85 = tpu.memref_slice %arg4[%add3A_68, %dma_wait3A] : memref<2560x128xi32, #tpu.memory_space<hbm>> -> memref<16x128xi32, #tpu.memory_space<hbm>>
        %dma_wait3A_86 = arith.constant 0 : i32
        %dma_wait3A_87 = tpu.memref_slice %arg4[%add3A_68, %dma_wait3A_86] : memref<2560x128xi32, #tpu.memory_space<hbm>> -> memref<16x128xi32, #tpu.memory_space<hbm>>
        tpu.wait_dma2 semaphore(%run_scoped3A : memref<!tpu.dma_semaphore, #tpu.memory_space<semaphore_mem>>) src(%dma_wait3A_87 : memref<16x128xi32, #tpu.memory_space<hbm>>) dst(%arg7 : memref<16x128xi32, #tpu.memory_space<vmem>>)
        tpu.yield
      }) : () -> ()
      %dma_start3A = arith.constant 0 : i32
      %dma_start3A_69 = arith.constant 0 : i32
      %dma_start3A_70 = tpu.memref_slice %arg6[%dma_start3A, %dma_start3A_69] : memref<16x128xi32, #tpu.memory_space<vmem>> -> memref<1x128xi32, #tpu.memory_space<vmem>>
      %dma_start3A_71 = tpu.memref_squeeze %dma_start3A_70 : memref<1x128xi32, #tpu.memory_space<vmem>> -> memref<128xi32, #tpu.memory_space<vmem>>
      %dma_start3A_72 = arith.constant 0 : i32
      %dma_start3A_73 = arith.constant 0 : i32
      %dma_start3A_74 = tpu.memref_slice %arg2[%dma_start3A_72, %dma_start3A_73] : memref<10240x128xf32, #tpu.memory_space<hbm>> -> memref<10240x128xf32, #tpu.memory_space<hbm>>
      tpu.enqueue_indirect_dma source(%dma_start3A_74 : memref<10240x128xf32, #tpu.memory_space<hbm>>) target(%arg8 : memref<128x128xf32, #tpu.memory_space<vmem>>) offsets(%dma_start3A_71 : memref<128xi32, #tpu.memory_space<vmem>>) semaphore(%arg11 : memref<!tpu.dma_semaphore, #tpu.memory_space<semaphore_mem>>)
      %scan3A_75 = arith.constant 0 : i32
      %scan3A_76 = arith.constant 0 : i32
      %scan3A_77 = arith.constant 8 : i32
      %scan3A_78 = arith.addi %scan3A_76, %scan3A_77 : i32
      %scan3A_79 = arith.constant 1 : i32
      scf.for %scan3A_81 = %scan3A_76 to %scan3A_78 step %scan3A_79  : i32 {
        %mul3A_82 = arith.constant 2 : i32
        %mul3A_83 = arith.muli %mul3A_82, %scan3A_81 : i32
        %add3A_84 = arith.constant 1 : i32
        %add3A_85 = arith.addi %mul3A_83, %add3A_84 : i32
        %dma_start3A_86 = arith.constant 0 : i32
        %dma_start3A_87 = tpu.memref_slice %arg6[%add3A_85, %dma_start3A_86] : memref<16x128xi32, #tpu.memory_space<vmem>> -> memref<1x128xi32, #tpu.memory_space<vmem>>
        %dma_start3A_88 = tpu.memref_squeeze %dma_start3A_87 : memref<1x128xi32, #tpu.memory_space<vmem>> -> memref<128xi32, #tpu.memory_space<vmem>>
        %dma_start3A_89 = arith.constant 0 : i32
        %dma_start3A_90 = arith.constant 0 : i32
        %dma_start3A_91 = tpu.memref_slice %arg2[%dma_start3A_89, %dma_start3A_90] : memref<10240x128xf32, #tpu.memory_space<hbm>> -> memref<10240x128xf32, #tpu.memory_space<hbm>>
        tpu.enqueue_indirect_dma source(%dma_start3A_91 : memref<10240x128xf32, #tpu.memory_space<hbm>>) target(%arg9 : memref<128x128xf32, #tpu.memory_space<vmem>>) offsets(%dma_start3A_88 : memref<128xi32, #tpu.memory_space<vmem>>) semaphore(%arg12 : memref<!tpu.dma_semaphore, #tpu.memory_space<semaphore_mem>>)
        %dma_wait3A = arith.constant 0 : i32
        %dma_wait3A_92 = tpu.memref_slice %arg6[%mul3A_83, %dma_wait3A] : memref<16x128xi32, #tpu.memory_space<vmem>> -> memref<1x128xi32, #tpu.memory_space<vmem>>
        %dma_wait3A_93 = tpu.memref_squeeze %dma_wait3A_92 : memref<1x128xi32, #tpu.memory_space<vmem>> -> memref<128xi32, #tpu.memory_space<vmem>>
        %dma_wait3A_94 = arith.constant 0 : i32
        %dma_wait3A_95 = arith.constant 0 : i32
        %dma_wait3A_96 = tpu.memref_slice %arg2[%dma_wait3A_94, %dma_wait3A_95] : memref<10240x128xf32, #tpu.memory_space<hbm>> -> memref<10240x128xf32, #tpu.memory_space<hbm>>
        tpu.wait_indirect_dma semaphore(%arg11 : memref<!tpu.dma_semaphore, #tpu.memory_space<semaphore_mem>>) src(%dma_wait3A_96 : memref<10240x128xf32, #tpu.memory_space<hbm>>) dst(%arg8 : memref<128x128xf32, #tpu.memory_space<vmem>>)
        "tpu.region"() ({
          %run_scoped3A = tpu.sem_alloc : memref<!tpu.dma_semaphore, #tpu.memory_space<semaphore_mem>>
          %dma_start3A_109 = arith.constant 0 : i32
          %dma_start3A_110 = tpu.memref_slice %arg7[%mul3A_83, %dma_start3A_109] : memref<16x128xi32, #tpu.memory_space<vmem>> -> memref<1x128xi32, #tpu.memory_space<vmem>>
          %dma_start3A_111 = tpu.memref_squeeze %dma_start3A_110 : memref<1x128xi32, #tpu.memory_space<vmem>> -> memref<128xi32, #tpu.memory_space<vmem>>
          %dma_start3A_112 = arith.constant 0 : i32
          %dma_start3A_113 = arith.constant 0 : i32
          %dma_start3A_114 = tpu.memref_slice %arg10[%dma_start3A_112, %dma_start3A_113] : memref<10240x128xf32, #tpu.memory_space<vmem_shared>> -> memref<10240x128xf32, #tpu.memory_space<vmem_shared>>
          tpu.enqueue_indirect_dma source(%arg8 : memref<128x128xf32, #tpu.memory_space<vmem>>) target(%dma_start3A_114 : memref<10240x128xf32, #tpu.memory_space<vmem_shared>>) offsets(%dma_start3A_111 : memref<128xi32, #tpu.memory_space<vmem>>) semaphore(%run_scoped3A : memref<!tpu.dma_semaphore, #tpu.memory_space<semaphore_mem>>) {add = true}
          %dma_wait3A_115 = arith.constant 0 : i32
          %dma_wait3A_116 = tpu.memref_slice %arg7[%mul3A_83, %dma_wait3A_115] : memref<16x128xi32, #tpu.memory_space<vmem>> -> memref<1x128xi32, #tpu.memory_space<vmem>>
          %dma_wait3A_117 = tpu.memref_squeeze %dma_wait3A_116 : memref<1x128xi32, #tpu.memory_space<vmem>> -> memref<128xi32, #tpu.memory_space<vmem>>
          %dma_wait3A_118 = arith.constant 0 : i32
          %dma_wait3A_119 = arith.constant 0 : i32
          %dma_wait3A_120 = tpu.memref_slice %arg10[%dma_wait3A_118, %dma_wait3A_119] : memref<10240x128xf32, #tpu.memory_space<vmem_shared>> -> memref<10240x128xf32, #tpu.memory_space<vmem_shared>>
          tpu.wait_indirect_dma semaphore(%run_scoped3A : memref<!tpu.dma_semaphore, #tpu.memory_space<semaphore_mem>>) src(%arg8 : memref<128x128xf32, #tpu.memory_space<vmem>>) dst(%dma_wait3A_120 : memref<10240x128xf32, #tpu.memory_space<vmem_shared>>)
          tpu.yield
        }) : () -> ()
        %lt3A = arith.constant 7 : i32
        %lt3A_97 = arith.cmpi slt, %scan3A_81, %lt3A : i32
        %convert_element_type3A = arith.extui %lt3A_97 : i1 to i32
        %cond3A = arith.constant 0 : i32
        %cond3A_98 = arith.cmpi ne, %convert_element_type3A, %cond3A : i32
        scf.if %cond3A_98 {
          %add3A_109 = arith.constant 2 : i32
          %add3A_110 = arith.addi %mul3A_83, %add3A_109 : i32
          %dma_start3A_111 = arith.constant 0 : i32
          %dma_start3A_112 = tpu.memref_slice %arg6[%add3A_110, %dma_start3A_111] : memref<16x128xi32, #tpu.memory_space<vmem>> -> memref<1x128xi32, #tpu.memory_space<vmem>>
          %dma_start3A_113 = tpu.memref_squeeze %dma_start3A_112 : memref<1x128xi32, #tpu.memory_space<vmem>> -> memref<128xi32, #tpu.memory_space<vmem>>
          %dma_start3A_114 = arith.constant 0 : i32
          %dma_start3A_115 = arith.constant 0 : i32
          %dma_start3A_116 = tpu.memref_slice %arg2[%dma_start3A_114, %dma_start3A_115] : memref<10240x128xf32, #tpu.memory_space<hbm>> -> memref<10240x128xf32, #tpu.memory_space<hbm>>
          tpu.enqueue_indirect_dma source(%dma_start3A_116 : memref<10240x128xf32, #tpu.memory_space<hbm>>) target(%arg8 : memref<128x128xf32, #tpu.memory_space<vmem>>) offsets(%dma_start3A_113 : memref<128xi32, #tpu.memory_space<vmem>>) semaphore(%arg11 : memref<!tpu.dma_semaphore, #tpu.memory_space<semaphore_mem>>)
        } else {
        }
        %add3A_99 = arith.constant 1 : i32
        %add3A_100 = arith.addi %mul3A_83, %add3A_99 : i32
        %dma_wait3A_101 = arith.constant 0 : i32
        %dma_wait3A_102 = tpu.memref_slice %arg6[%add3A_100, %dma_wait3A_101] : memref<16x128xi32, #tpu.memory_space<vmem>> -> memref<1x128xi32, #tpu.memory_space<vmem>>
        %dma_wait3A_103 = tpu.memref_squeeze %dma_wait3A_102 : memref<1x128xi32, #tpu.memory_space<vmem>> -> memref<128xi32, #tpu.memory_space<vmem>>
        %dma_wait3A_104 = arith.constant 0 : i32
        %dma_wait3A_105 = arith.constant 0 : i32
        %dma_wait3A_106 = tpu.memref_slice %arg2[%dma_wait3A_104, %dma_wait3A_105] : memref<10240x128xf32, #tpu.memory_space<hbm>> -> memref<10240x128xf32, #tpu.memory_space<hbm>>
        tpu.wait_indirect_dma semaphore(%arg12 : memref<!tpu.dma_semaphore, #tpu.memory_space<semaphore_mem>>) src(%dma_wait3A_106 : memref<10240x128xf32, #tpu.memory_space<hbm>>) dst(%arg9 : memref<128x128xf32, #tpu.memory_space<vmem>>)
        %add3A_107 = arith.constant 1 : i32
        %add3A_108 = arith.addi %mul3A_83, %add3A_107 : i32
        "tpu.region"() ({
          %run_scoped3A = tpu.sem_alloc : memref<!tpu.dma_semaphore, #tpu.memory_space<semaphore_mem>>
          %dma_start3A_109 = arith.constant 0 : i32
          %dma_start3A_110 = tpu.memref_slice %arg7[%add3A_108, %dma_start3A_109] : memref<16x128xi32, #tpu.memory_space<vmem>> -> memref<1x128xi32, #tpu.memory_space<vmem>>
          %dma_start3A_111 = tpu.memref_squeeze %dma_start3A_110 : memref<1x128xi32, #tpu.memory_space<vmem>> -> memref<128xi32, #tpu.memory_space<vmem>>
          %dma_start3A_112 = arith.constant 0 : i32
          %dma_start3A_113 = arith.constant 0 : i32
          %dma_start3A_114 = tpu.memref_slice %arg10[%dma_start3A_112, %dma_start3A_113] : memref<10240x128xf32, #tpu.memory_space<vmem_shared>> -> memref<10240x128xf32, #tpu.memory_space<vmem_shared>>
          tpu.enqueue_indirect_dma source(%arg9 : memref<128x128xf32, #tpu.memory_space<vmem>>) target(%dma_start3A_114 : memref<10240x128xf32, #tpu.memory_space<vmem_shared>>) offsets(%dma_start3A_111 : memref<128xi32, #tpu.memory_space<vmem>>) semaphore(%run_scoped3A : memref<!tpu.dma_semaphore, #tpu.memory_space<semaphore_mem>>) {add = true}
          %dma_wait3A_115 = arith.constant 0 : i32
          %dma_wait3A_116 = tpu.memref_slice %arg7[%add3A_108, %dma_wait3A_115] : memref<16x128xi32, #tpu.memory_space<vmem>> -> memref<1x128xi32, #tpu.memory_space<vmem>>
          %dma_wait3A_117 = tpu.memref_squeeze %dma_wait3A_116 : memref<1x128xi32, #tpu.memory_space<vmem>> -> memref<128xi32, #tpu.memory_space<vmem>>
          %dma_wait3A_118 = arith.constant 0 : i32
          %dma_wait3A_119 = arith.constant 0 : i32
          %dma_wait3A_120 = tpu.memref_slice %arg10[%dma_wait3A_118, %dma_wait3A_119] : memref<10240x128xf32, #tpu.memory_space<vmem_shared>> -> memref<10240x128xf32, #tpu.memory_space<vmem_shared>>
          tpu.wait_indirect_dma semaphore(%run_scoped3A : memref<!tpu.dma_semaphore, #tpu.memory_space<semaphore_mem>>) src(%arg9 : memref<128x128xf32, #tpu.memory_space<vmem>>) dst(%dma_wait3A_120 : memref<10240x128xf32, #tpu.memory_space<vmem_shared>>)
          tpu.yield
        }) : () -> ()
      }
      %scan3A_80 = arith.constant 8 : i32
    }
    %barrier3A_44 = arith.constant 0 : index
    tpu.barrier barrier_id(%barrier3A_44)
    %mul3A_45 = arith.constant 640 : i32
    %mul3A_46 = arith.muli %arg1, %mul3A_45 : i32
    %add3A_47 = arith.constant 0 : i32
    %add3A_48 = arith.addi %mul3A_46, %add3A_47 : i32
    "tpu.region"() ({
      %run_scoped3A = tpu.sem_alloc : memref<!tpu.dma_semaphore, #tpu.memory_space<semaphore_mem>>
      %dma_start3A = arith.constant 0 : i32
      %dma_start3A_65 = tpu.memref_slice %arg10[%add3A_48, %dma_start3A] : memref<10240x128xf32, #tpu.memory_space<vmem_shared>> -> memref<128x128xf32, #tpu.memory_space<vmem_shared>>
      %dma_start3A_66 = arith.constant 0 : i32
      %dma_start3A_67 = tpu.memref_slice %arg10[%add3A_48, %dma_start3A_66] : memref<10240x128xf32, #tpu.memory_space<vmem_shared>> -> memref<128x128xf32, #tpu.memory_space<vmem_shared>>
      tpu.enqueue_dma source(%dma_start3A_67 : memref<128x128xf32, #tpu.memory_space<vmem_shared>>) target(%arg8 : memref<128x128xf32, #tpu.memory_space<vmem>>) target_semaphore(%run_scoped3A : memref<!tpu.dma_semaphore, #tpu.memory_space<semaphore_mem>>)
      %dma_wait3A = arith.constant 0 : i32
      %dma_wait3A_68 = tpu.memref_slice %arg10[%add3A_48, %dma_wait3A] : memref<10240x128xf32, #tpu.memory_space<vmem_shared>> -> memref<128x128xf32, #tpu.memory_space<vmem_shared>>
      %dma_wait3A_69 = arith.constant 0 : i32
      %dma_wait3A_70 = tpu.memref_slice %arg10[%add3A_48, %dma_wait3A_69] : memref<10240x128xf32, #tpu.memory_space<vmem_shared>> -> memref<128x128xf32, #tpu.memory_space<vmem_shared>>
      tpu.wait_dma2 semaphore(%run_scoped3A : memref<!tpu.dma_semaphore, #tpu.memory_space<semaphore_mem>>) src(%dma_wait3A_70 : memref<128x128xf32, #tpu.memory_space<vmem_shared>>) dst(%arg8 : memref<128x128xf32, #tpu.memory_space<vmem>>)
      tpu.yield
    }) : () -> ()
    "tpu.region"() ({
      %run_scoped3A = tpu.sem_alloc : memref<!tpu.dma_semaphore, #tpu.memory_space<semaphore_mem>>
      %dma_start3A = arith.constant 0 : i32
      %dma_start3A_65 = tpu.memref_slice %arg5[%arg0, %add3A_48, %dma_start3A] : memref<2x10240x128xf32, #tpu.memory_space<hbm>> -> memref<1x128x128xf32, #tpu.memory_space<hbm>>
      %dma_start3A_66 = tpu.memref_squeeze %dma_start3A_65 : memref<1x128x128xf32, #tpu.memory_space<hbm>> -> memref<128x128xf32, #tpu.memory_space<hbm>>
      %dma_start3A_67 = arith.constant 0 : i32
      %dma_start3A_68 = tpu.memref_slice %arg5[%arg0, %add3A_48, %dma_start3A_67] : memref<2x10240x128xf32, #tpu.memory_space<hbm>> -> memref<1x128x128xf32, #tpu.memory_space<hbm>>
      %dma_start3A_69 = tpu.memref_squeeze %dma_start3A_68 : memref<1x128x128xf32, #tpu.memory_space<hbm>> -> memref<128x128xf32, #tpu.memory_space<hbm>>
      tpu.enqueue_dma source(%arg8 : memref<128x128xf32, #tpu.memory_space<vmem>>) target(%dma_start3A_69 : memref<128x128xf32, #tpu.memory_space<hbm>>) target_semaphore(%run_scoped3A : memref<!tpu.dma_semaphore, #tpu.memory_space<semaphore_mem>>)
      %dma_wait3A = arith.constant 0 : i32
      %dma_wait3A_70 = tpu.memref_slice %arg5[%arg0, %add3A_48, %dma_wait3A] : memref<2x10240x128xf32, #tpu.memory_space<hbm>> -> memref<1x128x128xf32, #tpu.memory_space<hbm>>
      %dma_wait3A_71 = tpu.memref_squeeze %dma_wait3A_70 : memref<1x128x128xf32, #tpu.memory_space<hbm>> -> memref<128x128xf32, #tpu.memory_space<hbm>>
      %dma_wait3A_72 = arith.constant 0 : i32
      %dma_wait3A_73 = tpu.memref_slice %arg5[%arg0, %add3A_48, %dma_wait3A_72] : memref<2x10240x128xf32, #tpu.memory_space<hbm>> -> memref<1x128x128xf32, #tpu.memory_space<hbm>>
      %dma_wait3A_74 = tpu.memref_squeeze %dma_wait3A_73 : memref<1x128x128xf32, #tpu.memory_space<hbm>> -> memref<128x128xf32, #tpu.memory_space<hbm>>
      tpu.wait_dma2 semaphore(%run_scoped3A : memref<!tpu.dma_semaphore, #tpu.memory_space<semaphore_mem>>) src(%arg8 : memref<128x128xf32, #tpu.memory_space<vmem>>) dst(%dma_wait3A_74 : memref<128x128xf32, #tpu.memory_space<hbm>>)
      tpu.yield
    }) : () -> ()
    %mul3A_49 = arith.constant 640 : i32
    %mul3A_50 = arith.muli %arg1, %mul3A_49 : i32
    %add3A_51 = arith.constant 128 : i32
    %add3A_52 = arith.addi %mul3A_50, %add3A_51 : i32
    "tpu.region"() ({
      %run_scoped3A = tpu.sem_alloc : memref<!tpu.dma_semaphore, #tpu.memory_space<semaphore_mem>>
      %dma_start3A = arith.constant 0 : i32
      %dma_start3A_65 = tpu.memref_slice %arg10[%add3A_52, %dma_start3A] : memref<10240x128xf32, #tpu.memory_space<vmem_shared>> -> memref<128x128xf32, #tpu.memory_space<vmem_shared>>
      %dma_start3A_66 = arith.constant 0 : i32
      %dma_start3A_67 = tpu.memref_slice %arg10[%add3A_52, %dma_start3A_66] : memref<10240x128xf32, #tpu.memory_space<vmem_shared>> -> memref<128x128xf32, #tpu.memory_space<vmem_shared>>
      tpu.enqueue_dma source(%dma_start3A_67 : memref<128x128xf32, #tpu.memory_space<vmem_shared>>) target(%arg8 : memref<128x128xf32, #tpu.memory_space<vmem>>) target_semaphore(%run_scoped3A : memref<!tpu.dma_semaphore, #tpu.memory_space<semaphore_mem>>)
      %dma_wait3A = arith.constant 0 : i32
      %dma_wait3A_68 = tpu.memref_slice %arg10[%add3A_52, %dma_wait3A] : memref<10240x128xf32, #tpu.memory_space<vmem_shared>> -> memref<128x128xf32, #tpu.memory_space<vmem_shared>>
      %dma_wait3A_69 = arith.constant 0 : i32
      %dma_wait3A_70 = tpu.memref_slice %arg10[%add3A_52, %dma_wait3A_69] : memref<10240x128xf32, #tpu.memory_space<vmem_shared>> -> memref<128x128xf32, #tpu.memory_space<vmem_shared>>
      tpu.wait_dma2 semaphore(%run_scoped3A : memref<!tpu.dma_semaphore, #tpu.memory_space<semaphore_mem>>) src(%dma_wait3A_70 : memref<128x128xf32, #tpu.memory_space<vmem_shared>>) dst(%arg8 : memref<128x128xf32, #tpu.memory_space<vmem>>)
      tpu.yield
    }) : () -> ()
    "tpu.region"() ({
      %run_scoped3A = tpu.sem_alloc : memref<!tpu.dma_semaphore, #tpu.memory_space<semaphore_mem>>
      %dma_start3A = arith.constant 0 : i32
      %dma_start3A_65 = tpu.memref_slice %arg5[%arg0, %add3A_52, %dma_start3A] : memref<2x10240x128xf32, #tpu.memory_space<hbm>> -> memref<1x128x128xf32, #tpu.memory_space<hbm>>
      %dma_start3A_66 = tpu.memref_squeeze %dma_start3A_65 : memref<1x128x128xf32, #tpu.memory_space<hbm>> -> memref<128x128xf32, #tpu.memory_space<hbm>>
      %dma_start3A_67 = arith.constant 0 : i32
      %dma_start3A_68 = tpu.memref_slice %arg5[%arg0, %add3A_52, %dma_start3A_67] : memref<2x10240x128xf32, #tpu.memory_space<hbm>> -> memref<1x128x128xf32, #tpu.memory_space<hbm>>
      %dma_start3A_69 = tpu.memref_squeeze %dma_start3A_68 : memref<1x128x128xf32, #tpu.memory_space<hbm>> -> memref<128x128xf32, #tpu.memory_space<hbm>>
      tpu.enqueue_dma source(%arg8 : memref<128x128xf32, #tpu.memory_space<vmem>>) target(%dma_start3A_69 : memref<128x128xf32, #tpu.memory_space<hbm>>) target_semaphore(%run_scoped3A : memref<!tpu.dma_semaphore, #tpu.memory_space<semaphore_mem>>)
      %dma_wait3A = arith.constant 0 : i32
      %dma_wait3A_70 = tpu.memref_slice %arg5[%arg0, %add3A_52, %dma_wait3A] : memref<2x10240x128xf32, #tpu.memory_space<hbm>> -> memref<1x128x128xf32, #tpu.memory_space<hbm>>
      %dma_wait3A_71 = tpu.memref_squeeze %dma_wait3A_70 : memref<1x128x128xf32, #tpu.memory_space<hbm>> -> memref<128x128xf32, #tpu.memory_space<hbm>>
      %dma_wait3A_72 = arith.constant 0 : i32
      %dma_wait3A_73 = tpu.memref_slice %arg5[%arg0, %add3A_52, %dma_wait3A_72] : memref<2x10240x128xf32, #tpu.memory_space<hbm>> -> memref<1x128x128xf32, #tpu.memory_space<hbm>>
      %dma_wait3A_74 = tpu.memref_squeeze %dma_wait3A_73 : memref<1x128x128xf32, #tpu.memory_space<hbm>> -> memref<128x128xf32, #tpu.memory_space<hbm>>
      tpu.wait_dma2 semaphore(%run_scoped3A : memref<!tpu.dma_semaphore, #tpu.memory_space<semaphore_mem>>) src(%arg8 : memref<128x128xf32, #tpu.memory_space<vmem>>) dst(%dma_wait3A_74 : memref<128x128xf32, #tpu.memory_space<hbm>>)
      tpu.yield
    }) : () -> ()
    %mul3A_53 = arith.constant 640 : i32
    %mul3A_54 = arith.muli %arg1, %mul3A_53 : i32
    %add3A_55 = arith.constant 256 : i32
    %add3A_56 = arith.addi %mul3A_54, %add3A_55 : i32
    "tpu.region"() ({
      %run_scoped3A = tpu.sem_alloc : memref<!tpu.dma_semaphore, #tpu.memory_space<semaphore_mem>>
      %dma_start3A = arith.constant 0 : i32
      %dma_start3A_65 = tpu.memref_slice %arg10[%add3A_56, %dma_start3A] : memref<10240x128xf32, #tpu.memory_space<vmem_shared>> -> memref<128x128xf32, #tpu.memory_space<vmem_shared>>
      %dma_start3A_66 = arith.constant 0 : i32
      %dma_start3A_67 = tpu.memref_slice %arg10[%add3A_56, %dma_start3A_66] : memref<10240x128xf32, #tpu.memory_space<vmem_shared>> -> memref<128x128xf32, #tpu.memory_space<vmem_shared>>
      tpu.enqueue_dma source(%dma_start3A_67 : memref<128x128xf32, #tpu.memory_space<vmem_shared>>) target(%arg8 : memref<128x128xf32, #tpu.memory_space<vmem>>) target_semaphore(%run_scoped3A : memref<!tpu.dma_semaphore, #tpu.memory_space<semaphore_mem>>)
      %dma_wait3A = arith.constant 0 : i32
      %dma_wait3A_68 = tpu.memref_slice %arg10[%add3A_56, %dma_wait3A] : memref<10240x128xf32, #tpu.memory_space<vmem_shared>> -> memref<128x128xf32, #tpu.memory_space<vmem_shared>>
      %dma_wait3A_69 = arith.constant 0 : i32
      %dma_wait3A_70 = tpu.memref_slice %arg10[%add3A_56, %dma_wait3A_69] : memref<10240x128xf32, #tpu.memory_space<vmem_shared>> -> memref<128x128xf32, #tpu.memory_space<vmem_shared>>
      tpu.wait_dma2 semaphore(%run_scoped3A : memref<!tpu.dma_semaphore, #tpu.memory_space<semaphore_mem>>) src(%dma_wait3A_70 : memref<128x128xf32, #tpu.memory_space<vmem_shared>>) dst(%arg8 : memref<128x128xf32, #tpu.memory_space<vmem>>)
      tpu.yield
    }) : () -> ()
    "tpu.region"() ({
      %run_scoped3A = tpu.sem_alloc : memref<!tpu.dma_semaphore, #tpu.memory_space<semaphore_mem>>
      %dma_start3A = arith.constant 0 : i32
      %dma_start3A_65 = tpu.memref_slice %arg5[%arg0, %add3A_56, %dma_start3A] : memref<2x10240x128xf32, #tpu.memory_space<hbm>> -> memref<1x128x128xf32, #tpu.memory_space<hbm>>
      %dma_start3A_66 = tpu.memref_squeeze %dma_start3A_65 : memref<1x128x128xf32, #tpu.memory_space<hbm>> -> memref<128x128xf32, #tpu.memory_space<hbm>>
      %dma_start3A_67 = arith.constant 0 : i32
      %dma_start3A_68 = tpu.memref_slice %arg5[%arg0, %add3A_56, %dma_start3A_67] : memref<2x10240x128xf32, #tpu.memory_space<hbm>> -> memref<1x128x128xf32, #tpu.memory_space<hbm>>
      %dma_start3A_69 = tpu.memref_squeeze %dma_start3A_68 : memref<1x128x128xf32, #tpu.memory_space<hbm>> -> memref<128x128xf32, #tpu.memory_space<hbm>>
      tpu.enqueue_dma source(%arg8 : memref<128x128xf32, #tpu.memory_space<vmem>>) target(%dma_start3A_69 : memref<128x128xf32, #tpu.memory_space<hbm>>) target_semaphore(%run_scoped3A : memref<!tpu.dma_semaphore, #tpu.memory_space<semaphore_mem>>)
      %dma_wait3A = arith.constant 0 : i32
      %dma_wait3A_70 = tpu.memref_slice %arg5[%arg0, %add3A_56, %dma_wait3A] : memref<2x10240x128xf32, #tpu.memory_space<hbm>> -> memref<1x128x128xf32, #tpu.memory_space<hbm>>
      %dma_wait3A_71 = tpu.memref_squeeze %dma_wait3A_70 : memref<1x128x128xf32, #tpu.memory_space<hbm>> -> memref<128x128xf32, #tpu.memory_space<hbm>>
      %dma_wait3A_72 = arith.constant 0 : i32
      %dma_wait3A_73 = tpu.memref_slice %arg5[%arg0, %add3A_56, %dma_wait3A_72] : memref<2x10240x128xf32, #tpu.memory_space<hbm>> -> memref<1x128x128xf32, #tpu.memory_space<hbm>>
      %dma_wait3A_74 = tpu.memref_squeeze %dma_wait3A_73 : memref<1x128x128xf32, #tpu.memory_space<hbm>> -> memref<128x128xf32, #tpu.memory_space<hbm>>
      tpu.wait_dma2 semaphore(%run_scoped3A : memref<!tpu.dma_semaphore, #tpu.memory_space<semaphore_mem>>) src(%arg8 : memref<128x128xf32, #tpu.memory_space<vmem>>) dst(%dma_wait3A_74 : memref<128x128xf32, #tpu.memory_space<hbm>>)
      tpu.yield
    }) : () -> ()
    %mul3A_57 = arith.constant 640 : i32
    %mul3A_58 = arith.muli %arg1, %mul3A_57 : i32
    %add3A_59 = arith.constant 384 : i32
    %add3A_60 = arith.addi %mul3A_58, %add3A_59 : i32
    "tpu.region"() ({
      %run_scoped3A = tpu.sem_alloc : memref<!tpu.dma_semaphore, #tpu.memory_space<semaphore_mem>>
      %dma_start3A = arith.constant 0 : i32
      %dma_start3A_65 = tpu.memref_slice %arg10[%add3A_60, %dma_start3A] : memref<10240x128xf32, #tpu.memory_space<vmem_shared>> -> memref<128x128xf32, #tpu.memory_space<vmem_shared>>
      %dma_start3A_66 = arith.constant 0 : i32
      %dma_start3A_67 = tpu.memref_slice %arg10[%add3A_60, %dma_start3A_66] : memref<10240x128xf32, #tpu.memory_space<vmem_shared>> -> memref<128x128xf32, #tpu.memory_space<vmem_shared>>
      tpu.enqueue_dma source(%dma_start3A_67 : memref<128x128xf32, #tpu.memory_space<vmem_shared>>) target(%arg8 : memref<128x128xf32, #tpu.memory_space<vmem>>) target_semaphore(%run_scoped3A : memref<!tpu.dma_semaphore, #tpu.memory_space<semaphore_mem>>)
      %dma_wait3A = arith.constant 0 : i32
      %dma_wait3A_68 = tpu.memref_slice %arg10[%add3A_60, %dma_wait3A] : memref<10240x128xf32, #tpu.memory_space<vmem_shared>> -> memref<128x128xf32, #tpu.memory_space<vmem_shared>>
      %dma_wait3A_69 = arith.constant 0 : i32
      %dma_wait3A_70 = tpu.memref_slice %arg10[%add3A_60, %dma_wait3A_69] : memref<10240x128xf32, #tpu.memory_space<vmem_shared>> -> memref<128x128xf32, #tpu.memory_space<vmem_shared>>
      tpu.wait_dma2 semaphore(%run_scoped3A : memref<!tpu.dma_semaphore, #tpu.memory_space<semaphore_mem>>) src(%dma_wait3A_70 : memref<128x128xf32, #tpu.memory_space<vmem_shared>>) dst(%arg8 : memref<128x128xf32, #tpu.memory_space<vmem>>)
      tpu.yield
    }) : () -> ()
    "tpu.region"() ({
      %run_scoped3A = tpu.sem_alloc : memref<!tpu.dma_semaphore, #tpu.memory_space<semaphore_mem>>
      %dma_start3A = arith.constant 0 : i32
      %dma_start3A_65 = tpu.memref_slice %arg5[%arg0, %add3A_60, %dma_start3A] : memref<2x10240x128xf32, #tpu.memory_space<hbm>> -> memref<1x128x128xf32, #tpu.memory_space<hbm>>
      %dma_start3A_66 = tpu.memref_squeeze %dma_start3A_65 : memref<1x128x128xf32, #tpu.memory_space<hbm>> -> memref<128x128xf32, #tpu.memory_space<hbm>>
      %dma_start3A_67 = arith.constant 0 : i32
      %dma_start3A_68 = tpu.memref_slice %arg5[%arg0, %add3A_60, %dma_start3A_67] : memref<2x10240x128xf32, #tpu.memory_space<hbm>> -> memref<1x128x128xf32, #tpu.memory_space<hbm>>
      %dma_start3A_69 = tpu.memref_squeeze %dma_start3A_68 : memref<1x128x128xf32, #tpu.memory_space<hbm>> -> memref<128x128xf32, #tpu.memory_space<hbm>>
      tpu.enqueue_dma source(%arg8 : memref<128x128xf32, #tpu.memory_space<vmem>>) target(%dma_start3A_69 : memref<128x128xf32, #tpu.memory_space<hbm>>) target_semaphore(%run_scoped3A : memref<!tpu.dma_semaphore, #tpu.memory_space<semaphore_mem>>)
      %dma_wait3A = arith.constant 0 : i32
      %dma_wait3A_70 = tpu.memref_slice %arg5[%arg0, %add3A_60, %dma_wait3A] : memref<2x10240x128xf32, #tpu.memory_space<hbm>> -> memref<1x128x128xf32, #tpu.memory_space<hbm>>
      %dma_wait3A_71 = tpu.memref_squeeze %dma_wait3A_70 : memref<1x128x128xf32, #tpu.memory_space<hbm>> -> memref<128x128xf32, #tpu.memory_space<hbm>>
      %dma_wait3A_72 = arith.constant 0 : i32
      %dma_wait3A_73 = tpu.memref_slice %arg5[%arg0, %add3A_60, %dma_wait3A_72] : memref<2x10240x128xf32, #tpu.memory_space<hbm>> -> memref<1x128x128xf32, #tpu.memory_space<hbm>>
      %dma_wait3A_74 = tpu.memref_squeeze %dma_wait3A_73 : memref<1x128x128xf32, #tpu.memory_space<hbm>> -> memref<128x128xf32, #tpu.memory_space<hbm>>
      tpu.wait_dma2 semaphore(%run_scoped3A : memref<!tpu.dma_semaphore, #tpu.memory_space<semaphore_mem>>) src(%arg8 : memref<128x128xf32, #tpu.memory_space<vmem>>) dst(%dma_wait3A_74 : memref<128x128xf32, #tpu.memory_space<hbm>>)
      tpu.yield
    }) : () -> ()
    %mul3A_61 = arith.constant 640 : i32
    %mul3A_62 = arith.muli %arg1, %mul3A_61 : i32
    %add3A_63 = arith.constant 512 : i32
    %add3A_64 = arith.addi %mul3A_62, %add3A_63 : i32
    "tpu.region"() ({
      %run_scoped3A = tpu.sem_alloc : memref<!tpu.dma_semaphore, #tpu.memory_space<semaphore_mem>>
      %dma_start3A = arith.constant 0 : i32
      %dma_start3A_65 = tpu.memref_slice %arg10[%add3A_64, %dma_start3A] : memref<10240x128xf32, #tpu.memory_space<vmem_shared>> -> memref<128x128xf32, #tpu.memory_space<vmem_shared>>
      %dma_start3A_66 = arith.constant 0 : i32
      %dma_start3A_67 = tpu.memref_slice %arg10[%add3A_64, %dma_start3A_66] : memref<10240x128xf32, #tpu.memory_space<vmem_shared>> -> memref<128x128xf32, #tpu.memory_space<vmem_shared>>
      tpu.enqueue_dma source(%dma_start3A_67 : memref<128x128xf32, #tpu.memory_space<vmem_shared>>) target(%arg8 : memref<128x128xf32, #tpu.memory_space<vmem>>) target_semaphore(%run_scoped3A : memref<!tpu.dma_semaphore, #tpu.memory_space<semaphore_mem>>)
      %dma_wait3A = arith.constant 0 : i32
      %dma_wait3A_68 = tpu.memref_slice %arg10[%add3A_64, %dma_wait3A] : memref<10240x128xf32, #tpu.memory_space<vmem_shared>> -> memref<128x128xf32, #tpu.memory_space<vmem_shared>>
      %dma_wait3A_69 = arith.constant 0 : i32
      %dma_wait3A_70 = tpu.memref_slice %arg10[%add3A_64, %dma_wait3A_69] : memref<10240x128xf32, #tpu.memory_space<vmem_shared>> -> memref<128x128xf32, #tpu.memory_space<vmem_shared>>
      tpu.wait_dma2 semaphore(%run_scoped3A : memref<!tpu.dma_semaphore, #tpu.memory_space<semaphore_mem>>) src(%dma_wait3A_70 : memref<128x128xf32, #tpu.memory_space<vmem_shared>>) dst(%arg8 : memref<128x128xf32, #tpu.memory_space<vmem>>)
      tpu.yield
    }) : () -> ()
    "tpu.region"() ({
      %run_scoped3A = tpu.sem_alloc : memref<!tpu.dma_semaphore, #tpu.memory_space<semaphore_mem>>
      %dma_start3A = arith.constant 0 : i32
      %dma_start3A_65 = tpu.memref_slice %arg5[%arg0, %add3A_64, %dma_start3A] : memref<2x10240x128xf32, #tpu.memory_space<hbm>> -> memref<1x128x128xf32, #tpu.memory_space<hbm>>
      %dma_start3A_66 = tpu.memref_squeeze %dma_start3A_65 : memref<1x128x128xf32, #tpu.memory_space<hbm>> -> memref<128x128xf32, #tpu.memory_space<hbm>>
      %dma_start3A_67 = arith.constant 0 : i32
      %dma_start3A_68 = tpu.memref_slice %arg5[%arg0, %add3A_64, %dma_start3A_67] : memref<2x10240x128xf32, #tpu.memory_space<hbm>> -> memref<1x128x128xf32, #tpu.memory_space<hbm>>
      %dma_start3A_69 = tpu.memref_squeeze %dma_start3A_68 : memref<1x128x128xf32, #tpu.memory_space<hbm>> -> memref<128x128xf32, #tpu.memory_space<hbm>>
      tpu.enqueue_dma source(%arg8 : memref<128x128xf32, #tpu.memory_space<vmem>>) target(%dma_start3A_69 : memref<128x128xf32, #tpu.memory_space<hbm>>) target_semaphore(%run_scoped3A : memref<!tpu.dma_semaphore, #tpu.memory_space<semaphore_mem>>)
      %dma_wait3A = arith.constant 0 : i32
      %dma_wait3A_70 = tpu.memref_slice %arg5[%arg0, %add3A_64, %dma_wait3A] : memref<2x10240x128xf32, #tpu.memory_space<hbm>> -> memref<1x128x128xf32, #tpu.memory_space<hbm>>
      %dma_wait3A_71 = tpu.memref_squeeze %dma_wait3A_70 : memref<1x128x128xf32, #tpu.memory_space<hbm>> -> memref<128x128xf32, #tpu.memory_space<hbm>>
      %dma_wait3A_72 = arith.constant 0 : i32
      %dma_wait3A_73 = tpu.memref_slice %arg5[%arg0, %add3A_64, %dma_wait3A_72] : memref<2x10240x128xf32, #tpu.memory_space<hbm>> -> memref<1x128x128xf32, #tpu.memory_space<hbm>>
      %dma_wait3A_74 = tpu.memref_squeeze %dma_wait3A_73 : memref<1x128x128xf32, #tpu.memory_space<hbm>> -> memref<128x128xf32, #tpu.memory_space<hbm>>
      tpu.wait_dma2 semaphore(%run_scoped3A : memref<!tpu.dma_semaphore, #tpu.memory_space<semaphore_mem>>) src(%arg8 : memref<128x128xf32, #tpu.memory_space<vmem>>) dst(%dma_wait3A_74 : memref<128x128xf32, #tpu.memory_space<hbm>>)
      tpu.yield
    }) : () -> ()
    return
  }
}

module attributes {stable_mosaic.version = 14 : i64} {
  func.func @_tc_pre_body(%arg0: i32, %arg1: memref<2x512x128xf32, #tpu.memory_space<vmem>>, %arg2: memref<2x512x128xf32, #tpu.memory_space<vmem>>, %arg3: memref<512x128xf32, #tpu.memory_space<vmem>>, %arg4: memref<512x128xf32, #tpu.memory_space<vmem>>, %arg5: memref<512x128xf32, #tpu.memory_space<vmem>>, %arg6: memref<512x128xf32, #tpu.memory_space<vmem>>) attributes {dimension_semantics = [#tpu.dimension_semantics<arbitrary>], iteration_bounds = array<i64: 20>, scalar_prefetch = 0 : i64, scratch_operands = 0 : i64, tpu.core_type = #tpu.core_type<tc>, window_params = [{transform_indices = @transform_0, window_bounds = array<i64: 2, 512, 128>}, {transform_indices = @transform_1, window_bounds = array<i64: 2, 512, 128>}, {transform_indices = @transform_2, window_bounds = array<i64: 512, 128>}, {transform_indices = @transform_3, window_bounds = array<i64: 512, 128>}, {transform_indices = @transform_4, window_bounds = array<i64: 512, 128>}, {transform_indices = @transform_5, window_bounds = array<i64: 512, 128>}]} {
    %get3A = arith.constant 0 : index
    %get3A_0 = arith.constant 0 : index
    %get3A_1 = arith.constant 0 : index
    %get3A_2 = vector.load %arg1[%get3A, %get3A_0, %get3A_1] : memref<2x512x128xf32, #tpu.memory_space<vmem>>, vector<1x512x128xf32>
    %get3A_3 = vector.shape_cast %get3A_2 : vector<1x512x128xf32> to vector<512x128xf32>
    %get3A_4 = arith.constant 1 : index
    %get3A_5 = arith.constant 0 : index
    %get3A_6 = arith.constant 0 : index
    %get3A_7 = vector.load %arg1[%get3A_4, %get3A_5, %get3A_6] : memref<2x512x128xf32, #tpu.memory_space<vmem>>, vector<1x512x128xf32>
    %get3A_8 = vector.shape_cast %get3A_7 : vector<1x512x128xf32> to vector<512x128xf32>
    %add3A = arith.addf %get3A_3, %get3A_8 : vector<512x128xf32>
    %get3A_9 = arith.constant 0 : index
    %get3A_10 = arith.constant 0 : index
    %get3A_11 = arith.constant 0 : index
    %get3A_12 = vector.load %arg2[%get3A_9, %get3A_10, %get3A_11] : memref<2x512x128xf32, #tpu.memory_space<vmem>>, vector<1x512x128xf32>
    %get3A_13 = vector.shape_cast %get3A_12 : vector<1x512x128xf32> to vector<512x128xf32>
    %get3A_14 = arith.constant 1 : index
    %get3A_15 = arith.constant 0 : index
    %get3A_16 = arith.constant 0 : index
    %get3A_17 = vector.load %arg2[%get3A_14, %get3A_15, %get3A_16] : memref<2x512x128xf32, #tpu.memory_space<vmem>>, vector<1x512x128xf32>
    %get3A_18 = vector.shape_cast %get3A_17 : vector<1x512x128xf32> to vector<512x128xf32>
    %add3A_19 = arith.addf %get3A_13, %get3A_18 : vector<512x128xf32>
    %slice3A = vector.extract_strided_slice %add3A {offsets = [0, 0], sizes = [512, 1], strides = [1, 1]} : vector<512x128xf32> to vector<512x1xf32>
    %max3A = arith.constant 1.000000e+00 : f32
    %max3A_20 = vector.broadcast %max3A : f32 to vector<512x1xf32>
    %max3A_21 = arith.maximumf %slice3A, %max3A_20 : vector<512x1xf32>
    %rsqrt3A = math.rsqrt %max3A_21 : vector<512x1xf32>
    %slice3A_22 = vector.extract_strided_slice %add3A_19 {offsets = [0, 0], sizes = [512, 1], strides = [1, 1]} : vector<512x128xf32> to vector<512x1xf32>
    %max3A_23 = arith.constant 1.000000e+00 : f32
    %max3A_24 = vector.broadcast %max3A_23 : f32 to vector<512x1xf32>
    %max3A_25 = arith.maximumf %slice3A_22, %max3A_24 : vector<512x1xf32>
    %rsqrt3A_26 = math.rsqrt %max3A_25 : vector<512x1xf32>
    %broadcast_in_dim3A = vector.shape_cast %rsqrt3A : vector<512x1xf32> to vector<512x1xf32>
    %broadcast_in_dim3A_27 = vector.broadcast %broadcast_in_dim3A : vector<512x1xf32> to vector<512x128xf32>
    %broadcast_in_dim3A_28 = vector.shape_cast %rsqrt3A_26 : vector<512x1xf32> to vector<512x1xf32>
    %broadcast_in_dim3A_29 = vector.broadcast %broadcast_in_dim3A_28 : vector<512x1xf32> to vector<512x128xf32>
    %swap3A = arith.constant 0 : index
    %swap3A_30 = arith.constant 0 : index
    %swap3A_31 = vector.load %arg4[%swap3A, %swap3A_30] : memref<512x128xf32, #tpu.memory_space<vmem>>, vector<512x128xf32>
    tpu.vector_store %arg4[%swap3A, %swap3A_30], %broadcast_in_dim3A_27 {strides = array<i32>} : memref<512x128xf32, #tpu.memory_space<vmem>>, vector<512x128xf32>,
    %swap3A_32 = arith.constant 0 : index
    %swap3A_33 = arith.constant 0 : index
    %swap3A_34 = vector.load %arg5[%swap3A_32, %swap3A_33] : memref<512x128xf32, #tpu.memory_space<vmem>>, vector<512x128xf32>
    tpu.vector_store %arg5[%swap3A_32, %swap3A_33], %broadcast_in_dim3A_29 {strides = array<i32>} : memref<512x128xf32, #tpu.memory_space<vmem>>, vector<512x128xf32>,
    %get3A_35 = arith.constant 0 : index
    %get3A_36 = arith.constant 0 : index
    %get3A_37 = vector.load %arg3[%get3A_35, %get3A_36] : memref<512x128xf32, #tpu.memory_space<vmem>>, vector<512x128xf32>
    %mul3A = arith.mulf %get3A_37, %broadcast_in_dim3A_27 : vector<512x128xf32>
    %swap3A_38 = arith.constant 0 : index
    %swap3A_39 = arith.constant 0 : index
    %swap3A_40 = vector.load %arg6[%swap3A_38, %swap3A_39] : memref<512x128xf32, #tpu.memory_space<vmem>>, vector<512x128xf32>
    tpu.vector_store %arg6[%swap3A_38, %swap3A_39], %mul3A {strides = array<i32>} : memref<512x128xf32, #tpu.memory_space<vmem>>, vector<512x128xf32>,
    return
  }
  func.func @transform_0(%arg0: i32) -> (i32, i32, i32) {
    %c0_i32 = arith.constant 0 : i32
    %c0_i32_0 = arith.constant 0 : i32
    %c0_i32_1 = arith.constant 0 : i32
    return %c0_i32, %arg0, %c0_i32_0 : i32, i32, i32
  }
  func.func @transform_1(%arg0: i32) -> (i32, i32, i32) {
    %c0_i32 = arith.constant 0 : i32
    %c0_i32_0 = arith.constant 0 : i32
    %c0_i32_1 = arith.constant 0 : i32
    return %c0_i32, %arg0, %c0_i32_0 : i32, i32, i32
  }
  func.func @transform_2(%arg0: i32) -> (i32, i32) {
    %c0_i32 = arith.constant 0 : i32
    %c0_i32_0 = arith.constant 0 : i32
    return %arg0, %c0_i32 : i32, i32
  }
  func.func @transform_3(%arg0: i32) -> (i32, i32) {
    %c0_i32 = arith.constant 0 : i32
    %c0_i32_0 = arith.constant 0 : i32
    return %arg0, %c0_i32 : i32, i32
  }
  func.func @transform_4(%arg0: i32) -> (i32, i32) {
    %c0_i32 = arith.constant 0 : i32
    %c0_i32_0 = arith.constant 0 : i32
    return %arg0, %c0_i32 : i32, i32
  }
  func.func @transform_5(%arg0: i32) -> (i32, i32) {
    %c0_i32 = arith.constant 0 : i32
    %c0_i32_0 = arith.constant 0 : i32
    return %arg0, %c0_i32 : i32, i32
  }
}

module attributes {stable_mosaic.version = 14 : i64} {
  func.func @_tc_mid_body(%arg0: i32, %arg1: memref<2x512x128xf32, #tpu.memory_space<vmem>>, %arg2: memref<512x128xf32, #tpu.memory_space<vmem>>, %arg3: memref<512x128xf32, #tpu.memory_space<vmem>>, %arg4: memref<128x128xf32, #tpu.memory_space<vmem>>, %arg5: memref<1x128xf32, #tpu.memory_space<vmem>>, %arg6: memref<512x128xf32, #tpu.memory_space<vmem>>) attributes {dimension_semantics = [#tpu.dimension_semantics<arbitrary>], iteration_bounds = array<i64: 20>, scalar_prefetch = 0 : i64, scratch_operands = 0 : i64, tpu.core_type = #tpu.core_type<tc>, window_params = [{transform_indices = @transform_0, window_bounds = array<i64: 2, 512, 128>}, {transform_indices = @transform_1, window_bounds = array<i64: 512, 128>}, {transform_indices = @transform_2, window_bounds = array<i64: 512, 128>}, {pipeline_mode = #tpu.pipeline_mode<synchronous>, transform_indices = @transform_3, window_bounds = array<i64: 128, 128>}, {pipeline_mode = #tpu.pipeline_mode<synchronous>, transform_indices = @transform_4, window_bounds = array<i64: 1, 128>}, {transform_indices = @transform_5, window_bounds = array<i64: 512, 128>}]} {
    %get3A = arith.constant 0 : index
    %get3A_0 = arith.constant 0 : index
    %get3A_1 = arith.constant 0 : index
    %get3A_2 = vector.load %arg1[%get3A, %get3A_0, %get3A_1] : memref<2x512x128xf32, #tpu.memory_space<vmem>>, vector<1x512x128xf32>
    %get3A_3 = vector.shape_cast %get3A_2 : vector<1x512x128xf32> to vector<512x128xf32>
    %get3A_4 = arith.constant 1 : index
    %get3A_5 = arith.constant 0 : index
    %get3A_6 = arith.constant 0 : index
    %get3A_7 = vector.load %arg1[%get3A_4, %get3A_5, %get3A_6] : memref<2x512x128xf32, #tpu.memory_space<vmem>>, vector<1x512x128xf32>
    %get3A_8 = vector.shape_cast %get3A_7 : vector<1x512x128xf32> to vector<512x128xf32>
    %add3A = arith.addf %get3A_3, %get3A_8 : vector<512x128xf32>
    %get3A_9 = arith.constant 0 : index
    %get3A_10 = arith.constant 0 : index
    %get3A_11 = vector.load %arg2[%get3A_9, %get3A_10] : memref<512x128xf32, #tpu.memory_space<vmem>>, vector<512x128xf32>
    %mul3A = arith.mulf %add3A, %get3A_11 : vector<512x128xf32>
    %get3A_12 = arith.constant 0 : index
    %get3A_13 = arith.constant 0 : index
    %get3A_14 = vector.load %arg4[%get3A_12, %get3A_13] : memref<128x128xf32, #tpu.memory_space<vmem>>, vector<128x128xf32>
    %dot_general3A = arith.constant dense<0.000000e+00> : vector<512x128xf32>
    %dot_general3A_15 = tpu.matmul %mul3A, %get3A_14, %dot_general3A {dimension_numbers = #tpu.dot_dimension_numbers<[1], [0], [0], [1], [0, 0, 1, 1], [], []>, transpose_lhs_hint = false} : vector<512x128xf32>, vector<128x128xf32>, vector<512x128xf32> -> vector<512x128xf32>
    %get3A_16 = arith.constant 0 : index
    %get3A_17 = arith.constant 0 : index
    %get3A_18 = vector.load %arg5[%get3A_16, %get3A_17] : memref<1x128xf32, #tpu.memory_space<vmem>>, vector<1x128xf32>
    %add3A_19 = vector.broadcast %get3A_18 : vector<1x128xf32> to vector<512x128xf32>
    %add3A_20 = arith.addf %dot_general3A_15, %add3A_19 : vector<512x128xf32>
    %max3A = arith.constant 0.000000e+00 : f32
    %max3A_21 = vector.broadcast %max3A : f32 to vector<512x128xf32>
    %max3A_22 = arith.maximumf %add3A_20, %max3A_21 : vector<512x128xf32>
    %get3A_23 = arith.constant 0 : index
    %get3A_24 = arith.constant 0 : index
    %get3A_25 = vector.load %arg3[%get3A_23, %get3A_24] : memref<512x128xf32, #tpu.memory_space<vmem>>, vector<512x128xf32>
    %mul3A_26 = arith.mulf %max3A_22, %get3A_25 : vector<512x128xf32>
    %swap3A = arith.constant 0 : index
    %swap3A_27 = arith.constant 0 : index
    %swap3A_28 = vector.load %arg6[%swap3A, %swap3A_27] : memref<512x128xf32, #tpu.memory_space<vmem>>, vector<512x128xf32>
    tpu.vector_store %arg6[%swap3A, %swap3A_27], %mul3A_26 {strides = array<i32>} : memref<512x128xf32, #tpu.memory_space<vmem>>, vector<512x128xf32>,
    return
  }
  func.func @transform_0(%arg0: i32) -> (i32, i32, i32) {
    %c0_i32 = arith.constant 0 : i32
    %c0_i32_0 = arith.constant 0 : i32
    %c0_i32_1 = arith.constant 0 : i32
    return %c0_i32, %arg0, %c0_i32_0 : i32, i32, i32
  }
  func.func @transform_1(%arg0: i32) -> (i32, i32) {
    %c0_i32 = arith.constant 0 : i32
    %c0_i32_0 = arith.constant 0 : i32
    return %arg0, %c0_i32 : i32, i32
  }
  func.func @transform_2(%arg0: i32) -> (i32, i32) {
    %c0_i32 = arith.constant 0 : i32
    %c0_i32_0 = arith.constant 0 : i32
    return %arg0, %c0_i32 : i32, i32
  }
  func.func @transform_3(%arg0: i32) -> (i32, i32) {
    %c0_i32 = arith.constant 0 : i32
    %c0_i32_0 = arith.constant 0 : i32
    %c0_i32_1 = arith.constant 0 : i32
    return %c0_i32, %c0_i32_0 : i32, i32
  }
  func.func @transform_4(%arg0: i32) -> (i32, i32) {
    %c0_i32 = arith.constant 0 : i32
    %c0_i32_0 = arith.constant 0 : i32
    %c0_i32_1 = arith.constant 0 : i32
    return %c0_i32, %c0_i32_0 : i32, i32
  }
  func.func @transform_5(%arg0: i32) -> (i32, i32) {
    %c0_i32 = arith.constant 0 : i32
    %c0_i32_0 = arith.constant 0 : i32
    return %arg0, %c0_i32 : i32, i32
  }
}

module attributes {stable_mosaic.version = 14 : i64} {
  func.func @_tc_fin_body(%arg0: i32, %arg1: memref<2x512x128xf32, #tpu.memory_space<vmem>>, %arg2: memref<512x128xf32, #tpu.memory_space<vmem>>, %arg3: memref<128x128xf32, #tpu.memory_space<vmem>>, %arg4: memref<1x128xf32, #tpu.memory_space<vmem>>, %arg5: memref<1x128xf32, #tpu.memory_space<vmem>>) attributes {dimension_semantics = [#tpu.dimension_semantics<arbitrary>], iteration_bounds = array<i64: 20>, scalar_prefetch = 0 : i64, scratch_operands = 0 : i64, tpu.core_type = #tpu.core_type<tc>, window_params = [{transform_indices = @transform_0, window_bounds = array<i64: 2, 512, 128>}, {transform_indices = @transform_1, window_bounds = array<i64: 512, 128>}, {pipeline_mode = #tpu.pipeline_mode<synchronous>, transform_indices = @transform_2, window_bounds = array<i64: 128, 128>}, {pipeline_mode = #tpu.pipeline_mode<synchronous>, transform_indices = @transform_3, window_bounds = array<i64: 1, 128>}, {pipeline_mode = #tpu.pipeline_mode<synchronous>, transform_indices = @transform_4, window_bounds = array<i64: 1, 128>}]} {
    %get3A = arith.constant 0 : index
    %get3A_0 = arith.constant 0 : index
    %get3A_1 = arith.constant 0 : index
    %get3A_2 = vector.load %arg1[%get3A, %get3A_0, %get3A_1] : memref<2x512x128xf32, #tpu.memory_space<vmem>>, vector<1x512x128xf32>
    %get3A_3 = vector.shape_cast %get3A_2 : vector<1x512x128xf32> to vector<512x128xf32>
    %get3A_4 = arith.constant 1 : index
    %get3A_5 = arith.constant 0 : index
    %get3A_6 = arith.constant 0 : index
    %get3A_7 = vector.load %arg1[%get3A_4, %get3A_5, %get3A_6] : memref<2x512x128xf32, #tpu.memory_space<vmem>>, vector<1x512x128xf32>
    %get3A_8 = vector.shape_cast %get3A_7 : vector<1x512x128xf32> to vector<512x128xf32>
    %add3A = arith.addf %get3A_3, %get3A_8 : vector<512x128xf32>
    %get3A_9 = arith.constant 0 : index
    %get3A_10 = arith.constant 0 : index
    %get3A_11 = vector.load %arg2[%get3A_9, %get3A_10] : memref<512x128xf32, #tpu.memory_space<vmem>>, vector<512x128xf32>
    %mul3A = arith.mulf %add3A, %get3A_11 : vector<512x128xf32>
    %get3A_12 = arith.constant 0 : index
    %get3A_13 = arith.constant 0 : index
    %get3A_14 = vector.load %arg3[%get3A_12, %get3A_13] : memref<128x128xf32, #tpu.memory_space<vmem>>, vector<128x128xf32>
    %dot_general3A = arith.constant dense<0.000000e+00> : vector<512x128xf32>
    %dot_general3A_15 = tpu.matmul %mul3A, %get3A_14, %dot_general3A {dimension_numbers = #tpu.dot_dimension_numbers<[1], [0], [0], [1], [0, 0, 1, 1], [], []>, transpose_lhs_hint = false} : vector<512x128xf32>, vector<128x128xf32>, vector<512x128xf32> -> vector<512x128xf32>
    %get3A_16 = arith.constant 0 : index
    %get3A_17 = arith.constant 0 : index
    %get3A_18 = vector.load %arg4[%get3A_16, %get3A_17] : memref<1x128xf32, #tpu.memory_space<vmem>>, vector<1x128xf32>
    %add3A_19 = vector.broadcast %get3A_18 : vector<1x128xf32> to vector<512x128xf32>
    %add3A_20 = arith.addf %dot_general3A_15, %add3A_19 : vector<512x128xf32>
    %max3A = arith.constant 0.000000e+00 : f32
    %max3A_21 = vector.broadcast %max3A : f32 to vector<512x128xf32>
    %max3A_22 = arith.maximumf %add3A_20, %max3A_21 : vector<512x128xf32>
    %iota3A = tpu.iota {dimensions = array<i32: 0>} : vector<512x128xi32>
    %mul3A_23 = arith.constant 512 : i32
    %mul3A_24 = arith.muli %arg0, %mul3A_23 : i32
    %add3A_25 = vector.broadcast %mul3A_24 : i32 to vector<512x128xi32>
    %add3A_26 = arith.addi %iota3A, %add3A_25 : vector<512x128xi32>
    %lt3A = arith.constant 10000 : i32
    %lt3A_27 = vector.broadcast %lt3A : i32 to vector<512x128xi32>
    %lt3A_28 = arith.cmpi slt, %add3A_26, %lt3A_27 : vector<512x128xi32>
    %jit3A = arith.constant 0.000000e+00 : f32
    %broadcast_in_dim3A = vector.broadcast %jit3A : f32 to vector<512x128xf32>
    %select_n3A = arith.select %lt3A_28, %max3A_22, %broadcast_in_dim3A : vector<512x128xi1>, vector<512x128xf32>
    %reduce_sum3A = arith.constant dense<0.000000e+00> : vector<128xf32>
    %reduce_sum3A_29 = vector.multi_reduction <add>, %select_n3A, %reduce_sum3A [0] : vector<512x128xf32> to vector<128xf32>
    %broadcast_in_dim3A_30 = vector.shape_cast %reduce_sum3A_29 : vector<128xf32> to vector<1x128xf32>
    %mul3A_31 = arith.constant 9.99999974E-5 : f32
    %mul3A_32 = vector.broadcast %mul3A_31 : f32 to vector<1x128xf32>
    %mul3A_33 = arith.mulf %broadcast_in_dim3A_30, %mul3A_32 : vector<1x128xf32>
    %eq3A = arith.constant 0 : i32
    %eq3A_34 = arith.cmpi eq, %arg0, %eq3A : i32
    %convert_element_type3A = arith.extui %eq3A_34 : i1 to i32
    %cond3A = arith.constant 0 : i32
    %cond3A_35 = arith.cmpi ne, %convert_element_type3A, %cond3A : i32
    scf.if %cond3A_35 {
      %swap3A = arith.constant 0 : index
      %swap3A_40 = arith.constant 0 : index
      %swap3A_41 = vector.load %arg5[%swap3A, %swap3A_40] : memref<1x128xf32, #tpu.memory_space<vmem>>, vector<1x128xf32>
      tpu.vector_store %arg5[%swap3A, %swap3A_40], %mul3A_33 {strides = array<i32>} : memref<1x128xf32, #tpu.memory_space<vmem>>, vector<1x128xf32>,
    } else {
    }
    %gt3A = arith.constant 0 : i32
    %gt3A_36 = arith.cmpi sgt, %arg0, %gt3A : i32
    %convert_element_type3A_37 = arith.extui %gt3A_36 : i1 to i32
    %cond3A_38 = arith.constant 0 : i32
    %cond3A_39 = arith.cmpi ne, %convert_element_type3A_37, %cond3A_38 : i32
    scf.if %cond3A_39 {
      %get3A_40 = arith.constant 0 : index
      %get3A_41 = arith.constant 0 : index
      %get3A_42 = vector.load %arg5[%get3A_40, %get3A_41] : memref<1x128xf32, #tpu.memory_space<vmem>>, vector<1x128xf32>
      %add3A_43 = arith.addf %get3A_42, %mul3A_33 : vector<1x128xf32>
      %swap3A = arith.constant 0 : index
      %swap3A_44 = arith.constant 0 : index
      %swap3A_45 = vector.load %arg5[%swap3A, %swap3A_44] : memref<1x128xf32, #tpu.memory_space<vmem>>, vector<1x128xf32>
      tpu.vector_store %arg5[%swap3A, %swap3A_44], %add3A_43 {strides = array<i32>} : memref<1x128xf32, #tpu.memory_space<vmem>>, vector<1x128xf32>,
    } else {
    }
    return
  }
  func.func @transform_0(%arg0: i32) -> (i32, i32, i32) {
    %c0_i32 = arith.constant 0 : i32
    %c0_i32_0 = arith.constant 0 : i32
    %c0_i32_1 = arith.constant 0 : i32
    return %c0_i32, %arg0, %c0_i32_0 : i32, i32, i32
  }
  func.func @transform_1(%arg0: i32) -> (i32, i32) {
    %c0_i32 = arith.constant 0 : i32
    %c0_i32_0 = arith.constant 0 : i32
    return %arg0, %c0_i32 : i32, i32
  }
  func.func @transform_2(%arg0: i32) -> (i32, i32) {
    %c0_i32 = arith.constant 0 : i32
    %c0_i32_0 = arith.constant 0 : i32
    %c0_i32_1 = arith.constant 0 : i32
    return %c0_i32, %c0_i32_0 : i32, i32
  }
  func.func @transform_3(%arg0: i32) -> (i32, i32) {
    %c0_i32 = arith.constant 0 : i32
    %c0_i32_0 = arith.constant 0 : i32
    %c0_i32_1 = arith.constant 0 : i32
    return %c0_i32, %c0_i32_0 : i32, i32
  }
  func.func @transform_4(%arg0: i32) -> (i32, i32) {
    %c0_i32 = arith.constant 0 : i32
    %c0_i32_0 = arith.constant 0 : i32
    %c0_i32_1 = arith.constant 0 : i32
    return %c0_i32, %c0_i32_0 : i32, i32
  }
}

</mosaic_0001>

<sc_bundles>
// kernel: kernel.10.cloned.1.call-start
scs
__scs_entry_jumppad:
0x0: {  	(pc) =	sbr.rel $0x88, $3  }
0x1: {  	(tag) =	ssettag $0x0;
	lr =	simm.s32 $0x1  }
0x2: {  	[smem:$0x3F99] =	sst lr;
	_ =	strace $0xD0000000  }
0x3: {  	_ = 	snop  }
0x4: {  	_ = 	snop  }
0x5: {  	_ = 	snop  }
0x6: {  	_ = 	snop  }
0x7: {  	_ = 	snop  }
__scs_overlays_trampoline_lowered:
0x8: {  	[smem:$0x3FA8] =	sst s0  }
0x9: {  	[smem:$0x3FA9] =	sst s1  }
0xa: {  	[smem:$0x3FAA] =	sst s2  }
0xb: {  	[smem:$0x3FAB] =	sst s3  }
0xc: {  	[smem:$0x3FAC] =	sst s4  }
0xd: {  	[smem:$0x3FAD] =	sst s5  }
0xe: {  	[smem:$0x3FAE] =	sst s6  }
0xf: {  	[smem:$0x3FAF] =	sst s7  }
0x10: {  	[smem:$0x3FB0] =	sst s8  }
0x11: {  	[smem:$0x3FB1] =	sst s9;
	s0 =	simm.s32 @!p0 $0x0  }
0x12: {  	s1 =	sld [smem:$0x3F97];
	s0 =	simm.s32 @p0 $0x1  }
0x13: {  	[smem:$0x3FB2] =	sst s0;
	s0 =	simm.s32 @!p1 $0x0  }
0x14: {  	s2 =	sld [smem:$0x3F96];
	s0 =	simm.s32 @p1 $0x1  }
0x15: {  	[smem:$0x3FB3] =	sst s0;
	s0 =	simm.s32 @!p2 $0x0  }
0x16: {  	s3 =	sld [smem:$0x3FDB];
	s0 =	simm.s32 @p2 $0x1  }
0x17: {  	s4 =	simm.s32 $0x1BF5;
	[smem:$0x3FB5] =	sst s0  }
0x18: {  	s0 =	sld [smem:$0x3F98];
	_ =	swait.ge [sflag:s4], $0x0  }
0x19: {  	s7 =	sld [smem:$0x3F99]  }
0x1a: {  	s8 =	sadd.s32 $0xFFFFE003, lr  }
0x1b: {  	s9 =	sadd.s32 $0xFFFFFEF7, lr;
	s5 =	simm.s32 $0xFFFFFFFF;
	p2 =	slt.u32 s8, $0xFFFFF086  }
0x1c: {  	p1 =	slt.u32 s9, $0xF7A;
	s5 =	simm.s32 @!p2 $0x0  }
0x1d: {  	s5 =	simm.s32 @p1 $0x1;
	p0 =	seq.s32 s7, s2  }
0x1e: {  	s7 =	smul.u32 @!p0 $0xF7A, s2;
	p2 =	seq.s32 @!p0 s5, $0x0  }
0x1f: {  	s9 =	smul.u32 $0xF7A, s1;
	s8 =	simm.s32 @!p0 $0x1BF5;
	p2 =	por !p2, p0  }
0x20: {  	[sflag:s8] =	ssyncset.s32 @!p0 $0xFFFFF086;
	s6 =	sadd.s32 @!p0 s3, s7;
	s7 =	simm.s32 @!p0 $0x108  }
0x21: {  	s3 =	sadd.s32 s3, s9;
	s6 =	sadd.s32 @!p0 $0x88, s6;
	s7 =	simm.s32 @p2 $0x1082  }
0x22: {  	[simem:s7], [sflag:s8] =	dma.local @!p0 [hbm:s6], $0xF7A  }
0x23: {  	s9 =	sor.u32 $0xD0000000, s2;
	s6 =	simm.s32 $0x108;
	_ =	swait.ge @!p0 [sflag:s8], $0x0  }
0x24: {  	s3 =	sadd.s32 $0x88, s3;
	s6 =	simm.s32 @!p1 $0x1082;
	[sflag:s4] =	ssyncset.s32 $0xFFFFF086  }
0x25: {  	[simem:s6], [sflag:s4] =	dma.local [hbm:s3], $0xF7A  }
0x26: {  	[smem:$0x3F99] =	sst s1;
	(tag) =	ssettag s2;
	_ =	strace s9  }
0x27: {  	s1 =	sld [smem:$0x3FA9]  }
0x28: {  	s2 =	sld [smem:$0x3FAA]  }
0x29: {  	s4 =	sld [smem:$0x3FAC]  }
0x2a: {  	p0 =	seq.s32 s5, $0x0;
	s5 =	sld [smem:$0x3FAD]  }
0x2b: {  	s6 =	sld [smem:$0x3FAE]  }
0x2c: {  	s7 =	sld [smem:$0x3FAF]  }
0x2d: {  	s3 =	simm.s32 $0x108;
	s8 =	sld [smem:$0x3FB0]  }
0x2e: {  	s3 =	simm.s32 @!p0 $0x1082;
	s9 =	sld [smem:$0x3FB1]  }
0x2f: {  	lr =	sadd.s32 s0, s3;
	s0 =	sld [smem:$0x3FA8]  }
0x30: {  	s3 =	sld [smem:$0x3FAB]  }
0x31: {  	[smem:$0x3FB4] =	sst s10  }
0x32: {  	s10 =	sld [smem:$0x3FB2];
	_ =	sdelay $0x3  }
0x33: {  	p0 =	seq.s32 s10, $0x1;
	s10 =	sld [smem:$0x3FB4];
	_ =	sdelay $0x3  }
0x34: {  	[smem:$0x3FB4] =	sst s10  }
0x35: {  	s10 =	sld [smem:$0x3FB3];
	_ =	sdelay $0x3  }
0x36: {  	p1 =	seq.s32 s10, $0x1;
	s10 =	sld [smem:$0x3FB4];
	_ =	sdelay $0x3  }
0x37: {  	[smem:$0x3FB4] =	sst s10  }
0x38: {  	s10 =	sld [smem:$0x3FB5]  }
0x39: {  	_ = 	snop;
	(pc) =	sbr.ind lr, $3  }
0x3a: {  	_ = 	snop  }
0x3b: {  	_ = 	snop  }
0x3c: {  	p2 =	seq.s32 s10, $0x1;
	s10 =	sld [smem:$0x3FB4]  }
0x3d: {  	_ =	shalt  }
0x3e: {  	_ =	shalt  }
0x3f: {  	_ =	shalt  }
0x40: {  	_ =	shalt  }
0x41: {  	_ =	shalt  }
0x42: {  	_ =	shalt  }
0x43: {  	_ =	shalt  }
0x44: {  	_ =	shalt  }
0x45: {  	_ =	shalt  }
0x46: {  	_ =	shalt  }
0x47: {  	_ =	shalt  }
0x48: {  	_ =	shalt  }
0x49: {  	_ =	shalt  }
0x4a: {  	_ =	shalt  }
0x4b: {  	_ =	shalt  }
0x4c: {  	_ =	shalt  }
0x4d: {  	_ =	shalt  }
0x4e: {  	_ =	shalt  }
0x4f: {  	_ =	shalt  }
0x50: {  	_ =	shalt  }
0x51: {  	_ =	shalt  }
0x52: {  	_ =	shalt  }
0x53: {  	_ =	shalt  }
0x54: {  	_ =	shalt  }
0x55: {  	_ =	shalt  }
0x56: {  	_ =	shalt  }
0x57: {  	_ =	shalt  }
0x58: {  	_ =	shalt  }
0x59: {  	_ =	shalt  }
0x5a: {  	_ =	shalt  }
0x5b: {  	_ =	shalt  }
0x5c: {  	_ =	shalt  }
0x5d: {  	_ =	shalt  }
0x5e: {  	_ =	shalt  }
0x5f: {  	_ =	shalt  }
0x60: {  	_ =	shalt  }
0x61: {  	_ =	shalt  }
0x62: {  	_ =	shalt  }
0x63: {  	_ =	shalt  }
0x64: {  	_ =	shalt  }
0x65: {  	_ =	shalt  }
0x66: {  	_ =	shalt  }
0x67: {  	_ =	shalt  }
0x68: {  	_ =	shalt  }
0x69: {  	_ =	shalt  }
0x6a: {  	_ =	shalt  }
0x6b: {  	_ =	shalt  }
0x6c: {  	_ =	shalt  }
0x6d: {  	_ =	shalt  }
0x6e: {  	_ =	shalt  }
0x6f: {  	_ =	shalt  }
0x70: {  	_ =	shalt  }
0x71: {  	_ =	shalt  }
0x72: {  	_ =	shalt  }
0x73: {  	_ =	shalt  }
0x74: {  	_ =	shalt  }
0x75: {  	_ =	shalt  }
0x76: {  	_ =	shalt  }
0x77: {  	_ =	shalt  }
0x78: {  	_ =	shalt  }
0x79: {  	_ =	shalt  }
0x7a: {  	_ =	shalt  }
0x7b: {  	_ =	shalt  }
0x7c: {  	_ =	shalt  }
0x7d: {  	_ =	shalt  }
0x7e: {  	_ =	shalt  }
0x7f: {  	_ =	shalt  }
0x80: {  	_ =	shalt  }
0x81: {  	_ =	shalt  }
0x82: {  	_ =	shalt  }
0x83: {  	_ =	shalt  }
0x84: {  	_ =	shalt  }
0x85: {  	_ =	shalt  }
0x86: {  	_ =	shalt  }
0x87: {  	_ =	shalt  }
.Lfunc_end0:
.L_simem_size_0:
called_computation_lowered:
.L_overlay_start_0:
0x88: {  	s2 =	sld [smem:$0x3FD9]  }
0x89: {  	s3 =	sld [smem:$0x3FFE];
	_ =	sdelay $0x1  }
0x8a: {  	s1 =	srdreg.scid  }
0x8b: {  	s0 =	sand.u32 $0x1, s1  }
0x8c: {  	s16 =	sshll.u32 s0, $0xA;
	s2 =	sadd.s32 s3, s2  }
0x8d: {  	s2 =	sadd.s32 s2, s16  }
0x8e: {  	[smem:$0x3FC0] =	sst s2  }
0x8f: {  	_ = 	snop  }
0x90: {  	(tm) =	ssettm $0x1  }
0x91: {  	s17 =	sld [smem:$0x3FFB];
	_ =	sdelay $0x3  }
0x92: {  	_ =	strace s17  }
0x93: {  	s2 =	sld [smem:$0x3FFC];
	_ =	sdelay $0x3  }
0x94: {  	_ =	strace s2  }
0x95: {  	s2 =	sld [smem:$0x3FFD];
	_ =	sdelay $0x3  }
0x96: {  	_ =	strace s2  }
0x97: {  	_ =	strace $0x8FFFFFFF  }
0x98: {  	s18 =	sld [smem:$0x3FDB];
	_ =	sdelay $0x1  }
0x99: {  	s19 =	simm.s32 $_scs_section_size  }
0x9a: {  	s4 =	simm.s32 $_size__tile_overlayer_lowered;
	s5 =	simm.s32 $_tile_overlayer_lowered  }
0x9b: {  	s22 =	simm.s32 $0x1BFF;
	s21 =	sshll.u32 s5, $0x1;
	s2 =	sadd.s32 s19, s18  }
0x9c: {  	s6 =	simm.s32 $0x0;
	s20 =	sshll.u32 s4, $0x1;
	s4 =	sadd.s32 s21, s2  }
0x9d: {  	[timem:s6], [sflag:s22] =	dma.local [hbm:s4], s20  }
0x9e: {  	_ =	swait.ge [sflag:s22], s20  }
0x9f: {  	s3 =	ssub.s32 $0x0, s20;
	[sflag:s22] =	ssyncset.done $0x0  }
0xa0: {  	[sflag:s22] =	ssyncadd.s32 s3;
	_ =	sdelay $0x1  }
0xa1: {  	s23 =	simm.s32 $0x1B8B  }
0xa2: {  	_ =	swait.ge [sflag:s23], $0x1  }
0xa3: {  	[sflag:s23] =	ssyncset.done $0x0  }
0xa4: {  	s25 =	simm.s32 $0x1B8E;
	s24 =	sld [smem:$0x3FFE];
	[sflag:s23] =	ssyncadd.s32 $0xFFFFFFFF  }
0xa5: {  	s26 =	simm.s32 $execute0_lowered;
	[smem:$0x3FD2] =	sst s25  }
0xa6: {  	s4 =	sshll.u32 s26, $0x1;
	_ =	strace $0x80000046;
	[dreg:$0x1] =	wrdreg $0xFFFFFFFF  }
0xa7: {  	s28 =	simm.s32 $_size_execute0_lowered;
	s2 =	sadd.s32 s2, s4;
	[dreg:$0x0] =	wrdreg $0x0  }
0xa8: {  	s4 =	sshll.u32 s28, $0x1;
	[dreg:$0x2] =	wrdreg s2  }
0xa9: {  	[dreg:$0x3] =	wrdreg s4  }
0xaa: {  	[dreg:$0x4] =	wrdreg $0xC0  }
0xab: {  	_ =	task [dreg:s6], $0x5FFFF  }
0xac: {  	[dreg:$0x1] =	wrdreg $0xFFFFFFFF  }
0xad: {  	[dreg:$0x0] =	wrdreg $0x60  }
0xae: {  	[dreg:$0x2] =	wrdreg s24  }
0xaf: {  	[dreg:$0x3] =	wrdreg $0xA8000  }
0xb0: {  	[dreg:$0x4] =	wrdreg $0x9  }
0xb1: {  	_ =	task.clear_ibuf [dreg:s6], $0x5FFFF;
	_ =	strace $0x90000046  }
0xb2: {  	s29 =	simm.s32 $0x9;
	_ =	strace $0x80000048  }
0xb3: {  	_ =	swait.ge [sflag:s29], $0x1  }
0xb4: {  	[sflag:s29] =	ssyncadd.s32 $0xFFFFFFFF  }
0xb5: {  	_ =	strace $0x90000048  }
0xb6: {  	_ =	sfence  }
0xb7: {  	s30 =	sld [smem:$0x0];
	_ =	sdelay $0x2  }
0xb8: {  	s31 =	sshll.u32 s1, $0xD;
	s1 =	sshrl.u32 s1, $0x2  }
0xb9: {  	s3 =	sand.u32 $0x4000, s31;
	s1 =	sadd.s32 s1, s30  }
0xba: {  	s0 =	sor.u32 s3, s0;
	s1 =	sshll.u32 s1, $0x11  }
0xbb: {  	s0 =	sor.u32 s1, s0  }
0xbc: {  	s0 =	sadd.s32 $0x8F2B, s0  }
0xbd: {  	[sflag:s0] =	ssyncadd.remote.s32 $0x1  }
0xbe: {  	_ =	sfence.sel $0xFFFF  }
0xbf: {  	[dreg:$0x0] =	wrdreg $0xFFFFFFFF;
	(pc) =	sbr.abs _section_cstart, $3  }
0xc0: {  	[dreg:$0x1] =	wrdreg $0xFFFFFFFF  }
0xc1: {  	_ =	task.clear_ibuf [dreg:s6], $0x2FFFF;
	_ =	strace $0x9FFFFFFF  }
0xc2: {  	(tm) =	ssettm $0x7FFFFFFF  }
0xc3: {  	_ =	shalt  }
tec
execute0_lowered:
.L_overlay_start_1:
0x0: {  	(tag) =	ssettag $0x1  }
0x1: {  	s5 =	rddreg [dreg:$0x0];
	s1 =	srdreg.scid  }
0x2: {  	s0 =	stileid.u32;
	s2 =	rddreg [dreg:$0x1]  }
0x3: {  	s3 =	simm.s32 $0x0;
	s28 =	simm.s32 $0x80;
	s29 =	simm.s32 $0x0  }
0x4: {  	s8 =	sand.u32 $0x1, s1;
	s4 =	sshll.u32 s0, $0x1;
	s1 =	rddreg [dreg:$0x2]  }
0x5: {  	[smem:$0x7FF] =	sst s3;
	s7 =	smul.u32 $0x50000, s0;
	s16 =	sadd.s32 $0x17E00, s5  }
0x6: {  	s22 =	sadd.s32 $0x67E00, s5;
	s11 =	smul.u32 $0x14000, s0;
	s4 =	sor.u32 s8, s4  }
0x7: {  	_ =	strace $0x80000047;
	s31 =	ssub.s32 $0x2, s8;
	s15 =	smul.u32 $0x140000, s8  }
0x8: {  	s6 =	smul.u32 $0x500, s4;
	s4 =	sadd.s32 $0x16E00, s5;
	s9 =	sshrl.u32 s31, $0x1  }
0x9: {  	s7 =	sshrl.u32 s7, $0x2;
	s12 =	sadd.s32 $0x4000, s11;
	s14 =	sadd.s32 $0x8000, s11  }
0xa: {  	s18 =	sadd.s32 $0xC000, s11;
	s19 =	sadd.s32 $0x10000, s11;
	s23 =	ssub.s32 s31, s9  }
0xb: {  	s7 =	sadd.s32 s7, s2;
	s8 =	sadd.s32 s12, s2;
	s9 =	sadd.s32 s14, s2  }
0xc: {  	s10 =	sadd.s32 s18, s2;
	s13 =	sadd.s32 s11, s15;
	s12 =	sadd.s32 s15, s12  }
0xd: {  	s11 =	sadd.s32 s19, s2;
	s14 =	sadd.s32 s15, s14;
	s18 =	sadd.s32 s15, s18  }
0xe: {  	s15 =	sadd.s32 s15, s19;
	s17 =	sadd.s32 s6, s5;
	s5 =	sadd.s32 $0x17600, s5  }
0xf: {  	s20 =	sshrl.u32 s13, $0x3;
	s21 =	sshrl.u32 s12, $0x3;
	s24 =	sshrl.u32 s14, $0x3  }
0x10: {  	s25 =	sshrl.u32 s18, $0x3;
	s26 =	sshrl.u32 s15, $0x3;
	s23 =	smax.u32 s23, $0x1  }
0x11: {  	s6 =	sadd.s32 $0x2E00, s17;
	s12 =	sadd.s32 s16, s20;
	s13 =	sadd.s32 s16, s21  }
0x12: {  	s14 =	sadd.s32 s16, s24;
	s15 =	sadd.s32 s16, s25;
	s16 =	sadd.s32 s16, s26  }
0x13: {  	s17 =	sadd.s32 $0xCE00, s17;
	s18 =	sadd.s32 s22, s20;
	s19 =	sadd.s32 s22, s21  }
0x14: {  	s20 =	sadd.s32 s22, s24;
	s21 =	sadd.s32 s22, s25;
	s22 =	sadd.s32 s22, s26  }
0x15: {  	s24 =	simm.s32 $0x2800;
	s25 =	simm.s32 $0x1;
	s26 =	simm.s32 $0x6800  }
.LBB2_1:
0x16: {  	[tilespmem:s24], [sflag:$0x1] =	stream.linear.gather [hbm4b:s4+s3], $0x4000, $0x38;
	[tilespmem:$0x1E800] =	vst v63  }
0x17: {  	_ =	swait.ge [sflag:s25], $0x4000  }
0x18: {  	[sflag:s25] =	ssyncset.done $0x0  }
0x19: {  	[sflag:s25] =	ssyncadd.s32 $0xFFFFC000  }
0x1a: {  	[tilespmem:s26], [sflag:$0x1] =	stream.linear.gather [hbm4b:s5+s3], $0x4000, $0x38;
	[tilespmem:$0x1E800] =	vst v63  }
0x1b: {  	_ =	swait.ge [sflag:s25], $0x4000  }
0x1c: {  	[sflag:s25] =	ssyncset.done $0x0  }
0x1d: {  	[sflag:s25] =	ssyncadd.s32 $0xFFFFC000  }
0x1e: {  	[tilespmem:s3], [sflag:$0x1] =	stream.linear.gather [hbm4b:s6+s3], $0x2800, $0x38;
	[tilespmem:$0x1E800] =	vst v63  }
0x1f: {  	_ =	swait.ge [sflag:s25], $0x2800  }
0x20: {  	[sflag:s25] =	ssyncset.done $0x0  }
0x21: {  	[sflag:s25] =	ssyncadd.s32 $0xFFFFD800  }
0x22: {  	[spmem:s7] =	stream.linear.scatter [tilespmem:s26], [sflag:$0x1], $0x4000, $0x38;
	[tilespmem:$0x1E800] =	vst v63  }
0x23: {  	_ =	swait.ge [sflag:s25], $0x4000  }
0x24: {  	[sflag:s25] =	ssyncset.done $0x0  }
0x25: {  	[sflag:s25] =	ssyncadd.s32 $0xFFFFC000  }
0x26: {  	[spmem:s8] =	stream.linear.scatter [tilespmem:s26], [sflag:$0x1], $0x4000, $0x38;
	[tilespmem:$0x1E800] =	vst v63  }
0x27: {  	_ =	swait.ge [sflag:s25], $0x4000  }
0x28: {  	[sflag:s25] =	ssyncset.done $0x0  }
0x29: {  	[sflag:s25] =	ssyncadd.s32 $0xFFFFC000  }
0x2a: {  	[spmem:s9] =	stream.linear.scatter [tilespmem:s26], [sflag:$0x1], $0x4000, $0x38;
	[tilespmem:$0x1E800] =	vst v63  }
0x2b: {  	_ =	swait.ge [sflag:s25], $0x4000  }
0x2c: {  	[sflag:s25] =	ssyncset.done $0x0  }
0x2d: {  	[sflag:s25] =	ssyncadd.s32 $0xFFFFC000  }
0x2e: {  	[spmem:s10] =	stream.linear.scatter [tilespmem:s26], [sflag:$0x1], $0x4000, $0x38;
	[tilespmem:$0x1E800] =	vst v63  }
0x2f: {  	_ =	swait.ge [sflag:s25], $0x4000  }
0x30: {  	[sflag:s25] =	ssyncset.done $0x0  }
0x31: {  	[sflag:s25] =	ssyncadd.s32 $0xFFFFC000  }
0x32: {  	[spmem:s11] =	stream.linear.scatter [tilespmem:s26], [sflag:$0x1], $0x4000, $0x38;
	[tilespmem:$0x1E800] =	vst v63  }
0x33: {  	_ =	swait.ge [sflag:s25], $0x4000  }
0x34: {  	[sflag:s25] =	ssyncset.done $0x0  }
0x35: {  	[sflag:s25] =	ssyncadd.s32 $0xFFFFC000  }
0x36: {  	s30 =	simm.s32 $0x0;
	[bflag:$0x0] =	sbarrier.arrive $0xFFFF  }
0x37: {  	[spmem:s2] =	stream.indirect.scatter.add.f32 [tilespmem:s24], [sflag:$0x1], $0x80, s30, s28, $0xb8;
	[tilespmem:$0x1E800] =	vst v63  }
0x38: {  	_ =	swait.ge [sflag:s25], $0x4000  }
0x39: {  	s30 =	simm.s32 $0x200;
	[sflag:s25] =	ssyncset.done $0x0  }
.LBB2_2:
0x3a: {  	s31 =	sshra.s32 s30, $0x2;
	[sflag:s25] =	ssyncadd.s32 $0xFFFFC000;
	p0 =	sne.s32 s30, $0x9E00  }
0x3b: {  	[spmem:s2] =	stream.indirect.scatter.add.f32 [tilespmem:s24], [sflag:$0x1], $0x80, s31, s28, $0xb8;
	[tilespmem:$0x1E800] =	vst v63  }
.Ltmp0:
0x3c: {  	_ = 	snop;
	(pc) =	sbr.rel @p0 .LBB2_2-.Ltmp0, $4  }
0x3d: {  	_ = 	snop  }
0x3e: {  	s30 =	sadd.s32 $0x200, s30  }
0x3f: {  	_ =	swait.ge [sflag:s25], $0x4000  }
0x40: {  	[sflag:s25] =	ssyncset.done $0x0  }
0x41: {  	[sflag:s25] =	ssyncadd.s32 $0xFFFFC000  }
0x42: {  	[bflag:$0x0] =	sbarrier.arrive $0xFFFF  }
0x43: {  	[tilespmem:s26], [sflag:$0x1] =	stream.linear.gather [spmem:s7], $0x4000, $0x38;
	[tilespmem:$0x1E800] =	vst v63  }
0x44: {  	_ =	swait.ge [sflag:s25], $0x4000  }
0x45: {  	[sflag:s25] =	ssyncset.done $0x0  }
0x46: {  	s30 =	simm.s32 $0x0;
	[sflag:s25] =	ssyncadd.s32 $0xFFFFC000  }
0x47: {  	[hbm4b:s12+s30] =	stream.linear.scatter [tilespmem:s26], [sflag:$0x1], $0x4000, $0x38;
	[tilespmem:$0x1E800] =	vst v63  }
0x48: {  	_ =	swait.ge [sflag:s25], $0x4000  }
0x49: {  	[sflag:s25] =	ssyncset.done $0x0  }
0x4a: {  	[sflag:s25] =	ssyncadd.s32 $0xFFFFC000  }
0x4b: {  	[tilespmem:s26], [sflag:$0x1] =	stream.linear.gather [spmem:s8], $0x4000, $0x38;
	[tilespmem:$0x1E800] =	vst v63  }
0x4c: {  	_ =	swait.ge [sflag:s25], $0x4000  }
0x4d: {  	[sflag:s25] =	ssyncset.done $0x0  }
0x4e: {  	[sflag:s25] =	ssyncadd.s32 $0xFFFFC000  }
0x4f: {  	[hbm4b:s13+s30] =	stream.linear.scatter [tilespmem:s26], [sflag:$0x1], $0x4000, $0x38;
	[tilespmem:$0x1E800] =	vst v63  }
0x50: {  	_ =	swait.ge [sflag:s25], $0x4000  }
0x51: {  	[sflag:s25] =	ssyncset.done $0x0  }
0x52: {  	[sflag:s25] =	ssyncadd.s32 $0xFFFFC000  }
0x53: {  	[tilespmem:s26], [sflag:$0x1] =	stream.linear.gather [spmem:s9], $0x4000, $0x38;
	[tilespmem:$0x1E800] =	vst v63  }
0x54: {  	_ =	swait.ge [sflag:s25], $0x4000  }
0x55: {  	[sflag:s25] =	ssyncset.done $0x0  }
0x56: {  	[sflag:s25] =	ssyncadd.s32 $0xFFFFC000  }
0x57: {  	[hbm4b:s14+s30] =	stream.linear.scatter [tilespmem:s26], [sflag:$0x1], $0x4000, $0x38;
	[tilespmem:$0x1E800] =	vst v63  }
0x58: {  	_ =	swait.ge [sflag:s25], $0x4000  }
0x59: {  	[sflag:s25] =	ssyncset.done $0x0  }
0x5a: {  	[sflag:s25] =	ssyncadd.s32 $0xFFFFC000  }
0x5b: {  	[tilespmem:s26], [sflag:$0x1] =	stream.linear.gather [spmem:s10], $0x4000, $0x38;
	[tilespmem:$0x1E800] =	vst v63  }
0x5c: {  	_ =	swait.ge [sflag:s25], $0x4000  }
0x5d: {  	[sflag:s25] =	ssyncset.done $0x0  }
0x5e: {  	[sflag:s25] =	ssyncadd.s32 $0xFFFFC000  }
0x5f: {  	[hbm4b:s15+s30] =	stream.linear.scatter [tilespmem:s26], [sflag:$0x1], $0x4000, $0x38;
	[tilespmem:$0x1E800] =	vst v63  }
0x60: {  	_ =	swait.ge [sflag:s25], $0x4000  }
0x61: {  	[sflag:s25] =	ssyncset.done $0x0  }
0x62: {  	[sflag:s25] =	ssyncadd.s32 $0xFFFFC000  }
0x63: {  	[tilespmem:s26], [sflag:$0x1] =	stream.linear.gather [spmem:s11], $0x4000, $0x38;
	[tilespmem:$0x1E800] =	vst v63  }
0x64: {  	_ =	swait.ge [sflag:s25], $0x4000  }
0x65: {  	[sflag:s25] =	ssyncset.done $0x0  }
0x66: {  	[sflag:s25] =	ssyncadd.s32 $0xFFFFC000  }
0x67: {  	[hbm4b:s16+s30] =	stream.linear.scatter [tilespmem:s26], [sflag:$0x1], $0x4000, $0x38;
	[tilespmem:$0x1E800] =	vst v63  }
0x68: {  	_ =	swait.ge [sflag:s25], $0x4000  }
0x69: {  	[sflag:s25] =	ssyncset.done $0x0  }
0x6a: {  	[sflag:s25] =	ssyncadd.s32 $0xFFFFC000  }
0x6b: {  	[bflag:$0x0] =	sbarrier.arrive $0xFFFF  }
0x6c: {  	[tilespmem:s26], [sflag:$0x1] =	stream.linear.gather [hbm4b:s5+s30], $0x4000, $0x38;
	[tilespmem:$0x1E800] =	vst v63  }
0x6d: {  	_ =	swait.ge [sflag:s25], $0x4000  }
0x6e: {  	[sflag:s25] =	ssyncset.done $0x0  }
0x6f: {  	[sflag:s25] =	ssyncadd.s32 $0xFFFFC000  }
0x70: {  	[tilespmem:s30], [sflag:$0x1] =	stream.linear.gather [hbm4b:s17+s30], $0x2800, $0x38;
	[tilespmem:$0x1E800] =	vst v63  }
0x71: {  	_ =	swait.ge [sflag:s25], $0x2800  }
0x72: {  	[sflag:s25] =	ssyncset.done $0x0  }
0x73: {  	[sflag:s25] =	ssyncadd.s32 $0xFFFFD800  }
0x74: {  	[spmem:s7] =	stream.linear.scatter [tilespmem:s26], [sflag:$0x1], $0x4000, $0x38;
	[tilespmem:$0x1E800] =	vst v63  }
0x75: {  	_ =	swait.ge [sflag:s25], $0x4000  }
0x76: {  	[sflag:s25] =	ssyncset.done $0x0  }
0x77: {  	[sflag:s25] =	ssyncadd.s32 $0xFFFFC000  }
0x78: {  	[spmem:s8] =	stream.linear.scatter [tilespmem:s26], [sflag:$0x1], $0x4000, $0x38;
	[tilespmem:$0x1E800] =	vst v63  }
0x79: {  	_ =	swait.ge [sflag:s25], $0x4000  }
0x7a: {  	[sflag:s25] =	ssyncset.done $0x0  }
0x7b: {  	[sflag:s25] =	ssyncadd.s32 $0xFFFFC000  }
0x7c: {  	[spmem:s9] =	stream.linear.scatter [tilespmem:s26], [sflag:$0x1], $0x4000, $0x38;
	[tilespmem:$0x1E800] =	vst v63  }
0x7d: {  	_ =	swait.ge [sflag:s25], $0x4000  }
0x7e: {  	[sflag:s25] =	ssyncset.done $0x0  }
0x7f: {  	[sflag:s25] =	ssyncadd.s32 $0xFFFFC000  }
0x80: {  	[spmem:s10] =	stream.linear.scatter [tilespmem:s26], [sflag:$0x1], $0x4000, $0x38;
	[tilespmem:$0x1E800] =	vst v63  }
0x81: {  	_ =	swait.ge [sflag:s25], $0x4000  }
0x82: {  	[sflag:s25] =	ssyncset.done $0x0  }
0x83: {  	[sflag:s25] =	ssyncadd.s32 $0xFFFFC000  }
0x84: {  	[spmem:s11] =	stream.linear.scatter [tilespmem:s26], [sflag:$0x1], $0x4000, $0x38;
	[tilespmem:$0x1E800] =	vst v63  }
0x85: {  	_ =	swait.ge [sflag:s25], $0x4000  }
0x86: {  	[sflag:s25] =	ssyncset.done $0x0  }
0x87: {  	[sflag:s25] =	ssyncadd.s32 $0xFFFFC000  }
0x88: {  	s30 =	simm.s32 $0x0;
	[bflag:$0x0] =	sbarrier.arrive $0xFFFF  }
0x89: {  	[spmem:s2] =	stream.indirect.scatter.add.f32 [tilespmem:s24], [sflag:$0x1], $0x80, s30, s28, $0xb8;
	[tilespmem:$0x1E800] =	vst v63  }
0x8a: {  	_ =	swait.ge [sflag:s25], $0x4000  }
0x8b: {  	s30 =	simm.s32 $0x200;
	[sflag:s25] =	ssyncset.done $0x0  }
.LBB2_4:
0x8c: {  	s31 =	sshra.s32 s30, $0x2;
	[sflag:s25] =	ssyncadd.s32 $0xFFFFC000;
	p0 =	sne.s32 s30, $0x9E00  }
0x8d: {  	[spmem:s2] =	stream.indirect.scatter.add.f32 [tilespmem:s24], [sflag:$0x1], $0x80, s31, s28, $0xb8;
	[tilespmem:$0x1E800] =	vst v63  }
.Ltmp1:
0x8e: {  	_ = 	snop;
	(pc) =	sbr.rel @p0 .LBB2_4-.Ltmp1, $4  }
0x8f: {  	_ = 	snop  }
0x90: {  	s30 =	sadd.s32 $0x200, s30  }
0x91: {  	_ =	swait.ge [sflag:s25], $0x4000  }
0x92: {  	[sflag:s25] =	ssyncset.done $0x0  }
0x93: {  	[sflag:s25] =	ssyncadd.s32 $0xFFFFC000  }
0x94: {  	[bflag:$0x0] =	sbarrier.arrive $0xFFFF  }
0x95: {  	[tilespmem:s26], [sflag:$0x1] =	stream.linear.gather [spmem:s7], $0x4000, $0x38;
	[tilespmem:$0x1E800] =	vst v63  }
0x96: {  	_ =	swait.ge [sflag:s25], $0x4000  }
0x97: {  	[sflag:s25] =	ssyncset.done $0x0  }
0x98: {  	[sflag:s25] =	ssyncadd.s32 $0xFFFFC000  }
0x99: {  	[hbm4b:s18+s3] =	stream.linear.scatter [tilespmem:s26], [sflag:$0x1], $0x4000, $0x38;
	[tilespmem:$0x1E800] =	vst v63  }
0x9a: {  	_ =	swait.ge [sflag:s25], $0x4000  }
0x9b: {  	[sflag:s25] =	ssyncset.done $0x0  }
0x9c: {  	[sflag:s25] =	ssyncadd.s32 $0xFFFFC000  }
0x9d: {  	[tilespmem:s26], [sflag:$0x1] =	stream.linear.gather [spmem:s8], $0x4000, $0x38;
	[tilespmem:$0x1E800] =	vst v63  }
0x9e: {  	_ =	swait.ge [sflag:s25], $0x4000  }
0x9f: {  	[sflag:s25] =	ssyncset.done $0x0  }
0xa0: {  	[sflag:s25] =	ssyncadd.s32 $0xFFFFC000  }
0xa1: {  	[hbm4b:s19+s3] =	stream.linear.scatter [tilespmem:s26], [sflag:$0x1], $0x4000, $0x38;
	[tilespmem:$0x1E800] =	vst v63  }
0xa2: {  	_ =	swait.ge [sflag:s25], $0x4000  }
0xa3: {  	[sflag:s25] =	ssyncset.done $0x0  }
0xa4: {  	[sflag:s25] =	ssyncadd.s32 $0xFFFFC000  }
0xa5: {  	[tilespmem:s26], [sflag:$0x1] =	stream.linear.gather [spmem:s9], $0x4000, $0x38;
	[tilespmem:$0x1E800] =	vst v63  }
0xa6: {  	_ =	swait.ge [sflag:s25], $0x4000  }
0xa7: {  	[sflag:s25] =	ssyncset.done $0x0  }
0xa8: {  	[sflag:s25] =	ssyncadd.s32 $0xFFFFC000  }
0xa9: {  	[hbm4b:s20+s3] =	stream.linear.scatter [tilespmem:s26], [sflag:$0x1], $0x4000, $0x38;
	[tilespmem:$0x1E800] =	vst v63  }
0xaa: {  	_ =	swait.ge [sflag:s25], $0x4000  }
0xab: {  	[sflag:s25] =	ssyncset.done $0x0  }
0xac: {  	[sflag:s25] =	ssyncadd.s32 $0xFFFFC000  }
0xad: {  	[tilespmem:s26], [sflag:$0x1] =	stream.linear.gather [spmem:s10], $0x4000, $0x38;
	[tilespmem:$0x1E800] =	vst v63  }
0xae: {  	_ =	swait.ge [sflag:s25], $0x4000  }
0xaf: {  	[sflag:s25] =	ssyncset.done $0x0  }
0xb0: {  	[sflag:s25] =	ssyncadd.s32 $0xFFFFC000  }
0xb1: {  	[hbm4b:s21+s3] =	stream.linear.scatter [tilespmem:s26], [sflag:$0x1], $0x4000, $0x38;
	[tilespmem:$0x1E800] =	vst v63  }
0xb2: {  	_ =	swait.ge [sflag:s25], $0x4000  }
0xb3: {  	[sflag:s25] =	ssyncset.done $0x0  }
0xb4: {  	[sflag:s25] =	ssyncadd.s32 $0xFFFFC000  }
0xb5: {  	[tilespmem:s26], [sflag:$0x1] =	stream.linear.gather [spmem:s11], $0x4000, $0x38;
	[tilespmem:$0x1E800] =	vst v63  }
0xb6: {  	_ =	swait.ge [sflag:s25], $0x4000  }
0xb7: {  	s29 =	sadd.s32 $0x1, s29;
	[sflag:s25] =	ssyncset.done $0x0  }
0xb8: {  	p0 =	sne.s32 s29, s23;
	[sflag:s25] =	ssyncadd.s32 $0xFFFFC000  }
0xb9: {  	[hbm4b:s22+s3] =	stream.linear.scatter [tilespmem:s26], [sflag:$0x1], $0x4000, $0x38;
	[tilespmem:$0x1E800] =	vst v63  }
.Ltmp2:
0xba: {  	_ =	swait.ge [sflag:s25], $0x4000;
	(pc) =	sbr.rel @p0 .LBB2_1-.Ltmp2, $3  }
0xbb: {  	[sflag:s25] =	ssyncset.done $0x0  }
0xbc: {  	[sflag:s25] =	ssyncadd.s32 $0xFFFFC000  }
0xbd: {  	[bflag:$0x0] =	sbarrier.arrive $0xFFFF;
	_ =	sdelay $0x1  }
0xbe: {  	_ =	sfence.sel $0x180000  }
0xbf: {  	[bflag:$0x0] =	sbarrier.arrive $0xFFFF  }
0xc0: {  	p0 =	sne.s32 s0, $0x0;
	_ =	strace $0x90000047  }
0xc1: {  	s0 =	sadd.s32 @!p0 $0x100000, s1;
	[bflag:$0x2] =	sbarrier.arrive $0xFFFF  }
0xc2: {  	[sflag:s0] =	ssyncadd.tile.s32 @!p0 $0x1;
	_ =	shalt  }
.Lfunc_end2:
_tile_overlayer_lowered:
.L_overlay_start_2:
0xc3: {  	(tag) =	ssettag $0x2  }
0xc4: {  	s0 =	rddreg [dreg:$0x0];
	s2 =	stileid.u32  }
0xc5: {  	s1 =	rddreg [dreg:$0x1];
	p0 =	sne.s32 s2, $0x0  }
0xc6: {  	s3 =	rddreg [dreg:$0x2];
	[bflag:$0x3] =	sbarrier.arrive $0xFFFF;
	s2 =	simm.s32 @!p0 $0x1C01  }
0xc7: {  	[timem:s3], [sflag:s2] =	dma.local @!p0 [hbm:s0], s1  }
0xc8: {  	s0 =	simm.s32 @!p0 $0x1  }
0xc9: {  	_ =	swait.ge @!p0 [sflag:s0], s1  }
0xca: {  	s1 =	ssub.s32 @!p0 $0x0, s1;
	[sflag:s0] =	ssyncset.done @!p0 $0x0  }
0xcb: {  	[sflag:s0] =	ssyncadd.s32 @!p0 s1  }
0xcc: {  	[bflag:$0x3] =	sbarrier.arrive $0xFFFF  }
0xcd: {  	_ =	shalt  }

// kernel: kernel.13.cloned.1.call-start
scs
__scs_entry_jumppad:
0x0: {  	(pc) =	sbr.rel $0x88, $3  }
0x1: {  	(tag) =	ssettag $0x0;
	lr =	simm.s32 $0x1  }
0x2: {  	[smem:$0x3F99] =	sst lr;
	_ =	strace $0xD0000000  }
0x3: {  	_ = 	snop  }
0x4: {  	_ = 	snop  }
0x5: {  	_ = 	snop  }
0x6: {  	_ = 	snop  }
0x7: {  	_ = 	snop  }
__scs_overlays_trampoline_lowered:
0x8: {  	[smem:$0x3FA8] =	sst s0  }
0x9: {  	[smem:$0x3FA9] =	sst s1  }
0xa: {  	[smem:$0x3FAA] =	sst s2  }
0xb: {  	[smem:$0x3FAB] =	sst s3  }
0xc: {  	[smem:$0x3FAC] =	sst s4  }
0xd: {  	[smem:$0x3FAD] =	sst s5  }
0xe: {  	[smem:$0x3FAE] =	sst s6  }
0xf: {  	[smem:$0x3FAF] =	sst s7  }
0x10: {  	[smem:$0x3FB0] =	sst s8  }
0x11: {  	[smem:$0x3FB1] =	sst s9;
	s0 =	simm.s32 @!p0 $0x0  }
0x12: {  	s1 =	sld [smem:$0x3F97];
	s0 =	simm.s32 @p0 $0x1  }
0x13: {  	[smem:$0x3FB2] =	sst s0;
	s0 =	simm.s32 @!p1 $0x0  }
0x14: {  	s2 =	sld [smem:$0x3F96];
	s0 =	simm.s32 @p1 $0x1  }
0x15: {  	[smem:$0x3FB3] =	sst s0;
	s0 =	simm.s32 @!p2 $0x0  }
0x16: {  	s3 =	sld [smem:$0x3FDB];
	s0 =	simm.s32 @p2 $0x1  }
0x17: {  	s4 =	simm.s32 $0x1BF5;
	[smem:$0x3FB5] =	sst s0  }
0x18: {  	s0 =	sld [smem:$0x3F98];
	_ =	swait.ge [sflag:s4], $0x0  }
0x19: {  	s7 =	sld [smem:$0x3F99]  }
0x1a: {  	s8 =	sadd.s32 $0xFFFFE003, lr  }
0x1b: {  	s9 =	sadd.s32 $0xFFFFFEF7, lr;
	s5 =	simm.s32 $0xFFFFFFFF;
	p2 =	slt.u32 s8, $0xFFFFF086  }
0x1c: {  	p1 =	slt.u32 s9, $0xF7A;
	s5 =	simm.s32 @!p2 $0x0  }
0x1d: {  	s5 =	simm.s32 @p1 $0x1;
	p0 =	seq.s32 s7, s2  }
0x1e: {  	s7 =	smul.u32 @!p0 $0xF7A, s2;
	p2 =	seq.s32 @!p0 s5, $0x0  }
0x1f: {  	s9 =	smul.u32 $0xF7A, s1;
	s8 =	simm.s32 @!p0 $0x1BF5;
	p2 =	por !p2, p0  }
0x20: {  	[sflag:s8] =	ssyncset.s32 @!p0 $0xFFFFF086;
	s6 =	sadd.s32 @!p0 s3, s7;
	s7 =	simm.s32 @!p0 $0x108  }
0x21: {  	s3 =	sadd.s32 s3, s9;
	s6 =	sadd.s32 @!p0 $0x88, s6;
	s7 =	simm.s32 @p2 $0x1082  }
0x22: {  	[simem:s7], [sflag:s8] =	dma.local @!p0 [hbm:s6], $0xF7A  }
0x23: {  	s9 =	sor.u32 $0xD0000000, s2;
	s6 =	simm.s32 $0x108;
	_ =	swait.ge @!p0 [sflag:s8], $0x0  }
0x24: {  	s3 =	sadd.s32 $0x88, s3;
	s6 =	simm.s32 @!p1 $0x1082;
	[sflag:s4] =	ssyncset.s32 $0xFFFFF086  }
0x25: {  	[simem:s6], [sflag:s4] =	dma.local [hbm:s3], $0xF7A  }
0x26: {  	[smem:$0x3F99] =	sst s1;
	(tag) =	ssettag s2;
	_ =	strace s9  }
0x27: {  	s1 =	sld [smem:$0x3FA9]  }
0x28: {  	s2 =	sld [smem:$0x3FAA]  }
0x29: {  	s4 =	sld [smem:$0x3FAC]  }
0x2a: {  	p0 =	seq.s32 s5, $0x0;
	s5 =	sld [smem:$0x3FAD]  }
0x2b: {  	s6 =	sld [smem:$0x3FAE]  }
0x2c: {  	s7 =	sld [smem:$0x3FAF]  }
0x2d: {  	s3 =	simm.s32 $0x108;
	s8 =	sld [smem:$0x3FB0]  }
0x2e: {  	s3 =	simm.s32 @!p0 $0x1082;
	s9 =	sld [smem:$0x3FB1]  }
0x2f: {  	lr =	sadd.s32 s0, s3;
	s0 =	sld [smem:$0x3FA8]  }
0x30: {  	s3 =	sld [smem:$0x3FAB]  }
0x31: {  	[smem:$0x3FB4] =	sst s10  }
0x32: {  	s10 =	sld [smem:$0x3FB2];
	_ =	sdelay $0x3  }
0x33: {  	p0 =	seq.s32 s10, $0x1;
	s10 =	sld [smem:$0x3FB4];
	_ =	sdelay $0x3  }
0x34: {  	[smem:$0x3FB4] =	sst s10  }
0x35: {  	s10 =	sld [smem:$0x3FB3];
	_ =	sdelay $0x3  }
0x36: {  	p1 =	seq.s32 s10, $0x1;
	s10 =	sld [smem:$0x3FB4];
	_ =	sdelay $0x3  }
0x37: {  	[smem:$0x3FB4] =	sst s10  }
0x38: {  	s10 =	sld [smem:$0x3FB5]  }
0x39: {  	_ = 	snop;
	(pc) =	sbr.ind lr, $3  }
0x3a: {  	_ = 	snop  }
0x3b: {  	_ = 	snop  }
0x3c: {  	p2 =	seq.s32 s10, $0x1;
	s10 =	sld [smem:$0x3FB4]  }
0x3d: {  	_ =	shalt  }
0x3e: {  	_ =	shalt  }
0x3f: {  	_ =	shalt  }
0x40: {  	_ =	shalt  }
0x41: {  	_ =	shalt  }
0x42: {  	_ =	shalt  }
0x43: {  	_ =	shalt  }
0x44: {  	_ =	shalt  }
0x45: {  	_ =	shalt  }
0x46: {  	_ =	shalt  }
0x47: {  	_ =	shalt  }
0x48: {  	_ =	shalt  }
0x49: {  	_ =	shalt  }
0x4a: {  	_ =	shalt  }
0x4b: {  	_ =	shalt  }
0x4c: {  	_ =	shalt  }
0x4d: {  	_ =	shalt  }
0x4e: {  	_ =	shalt  }
0x4f: {  	_ =	shalt  }
0x50: {  	_ =	shalt  }
0x51: {  	_ =	shalt  }
0x52: {  	_ =	shalt  }
0x53: {  	_ =	shalt  }
0x54: {  	_ =	shalt  }
0x55: {  	_ =	shalt  }
0x56: {  	_ =	shalt  }
0x57: {  	_ =	shalt  }
0x58: {  	_ =	shalt  }
0x59: {  	_ =	shalt  }
0x5a: {  	_ =	shalt  }
0x5b: {  	_ =	shalt  }
0x5c: {  	_ =	shalt  }
0x5d: {  	_ =	shalt  }
0x5e: {  	_ =	shalt  }
0x5f: {  	_ =	shalt  }
0x60: {  	_ =	shalt  }
0x61: {  	_ =	shalt  }
0x62: {  	_ =	shalt  }
0x63: {  	_ =	shalt  }
0x64: {  	_ =	shalt  }
0x65: {  	_ =	shalt  }
0x66: {  	_ =	shalt  }
0x67: {  	_ =	shalt  }
0x68: {  	_ =	shalt  }
0x69: {  	_ =	shalt  }
0x6a: {  	_ =	shalt  }
0x6b: {  	_ =	shalt  }
0x6c: {  	_ =	shalt  }
0x6d: {  	_ =	shalt  }
0x6e: {  	_ =	shalt  }
0x6f: {  	_ =	shalt  }
0x70: {  	_ =	shalt  }
0x71: {  	_ =	shalt  }
0x72: {  	_ =	shalt  }
0x73: {  	_ =	shalt  }
0x74: {  	_ =	shalt  }
0x75: {  	_ =	shalt  }
0x76: {  	_ =	shalt  }
0x77: {  	_ =	shalt  }
0x78: {  	_ =	shalt  }
0x79: {  	_ =	shalt  }
0x7a: {  	_ =	shalt  }
0x7b: {  	_ =	shalt  }
0x7c: {  	_ =	shalt  }
0x7d: {  	_ =	shalt  }
0x7e: {  	_ =	shalt  }
0x7f: {  	_ =	shalt  }
0x80: {  	_ =	shalt  }
0x81: {  	_ =	shalt  }
0x82: {  	_ =	shalt  }
0x83: {  	_ =	shalt  }
0x84: {  	_ =	shalt  }
0x85: {  	_ =	shalt  }
0x86: {  	_ =	shalt  }
0x87: {  	_ =	shalt  }
.Lfunc_end0:
.L_simem_size_0:
called_computation.1_lowered:
.L_overlay_start_0:
0x88: {  	s2 =	sld [smem:$0x3FD9]  }
0x89: {  	s3 =	sld [smem:$0x3FFE];
	_ =	sdelay $0x1  }
0x8a: {  	s1 =	srdreg.scid  }
0x8b: {  	s0 =	sand.u32 $0x1, s1  }
0x8c: {  	s16 =	sshll.u32 s0, $0xA;
	s2 =	sadd.s32 s3, s2  }
0x8d: {  	s2 =	sadd.s32 s2, s16  }
0x8e: {  	[smem:$0x3FC0] =	sst s2  }
0x8f: {  	_ = 	snop  }
0x90: {  	(tm) =	ssettm $0x1  }
0x91: {  	s17 =	sld [smem:$0x3FFB];
	_ =	sdelay $0x3  }
0x92: {  	_ =	strace s17  }
0x93: {  	s2 =	sld [smem:$0x3FFC];
	_ =	sdelay $0x3  }
0x94: {  	_ =	strace s2  }
0x95: {  	s2 =	sld [smem:$0x3FFD];
	_ =	sdelay $0x3  }
0x96: {  	_ =	strace s2  }
0x97: {  	_ =	strace $0x8FFFFFFF  }
0x98: {  	s18 =	sld [smem:$0x3FDB];
	_ =	sdelay $0x1  }
0x99: {  	s19 =	simm.s32 $_scs_section_size  }
0x9a: {  	s4 =	simm.s32 $_size__tile_overlayer_lowered;
	s5 =	simm.s32 $_tile_overlayer_lowered  }
0x9b: {  	s22 =	simm.s32 $0x1BFF;
	s21 =	sshll.u32 s5, $0x1;
	s2 =	sadd.s32 s19, s18  }
0x9c: {  	s6 =	simm.s32 $0x0;
	s20 =	sshll.u32 s4, $0x1;
	s4 =	sadd.s32 s21, s2  }
0x9d: {  	[timem:s6], [sflag:s22] =	dma.local [hbm:s4], s20  }
0x9e: {  	_ =	swait.ge [sflag:s22], s20  }
0x9f: {  	s3 =	ssub.s32 $0x0, s20;
	[sflag:s22] =	ssyncset.done $0x0  }
0xa0: {  	[sflag:s22] =	ssyncadd.s32 s3;
	_ =	sdelay $0x1  }
0xa1: {  	s23 =	simm.s32 $0x1B8B  }
0xa2: {  	_ =	swait.ge [sflag:s23], $0x1  }
0xa3: {  	[sflag:s23] =	ssyncset.done $0x0  }
0xa4: {  	s25 =	simm.s32 $0x1B8E;
	s24 =	sld [smem:$0x3FFE];
	[sflag:s23] =	ssyncadd.s32 $0xFFFFFFFF  }
0xa5: {  	s26 =	simm.s32 $execute0_lowered;
	[smem:$0x3FD2] =	sst s25  }
0xa6: {  	s4 =	sshll.u32 s26, $0x1;
	_ =	strace $0x80000049;
	[dreg:$0x1] =	wrdreg $0xFFFFFFFF  }
0xa7: {  	s28 =	simm.s32 $_size_execute0_lowered;
	s2 =	sadd.s32 s2, s4;
	[dreg:$0x0] =	wrdreg $0x0  }
0xa8: {  	s4 =	sshll.u32 s28, $0x1;
	[dreg:$0x2] =	wrdreg s2  }
0xa9: {  	[dreg:$0x3] =	wrdreg s4  }
0xaa: {  	[dreg:$0x4] =	wrdreg $0xC0  }
0xab: {  	_ =	task [dreg:s6], $0x5FFFF  }
0xac: {  	[dreg:$0x1] =	wrdreg $0xFFFFFFFF  }
0xad: {  	[dreg:$0x0] =	wrdreg $0x60  }
0xae: {  	[dreg:$0x2] =	wrdreg s24  }
0xaf: {  	[dreg:$0x3] =	wrdreg $0x90000  }
0xb0: {  	[dreg:$0x4] =	wrdreg $0x9  }
0xb1: {  	_ =	task.clear_ibuf [dreg:s6], $0x5FFFF;
	_ =	strace $0x90000049  }
0xb2: {  	s29 =	simm.s32 $0x9;
	_ =	strace $0x8000004B  }
0xb3: {  	_ =	swait.ge [sflag:s29], $0x1  }
0xb4: {  	[sflag:s29] =	ssyncadd.s32 $0xFFFFFFFF  }
0xb5: {  	_ =	strace $0x9000004B  }
0xb6: {  	_ =	sfence  }
0xb7: {  	s30 =	sld [smem:$0x0];
	_ =	sdelay $0x2  }
0xb8: {  	s31 =	sshll.u32 s1, $0xD;
	s1 =	sshrl.u32 s1, $0x2  }
0xb9: {  	s3 =	sand.u32 $0x4000, s31;
	s1 =	sadd.s32 s1, s30  }
0xba: {  	s0 =	sor.u32 s3, s0;
	s1 =	sshll.u32 s1, $0x11  }
0xbb: {  	s0 =	sor.u32 s1, s0  }
0xbc: {  	s0 =	sadd.s32 $0x8F2B, s0  }
0xbd: {  	[sflag:s0] =	ssyncadd.remote.s32 $0x1  }
0xbe: {  	_ =	sfence.sel $0xFFFF  }
0xbf: {  	[dreg:$0x0] =	wrdreg $0xFFFFFFFF;
	(pc) =	sbr.abs _section_cstart, $3  }
0xc0: {  	[dreg:$0x1] =	wrdreg $0xFFFFFFFF  }
0xc1: {  	_ =	task.clear_ibuf [dreg:s6], $0x2FFFF;
	_ =	strace $0x9FFFFFFF  }
0xc2: {  	(tm) =	ssettm $0x7FFFFFFF  }
0xc3: {  	_ =	shalt  }
tec
execute0_lowered:
.L_overlay_start_1:
0x0: {  	(tag) =	ssettag $0x1  }
0x1: {  	s0 =	rddreg [dreg:$0x0]  }
0x2: {  	s2 =	rddreg [dreg:$0x1]  }
0x3: {  	s9 =	stileid.u32;
	s1 =	srdreg.scid  }
0x4: {  	s3 =	simm.s32 $0x0;
	s14 =	simm.s32 $0x100;
	s15 =	simm.s32 $0x880  }
0x5: {  	s16 =	simm.s32 $0x180;
	s17 =	simm.s32 $0x900;
	s18 =	simm.s32 $0x200  }
0x6: {  	s19 =	simm.s32 $0x980;
	s21 =	simm.s32 $0x280;
	[smem:$0x7FF] =	sst s3  }
0x7: {  	s28 =	simm.s32 $0x500;
	_ =	strace $0x8000004A;
	[dreg:$0x5] =	wrdreg s14  }
0x8: {  	s29 =	simm.s32 $0xC80;
	s30 =	simm.s32 $0x580;
	[dreg:$0x6] =	wrdreg s15  }
0x9: {  	s31 =	simm.s32 $0xD00;
	s4 =	smul.u32 $0x2800, s9;
	[dreg:$0x7] =	wrdreg s16  }
0xa: {  	s1 =	sand.u32 $0x1, s1;
	s6 =	smul.u32 $0x50000, s9;
	[dreg:$0x8] =	wrdreg s17  }
0xb: {  	s9 =	smul.u32 $0x14000, s9;
	p0 =	seq.s32 s1, $0x0;
	[dreg:$0x9] =	wrdreg s18  }
0xc: {  	s7 =	ssub.s32 $0x2, s1;
	s1 =	smul.u32 $0x140000, s1;
	[dreg:$0xa] =	wrdreg s19  }
0xd: {  	s16 =	simm.s32 $0x1000;
	[dreg:$0xb] =	wrdreg s21;
	s17 =	simm.s32 $0x3  }
0xe: {  	s18 =	simm.s32 $0x800;
	s19 =	simm.s32 $0x80;
	s21 =	simm.s32 $0x1  }
0xf: {  	s14 =	simm.s32 $0x780;
	s15 =	simm.s32 $0xF00;
	s5 =	sadd.s32 $0x28000, s4  }
0x10: {  	s8 =	sshrl.u32 s7, $0x1;
	s6 =	sshrl.u32 s6, $0x2;
	s22 =	sadd.s32 $0x4000, s9  }
0x11: {  	s23 =	sadd.s32 $0x8000, s9;
	s25 =	sadd.s32 $0xC000, s9;
	s26 =	sadd.s32 $0x10000, s9  }
0x12: {  	s5 =	smov.u32 @p0 s4;
	s4 =	sadd.s32 $0x16E00, s0;
	s7 =	ssub.s32 s7, s8  }
0x13: {  	s6 =	sadd.s32 s6, s2;
	s10 =	sadd.s32 s22, s2;
	s24 =	sadd.s32 s23, s2  }
0x14: {  	s11 =	sadd.s32 s25, s2;
	s9 =	sadd.s32 s9, s1;
	[dreg:$0x11] =	wrdreg s6  }
0x15: {  	s12 =	sadd.s32 s26, s2;
	s8 =	sadd.s32 s1, s23;
	[dreg:$0x12] =	wrdreg s10  }
0x16: {  	s13 =	sadd.s32 s1, s25;
	s23 =	simm.s32 $0x300;
	[dreg:$0x13] =	wrdreg s24  }
0x17: {  	s25 =	simm.s32 $0x380;
	s5 =	sshrl.u32 s5, $0x3;
	[dreg:$0x14] =	wrdreg s11  }
0x18: {  	[dreg:$0x15] =	wrdreg s12;
	s9 =	sshrl.u32 s9, $0x3;
	s6 =	sadd.s32 s1, s22  }
0x19: {  	s1 =	sadd.s32 s1, s26;
	s20 =	smax.u32 s7, $0x1;
	[dreg:$0xd] =	wrdreg s23  }
0x1a: {  	s22 =	simm.s32 $0xA00;
	s24 =	simm.s32 $0xA80;
	[dreg:$0xf] =	wrdreg s25  }
0x1b: {  	s26 =	simm.s32 $0xB00;
	s23 =	simm.s32 $0x400;
	s25 =	simm.s32 $0x480  }
0x1c: {  	s10 =	simm.s32 $0x680;
	s11 =	simm.s32 $0xE00;
	[dreg:$0x1b] =	wrdreg s20  }
0x1d: {  	s7 =	simm.s32 $0x0;
	s5 =	sadd.s32 s5, s0;
	[dreg:$0xc] =	wrdreg s22  }
0x1e: {  	s0 =	sadd.s32 $0x3EE00, s0;
	s6 =	sshrl.u32 s6, $0x3;
	[dreg:$0xe] =	wrdreg s24  }
0x1f: {  	s1 =	sshrl.u32 s1, $0x3;
	[dreg:$0x10] =	wrdreg s26;
	s9 =	sadd.s32 s0, s9  }
0x20: {  	s20 =	simm.s32 $0x5000;
	s6 =	sadd.s32 s0, s6;
	[dreg:$0x16] =	wrdreg s9  }
0x21: {  	s22 =	simm.s32 $0x2;
	s12 =	sadd.s32 $0xCE00, s5;
	[dreg:$0x17] =	wrdreg s6  }
0x22: {  	s5 =	sadd.s32 $0x2E00, s5;
	s9 =	sshrl.u32 s8, $0x3;
	[dreg:$0x3] =	wrdreg s12  }
0x23: {  	s24 =	simm.s32 $0xB80;
	[dreg:$0x4] =	wrdreg s5;
	s6 =	sadd.s32 s0, s9  }
0x24: {  	s26 =	simm.s32 $0xC00;
	[dreg:$0x18] =	wrdreg s6;
	s6 =	sshrl.u32 s13, $0x3  }
0x25: {  	s12 =	simm.s32 $0x700;
	s5 =	simm.s32 $0xF80;
	s6 =	sadd.s32 s0, s6  }
0x26: {  	s13 =	simm.s32 $0xE80;
	s0 =	sadd.s32 s0, s1;
	[dreg:$0x19] =	wrdreg s6  }
0x27: {  	v0 =	vimm.f32 $0.0e+00;
	s1 =	simm.s32 $0x600;
	[dreg:$0x1a] =	wrdreg s0;
	s0 =	simm.s32 $0xD80  }
.LBB2_1:
0x28: {  	[dreg:$0x1c] =	wrdreg s7;
	s7 =	simm.s32 $0x0;
	s8 =	simm.s32 $0x200  }
.LBB2_2:
0x29: {  	p0 =	sne.s32 s8, $0xFE00;
	[tilespmem:s7+$0x1070] =	vst v0  }
0x2a: {  	[tilespmem:s7+$0x1000] =	vst v0  }
0x2b: {  	[tilespmem:s7+$0x1010] =	vst v0  }
.Ltmp0:
0x2c: {  	[tilespmem:s7+$0x1020] =	vst v0;
	(pc) =	sbr.rel @p0 .LBB2_2-.Ltmp0, $4  }
0x2d: {  	[tilespmem:s7+$0x1030] =	vst v0  }
0x2e: {  	[tilespmem:s7+$0x1040] =	vst v0  }
0x2f: {  	[tilespmem:s7+$0x1050] =	vst v0  }
0x30: {  	[tilespmem:s7+$0x1060] =	vst v0;
	s7 =	sshra.s32 s8, $0x2;
	s8 =	sadd.s32 $0x200, s8  }
0x31: {  	[tilespmem:s7+$0x1070] =	vst v0  }
0x32: {  	[tilespmem:s7+$0x1000] =	vst v0  }
0x33: {  	[tilespmem:s7+$0x1010] =	vst v0  }
0x34: {  	[tilespmem:s7+$0x1020] =	vst v0  }
0x35: {  	[tilespmem:s7+$0x1030] =	vst v0  }
0x36: {  	[tilespmem:s7+$0x1040] =	vst v0  }
0x37: {  	[tilespmem:s7+$0x1050] =	vst v0  }
0x38: {  	[tilespmem:s7+$0x1060] =	vst v0;
	s6 =	rddreg [dreg:$0x11]  }
0x39: {  	[spmem:s6] =	stream.linear.scatter [tilespmem:s16], [sflag:$0x3], $0x4000, $0x38;
	[tilespmem:$0x1D000] =	vst v63  }
0x3a: {  	_ =	swait.ge [sflag:s17], $0x4000  }
0x3b: {  	[sflag:s17] =	ssyncset.done $0x0  }
0x3c: {  	s7 =	rddreg [dreg:$0x12];
	[sflag:s17] =	ssyncadd.s32 $0xFFFFC000  }
0x3d: {  	[spmem:s7] =	stream.linear.scatter [tilespmem:s16], [sflag:$0x3], $0x4000, $0x38;
	[tilespmem:$0x1D000] =	vst v63  }
0x3e: {  	_ =	swait.ge [sflag:s17], $0x4000  }
0x3f: {  	[sflag:s17] =	ssyncset.done $0x0  }
0x40: {  	s8 =	rddreg [dreg:$0x13];
	[sflag:s17] =	ssyncadd.s32 $0xFFFFC000  }
0x41: {  	[spmem:s8] =	stream.linear.scatter [tilespmem:s16], [sflag:$0x3], $0x4000, $0x38;
	[tilespmem:$0x1D000] =	vst v63  }
0x42: {  	_ =	swait.ge [sflag:s17], $0x4000  }
0x43: {  	[sflag:s17] =	ssyncset.done $0x0  }
0x44: {  	s9 =	rddreg [dreg:$0x14];
	[sflag:s17] =	ssyncadd.s32 $0xFFFFC000  }
0x45: {  	[spmem:s9] =	stream.linear.scatter [tilespmem:s16], [sflag:$0x3], $0x4000, $0x38;
	[tilespmem:$0x1D000] =	vst v63  }
0x46: {  	_ =	swait.ge [sflag:s17], $0x4000  }
0x47: {  	[sflag:s17] =	ssyncset.done $0x0  }
0x48: {  	s7 =	rddreg [dreg:$0x15];
	[sflag:s17] =	ssyncadd.s32 $0xFFFFC000  }
0x49: {  	[spmem:s7] =	stream.linear.scatter [tilespmem:s16], [sflag:$0x3], $0x4000, $0x38;
	[tilespmem:$0x1D000] =	vst v63  }
0x4a: {  	_ =	swait.ge [sflag:s17], $0x4000  }
0x4b: {  	[sflag:s17] =	ssyncset.done $0x0  }
0x4c: {  	[sflag:s17] =	ssyncadd.s32 $0xFFFFC000  }
0x4d: {  	[bflag:$0x0] =	sbarrier.arrive $0xFFFF  }
0x4e: {  	s8 =	rddreg [dreg:$0x4]  }
0x4f: {  	s7 =	sadd.s32 $0x0, s8  }
0x50: {  	[tilespmem:s3], [sflag:$0x3] =	stream.linear.gather [hbm4b:s7+s3], $0x800, $0x38;
	[tilespmem:$0x1D000] =	vst v63  }
0x51: {  	_ =	swait.ge [sflag:s17], $0x800  }
0x52: {  	s9 =	rddreg [dreg:$0x3];
	[sflag:s17] =	ssyncset.done $0x0  }
0x53: {  	[sflag:s17] =	ssyncadd.s32 $0xFFFFF800;
	s7 =	sadd.s32 $0x0, s9  }
0x54: {  	[tilespmem:s18], [sflag:$0x3] =	stream.linear.gather [hbm4b:s7+s3], $0x800, $0x38;
	[tilespmem:$0x1D000] =	vst v63  }
0x55: {  	_ =	swait.ge [sflag:s17], $0x800  }
0x56: {  	[sflag:s17] =	ssyncset.done $0x0  }
0x57: {  	[sflag:s17] =	ssyncadd.s32 $0xFFFFF800  }
0x58: {  	[tilespmem:s16], [sflag:$0x1] =	stream.indirect.gather [hbm4b:s4+s19], $0x80, s3, s19, $0xb8;
	[tilespmem:$0x1D000] =	vst v63  }
0x59: {  	_ = 	snop  }
0x5a: {  	[tilespmem:s20], [sflag:$0x2] =	stream.indirect.gather [hbm4b:s4+s19], $0x80, s19, s19, $0xb8;
	[tilespmem:$0x1D000] =	vst v63  }
0x5b: {  	_ =	swait.ge [sflag:s21], $0x4000  }
0x5c: {  	[sflag:s21] =	ssyncset.done $0x0  }
0x5d: {  	[sflag:s21] =	ssyncadd.s32 $0xFFFFC000  }
0x5e: {  	[spmem:s2] =	stream.indirect.scatter.add.f32 [tilespmem:s16], [sflag:$0x3], $0x80, s18, s19, $0xb8;
	[tilespmem:$0x1D000] =	vst v63  }
0x5f: {  	_ =	swait.ge [sflag:s17], $0x4000  }
0x60: {  	[sflag:s17] =	ssyncset.done $0x0  }
0x61: {  	s6 =	rddreg [dreg:$0x5];
	[sflag:s17] =	ssyncadd.s32 $0xFFFFC000  }
0x62: {  	[tilespmem:s16], [sflag:$0x1] =	stream.indirect.gather [hbm4b:s4+s19], $0x80, s6, s19, $0xb8;
	[tilespmem:$0x1D000] =	vst v63  }
0x63: {  	_ =	swait.ge [sflag:s22], $0x4000  }
0x64: {  	[sflag:s22] =	ssyncset.done $0x0  }
0x65: {  	s8 =	rddreg [dreg:$0x6];
	[sflag:s22] =	ssyncadd.s32 $0xFFFFC000  }
0x66: {  	[spmem:s2] =	stream.indirect.scatter.add.f32 [tilespmem:s20], [sflag:$0x3], $0x80, s8, s19, $0xb8;
	[tilespmem:$0x1D000] =	vst v63  }
0x67: {  	_ =	swait.ge [sflag:s17], $0x4000  }
0x68: {  	[sflag:s17] =	ssyncset.done $0x0  }
0x69: {  	s9 =	rddreg [dreg:$0x7];
	[sflag:s17] =	ssyncadd.s32 $0xFFFFC000  }
0x6a: {  	[tilespmem:s20], [sflag:$0x2] =	stream.indirect.gather [hbm4b:s4+s19], $0x80, s9, s19, $0xb8;
	[tilespmem:$0x1D000] =	vst v63  }
0x6b: {  	_ =	swait.ge [sflag:s21], $0x4000  }
0x6c: {  	[sflag:s21] =	ssyncset.done $0x0  }
0x6d: {  	s6 =	rddreg [dreg:$0x8];
	[sflag:s21] =	ssyncadd.s32 $0xFFFFC000  }
0x6e: {  	[spmem:s2] =	stream.indirect.scatter.add.f32 [tilespmem:s16], [sflag:$0x3], $0x80, s6, s19, $0xb8;
	[tilespmem:$0x1D000] =	vst v63  }
0x6f: {  	_ =	swait.ge [sflag:s17], $0x4000  }
0x70: {  	[sflag:s17] =	ssyncset.done $0x0  }
0x71: {  	s8 =	rddreg [dreg:$0x9];
	[sflag:s17] =	ssyncadd.s32 $0xFFFFC000  }
0x72: {  	[tilespmem:s16], [sflag:$0x1] =	stream.indirect.gather [hbm4b:s4+s19], $0x80, s8, s19, $0xb8;
	[tilespmem:$0x1D000] =	vst v63  }
0x73: {  	_ =	swait.ge [sflag:s22], $0x4000  }
0x74: {  	[sflag:s22] =	ssyncset.done $0x0  }
0x75: {  	s9 =	rddreg [dreg:$0xa];
	[sflag:s22] =	ssyncadd.s32 $0xFFFFC000  }
0x76: {  	[spmem:s2] =	stream.indirect.scatter.add.f32 [tilespmem:s20], [sflag:$0x3], $0x80, s9, s19, $0xb8;
	[tilespmem:$0x1D000] =	vst v63  }
0x77: {  	_ =	swait.ge [sflag:s17], $0x4000  }
0x78: {  	[sflag:s17] =	ssyncset.done $0x0  }
0x79: {  	s6 =	rddreg [dreg:$0xb];
	[sflag:s17] =	ssyncadd.s32 $0xFFFFC000  }
0x7a: {  	[tilespmem:s20], [sflag:$0x2] =	stream.indirect.gather [hbm4b:s4+s19], $0x80, s6, s19, $0xb8;
	[tilespmem:$0x1D000] =	vst v63  }
0x7b: {  	_ =	swait.ge [sflag:s21], $0x4000  }
0x7c: {  	[sflag:s21] =	ssyncset.done $0x0  }
0x7d: {  	s8 =	rddreg [dreg:$0xc];
	[sflag:s21] =	ssyncadd.s32 $0xFFFFC000  }
0x7e: {  	[spmem:s2] =	stream.indirect.scatter.add.f32 [tilespmem:s16], [sflag:$0x3], $0x80, s8, s19, $0xb8;
	[tilespmem:$0x1D000] =	vst v63  }
0x7f: {  	_ =	swait.ge [sflag:s17], $0x4000  }
0x80: {  	[sflag:s17] =	ssyncset.done $0x0  }
0x81: {  	s9 =	rddreg [dreg:$0xd];
	[sflag:s17] =	ssyncadd.s32 $0xFFFFC000  }
0x82: {  	[tilespmem:s16], [sflag:$0x1] =	stream.indirect.gather [hbm4b:s4+s19], $0x80, s9, s19, $0xb8;
	[tilespmem:$0x1D000] =	vst v63  }
0x83: {  	_ =	swait.ge [sflag:s22], $0x4000  }
0x84: {  	[sflag:s22] =	ssyncset.done $0x0  }
0x85: {  	s6 =	rddreg [dreg:$0xe];
	[sflag:s22] =	ssyncadd.s32 $0xFFFFC000  }
0x86: {  	[spmem:s2] =	stream.indirect.scatter.add.f32 [tilespmem:s20], [sflag:$0x3], $0x80, s6, s19, $0xb8;
	[tilespmem:$0x1D000] =	vst v63  }
0x87: {  	_ =	swait.ge [sflag:s17], $0x4000  }
0x88: {  	[sflag:s17] =	ssyncset.done $0x0  }
0x89: {  	s8 =	rddreg [dreg:$0xf];
	[sflag:s17] =	ssyncadd.s32 $0xFFFFC000  }
0x8a: {  	[tilespmem:s20], [sflag:$0x2] =	stream.indirect.gather [hbm4b:s4+s19], $0x80, s8, s19, $0xb8;
	[tilespmem:$0x1D000] =	vst v63  }
0x8b: {  	_ =	swait.ge [sflag:s21], $0x4000  }
0x8c: {  	[sflag:s21] =	ssyncset.done $0x0  }
0x8d: {  	s9 =	rddreg [dreg:$0x10];
	[sflag:s21] =	ssyncadd.s32 $0xFFFFC000  }
0x8e: {  	[spmem:s2] =	stream.indirect.scatter.add.f32 [tilespmem:s16], [sflag:$0x3], $0x80, s9, s19, $0xb8;
	[tilespmem:$0x1D000] =	vst v63  }
0x8f: {  	_ =	swait.ge [sflag:s17], $0x4000  }
0x90: {  	[sflag:s17] =	ssyncset.done $0x0  }
0x91: {  	[sflag:s17] =	ssyncadd.s32 $0xFFFFC000  }
0x92: {  	[tilespmem:s16], [sflag:$0x1] =	stream.indirect.gather [hbm4b:s4+s19], $0x80, s23, s19, $0xb8;
	[tilespmem:$0x1D000] =	vst v63  }
0x93: {  	_ =	swait.ge [sflag:s22], $0x4000  }
0x94: {  	[sflag:s22] =	ssyncset.done $0x0  }
0x95: {  	[sflag:s22] =	ssyncadd.s32 $0xFFFFC000  }
0x96: {  	[spmem:s2] =	stream.indirect.scatter.add.f32 [tilespmem:s20], [sflag:$0x3], $0x80, s24, s19, $0xb8;
	[tilespmem:$0x1D000] =	vst v63  }
0x97: {  	_ =	swait.ge [sflag:s17], $0x4000  }
0x98: {  	[sflag:s17] =	ssyncset.done $0x0  }
0x99: {  	[sflag:s17] =	ssyncadd.s32 $0xFFFFC000  }
0x9a: {  	[tilespmem:s20], [sflag:$0x2] =	stream.indirect.gather [hbm4b:s4+s19], $0x80, s25, s19, $0xb8;
	[tilespmem:$0x1D000] =	vst v63  }
0x9b: {  	_ =	swait.ge [sflag:s21], $0x4000  }
0x9c: {  	[sflag:s21] =	ssyncset.done $0x0  }
0x9d: {  	[sflag:s21] =	ssyncadd.s32 $0xFFFFC000  }
0x9e: {  	[spmem:s2] =	stream.indirect.scatter.add.f32 [tilespmem:s16], [sflag:$0x3], $0x80, s26, s19, $0xb8;
	[tilespmem:$0x1D000] =	vst v63  }
0x9f: {  	_ =	swait.ge [sflag:s17], $0x4000  }
0xa0: {  	[sflag:s17] =	ssyncset.done $0x0  }
0xa1: {  	[sflag:s17] =	ssyncadd.s32 $0xFFFFC000  }
0xa2: {  	[tilespmem:s16], [sflag:$0x1] =	stream.indirect.gather [hbm4b:s4+s19], $0x80, s28, s19, $0xb8;
	[tilespmem:$0x1D000] =	vst v63  }
0xa3: {  	_ =	swait.ge [sflag:s22], $0x4000  }
0xa4: {  	[sflag:s22] =	ssyncset.done $0x0  }
0xa5: {  	[sflag:s22] =	ssyncadd.s32 $0xFFFFC000  }
0xa6: {  	[spmem:s2] =	stream.indirect.scatter.add.f32 [tilespmem:s20], [sflag:$0x3], $0x80, s29, s19, $0xb8;
	[tilespmem:$0x1D000] =	vst v63  }
0xa7: {  	_ =	swait.ge [sflag:s17], $0x4000  }
0xa8: {  	[sflag:s17] =	ssyncset.done $0x0  }
0xa9: {  	[sflag:s17] =	ssyncadd.s32 $0xFFFFC000  }
0xaa: {  	[tilespmem:s20], [sflag:$0x2] =	stream.indirect.gather [hbm4b:s4+s19], $0x80, s30, s19, $0xb8;
	[tilespmem:$0x1D000] =	vst v63  }
0xab: {  	_ =	swait.ge [sflag:s21], $0x4000  }
0xac: {  	[sflag:s21] =	ssyncset.done $0x0  }
0xad: {  	[sflag:s21] =	ssyncadd.s32 $0xFFFFC000  }
0xae: {  	[spmem:s2] =	stream.indirect.scatter.add.f32 [tilespmem:s16], [sflag:$0x3], $0x80, s31, s19, $0xb8;
	[tilespmem:$0x1D000] =	vst v63  }
0xaf: {  	_ =	swait.ge [sflag:s17], $0x4000  }
0xb0: {  	[sflag:s17] =	ssyncset.done $0x0  }
0xb1: {  	[sflag:s17] =	ssyncadd.s32 $0xFFFFC000  }
0xb2: {  	[tilespmem:s16], [sflag:$0x1] =	stream.indirect.gather [hbm4b:s4+s19], $0x80, s1, s19, $0xb8;
	[tilespmem:$0x1D000] =	vst v63  }
0xb3: {  	_ =	swait.ge [sflag:s22], $0x4000  }
0xb4: {  	[sflag:s22] =	ssyncset.done $0x0  }
0xb5: {  	[sflag:s22] =	ssyncadd.s32 $0xFFFFC000  }
0xb6: {  	[spmem:s2] =	stream.indirect.scatter.add.f32 [tilespmem:s20], [sflag:$0x3], $0x80, s0, s19, $0xb8;
	[tilespmem:$0x1D000] =	vst v63  }
0xb7: {  	_ =	swait.ge [sflag:s17], $0x4000  }
0xb8: {  	[sflag:s17] =	ssyncset.done $0x0  }
0xb9: {  	[sflag:s17] =	ssyncadd.s32 $0xFFFFC000  }
0xba: {  	[tilespmem:s20], [sflag:$0x2] =	stream.indirect.gather [hbm4b:s4+s19], $0x80, s10, s19, $0xb8;
	[tilespmem:$0x1D000] =	vst v63  }
0xbb: {  	_ =	swait.ge [sflag:s21], $0x4000  }
0xbc: {  	[sflag:s21] =	ssyncset.done $0x0  }
0xbd: {  	[sflag:s21] =	ssyncadd.s32 $0xFFFFC000  }
0xbe: {  	[spmem:s2] =	stream.indirect.scatter.add.f32 [tilespmem:s16], [sflag:$0x3], $0x80, s11, s19, $0xb8;
	[tilespmem:$0x1D000] =	vst v63  }
0xbf: {  	_ =	swait.ge [sflag:s17], $0x4000  }
0xc0: {  	[sflag:s17] =	ssyncset.done $0x0  }
0xc1: {  	[sflag:s17] =	ssyncadd.s32 $0xFFFFC000  }
0xc2: {  	[tilespmem:s16], [sflag:$0x1] =	stream.indirect.gather [hbm4b:s4+s19], $0x80, s12, s19, $0xb8;
	[tilespmem:$0x1D000] =	vst v63  }
0xc3: {  	_ =	swait.ge [sflag:s22], $0x4000  }
0xc4: {  	[sflag:s22] =	ssyncset.done $0x0  }
0xc5: {  	[sflag:s22] =	ssyncadd.s32 $0xFFFFC000  }
0xc6: {  	[spmem:s2] =	stream.indirect.scatter.add.f32 [tilespmem:s20], [sflag:$0x3], $0x80, s13, s19, $0xb8;
	[tilespmem:$0x1D000] =	vst v63  }
0xc7: {  	_ =	swait.ge [sflag:s17], $0x4000  }
0xc8: {  	[sflag:s17] =	ssyncset.done $0x0  }
0xc9: {  	[sflag:s17] =	ssyncadd.s32 $0xFFFFC000  }
0xca: {  	[tilespmem:s20], [sflag:$0x2] =	stream.indirect.gather [hbm4b:s4+s19], $0x80, s14, s19, $0xb8;
	[tilespmem:$0x1D000] =	vst v63  }
0xcb: {  	_ =	swait.ge [sflag:s21], $0x4000  }
0xcc: {  	[sflag:s21] =	ssyncset.done $0x0  }
0xcd: {  	[sflag:s21] =	ssyncadd.s32 $0xFFFFC000  }
0xce: {  	[spmem:s2] =	stream.indirect.scatter.add.f32 [tilespmem:s16], [sflag:$0x3], $0x80, s15, s19, $0xb8;
	[tilespmem:$0x1D000] =	vst v63  }
0xcf: {  	_ =	swait.ge [sflag:s17], $0x4000  }
0xd0: {  	[sflag:s17] =	ssyncset.done $0x0  }
0xd1: {  	[sflag:s17] =	ssyncadd.s32 $0xFFFFC000  }
0xd2: {  	_ =	swait.ge [sflag:s22], $0x4000  }
0xd3: {  	[sflag:s22] =	ssyncset.done $0x0  }
0xd4: {  	[sflag:s22] =	ssyncadd.s32 $0xFFFFC000  }
0xd5: {  	[spmem:s2] =	stream.indirect.scatter.add.f32 [tilespmem:s20], [sflag:$0x3], $0x80, s5, s19, $0xb8;
	[tilespmem:$0x1D000] =	vst v63  }
0xd6: {  	s7 =	simm.s32 $0x100;
	_ =	swait.ge [sflag:s17], $0x4000  }
0xd7: {  	s8 =	simm.s32 $0x200;
	s9 =	rddreg [dreg:$0x4];
	[sflag:s17] =	ssyncset.done $0x0  }
.LBB2_4:
0xd8: {  	[sflag:s17] =	ssyncadd.s32 $0xFFFFC000;
	s9 =	sadd.s32 s7, s9  }
0xd9: {  	[tilespmem:s3], [sflag:$0x3] =	stream.linear.gather [hbm4b:s9+s3], $0x800, $0x38;
	[tilespmem:$0x1D000] =	vst v63  }
0xda: {  	_ =	swait.ge [sflag:s17], $0x800  }
0xdb: {  	s9 =	rddreg [dreg:$0x3];
	[sflag:s17] =	ssyncset.done $0x0  }
0xdc: {  	[sflag:s17] =	ssyncadd.s32 $0xFFFFF800;
	s9 =	sadd.s32 s7, s9  }
0xdd: {  	[tilespmem:s18], [sflag:$0x3] =	stream.linear.gather [hbm4b:s9+s3], $0x800, $0x38;
	[tilespmem:$0x1D000] =	vst v63  }
0xde: {  	_ =	swait.ge [sflag:s17], $0x800  }
0xdf: {  	[sflag:s17] =	ssyncset.done $0x0  }
0xe0: {  	[sflag:s17] =	ssyncadd.s32 $0xFFFFF800  }
0xe1: {  	[tilespmem:s16], [sflag:$0x1] =	stream.indirect.gather [hbm4b:s4+s19], $0x80, s3, s19, $0xb8;
	[tilespmem:$0x1D000] =	vst v63  }
0xe2: {  	_ = 	snop  }
0xe3: {  	[tilespmem:s20], [sflag:$0x2] =	stream.indirect.gather [hbm4b:s4+s19], $0x80, s19, s19, $0xb8;
	[tilespmem:$0x1D000] =	vst v63  }
0xe4: {  	_ =	swait.ge [sflag:s21], $0x4000  }
0xe5: {  	[sflag:s21] =	ssyncset.done $0x0  }
0xe6: {  	[sflag:s21] =	ssyncadd.s32 $0xFFFFC000  }
0xe7: {  	[spmem:s2] =	stream.indirect.scatter.add.f32 [tilespmem:s16], [sflag:$0x3], $0x80, s18, s19, $0xb8;
	[tilespmem:$0x1D000] =	vst v63  }
0xe8: {  	_ =	swait.ge [sflag:s17], $0x4000  }
0xe9: {  	[sflag:s17] =	ssyncset.done $0x0  }
0xea: {  	s9 =	rddreg [dreg:$0x5];
	[sflag:s17] =	ssyncadd.s32 $0xFFFFC000  }
0xeb: {  	[tilespmem:s16], [sflag:$0x1] =	stream.indirect.gather [hbm4b:s4+s19], $0x80, s9, s19, $0xb8;
	[tilespmem:$0x1D000] =	vst v63  }
0xec: {  	_ =	swait.ge [sflag:s22], $0x4000  }
0xed: {  	[sflag:s22] =	ssyncset.done $0x0  }
0xee: {  	s9 =	rddreg [dreg:$0x6];
	[sflag:s22] =	ssyncadd.s32 $0xFFFFC000  }
0xef: {  	[spmem:s2] =	stream.indirect.scatter.add.f32 [tilespmem:s20], [sflag:$0x3], $0x80, s9, s19, $0xb8;
	[tilespmem:$0x1D000] =	vst v63  }
0xf0: {  	_ =	swait.ge [sflag:s17], $0x4000  }
0xf1: {  	[sflag:s17] =	ssyncset.done $0x0  }
0xf2: {  	s9 =	rddreg [dreg:$0x7];
	[sflag:s17] =	ssyncadd.s32 $0xFFFFC000  }
0xf3: {  	[tilespmem:s20], [sflag:$0x2] =	stream.indirect.gather [hbm4b:s4+s19], $0x80, s9, s19, $0xb8;
	[tilespmem:$0x1D000] =	vst v63  }
0xf4: {  	_ =	swait.ge [sflag:s21], $0x4000  }
0xf5: {  	[sflag:s21] =	ssyncset.done $0x0  }
0xf6: {  	s9 =	rddreg [dreg:$0x8];
	[sflag:s21] =	ssyncadd.s32 $0xFFFFC000  }
0xf7: {  	[spmem:s2] =	stream.indirect.scatter.add.f32 [tilespmem:s16], [sflag:$0x3], $0x80, s9, s19, $0xb8;
	[tilespmem:$0x1D000] =	vst v63  }
0xf8: {  	_ =	swait.ge [sflag:s17], $0x4000  }
0xf9: {  	[sflag:s17] =	ssyncset.done $0x0  }
0xfa: {  	s9 =	rddreg [dreg:$0x9];
	[sflag:s17] =	ssyncadd.s32 $0xFFFFC000  }
0xfb: {  	[tilespmem:s16], [sflag:$0x1] =	stream.indirect.gather [hbm4b:s4+s19], $0x80, s9, s19, $0xb8;
	[tilespmem:$0x1D000] =	vst v63  }
0xfc: {  	_ =	swait.ge [sflag:s22], $0x4000  }
0xfd: {  	[sflag:s22] =	ssyncset.done $0x0  }
0xfe: {  	s9 =	rddreg [dreg:$0xa];
	[sflag:s22] =	ssyncadd.s32 $0xFFFFC000  }
0xff: {  	[spmem:s2] =	stream.indirect.scatter.add.f32 [tilespmem:s20], [sflag:$0x3], $0x80, s9, s19, $0xb8;
	[tilespmem:$0x1D000] =	vst v63  }
0x100: {  	_ =	swait.ge [sflag:s17], $0x4000  }
0x101: {  	[sflag:s17] =	ssyncset.done $0x0  }
0x102: {  	s9 =	rddreg [dreg:$0xb];
	[sflag:s17] =	ssyncadd.s32 $0xFFFFC000  }
0x103: {  	[tilespmem:s20], [sflag:$0x2] =	stream.indirect.gather [hbm4b:s4+s19], $0x80, s9, s19, $0xb8;
	[tilespmem:$0x1D000] =	vst v63  }
0x104: {  	_ =	swait.ge [sflag:s21], $0x4000  }
0x105: {  	[sflag:s21] =	ssyncset.done $0x0  }
0x106: {  	s9 =	rddreg [dreg:$0xc];
	[sflag:s21] =	ssyncadd.s32 $0xFFFFC000  }
0x107: {  	[spmem:s2] =	stream.indirect.scatter.add.f32 [tilespmem:s16], [sflag:$0x3], $0x80, s9, s19, $0xb8;
	[tilespmem:$0x1D000] =	vst v63  }
0x108: {  	_ =	swait.ge [sflag:s17], $0x4000  }
0x109: {  	[sflag:s17] =	ssyncset.done $0x0  }
0x10a: {  	s9 =	rddreg [dreg:$0xd];
	[sflag:s17] =	ssyncadd.s32 $0xFFFFC000  }
0x10b: {  	[tilespmem:s16], [sflag:$0x1] =	stream.indirect.gather [hbm4b:s4+s19], $0x80, s9, s19, $0xb8;
	[tilespmem:$0x1D000] =	vst v63  }
0x10c: {  	_ =	swait.ge [sflag:s22], $0x4000  }
0x10d: {  	[sflag:s22] =	ssyncset.done $0x0  }
0x10e: {  	s9 =	rddreg [dreg:$0xe];
	[sflag:s22] =	ssyncadd.s32 $0xFFFFC000  }
0x10f: {  	[spmem:s2] =	stream.indirect.scatter.add.f32 [tilespmem:s20], [sflag:$0x3], $0x80, s9, s19, $0xb8;
	[tilespmem:$0x1D000] =	vst v63  }
0x110: {  	_ =	swait.ge [sflag:s17], $0x4000  }
0x111: {  	[sflag:s17] =	ssyncset.done $0x0  }
0x112: {  	s9 =	rddreg [dreg:$0xf];
	[sflag:s17] =	ssyncadd.s32 $0xFFFFC000  }
0x113: {  	[tilespmem:s20], [sflag:$0x2] =	stream.indirect.gather [hbm4b:s4+s19], $0x80, s9, s19, $0xb8;
	[tilespmem:$0x1D000] =	vst v63  }
0x114: {  	_ =	swait.ge [sflag:s21], $0x4000  }
0x115: {  	[sflag:s21] =	ssyncset.done $0x0  }
0x116: {  	s9 =	rddreg [dreg:$0x10];
	[sflag:s21] =	ssyncadd.s32 $0xFFFFC000  }
0x117: {  	[spmem:s2] =	stream.indirect.scatter.add.f32 [tilespmem:s16], [sflag:$0x3], $0x80, s9, s19, $0xb8;
	[tilespmem:$0x1D000] =	vst v63  }
0x118: {  	_ =	swait.ge [sflag:s17], $0x4000  }
0x119: {  	[sflag:s17] =	ssyncset.done $0x0  }
0x11a: {  	[sflag:s17] =	ssyncadd.s32 $0xFFFFC000  }
0x11b: {  	[tilespmem:s16], [sflag:$0x1] =	stream.indirect.gather [hbm4b:s4+s19], $0x80, s23, s19, $0xb8;
	[tilespmem:$0x1D000] =	vst v63  }
0x11c: {  	_ =	swait.ge [sflag:s22], $0x4000  }
0x11d: {  	[sflag:s22] =	ssyncset.done $0x0  }
0x11e: {  	[sflag:s22] =	ssyncadd.s32 $0xFFFFC000  }
0x11f: {  	[spmem:s2] =	stream.indirect.scatter.add.f32 [tilespmem:s20], [sflag:$0x3], $0x80, s24, s19, $0xb8;
	[tilespmem:$0x1D000] =	vst v63  }
0x120: {  	_ =	swait.ge [sflag:s17], $0x4000  }
0x121: {  	[sflag:s17] =	ssyncset.done $0x0  }
0x122: {  	[sflag:s17] =	ssyncadd.s32 $0xFFFFC000  }
0x123: {  	[tilespmem:s20], [sflag:$0x2] =	stream.indirect.gather [hbm4b:s4+s19], $0x80, s25, s19, $0xb8;
	[tilespmem:$0x1D000] =	vst v63  }
0x124: {  	_ =	swait.ge [sflag:s21], $0x4000  }
0x125: {  	[sflag:s21] =	ssyncset.done $0x0  }
0x126: {  	[sflag:s21] =	ssyncadd.s32 $0xFFFFC000  }
0x127: {  	[spmem:s2] =	stream.indirect.scatter.add.f32 [tilespmem:s16], [sflag:$0x3], $0x80, s26, s19, $0xb8;
	[tilespmem:$0x1D000] =	vst v63  }
0x128: {  	_ =	swait.ge [sflag:s17], $0x4000  }
0x129: {  	[sflag:s17] =	ssyncset.done $0x0  }
0x12a: {  	[sflag:s17] =	ssyncadd.s32 $0xFFFFC000  }
0x12b: {  	[tilespmem:s16], [sflag:$0x1] =	stream.indirect.gather [hbm4b:s4+s19], $0x80, s28, s19, $0xb8;
	[tilespmem:$0x1D000] =	vst v63  }
0x12c: {  	_ =	swait.ge [sflag:s22], $0x4000  }
0x12d: {  	[sflag:s22] =	ssyncset.done $0x0  }
0x12e: {  	[sflag:s22] =	ssyncadd.s32 $0xFFFFC000  }
0x12f: {  	[spmem:s2] =	stream.indirect.scatter.add.f32 [tilespmem:s20], [sflag:$0x3], $0x80, s29, s19, $0xb8;
	[tilespmem:$0x1D000] =	vst v63  }
0x130: {  	_ =	swait.ge [sflag:s17], $0x4000  }
0x131: {  	[sflag:s17] =	ssyncset.done $0x0  }
0x132: {  	[sflag:s17] =	ssyncadd.s32 $0xFFFFC000  }
0x133: {  	[tilespmem:s20], [sflag:$0x2] =	stream.indirect.gather [hbm4b:s4+s19], $0x80, s30, s19, $0xb8;
	[tilespmem:$0x1D000] =	vst v63  }
0x134: {  	_ =	swait.ge [sflag:s21], $0x4000  }
0x135: {  	[sflag:s21] =	ssyncset.done $0x0  }
0x136: {  	[sflag:s21] =	ssyncadd.s32 $0xFFFFC000  }
0x137: {  	[spmem:s2] =	stream.indirect.scatter.add.f32 [tilespmem:s16], [sflag:$0x3], $0x80, s31, s19, $0xb8;
	[tilespmem:$0x1D000] =	vst v63  }
0x138: {  	_ =	swait.ge [sflag:s17], $0x4000  }
0x139: {  	[sflag:s17] =	ssyncset.done $0x0  }
0x13a: {  	[sflag:s17] =	ssyncadd.s32 $0xFFFFC000  }
0x13b: {  	[tilespmem:s16], [sflag:$0x1] =	stream.indirect.gather [hbm4b:s4+s19], $0x80, s1, s19, $0xb8;
	[tilespmem:$0x1D000] =	vst v63  }
0x13c: {  	_ =	swait.ge [sflag:s22], $0x4000  }
0x13d: {  	[sflag:s22] =	ssyncset.done $0x0  }
0x13e: {  	[sflag:s22] =	ssyncadd.s32 $0xFFFFC000  }
0x13f: {  	[spmem:s2] =	stream.indirect.scatter.add.f32 [tilespmem:s20], [sflag:$0x3], $0x80, s0, s19, $0xb8;
	[tilespmem:$0x1D000] =	vst v63  }
0x140: {  	_ =	swait.ge [sflag:s17], $0x4000  }
0x141: {  	[sflag:s17] =	ssyncset.done $0x0  }
0x142: {  	[sflag:s17] =	ssyncadd.s32 $0xFFFFC000  }
0x143: {  	[tilespmem:s20], [sflag:$0x2] =	stream.indirect.gather [hbm4b:s4+s19], $0x80, s10, s19, $0xb8;
	[tilespmem:$0x1D000] =	vst v63  }
0x144: {  	_ =	swait.ge [sflag:s21], $0x4000  }
0x145: {  	[sflag:s21] =	ssyncset.done $0x0  }
0x146: {  	[sflag:s21] =	ssyncadd.s32 $0xFFFFC000  }
0x147: {  	[spmem:s2] =	stream.indirect.scatter.add.f32 [tilespmem:s16], [sflag:$0x3], $0x80, s11, s19, $0xb8;
	[tilespmem:$0x1D000] =	vst v63  }
0x148: {  	_ =	swait.ge [sflag:s17], $0x4000  }
0x149: {  	[sflag:s17] =	ssyncset.done $0x0  }
0x14a: {  	[sflag:s17] =	ssyncadd.s32 $0xFFFFC000  }
0x14b: {  	[tilespmem:s16], [sflag:$0x1] =	stream.indirect.gather [hbm4b:s4+s19], $0x80, s12, s19, $0xb8;
	[tilespmem:$0x1D000] =	vst v63  }
0x14c: {  	_ =	swait.ge [sflag:s22], $0x4000  }
0x14d: {  	[sflag:s22] =	ssyncset.done $0x0  }
0x14e: {  	[sflag:s22] =	ssyncadd.s32 $0xFFFFC000  }
0x14f: {  	[spmem:s2] =	stream.indirect.scatter.add.f32 [tilespmem:s20], [sflag:$0x3], $0x80, s13, s19, $0xb8;
	[tilespmem:$0x1D000] =	vst v63  }
0x150: {  	_ =	swait.ge [sflag:s17], $0x4000  }
0x151: {  	[sflag:s17] =	ssyncset.done $0x0  }
0x152: {  	[sflag:s17] =	ssyncadd.s32 $0xFFFFC000  }
0x153: {  	[tilespmem:s20], [sflag:$0x2] =	stream.indirect.gather [hbm4b:s4+s19], $0x80, s14, s19, $0xb8;
	[tilespmem:$0x1D000] =	vst v63  }
0x154: {  	_ =	swait.ge [sflag:s21], $0x4000  }
0x155: {  	[sflag:s21] =	ssyncset.done $0x0  }
0x156: {  	[sflag:s21] =	ssyncadd.s32 $0xFFFFC000  }
0x157: {  	[spmem:s2] =	stream.indirect.scatter.add.f32 [tilespmem:s16], [sflag:$0x3], $0x80, s15, s19, $0xb8;
	[tilespmem:$0x1D000] =	vst v63  }
0x158: {  	_ =	swait.ge [sflag:s17], $0x4000  }
0x159: {  	[sflag:s17] =	ssyncset.done $0x0  }
0x15a: {  	[sflag:s17] =	ssyncadd.s32 $0xFFFFC000  }
0x15b: {  	p0 =	sne.s32 s8, $0x400;
	_ =	swait.ge [sflag:s22], $0x4000  }
.Ltmp1:
0x15c: {  	[sflag:s22] =	ssyncset.done $0x0;
	(pc) =	sbr.rel @p0 .LBB2_4-.Ltmp1, $4  }
0x15d: {  	[sflag:s22] =	ssyncadd.s32 $0xFFFFC000  }
0x15e: {  	[spmem:s2] =	stream.indirect.scatter.add.f32 [tilespmem:s20], [sflag:$0x3], $0x80, s5, s19, $0xb8;
	[tilespmem:$0x1D000] =	vst v63  }
0x15f: {  	s6 =	smov.u32 s8;
	s8 =	sadd.s32 $0x100, s8;
	_ =	swait.ge [sflag:s17], $0x4000  }
0x160: {  	s7 =	smov.u32 s6;
	s9 =	rddreg [dreg:$0x4];
	[sflag:s17] =	ssyncset.done $0x0  }
0x161: {  	[sflag:s17] =	ssyncadd.s32 $0xFFFFC000;
	s6 =	sadd.s32 s7, s9  }
0x162: {  	[tilespmem:s3], [sflag:$0x3] =	stream.linear.gather [hbm4b:s6+s3], $0x800, $0x38;
	[tilespmem:$0x1D000] =	vst v63  }
0x163: {  	_ =	swait.ge [sflag:s17], $0x800  }
0x164: {  	s9 =	rddreg [dreg:$0x3];
	[sflag:s17] =	ssyncset.done $0x0  }
0x165: {  	s6 =	sadd.s32 s7, s9;
	[sflag:s17] =	ssyncadd.s32 $0xFFFFF800  }
0x166: {  	[tilespmem:s18], [sflag:$0x3] =	stream.linear.gather [hbm4b:s6+s3], $0x800, $0x38;
	[tilespmem:$0x1D000] =	vst v63  }
0x167: {  	_ =	swait.ge [sflag:s17], $0x800  }
0x168: {  	[sflag:s17] =	ssyncset.done $0x0  }
0x169: {  	[sflag:s17] =	ssyncadd.s32 $0xFFFFF800  }
0x16a: {  	[tilespmem:s16], [sflag:$0x1] =	stream.indirect.gather [hbm4b:s4+s19], $0x80, s3, s19, $0xb8;
	[tilespmem:$0x1D000] =	vst v63  }
0x16b: {  	_ = 	snop  }
0x16c: {  	[tilespmem:s20], [sflag:$0x2] =	stream.indirect.gather [hbm4b:s4+s19], $0x80, s19, s19, $0xb8;
	[tilespmem:$0x1D000] =	vst v63  }
0x16d: {  	_ =	swait.ge [sflag:s21], $0x4000  }
0x16e: {  	[sflag:s21] =	ssyncset.done $0x0  }
0x16f: {  	[sflag:s21] =	ssyncadd.s32 $0xFFFFC000  }
0x170: {  	[spmem:s2] =	stream.indirect.scatter.add.f32 [tilespmem:s16], [sflag:$0x3], $0x80, s18, s19, $0xb8;
	[tilespmem:$0x1D000] =	vst v63  }
0x171: {  	_ =	swait.ge [sflag:s17], $0x4000  }
0x172: {  	[sflag:s17] =	ssyncset.done $0x0  }
0x173: {  	s7 =	rddreg [dreg:$0x5];
	[sflag:s17] =	ssyncadd.s32 $0xFFFFC000  }
0x174: {  	[tilespmem:s16], [sflag:$0x1] =	stream.indirect.gather [hbm4b:s4+s19], $0x80, s7, s19, $0xb8;
	[tilespmem:$0x1D000] =	vst v63  }
0x175: {  	_ =	swait.ge [sflag:s22], $0x4000  }
0x176: {  	[sflag:s22] =	ssyncset.done $0x0  }
0x177: {  	s8 =	rddreg [dreg:$0x6];
	[sflag:s22] =	ssyncadd.s32 $0xFFFFC000  }
0x178: {  	[spmem:s2] =	stream.indirect.scatter.add.f32 [tilespmem:s20], [sflag:$0x3], $0x80, s8, s19, $0xb8;
	[tilespmem:$0x1D000] =	vst v63  }
0x179: {  	_ =	swait.ge [sflag:s17], $0x4000  }
0x17a: {  	[sflag:s17] =	ssyncset.done $0x0  }
0x17b: {  	s9 =	rddreg [dreg:$0x7];
	[sflag:s17] =	ssyncadd.s32 $0xFFFFC000  }
0x17c: {  	[tilespmem:s20], [sflag:$0x2] =	stream.indirect.gather [hbm4b:s4+s19], $0x80, s9, s19, $0xb8;
	[tilespmem:$0x1D000] =	vst v63  }
0x17d: {  	_ =	swait.ge [sflag:s21], $0x4000  }
0x17e: {  	[sflag:s21] =	ssyncset.done $0x0  }
0x17f: {  	s7 =	rddreg [dreg:$0x8];
	[sflag:s21] =	ssyncadd.s32 $0xFFFFC000  }
0x180: {  	[spmem:s2] =	stream.indirect.scatter.add.f32 [tilespmem:s16], [sflag:$0x3], $0x80, s7, s19, $0xb8;
	[tilespmem:$0x1D000] =	vst v63  }
0x181: {  	_ =	swait.ge [sflag:s17], $0x4000  }
0x182: {  	[sflag:s17] =	ssyncset.done $0x0  }
0x183: {  	s8 =	rddreg [dreg:$0x9];
	[sflag:s17] =	ssyncadd.s32 $0xFFFFC000  }
0x184: {  	[tilespmem:s16], [sflag:$0x1] =	stream.indirect.gather [hbm4b:s4+s19], $0x80, s8, s19, $0xb8;
	[tilespmem:$0x1D000] =	vst v63  }
0x185: {  	_ =	swait.ge [sflag:s22], $0x4000  }
0x186: {  	[sflag:s22] =	ssyncset.done $0x0  }
0x187: {  	s9 =	rddreg [dreg:$0xa];
	[sflag:s22] =	ssyncadd.s32 $0xFFFFC000  }
0x188: {  	[spmem:s2] =	stream.indirect.scatter.add.f32 [tilespmem:s20], [sflag:$0x3], $0x80, s9, s19, $0xb8;
	[tilespmem:$0x1D000] =	vst v63  }
0x189: {  	_ =	swait.ge [sflag:s17], $0x4000  }
0x18a: {  	[sflag:s17] =	ssyncset.done $0x0  }
0x18b: {  	s7 =	rddreg [dreg:$0xb];
	[sflag:s17] =	ssyncadd.s32 $0xFFFFC000  }
0x18c: {  	[tilespmem:s20], [sflag:$0x2] =	stream.indirect.gather [hbm4b:s4+s19], $0x80, s7, s19, $0xb8;
	[tilespmem:$0x1D000] =	vst v63  }
0x18d: {  	_ =	swait.ge [sflag:s21], $0x4000  }
0x18e: {  	[sflag:s21] =	ssyncset.done $0x0  }
0x18f: {  	s8 =	rddreg [dreg:$0xc];
	[sflag:s21] =	ssyncadd.s32 $0xFFFFC000  }
0x190: {  	[spmem:s2] =	stream.indirect.scatter.add.f32 [tilespmem:s16], [sflag:$0x3], $0x80, s8, s19, $0xb8;
	[tilespmem:$0x1D000] =	vst v63  }
0x191: {  	_ =	swait.ge [sflag:s17], $0x4000  }
0x192: {  	[sflag:s17] =	ssyncset.done $0x0  }
0x193: {  	s9 =	rddreg [dreg:$0xd];
	[sflag:s17] =	ssyncadd.s32 $0xFFFFC000  }
0x194: {  	[tilespmem:s16], [sflag:$0x1] =	stream.indirect.gather [hbm4b:s4+s19], $0x80, s9, s19, $0xb8;
	[tilespmem:$0x1D000] =	vst v63  }
0x195: {  	_ =	swait.ge [sflag:s22], $0x4000  }
0x196: {  	[sflag:s22] =	ssyncset.done $0x0  }
0x197: {  	s7 =	rddreg [dreg:$0xe];
	[sflag:s22] =	ssyncadd.s32 $0xFFFFC000  }
0x198: {  	[spmem:s2] =	stream.indirect.scatter.add.f32 [tilespmem:s20], [sflag:$0x3], $0x80, s7, s19, $0xb8;
	[tilespmem:$0x1D000] =	vst v63  }
0x199: {  	_ =	swait.ge [sflag:s17], $0x4000  }
0x19a: {  	[sflag:s17] =	ssyncset.done $0x0  }
0x19b: {  	s8 =	rddreg [dreg:$0xf];
	[sflag:s17] =	ssyncadd.s32 $0xFFFFC000  }
0x19c: {  	[tilespmem:s20], [sflag:$0x2] =	stream.indirect.gather [hbm4b:s4+s19], $0x80, s8, s19, $0xb8;
	[tilespmem:$0x1D000] =	vst v63  }
0x19d: {  	_ =	swait.ge [sflag:s21], $0x4000  }
0x19e: {  	[sflag:s21] =	ssyncset.done $0x0  }
0x19f: {  	s9 =	rddreg [dreg:$0x10];
	[sflag:s21] =	ssyncadd.s32 $0xFFFFC000  }
0x1a0: {  	[spmem:s2] =	stream.indirect.scatter.add.f32 [tilespmem:s16], [sflag:$0x3], $0x80, s9, s19, $0xb8;
	[tilespmem:$0x1D000] =	vst v63  }
0x1a1: {  	_ =	swait.ge [sflag:s17], $0x4000  }
0x1a2: {  	[sflag:s17] =	ssyncset.done $0x0  }
0x1a3: {  	[sflag:s17] =	ssyncadd.s32 $0xFFFFC000  }
0x1a4: {  	[tilespmem:s16], [sflag:$0x1] =	stream.indirect.gather [hbm4b:s4+s19], $0x80, s23, s19, $0xb8;
	[tilespmem:$0x1D000] =	vst v63  }
0x1a5: {  	_ =	swait.ge [sflag:s22], $0x4000  }
0x1a6: {  	[sflag:s22] =	ssyncset.done $0x0  }
0x1a7: {  	[sflag:s22] =	ssyncadd.s32 $0xFFFFC000  }
0x1a8: {  	[spmem:s2] =	stream.indirect.scatter.add.f32 [tilespmem:s20], [sflag:$0x3], $0x80, s24, s19, $0xb8;
	[tilespmem:$0x1D000] =	vst v63  }
0x1a9: {  	_ =	swait.ge [sflag:s17], $0x4000  }
0x1aa: {  	[sflag:s17] =	ssyncset.done $0x0  }
0x1ab: {  	[sflag:s17] =	ssyncadd.s32 $0xFFFFC000  }
0x1ac: {  	[tilespmem:s20], [sflag:$0x2] =	stream.indirect.gather [hbm4b:s4+s19], $0x80, s25, s19, $0xb8;
	[tilespmem:$0x1D000] =	vst v63  }
0x1ad: {  	_ =	swait.ge [sflag:s21], $0x4000  }
0x1ae: {  	[sflag:s21] =	ssyncset.done $0x0  }
0x1af: {  	[sflag:s21] =	ssyncadd.s32 $0xFFFFC000  }
0x1b0: {  	[spmem:s2] =	stream.indirect.scatter.add.f32 [tilespmem:s16], [sflag:$0x3], $0x80, s26, s19, $0xb8;
	[tilespmem:$0x1D000] =	vst v63  }
0x1b1: {  	_ =	swait.ge [sflag:s17], $0x4000  }
0x1b2: {  	[sflag:s17] =	ssyncset.done $0x0  }
0x1b3: {  	[sflag:s17] =	ssyncadd.s32 $0xFFFFC000  }
0x1b4: {  	[tilespmem:s16], [sflag:$0x1] =	stream.indirect.gather [hbm4b:s4+s19], $0x80, s28, s19, $0xb8;
	[tilespmem:$0x1D000] =	vst v63  }
0x1b5: {  	_ =	swait.ge [sflag:s22], $0x4000  }
0x1b6: {  	[sflag:s22] =	ssyncset.done $0x0  }
0x1b7: {  	[sflag:s22] =	ssyncadd.s32 $0xFFFFC000  }
0x1b8: {  	[spmem:s2] =	stream.indirect.scatter.add.f32 [tilespmem:s20], [sflag:$0x3], $0x80, s29, s19, $0xb8;
	[tilespmem:$0x1D000] =	vst v63  }
0x1b9: {  	_ =	swait.ge [sflag:s17], $0x4000  }
0x1ba: {  	[sflag:s17] =	ssyncset.done $0x0  }
0x1bb: {  	[sflag:s17] =	ssyncadd.s32 $0xFFFFC000  }
0x1bc: {  	[tilespmem:s20], [sflag:$0x2] =	stream.indirect.gather [hbm4b:s4+s19], $0x80, s30, s19, $0xb8;
	[tilespmem:$0x1D000] =	vst v63  }
0x1bd: {  	_ =	swait.ge [sflag:s21], $0x4000  }
0x1be: {  	[sflag:s21] =	ssyncset.done $0x0  }
0x1bf: {  	[sflag:s21] =	ssyncadd.s32 $0xFFFFC000  }
0x1c0: {  	[spmem:s2] =	stream.indirect.scatter.add.f32 [tilespmem:s16], [sflag:$0x3], $0x80, s31, s19, $0xb8;
	[tilespmem:$0x1D000] =	vst v63  }
0x1c1: {  	_ =	swait.ge [sflag:s17], $0x4000  }
0x1c2: {  	[sflag:s17] =	ssyncset.done $0x0  }
0x1c3: {  	[sflag:s17] =	ssyncadd.s32 $0xFFFFC000  }
0x1c4: {  	[tilespmem:s16], [sflag:$0x1] =	stream.indirect.gather [hbm4b:s4+s19], $0x80, s1, s19, $0xb8;
	[tilespmem:$0x1D000] =	vst v63  }
0x1c5: {  	_ =	swait.ge [sflag:s22], $0x4000  }
0x1c6: {  	[sflag:s22] =	ssyncset.done $0x0  }
0x1c7: {  	[sflag:s22] =	ssyncadd.s32 $0xFFFFC000  }
0x1c8: {  	[spmem:s2] =	stream.indirect.scatter.add.f32 [tilespmem:s20], [sflag:$0x3], $0x80, s0, s19, $0xb8;
	[tilespmem:$0x1D000] =	vst v63  }
0x1c9: {  	_ =	swait.ge [sflag:s17], $0x4000  }
0x1ca: {  	[sflag:s17] =	ssyncset.done $0x0  }
0x1cb: {  	[sflag:s17] =	ssyncadd.s32 $0xFFFFC000  }
0x1cc: {  	[tilespmem:s20], [sflag:$0x2] =	stream.indirect.gather [hbm4b:s4+s19], $0x80, s10, s19, $0xb8;
	[tilespmem:$0x1D000] =	vst v63  }
0x1cd: {  	_ =	swait.ge [sflag:s21], $0x4000  }
0x1ce: {  	[sflag:s21] =	ssyncset.done $0x0  }
0x1cf: {  	[sflag:s21] =	ssyncadd.s32 $0xFFFFC000  }
0x1d0: {  	[spmem:s2] =	stream.indirect.scatter.add.f32 [tilespmem:s16], [sflag:$0x3], $0x80, s11, s19, $0xb8;
	[tilespmem:$0x1D000] =	vst v63  }
0x1d1: {  	_ =	swait.ge [sflag:s17], $0x4000  }
0x1d2: {  	[sflag:s17] =	ssyncset.done $0x0  }
0x1d3: {  	[sflag:s17] =	ssyncadd.s32 $0xFFFFC000  }
0x1d4: {  	[tilespmem:s16], [sflag:$0x1] =	stream.indirect.gather [hbm4b:s4+s19], $0x80, s12, s19, $0xb8;
	[tilespmem:$0x1D000] =	vst v63  }
0x1d5: {  	_ =	swait.ge [sflag:s22], $0x4000  }
0x1d6: {  	[sflag:s22] =	ssyncset.done $0x0  }
0x1d7: {  	[sflag:s22] =	ssyncadd.s32 $0xFFFFC000  }
0x1d8: {  	[spmem:s2] =	stream.indirect.scatter.add.f32 [tilespmem:s20], [sflag:$0x3], $0x80, s13, s19, $0xb8;
	[tilespmem:$0x1D000] =	vst v63  }
0x1d9: {  	_ =	swait.ge [sflag:s17], $0x4000  }
0x1da: {  	[sflag:s17] =	ssyncset.done $0x0  }
0x1db: {  	[sflag:s17] =	ssyncadd.s32 $0xFFFFC000  }
0x1dc: {  	[tilespmem:s20], [sflag:$0x2] =	stream.indirect.gather [hbm4b:s4+s19], $0x80, s14, s19, $0xb8;
	[tilespmem:$0x1D000] =	vst v63  }
0x1dd: {  	_ =	swait.ge [sflag:s21], $0x4000  }
0x1de: {  	[sflag:s21] =	ssyncset.done $0x0  }
0x1df: {  	[sflag:s21] =	ssyncadd.s32 $0xFFFFC000  }
0x1e0: {  	[spmem:s2] =	stream.indirect.scatter.add.f32 [tilespmem:s16], [sflag:$0x3], $0x80, s15, s19, $0xb8;
	[tilespmem:$0x1D000] =	vst v63  }
0x1e1: {  	_ =	swait.ge [sflag:s17], $0x4000  }
0x1e2: {  	[sflag:s17] =	ssyncset.done $0x0  }
0x1e3: {  	[sflag:s17] =	ssyncadd.s32 $0xFFFFC000  }
0x1e4: {  	_ =	swait.ge [sflag:s22], $0x4000  }
0x1e5: {  	[sflag:s22] =	ssyncset.done $0x0  }
0x1e6: {  	[sflag:s22] =	ssyncadd.s32 $0xFFFFC000  }
0x1e7: {  	[spmem:s2] =	stream.indirect.scatter.add.f32 [tilespmem:s20], [sflag:$0x3], $0x80, s5, s19, $0xb8;
	[tilespmem:$0x1D000] =	vst v63  }
0x1e8: {  	_ =	swait.ge [sflag:s17], $0x4000  }
0x1e9: {  	[sflag:s17] =	ssyncset.done $0x0  }
0x1ea: {  	[sflag:s17] =	ssyncadd.s32 $0xFFFFC000  }
0x1eb: {  	[bflag:$0x0] =	sbarrier.arrive $0xFFFF  }
0x1ec: {  	s7 =	rddreg [dreg:$0x11]  }
0x1ed: {  	[tilespmem:s16], [sflag:$0x3] =	stream.linear.gather [spmem:s7], $0x4000, $0x38;
	[tilespmem:$0x1D000] =	vst v63  }
0x1ee: {  	_ =	swait.ge [sflag:s17], $0x4000  }
0x1ef: {  	[sflag:s17] =	ssyncset.done $0x0  }
0x1f0: {  	s8 =	rddreg [dreg:$0x16];
	[sflag:s17] =	ssyncadd.s32 $0xFFFFC000  }
0x1f1: {  	[hbm4b:s8+s3] =	stream.linear.scatter [tilespmem:s16], [sflag:$0x3], $0x4000, $0x38;
	[tilespmem:$0x1D000] =	vst v63  }
0x1f2: {  	_ =	swait.ge [sflag:s17], $0x4000  }
0x1f3: {  	[sflag:s17] =	ssyncset.done $0x0  }
0x1f4: {  	s9 =	rddreg [dreg:$0x12];
	[sflag:s17] =	ssyncadd.s32 $0xFFFFC000  }
0x1f5: {  	[tilespmem:s16], [sflag:$0x3] =	stream.linear.gather [spmem:s9], $0x4000, $0x38;
	[tilespmem:$0x1D000] =	vst v63  }
0x1f6: {  	_ =	swait.ge [sflag:s17], $0x4000  }
0x1f7: {  	[sflag:s17] =	ssyncset.done $0x0  }
0x1f8: {  	s7 =	rddreg [dreg:$0x17];
	[sflag:s17] =	ssyncadd.s32 $0xFFFFC000  }
0x1f9: {  	[hbm4b:s7+s3] =	stream.linear.scatter [tilespmem:s16], [sflag:$0x3], $0x4000, $0x38;
	[tilespmem:$0x1D000] =	vst v63  }
0x1fa: {  	_ =	swait.ge [sflag:s17], $0x4000  }
0x1fb: {  	[sflag:s17] =	ssyncset.done $0x0  }
0x1fc: {  	s8 =	rddreg [dreg:$0x13];
	[sflag:s17] =	ssyncadd.s32 $0xFFFFC000  }
0x1fd: {  	[tilespmem:s16], [sflag:$0x3] =	stream.linear.gather [spmem:s8], $0x4000, $0x38;
	[tilespmem:$0x1D000] =	vst v63  }
0x1fe: {  	_ =	swait.ge [sflag:s17], $0x4000  }
0x1ff: {  	[sflag:s17] =	ssyncset.done $0x0  }
0x200: {  	s9 =	rddreg [dreg:$0x18];
	[sflag:s17] =	ssyncadd.s32 $0xFFFFC000  }
0x201: {  	[hbm4b:s9+s3] =	stream.linear.scatter [tilespmem:s16], [sflag:$0x3], $0x4000, $0x38;
	[tilespmem:$0x1D000] =	vst v63  }
0x202: {  	_ =	swait.ge [sflag:s17], $0x4000  }
0x203: {  	[sflag:s17] =	ssyncset.done $0x0  }
0x204: {  	s7 =	rddreg [dreg:$0x14];
	[sflag:s17] =	ssyncadd.s32 $0xFFFFC000  }
0x205: {  	[tilespmem:s16], [sflag:$0x3] =	stream.linear.gather [spmem:s7], $0x4000, $0x38;
	[tilespmem:$0x1D000] =	vst v63  }
0x206: {  	_ =	swait.ge [sflag:s17], $0x4000  }
0x207: {  	[sflag:s17] =	ssyncset.done $0x0  }
0x208: {  	s8 =	rddreg [dreg:$0x19];
	[sflag:s17] =	ssyncadd.s32 $0xFFFFC000  }
0x209: {  	[hbm4b:s8+s3] =	stream.linear.scatter [tilespmem:s16], [sflag:$0x3], $0x4000, $0x38;
	[tilespmem:$0x1D000] =	vst v63  }
0x20a: {  	_ =	swait.ge [sflag:s17], $0x4000  }
0x20b: {  	[sflag:s17] =	ssyncset.done $0x0  }
0x20c: {  	s9 =	rddreg [dreg:$0x15];
	[sflag:s17] =	ssyncadd.s32 $0xFFFFC000  }
0x20d: {  	[tilespmem:s16], [sflag:$0x3] =	stream.linear.gather [spmem:s9], $0x4000, $0x38;
	[tilespmem:$0x1D000] =	vst v63  }
0x20e: {  	_ =	swait.ge [sflag:s17], $0x4000  }
0x20f: {  	[sflag:s17] =	ssyncset.done $0x0  }
0x210: {  	s7 =	rddreg [dreg:$0x1a];
	[sflag:s17] =	ssyncadd.s32 $0xFFFFC000  }
0x211: {  	[hbm4b:s7+s3] =	stream.linear.scatter [tilespmem:s16], [sflag:$0x3], $0x4000, $0x38;
	[tilespmem:$0x1D000] =	vst v63  }
0x212: {  	_ =	swait.ge [sflag:s17], $0x4000  }
0x213: {  	s8 =	rddreg [dreg:$0x1c]  }
0x214: {  	s9 =	rddreg [dreg:$0x1b];
	s7 =	sadd.s32 $0x1, s8  }
0x215: {  	p0 =	sne.s32 s7, s9  }
.Ltmp2:
0x216: {  	_ = 	snop;
	(pc) =	sbr.rel @p0 .LBB2_1-.Ltmp2, $3  }
0x217: {  	_ =	sdelay $0x1  }
0x218: {  	[sflag:s17] =	ssyncset.done $0x0  }
0x219: {  	[sflag:s17] =	ssyncadd.s32 $0xFFFFC000  }
0x21a: {  	_ =	sfence.sel $0x180000  }
0x21b: {  	[bflag:$0x0] =	sbarrier.arrive $0xFFFF  }
0x21c: {  	_ =	strace $0x9000004A  }
0x21d: {  	s0 =	stileid.u32;
	[bflag:$0x2] =	sbarrier.arrive $0xFFFF  }
0x21e: {  	p0 =	sne.s32 s0, $0x0;
	s0 =	rddreg [dreg:$0x2]  }
0x21f: {  	s0 =	sadd.s32 @!p0 $0x100000, s0  }
0x220: {  	[sflag:s0] =	ssyncadd.tile.s32 @!p0 $0x1;
	_ =	shalt  }
.Lfunc_end2:
_tile_overlayer_lowered:
.L_overlay_start_2:
0x221: {  	(tag) =	ssettag $0x2  }
0x222: {  	s0 =	rddreg [dreg:$0x0];
	s2 =	stileid.u32  }
0x223: {  	s1 =	rddreg [dreg:$0x1];
	p0 =	sne.s32 s2, $0x0  }
0x224: {  	s3 =	rddreg [dreg:$0x2];
	[bflag:$0x3] =	sbarrier.arrive $0xFFFF;
	s2 =	simm.s32 @!p0 $0x1C03  }
0x225: {  	[timem:s3], [sflag:s2] =	dma.local @!p0 [hbm:s0], s1  }
0x226: {  	s0 =	simm.s32 @!p0 $0x3  }
0x227: {  	_ =	swait.ge @!p0 [sflag:s0], s1  }
0x228: {  	s1 =	ssub.s32 @!p0 $0x0, s1;
	[sflag:s0] =	ssyncset.done @!p0 $0x0  }
0x229: {  	[sflag:s0] =	ssyncadd.s32 @!p0 s1  }
0x22a: {  	[bflag:$0x3] =	sbarrier.arrive $0xFFFF  }
0x22b: {  	_ =	shalt  }

// kernel: kernel.16.cloned.1.call-start
scs
__scs_entry_jumppad:
0x0: {  	(pc) =	sbr.rel $0x88, $3  }
0x1: {  	(tag) =	ssettag $0x0;
	lr =	simm.s32 $0x1  }
0x2: {  	[smem:$0x3F99] =	sst lr;
	_ =	strace $0xD0000000  }
0x3: {  	_ = 	snop  }
0x4: {  	_ = 	snop  }
0x5: {  	_ = 	snop  }
0x6: {  	_ = 	snop  }
0x7: {  	_ = 	snop  }
__scs_overlays_trampoline_lowered:
0x8: {  	[smem:$0x3FA8] =	sst s0  }
0x9: {  	[smem:$0x3FA9] =	sst s1  }
0xa: {  	[smem:$0x3FAA] =	sst s2  }
0xb: {  	[smem:$0x3FAB] =	sst s3  }
0xc: {  	[smem:$0x3FAC] =	sst s4  }
0xd: {  	[smem:$0x3FAD] =	sst s5  }
0xe: {  	[smem:$0x3FAE] =	sst s6  }
0xf: {  	[smem:$0x3FAF] =	sst s7  }
0x10: {  	[smem:$0x3FB0] =	sst s8  }
0x11: {  	[smem:$0x3FB1] =	sst s9;
	s0 =	simm.s32 @!p0 $0x0  }
0x12: {  	s1 =	sld [smem:$0x3F97];
	s0 =	simm.s32 @p0 $0x1  }
0x13: {  	[smem:$0x3FB2] =	sst s0;
	s0 =	simm.s32 @!p1 $0x0  }
0x14: {  	s2 =	sld [smem:$0x3F96];
	s0 =	simm.s32 @p1 $0x1  }
0x15: {  	[smem:$0x3FB3] =	sst s0;
	s0 =	simm.s32 @!p2 $0x0  }
0x16: {  	s3 =	sld [smem:$0x3FDB];
	s0 =	simm.s32 @p2 $0x1  }
0x17: {  	s4 =	simm.s32 $0x1BF5;
	[smem:$0x3FB5] =	sst s0  }
0x18: {  	s0 =	sld [smem:$0x3F98];
	_ =	swait.ge [sflag:s4], $0x0  }
0x19: {  	s7 =	sld [smem:$0x3F99]  }
0x1a: {  	s8 =	sadd.s32 $0xFFFFE003, lr  }
0x1b: {  	s9 =	sadd.s32 $0xFFFFFEF7, lr;
	s5 =	simm.s32 $0xFFFFFFFF;
	p2 =	slt.u32 s8, $0xFFFFF086  }
0x1c: {  	p1 =	slt.u32 s9, $0xF7A;
	s5 =	simm.s32 @!p2 $0x0  }
0x1d: {  	s5 =	simm.s32 @p1 $0x1;
	p0 =	seq.s32 s7, s2  }
0x1e: {  	s7 =	smul.u32 @!p0 $0xF7A, s2;
	p2 =	seq.s32 @!p0 s5, $0x0  }
0x1f: {  	s9 =	smul.u32 $0xF7A, s1;
	s8 =	simm.s32 @!p0 $0x1BF5;
	p2 =	por !p2, p0  }
0x20: {  	[sflag:s8] =	ssyncset.s32 @!p0 $0xFFFFF086;
	s6 =	sadd.s32 @!p0 s3, s7;
	s7 =	simm.s32 @!p0 $0x108  }
0x21: {  	s3 =	sadd.s32 s3, s9;
	s6 =	sadd.s32 @!p0 $0x88, s6;
	s7 =	simm.s32 @p2 $0x1082  }
0x22: {  	[simem:s7], [sflag:s8] =	dma.local @!p0 [hbm:s6], $0xF7A  }
0x23: {  	s9 =	sor.u32 $0xD0000000, s2;
	s6 =	simm.s32 $0x108;
	_ =	swait.ge @!p0 [sflag:s8], $0x0  }
0x24: {  	s3 =	sadd.s32 $0x88, s3;
	s6 =	simm.s32 @!p1 $0x1082;
	[sflag:s4] =	ssyncset.s32 $0xFFFFF086  }
0x25: {  	[simem:s6], [sflag:s4] =	dma.local [hbm:s3], $0xF7A  }
0x26: {  	[smem:$0x3F99] =	sst s1;
	(tag) =	ssettag s2;
	_ =	strace s9  }
0x27: {  	s1 =	sld [smem:$0x3FA9]  }
0x28: {  	s2 =	sld [smem:$0x3FAA]  }
0x29: {  	s4 =	sld [smem:$0x3FAC]  }
0x2a: {  	p0 =	seq.s32 s5, $0x0;
	s5 =	sld [smem:$0x3FAD]  }
0x2b: {  	s6 =	sld [smem:$0x3FAE]  }
0x2c: {  	s7 =	sld [smem:$0x3FAF]  }
0x2d: {  	s3 =	simm.s32 $0x108;
	s8 =	sld [smem:$0x3FB0]  }
0x2e: {  	s3 =	simm.s32 @!p0 $0x1082;
	s9 =	sld [smem:$0x3FB1]  }
0x2f: {  	lr =	sadd.s32 s0, s3;
	s0 =	sld [smem:$0x3FA8]  }
0x30: {  	s3 =	sld [smem:$0x3FAB]  }
0x31: {  	[smem:$0x3FB4] =	sst s10  }
0x32: {  	s10 =	sld [smem:$0x3FB2];
	_ =	sdelay $0x3  }
0x33: {  	p0 =	seq.s32 s10, $0x1;
	s10 =	sld [smem:$0x3FB4];
	_ =	sdelay $0x3  }
0x34: {  	[smem:$0x3FB4] =	sst s10  }
0x35: {  	s10 =	sld [smem:$0x3FB3];
	_ =	sdelay $0x3  }
0x36: {  	p1 =	seq.s32 s10, $0x1;
	s10 =	sld [smem:$0x3FB4];
	_ =	sdelay $0x3  }
0x37: {  	[smem:$0x3FB4] =	sst s10  }
0x38: {  	s10 =	sld [smem:$0x3FB5]  }
0x39: {  	_ = 	snop;
	(pc) =	sbr.ind lr, $3  }
0x3a: {  	_ = 	snop  }
0x3b: {  	_ = 	snop  }
0x3c: {  	p2 =	seq.s32 s10, $0x1;
	s10 =	sld [smem:$0x3FB4]  }
0x3d: {  	_ =	shalt  }
0x3e: {  	_ =	shalt  }
0x3f: {  	_ =	shalt  }
0x40: {  	_ =	shalt  }
0x41: {  	_ =	shalt  }
0x42: {  	_ =	shalt  }
0x43: {  	_ =	shalt  }
0x44: {  	_ =	shalt  }
0x45: {  	_ =	shalt  }
0x46: {  	_ =	shalt  }
0x47: {  	_ =	shalt  }
0x48: {  	_ =	shalt  }
0x49: {  	_ =	shalt  }
0x4a: {  	_ =	shalt  }
0x4b: {  	_ =	shalt  }
0x4c: {  	_ =	shalt  }
0x4d: {  	_ =	shalt  }
0x4e: {  	_ =	shalt  }
0x4f: {  	_ =	shalt  }
0x50: {  	_ =	shalt  }
0x51: {  	_ =	shalt  }
0x52: {  	_ =	shalt  }
0x53: {  	_ =	shalt  }
0x54: {  	_ =	shalt  }
0x55: {  	_ =	shalt  }
0x56: {  	_ =	shalt  }
0x57: {  	_ =	shalt  }
0x58: {  	_ =	shalt  }
0x59: {  	_ =	shalt  }
0x5a: {  	_ =	shalt  }
0x5b: {  	_ =	shalt  }
0x5c: {  	_ =	shalt  }
0x5d: {  	_ =	shalt  }
0x5e: {  	_ =	shalt  }
0x5f: {  	_ =	shalt  }
0x60: {  	_ =	shalt  }
0x61: {  	_ =	shalt  }
0x62: {  	_ =	shalt  }
0x63: {  	_ =	shalt  }
0x64: {  	_ =	shalt  }
0x65: {  	_ =	shalt  }
0x66: {  	_ =	shalt  }
0x67: {  	_ =	shalt  }
0x68: {  	_ =	shalt  }
0x69: {  	_ =	shalt  }
0x6a: {  	_ =	shalt  }
0x6b: {  	_ =	shalt  }
0x6c: {  	_ =	shalt  }
0x6d: {  	_ =	shalt  }
0x6e: {  	_ =	shalt  }
0x6f: {  	_ =	shalt  }
0x70: {  	_ =	shalt  }
0x71: {  	_ =	shalt  }
0x72: {  	_ =	shalt  }
0x73: {  	_ =	shalt  }
0x74: {  	_ =	shalt  }
0x75: {  	_ =	shalt  }
0x76: {  	_ =	shalt  }
0x77: {  	_ =	shalt  }
0x78: {  	_ =	shalt  }
0x79: {  	_ =	shalt  }
0x7a: {  	_ =	shalt  }
0x7b: {  	_ =	shalt  }
0x7c: {  	_ =	shalt  }
0x7d: {  	_ =	shalt  }
0x7e: {  	_ =	shalt  }
0x7f: {  	_ =	shalt  }
0x80: {  	_ =	shalt  }
0x81: {  	_ =	shalt  }
0x82: {  	_ =	shalt  }
0x83: {  	_ =	shalt  }
0x84: {  	_ =	shalt  }
0x85: {  	_ =	shalt  }
0x86: {  	_ =	shalt  }
0x87: {  	_ =	shalt  }
.Lfunc_end0:
.L_simem_size_0:
called_computation.2_lowered:
.L_overlay_start_0:
0x88: {  	s2 =	sld [smem:$0x3FD9]  }
0x89: {  	s3 =	sld [smem:$0x3FFE];
	_ =	sdelay $0x1  }
0x8a: {  	s1 =	srdreg.scid  }
0x8b: {  	s0 =	sand.u32 $0x1, s1  }
0x8c: {  	s16 =	sshll.u32 s0, $0xA;
	s2 =	sadd.s32 s3, s2  }
0x8d: {  	s2 =	sadd.s32 s2, s16  }
0x8e: {  	[smem:$0x3FC0] =	sst s2  }
0x8f: {  	_ = 	snop  }
0x90: {  	(tm) =	ssettm $0x1  }
0x91: {  	s17 =	sld [smem:$0x3FFB];
	_ =	sdelay $0x3  }
0x92: {  	_ =	strace s17  }
0x93: {  	s2 =	sld [smem:$0x3FFC];
	_ =	sdelay $0x3  }
0x94: {  	_ =	strace s2  }
0x95: {  	s2 =	sld [smem:$0x3FFD];
	_ =	sdelay $0x3  }
0x96: {  	_ =	strace s2  }
0x97: {  	_ =	strace $0x8FFFFFFF  }
0x98: {  	s18 =	sld [smem:$0x3FDB];
	_ =	sdelay $0x1  }
0x99: {  	s19 =	simm.s32 $_scs_section_size  }
0x9a: {  	s4 =	simm.s32 $_size__tile_overlayer_lowered;
	s5 =	simm.s32 $_tile_overlayer_lowered  }
0x9b: {  	s22 =	simm.s32 $0x1BFF;
	s21 =	sshll.u32 s5, $0x1;
	s2 =	sadd.s32 s19, s18  }
0x9c: {  	s6 =	simm.s32 $0x0;
	s20 =	sshll.u32 s4, $0x1;
	s4 =	sadd.s32 s21, s2  }
0x9d: {  	[timem:s6], [sflag:s22] =	dma.local [hbm:s4], s20  }
0x9e: {  	_ =	swait.ge [sflag:s22], s20  }
0x9f: {  	s3 =	ssub.s32 $0x0, s20;
	[sflag:s22] =	ssyncset.done $0x0  }
0xa0: {  	[sflag:s22] =	ssyncadd.s32 s3;
	_ =	sdelay $0x1  }
0xa1: {  	s23 =	simm.s32 $0x1B8B  }
0xa2: {  	_ =	swait.ge [sflag:s23], $0x1  }
0xa3: {  	[sflag:s23] =	ssyncset.done $0x0  }
0xa4: {  	s25 =	simm.s32 $0x1B8E;
	s24 =	sld [smem:$0x3FFE];
	[sflag:s23] =	ssyncadd.s32 $0xFFFFFFFF  }
0xa5: {  	s26 =	simm.s32 $execute0_lowered;
	[smem:$0x3FD2] =	sst s25  }
0xa6: {  	s4 =	sshll.u32 s26, $0x1;
	_ =	strace $0x8000004C;
	[dreg:$0x1] =	wrdreg $0xFFFFFFFF  }
0xa7: {  	s28 =	simm.s32 $_size_execute0_lowered;
	s2 =	sadd.s32 s2, s4;
	[dreg:$0x0] =	wrdreg $0x0  }
0xa8: {  	s4 =	sshll.u32 s28, $0x1;
	[dreg:$0x2] =	wrdreg s2  }
0xa9: {  	[dreg:$0x3] =	wrdreg s4  }
0xaa: {  	[dreg:$0x4] =	wrdreg $0xC0  }
0xab: {  	_ =	task [dreg:s6], $0x5FFFF  }
0xac: {  	[dreg:$0x1] =	wrdreg $0xFFFFFFFF  }
0xad: {  	[dreg:$0x0] =	wrdreg $0x60  }
0xae: {  	[dreg:$0x2] =	wrdreg s24  }
0xaf: {  	[dreg:$0x3] =	wrdreg $0x90000  }
0xb0: {  	[dreg:$0x4] =	wrdreg $0x9  }
0xb1: {  	_ =	task.clear_ibuf [dreg:s6], $0x5FFFF;
	_ =	strace $0x9000004C  }
0xb2: {  	s29 =	simm.s32 $0x9;
	_ =	strace $0x8000004E  }
0xb3: {  	_ =	swait.ge [sflag:s29], $0x1  }
0xb4: {  	[sflag:s29] =	ssyncadd.s32 $0xFFFFFFFF  }
0xb5: {  	_ =	strace $0x9000004E  }
0xb6: {  	_ =	sfence  }
0xb7: {  	s30 =	sld [smem:$0x0];
	_ =	sdelay $0x2  }
0xb8: {  	s31 =	sshll.u32 s1, $0xD;
	s1 =	sshrl.u32 s1, $0x2  }
0xb9: {  	s3 =	sand.u32 $0x4000, s31;
	s1 =	sadd.s32 s1, s30  }
0xba: {  	s0 =	sor.u32 s3, s0;
	s1 =	sshll.u32 s1, $0x11  }
0xbb: {  	s0 =	sor.u32 s1, s0  }
0xbc: {  	s0 =	sadd.s32 $0x8F2B, s0  }
0xbd: {  	[sflag:s0] =	ssyncadd.remote.s32 $0x1  }
0xbe: {  	_ =	sfence.sel $0xFFFF  }
0xbf: {  	[dreg:$0x0] =	wrdreg $0xFFFFFFFF;
	(pc) =	sbr.abs _section_cstart, $3  }
0xc0: {  	[dreg:$0x1] =	wrdreg $0xFFFFFFFF  }
0xc1: {  	_ =	task.clear_ibuf [dreg:s6], $0x2FFFF;
	_ =	strace $0x9FFFFFFF  }
0xc2: {  	(tm) =	ssettm $0x7FFFFFFF  }
0xc3: {  	_ =	shalt  }
tec
execute0_lowered:
.L_overlay_start_1:
0x0: {  	(tag) =	ssettag $0x1  }
0x1: {  	s0 =	rddreg [dreg:$0x0]  }
0x2: {  	s2 =	rddreg [dreg:$0x1]  }
0x3: {  	s9 =	stileid.u32;
	s1 =	srdreg.scid  }
0x4: {  	s3 =	simm.s32 $0x0;
	s14 =	simm.s32 $0x100;
	s15 =	simm.s32 $0x880  }
0x5: {  	s16 =	simm.s32 $0x180;
	s17 =	simm.s32 $0x900;
	s18 =	simm.s32 $0x200  }
0x6: {  	s19 =	simm.s32 $0x980;
	s21 =	simm.s32 $0x280;
	[smem:$0x7FF] =	sst s3  }
0x7: {  	s28 =	simm.s32 $0x500;
	_ =	strace $0x8000004D;
	[dreg:$0x5] =	wrdreg s14  }
0x8: {  	s29 =	simm.s32 $0xC80;
	s30 =	simm.s32 $0x580;
	[dreg:$0x6] =	wrdreg s15  }
0x9: {  	s31 =	simm.s32 $0xD00;
	s4 =	smul.u32 $0x2800, s9;
	[dreg:$0x7] =	wrdreg s16  }
0xa: {  	s1 =	sand.u32 $0x1, s1;
	s6 =	smul.u32 $0x50000, s9;
	[dreg:$0x8] =	wrdreg s17  }
0xb: {  	s9 =	smul.u32 $0x14000, s9;
	p0 =	seq.s32 s1, $0x0;
	[dreg:$0x9] =	wrdreg s18  }
0xc: {  	s7 =	ssub.s32 $0x2, s1;
	s1 =	smul.u32 $0x140000, s1;
	[dreg:$0xa] =	wrdreg s19  }
0xd: {  	s16 =	simm.s32 $0x1000;
	[dreg:$0xb] =	wrdreg s21;
	s17 =	simm.s32 $0x3  }
0xe: {  	s18 =	simm.s32 $0x800;
	s19 =	simm.s32 $0x80;
	s21 =	simm.s32 $0x1  }
0xf: {  	s14 =	simm.s32 $0x780;
	s15 =	simm.s32 $0xF00;
	s5 =	sadd.s32 $0x28000, s4  }
0x10: {  	s8 =	sshrl.u32 s7, $0x1;
	s6 =	sshrl.u32 s6, $0x2;
	s22 =	sadd.s32 $0x4000, s9  }
0x11: {  	s23 =	sadd.s32 $0x8000, s9;
	s25 =	sadd.s32 $0xC000, s9;
	s26 =	sadd.s32 $0x10000, s9  }
0x12: {  	s5 =	smov.u32 @p0 s4;
	s4 =	sadd.s32 $0x16E00, s0;
	s7 =	ssub.s32 s7, s8  }
0x13: {  	s6 =	sadd.s32 s6, s2;
	s10 =	sadd.s32 s22, s2;
	s24 =	sadd.s32 s23, s2  }
0x14: {  	s11 =	sadd.s32 s25, s2;
	s9 =	sadd.s32 s9, s1;
	[dreg:$0x11] =	wrdreg s6  }
0x15: {  	s12 =	sadd.s32 s26, s2;
	s8 =	sadd.s32 s1, s23;
	[dreg:$0x12] =	wrdreg s10  }
0x16: {  	s13 =	sadd.s32 s1, s25;
	s23 =	simm.s32 $0x300;
	[dreg:$0x13] =	wrdreg s24  }
0x17: {  	s25 =	simm.s32 $0x380;
	s5 =	sshrl.u32 s5, $0x3;
	[dreg:$0x14] =	wrdreg s11  }
0x18: {  	[dreg:$0x15] =	wrdreg s12;
	s9 =	sshrl.u32 s9, $0x3;
	s6 =	sadd.s32 s1, s22  }
0x19: {  	s1 =	sadd.s32 s1, s26;
	s20 =	smax.u32 s7, $0x1;
	[dreg:$0xd] =	wrdreg s23  }
0x1a: {  	s22 =	simm.s32 $0xA00;
	s24 =	simm.s32 $0xA80;
	[dreg:$0xf] =	wrdreg s25  }
0x1b: {  	s26 =	simm.s32 $0xB00;
	s23 =	simm.s32 $0x400;
	s25 =	simm.s32 $0x480  }
0x1c: {  	s10 =	simm.s32 $0x680;
	s11 =	simm.s32 $0xE00;
	[dreg:$0x1b] =	wrdreg s20  }
0x1d: {  	s7 =	simm.s32 $0x0;
	s5 =	sadd.s32 s5, s0;
	[dreg:$0xc] =	wrdreg s22  }
0x1e: {  	s0 =	sadd.s32 $0x3EE00, s0;
	s6 =	sshrl.u32 s6, $0x3;
	[dreg:$0xe] =	wrdreg s24  }
0x1f: {  	s1 =	sshrl.u32 s1, $0x3;
	[dreg:$0x10] =	wrdreg s26;
	s9 =	sadd.s32 s0, s9  }
0x20: {  	s20 =	simm.s32 $0x5000;
	s6 =	sadd.s32 s0, s6;
	[dreg:$0x16] =	wrdreg s9  }
0x21: {  	s22 =	simm.s32 $0x2;
	s12 =	sadd.s32 $0xCE00, s5;
	[dreg:$0x17] =	wrdreg s6  }
0x22: {  	s5 =	sadd.s32 $0x2E00, s5;
	s9 =	sshrl.u32 s8, $0x3;
	[dreg:$0x3] =	wrdreg s12  }
0x23: {  	s24 =	simm.s32 $0xB80;
	[dreg:$0x4] =	wrdreg s5;
	s6 =	sadd.s32 s0, s9  }
0x24: {  	s26 =	simm.s32 $0xC00;
	[dreg:$0x18] =	wrdreg s6;
	s6 =	sshrl.u32 s13, $0x3  }
0x25: {  	s12 =	simm.s32 $0x700;
	s5 =	simm.s32 $0xF80;
	s6 =	sadd.s32 s0, s6  }
0x26: {  	s13 =	simm.s32 $0xE80;
	s0 =	sadd.s32 s0, s1;
	[dreg:$0x19] =	wrdreg s6  }
0x27: {  	v0 =	vimm.f32 $0.0e+00;
	s1 =	simm.s32 $0x600;
	[dreg:$0x1a] =	wrdreg s0;
	s0 =	simm.s32 $0xD80  }
.LBB2_1:
0x28: {  	[dreg:$0x1c] =	wrdreg s7;
	s7 =	simm.s32 $0x0;
	s8 =	simm.s32 $0x200  }
.LBB2_2:
0x29: {  	p0 =	sne.s32 s8, $0xFE00;
	[tilespmem:s7+$0x1070] =	vst v0  }
0x2a: {  	[tilespmem:s7+$0x1000] =	vst v0  }
0x2b: {  	[tilespmem:s7+$0x1010] =	vst v0  }
.Ltmp0:
0x2c: {  	[tilespmem:s7+$0x1020] =	vst v0;
	(pc) =	sbr.rel @p0 .LBB2_2-.Ltmp0, $4  }
0x2d: {  	[tilespmem:s7+$0x1030] =	vst v0  }
0x2e: {  	[tilespmem:s7+$0x1040] =	vst v0  }
0x2f: {  	[tilespmem:s7+$0x1050] =	vst v0  }
0x30: {  	[tilespmem:s7+$0x1060] =	vst v0;
	s7 =	sshra.s32 s8, $0x2;
	s8 =	sadd.s32 $0x200, s8  }
0x31: {  	[tilespmem:s7+$0x1070] =	vst v0  }
0x32: {  	[tilespmem:s7+$0x1000] =	vst v0  }
0x33: {  	[tilespmem:s7+$0x1010] =	vst v0  }
0x34: {  	[tilespmem:s7+$0x1020] =	vst v0  }
0x35: {  	[tilespmem:s7+$0x1030] =	vst v0  }
0x36: {  	[tilespmem:s7+$0x1040] =	vst v0  }
0x37: {  	[tilespmem:s7+$0x1050] =	vst v0  }
0x38: {  	[tilespmem:s7+$0x1060] =	vst v0;
	s6 =	rddreg [dreg:$0x11]  }
0x39: {  	[spmem:s6] =	stream.linear.scatter [tilespmem:s16], [sflag:$0x3], $0x4000, $0x38;
	[tilespmem:$0x1D000] =	vst v63  }
0x3a: {  	_ =	swait.ge [sflag:s17], $0x4000  }
0x3b: {  	[sflag:s17] =	ssyncset.done $0x0  }
0x3c: {  	s7 =	rddreg [dreg:$0x12];
	[sflag:s17] =	ssyncadd.s32 $0xFFFFC000  }
0x3d: {  	[spmem:s7] =	stream.linear.scatter [tilespmem:s16], [sflag:$0x3], $0x4000, $0x38;
	[tilespmem:$0x1D000] =	vst v63  }
0x3e: {  	_ =	swait.ge [sflag:s17], $0x4000  }
0x3f: {  	[sflag:s17] =	ssyncset.done $0x0  }
0x40: {  	s8 =	rddreg [dreg:$0x13];
	[sflag:s17] =	ssyncadd.s32 $0xFFFFC000  }
0x41: {  	[spmem:s8] =	stream.linear.scatter [tilespmem:s16], [sflag:$0x3], $0x4000, $0x38;
	[tilespmem:$0x1D000] =	vst v63  }
0x42: {  	_ =	swait.ge [sflag:s17], $0x4000  }
0x43: {  	[sflag:s17] =	ssyncset.done $0x0  }
0x44: {  	s9 =	rddreg [dreg:$0x14];
	[sflag:s17] =	ssyncadd.s32 $0xFFFFC000  }
0x45: {  	[spmem:s9] =	stream.linear.scatter [tilespmem:s16], [sflag:$0x3], $0x4000, $0x38;
	[tilespmem:$0x1D000] =	vst v63  }
0x46: {  	_ =	swait.ge [sflag:s17], $0x4000  }
0x47: {  	[sflag:s17] =	ssyncset.done $0x0  }
0x48: {  	s7 =	rddreg [dreg:$0x15];
	[sflag:s17] =	ssyncadd.s32 $0xFFFFC000  }
0x49: {  	[spmem:s7] =	stream.linear.scatter [tilespmem:s16], [sflag:$0x3], $0x4000, $0x38;
	[tilespmem:$0x1D000] =	vst v63  }
0x4a: {  	_ =	swait.ge [sflag:s17], $0x4000  }
0x4b: {  	[sflag:s17] =	ssyncset.done $0x0  }
0x4c: {  	[sflag:s17] =	ssyncadd.s32 $0xFFFFC000  }
0x4d: {  	[bflag:$0x0] =	sbarrier.arrive $0xFFFF  }
0x4e: {  	s8 =	rddreg [dreg:$0x4]  }
0x4f: {  	s7 =	sadd.s32 $0x0, s8  }
0x50: {  	[tilespmem:s3], [sflag:$0x3] =	stream.linear.gather [hbm4b:s7+s3], $0x800, $0x38;
	[tilespmem:$0x1D000] =	vst v63  }
0x51: {  	_ =	swait.ge [sflag:s17], $0x800  }
0x52: {  	s9 =	rddreg [dreg:$0x3];
	[sflag:s17] =	ssyncset.done $0x0  }
0x53: {  	[sflag:s17] =	ssyncadd.s32 $0xFFFFF800;
	s7 =	sadd.s32 $0x0, s9  }
0x54: {  	[tilespmem:s18], [sflag:$0x3] =	stream.linear.gather [hbm4b:s7+s3], $0x800, $0x38;
	[tilespmem:$0x1D000] =	vst v63  }
0x55: {  	_ =	swait.ge [sflag:s17], $0x800  }
0x56: {  	[sflag:s17] =	ssyncset.done $0x0  }
0x57: {  	[sflag:s17] =	ssyncadd.s32 $0xFFFFF800  }
0x58: {  	[tilespmem:s16], [sflag:$0x1] =	stream.indirect.gather [hbm4b:s4+s19], $0x80, s3, s19, $0xb8;
	[tilespmem:$0x1D000] =	vst v63  }
0x59: {  	_ = 	snop  }
0x5a: {  	[tilespmem:s20], [sflag:$0x2] =	stream.indirect.gather [hbm4b:s4+s19], $0x80, s19, s19, $0xb8;
	[tilespmem:$0x1D000] =	vst v63  }
0x5b: {  	_ =	swait.ge [sflag:s21], $0x4000  }
0x5c: {  	[sflag:s21] =	ssyncset.done $0x0  }
0x5d: {  	[sflag:s21] =	ssyncadd.s32 $0xFFFFC000  }
0x5e: {  	[spmem:s2] =	stream.indirect.scatter.add.f32 [tilespmem:s16], [sflag:$0x3], $0x80, s18, s19, $0xb8;
	[tilespmem:$0x1D000] =	vst v63  }
0x5f: {  	_ =	swait.ge [sflag:s17], $0x4000  }
0x60: {  	[sflag:s17] =	ssyncset.done $0x0  }
0x61: {  	s6 =	rddreg [dreg:$0x5];
	[sflag:s17] =	ssyncadd.s32 $0xFFFFC000  }
0x62: {  	[tilespmem:s16], [sflag:$0x1] =	stream.indirect.gather [hbm4b:s4+s19], $0x80, s6, s19, $0xb8;
	[tilespmem:$0x1D000] =	vst v63  }
0x63: {  	_ =	swait.ge [sflag:s22], $0x4000  }
0x64: {  	[sflag:s22] =	ssyncset.done $0x0  }
0x65: {  	s8 =	rddreg [dreg:$0x6];
	[sflag:s22] =	ssyncadd.s32 $0xFFFFC000  }
0x66: {  	[spmem:s2] =	stream.indirect.scatter.add.f32 [tilespmem:s20], [sflag:$0x3], $0x80, s8, s19, $0xb8;
	[tilespmem:$0x1D000] =	vst v63  }
0x67: {  	_ =	swait.ge [sflag:s17], $0x4000  }
0x68: {  	[sflag:s17] =	ssyncset.done $0x0  }
0x69: {  	s9 =	rddreg [dreg:$0x7];
	[sflag:s17] =	ssyncadd.s32 $0xFFFFC000  }
0x6a: {  	[tilespmem:s20], [sflag:$0x2] =	stream.indirect.gather [hbm4b:s4+s19], $0x80, s9, s19, $0xb8;
	[tilespmem:$0x1D000] =	vst v63  }
0x6b: {  	_ =	swait.ge [sflag:s21], $0x4000  }
0x6c: {  	[sflag:s21] =	ssyncset.done $0x0  }
0x6d: {  	s6 =	rddreg [dreg:$0x8];
	[sflag:s21] =	ssyncadd.s32 $0xFFFFC000  }
0x6e: {  	[spmem:s2] =	stream.indirect.scatter.add.f32 [tilespmem:s16], [sflag:$0x3], $0x80, s6, s19, $0xb8;
	[tilespmem:$0x1D000] =	vst v63  }
0x6f: {  	_ =	swait.ge [sflag:s17], $0x4000  }
0x70: {  	[sflag:s17] =	ssyncset.done $0x0  }
0x71: {  	s8 =	rddreg [dreg:$0x9];
	[sflag:s17] =	ssyncadd.s32 $0xFFFFC000  }
0x72: {  	[tilespmem:s16], [sflag:$0x1] =	stream.indirect.gather [hbm4b:s4+s19], $0x80, s8, s19, $0xb8;
	[tilespmem:$0x1D000] =	vst v63  }
0x73: {  	_ =	swait.ge [sflag:s22], $0x4000  }
0x74: {  	[sflag:s22] =	ssyncset.done $0x0  }
0x75: {  	s9 =	rddreg [dreg:$0xa];
	[sflag:s22] =	ssyncadd.s32 $0xFFFFC000  }
0x76: {  	[spmem:s2] =	stream.indirect.scatter.add.f32 [tilespmem:s20], [sflag:$0x3], $0x80, s9, s19, $0xb8;
	[tilespmem:$0x1D000] =	vst v63  }
0x77: {  	_ =	swait.ge [sflag:s17], $0x4000  }
0x78: {  	[sflag:s17] =	ssyncset.done $0x0  }
0x79: {  	s6 =	rddreg [dreg:$0xb];
	[sflag:s17] =	ssyncadd.s32 $0xFFFFC000  }
0x7a: {  	[tilespmem:s20], [sflag:$0x2] =	stream.indirect.gather [hbm4b:s4+s19], $0x80, s6, s19, $0xb8;
	[tilespmem:$0x1D000] =	vst v63  }
0x7b: {  	_ =	swait.ge [sflag:s21], $0x4000  }
0x7c: {  	[sflag:s21] =	ssyncset.done $0x0  }
0x7d: {  	s8 =	rddreg [dreg:$0xc];
	[sflag:s21] =	ssyncadd.s32 $0xFFFFC000  }
0x7e: {  	[spmem:s2] =	stream.indirect.scatter.add.f32 [tilespmem:s16], [sflag:$0x3], $0x80, s8, s19, $0xb8;
	[tilespmem:$0x1D000] =	vst v63  }
0x7f: {  	_ =	swait.ge [sflag:s17], $0x4000  }
0x80: {  	[sflag:s17] =	ssyncset.done $0x0  }
0x81: {  	s9 =	rddreg [dreg:$0xd];
	[sflag:s17] =	ssyncadd.s32 $0xFFFFC000  }
0x82: {  	[tilespmem:s16], [sflag:$0x1] =	stream.indirect.gather [hbm4b:s4+s19], $0x80, s9, s19, $0xb8;
	[tilespmem:$0x1D000] =	vst v63  }
0x83: {  	_ =	swait.ge [sflag:s22], $0x4000  }
0x84: {  	[sflag:s22] =	ssyncset.done $0x0  }
0x85: {  	s6 =	rddreg [dreg:$0xe];
	[sflag:s22] =	ssyncadd.s32 $0xFFFFC000  }
0x86: {  	[spmem:s2] =	stream.indirect.scatter.add.f32 [tilespmem:s20], [sflag:$0x3], $0x80, s6, s19, $0xb8;
	[tilespmem:$0x1D000] =	vst v63  }
0x87: {  	_ =	swait.ge [sflag:s17], $0x4000  }
0x88: {  	[sflag:s17] =	ssyncset.done $0x0  }
0x89: {  	s8 =	rddreg [dreg:$0xf];
	[sflag:s17] =	ssyncadd.s32 $0xFFFFC000  }
0x8a: {  	[tilespmem:s20], [sflag:$0x2] =	stream.indirect.gather [hbm4b:s4+s19], $0x80, s8, s19, $0xb8;
	[tilespmem:$0x1D000] =	vst v63  }
0x8b: {  	_ =	swait.ge [sflag:s21], $0x4000  }
0x8c: {  	[sflag:s21] =	ssyncset.done $0x0  }
0x8d: {  	s9 =	rddreg [dreg:$0x10];
	[sflag:s21] =	ssyncadd.s32 $0xFFFFC000  }
0x8e: {  	[spmem:s2] =	stream.indirect.scatter.add.f32 [tilespmem:s16], [sflag:$0x3], $0x80, s9, s19, $0xb8;
	[tilespmem:$0x1D000] =	vst v63  }
0x8f: {  	_ =	swait.ge [sflag:s17], $0x4000  }
0x90: {  	[sflag:s17] =	ssyncset.done $0x0  }
0x91: {  	[sflag:s17] =	ssyncadd.s32 $0xFFFFC000  }
0x92: {  	[tilespmem:s16], [sflag:$0x1] =	stream.indirect.gather [hbm4b:s4+s19], $0x80, s23, s19, $0xb8;
	[tilespmem:$0x1D000] =	vst v63  }
0x93: {  	_ =	swait.ge [sflag:s22], $0x4000  }
0x94: {  	[sflag:s22] =	ssyncset.done $0x0  }
0x95: {  	[sflag:s22] =	ssyncadd.s32 $0xFFFFC000  }
0x96: {  	[spmem:s2] =	stream.indirect.scatter.add.f32 [tilespmem:s20], [sflag:$0x3], $0x80, s24, s19, $0xb8;
	[tilespmem:$0x1D000] =	vst v63  }
0x97: {  	_ =	swait.ge [sflag:s17], $0x4000  }
0x98: {  	[sflag:s17] =	ssyncset.done $0x0  }
0x99: {  	[sflag:s17] =	ssyncadd.s32 $0xFFFFC000  }
0x9a: {  	[tilespmem:s20], [sflag:$0x2] =	stream.indirect.gather [hbm4b:s4+s19], $0x80, s25, s19, $0xb8;
	[tilespmem:$0x1D000] =	vst v63  }
0x9b: {  	_ =	swait.ge [sflag:s21], $0x4000  }
0x9c: {  	[sflag:s21] =	ssyncset.done $0x0  }
0x9d: {  	[sflag:s21] =	ssyncadd.s32 $0xFFFFC000  }
0x9e: {  	[spmem:s2] =	stream.indirect.scatter.add.f32 [tilespmem:s16], [sflag:$0x3], $0x80, s26, s19, $0xb8;
	[tilespmem:$0x1D000] =	vst v63  }
0x9f: {  	_ =	swait.ge [sflag:s17], $0x4000  }
0xa0: {  	[sflag:s17] =	ssyncset.done $0x0  }
0xa1: {  	[sflag:s17] =	ssyncadd.s32 $0xFFFFC000  }
0xa2: {  	[tilespmem:s16], [sflag:$0x1] =	stream.indirect.gather [hbm4b:s4+s19], $0x80, s28, s19, $0xb8;
	[tilespmem:$0x1D000] =	vst v63  }
0xa3: {  	_ =	swait.ge [sflag:s22], $0x4000  }
0xa4: {  	[sflag:s22] =	ssyncset.done $0x0  }
0xa5: {  	[sflag:s22] =	ssyncadd.s32 $0xFFFFC000  }
0xa6: {  	[spmem:s2] =	stream.indirect.scatter.add.f32 [tilespmem:s20], [sflag:$0x3], $0x80, s29, s19, $0xb8;
	[tilespmem:$0x1D000] =	vst v63  }
0xa7: {  	_ =	swait.ge [sflag:s17], $0x4000  }
0xa8: {  	[sflag:s17] =	ssyncset.done $0x0  }
0xa9: {  	[sflag:s17] =	ssyncadd.s32 $0xFFFFC000  }
0xaa: {  	[tilespmem:s20], [sflag:$0x2] =	stream.indirect.gather [hbm4b:s4+s19], $0x80, s30, s19, $0xb8;
	[tilespmem:$0x1D000] =	vst v63  }
0xab: {  	_ =	swait.ge [sflag:s21], $0x4000  }
0xac: {  	[sflag:s21] =	ssyncset.done $0x0  }
0xad: {  	[sflag:s21] =	ssyncadd.s32 $0xFFFFC000  }
0xae: {  	[spmem:s2] =	stream.indirect.scatter.add.f32 [tilespmem:s16], [sflag:$0x3], $0x80, s31, s19, $0xb8;
	[tilespmem:$0x1D000] =	vst v63  }
0xaf: {  	_ =	swait.ge [sflag:s17], $0x4000  }
0xb0: {  	[sflag:s17] =	ssyncset.done $0x0  }
0xb1: {  	[sflag:s17] =	ssyncadd.s32 $0xFFFFC000  }
0xb2: {  	[tilespmem:s16], [sflag:$0x1] =	stream.indirect.gather [hbm4b:s4+s19], $0x80, s1, s19, $0xb8;
	[tilespmem:$0x1D000] =	vst v63  }
0xb3: {  	_ =	swait.ge [sflag:s22], $0x4000  }
0xb4: {  	[sflag:s22] =	ssyncset.done $0x0  }
0xb5: {  	[sflag:s22] =	ssyncadd.s32 $0xFFFFC000  }
0xb6: {  	[spmem:s2] =	stream.indirect.scatter.add.f32 [tilespmem:s20], [sflag:$0x3], $0x80, s0, s19, $0xb8;
	[tilespmem:$0x1D000] =	vst v63  }
0xb7: {  	_ =	swait.ge [sflag:s17], $0x4000  }
0xb8: {  	[sflag:s17] =	ssyncset.done $0x0  }
0xb9: {  	[sflag:s17] =	ssyncadd.s32 $0xFFFFC000  }
0xba: {  	[tilespmem:s20], [sflag:$0x2] =	stream.indirect.gather [hbm4b:s4+s19], $0x80, s10, s19, $0xb8;
	[tilespmem:$0x1D000] =	vst v63  }
0xbb: {  	_ =	swait.ge [sflag:s21], $0x4000  }
0xbc: {  	[sflag:s21] =	ssyncset.done $0x0  }
0xbd: {  	[sflag:s21] =	ssyncadd.s32 $0xFFFFC000  }
0xbe: {  	[spmem:s2] =	stream.indirect.scatter.add.f32 [tilespmem:s16], [sflag:$0x3], $0x80, s11, s19, $0xb8;
	[tilespmem:$0x1D000] =	vst v63  }
0xbf: {  	_ =	swait.ge [sflag:s17], $0x4000  }
0xc0: {  	[sflag:s17] =	ssyncset.done $0x0  }
0xc1: {  	[sflag:s17] =	ssyncadd.s32 $0xFFFFC000  }
0xc2: {  	[tilespmem:s16], [sflag:$0x1] =	stream.indirect.gather [hbm4b:s4+s19], $0x80, s12, s19, $0xb8;
	[tilespmem:$0x1D000] =	vst v63  }
0xc3: {  	_ =	swait.ge [sflag:s22], $0x4000  }
0xc4: {  	[sflag:s22] =	ssyncset.done $0x0  }
0xc5: {  	[sflag:s22] =	ssyncadd.s32 $0xFFFFC000  }
0xc6: {  	[spmem:s2] =	stream.indirect.scatter.add.f32 [tilespmem:s20], [sflag:$0x3], $0x80, s13, s19, $0xb8;
	[tilespmem:$0x1D000] =	vst v63  }
0xc7: {  	_ =	swait.ge [sflag:s17], $0x4000  }
0xc8: {  	[sflag:s17] =	ssyncset.done $0x0  }
0xc9: {  	[sflag:s17] =	ssyncadd.s32 $0xFFFFC000  }
0xca: {  	[tilespmem:s20], [sflag:$0x2] =	stream.indirect.gather [hbm4b:s4+s19], $0x80, s14, s19, $0xb8;
	[tilespmem:$0x1D000] =	vst v63  }
0xcb: {  	_ =	swait.ge [sflag:s21], $0x4000  }
0xcc: {  	[sflag:s21] =	ssyncset.done $0x0  }
0xcd: {  	[sflag:s21] =	ssyncadd.s32 $0xFFFFC000  }
0xce: {  	[spmem:s2] =	stream.indirect.scatter.add.f32 [tilespmem:s16], [sflag:$0x3], $0x80, s15, s19, $0xb8;
	[tilespmem:$0x1D000] =	vst v63  }
0xcf: {  	_ =	swait.ge [sflag:s17], $0x4000  }
0xd0: {  	[sflag:s17] =	ssyncset.done $0x0  }
0xd1: {  	[sflag:s17] =	ssyncadd.s32 $0xFFFFC000  }
0xd2: {  	_ =	swait.ge [sflag:s22], $0x4000  }
0xd3: {  	[sflag:s22] =	ssyncset.done $0x0  }
0xd4: {  	[sflag:s22] =	ssyncadd.s32 $0xFFFFC000  }
0xd5: {  	[spmem:s2] =	stream.indirect.scatter.add.f32 [tilespmem:s20], [sflag:$0x3], $0x80, s5, s19, $0xb8;
	[tilespmem:$0x1D000] =	vst v63  }
0xd6: {  	s7 =	simm.s32 $0x100;
	_ =	swait.ge [sflag:s17], $0x4000  }
0xd7: {  	s8 =	simm.s32 $0x200;
	s9 =	rddreg [dreg:$0x4];
	[sflag:s17] =	ssyncset.done $0x0  }
.LBB2_4:
0xd8: {  	[sflag:s17] =	ssyncadd.s32 $0xFFFFC000;
	s9 =	sadd.s32 s7, s9  }
0xd9: {  	[tilespmem:s3], [sflag:$0x3] =	stream.linear.gather [hbm4b:s9+s3], $0x800, $0x38;
	[tilespmem:$0x1D000] =	vst v63  }
0xda: {  	_ =	swait.ge [sflag:s17], $0x800  }
0xdb: {  	s9 =	rddreg [dreg:$0x3];
	[sflag:s17] =	ssyncset.done $0x0  }
0xdc: {  	[sflag:s17] =	ssyncadd.s32 $0xFFFFF800;
	s9 =	sadd.s32 s7, s9  }
0xdd: {  	[tilespmem:s18], [sflag:$0x3] =	stream.linear.gather [hbm4b:s9+s3], $0x800, $0x38;
	[tilespmem:$0x1D000] =	vst v63  }
0xde: {  	_ =	swait.ge [sflag:s17], $0x800  }
0xdf: {  	[sflag:s17] =	ssyncset.done $0x0  }
0xe0: {  	[sflag:s17] =	ssyncadd.s32 $0xFFFFF800  }
0xe1: {  	[tilespmem:s16], [sflag:$0x1] =	stream.indirect.gather [hbm4b:s4+s19], $0x80, s3, s19, $0xb8;
	[tilespmem:$0x1D000] =	vst v63  }
0xe2: {  	_ = 	snop  }
0xe3: {  	[tilespmem:s20], [sflag:$0x2] =	stream.indirect.gather [hbm4b:s4+s19], $0x80, s19, s19, $0xb8;
	[tilespmem:$0x1D000] =	vst v63  }
0xe4: {  	_ =	swait.ge [sflag:s21], $0x4000  }
0xe5: {  	[sflag:s21] =	ssyncset.done $0x0  }
0xe6: {  	[sflag:s21] =	ssyncadd.s32 $0xFFFFC000  }
0xe7: {  	[spmem:s2] =	stream.indirect.scatter.add.f32 [tilespmem:s16], [sflag:$0x3], $0x80, s18, s19, $0xb8;
	[tilespmem:$0x1D000] =	vst v63  }
0xe8: {  	_ =	swait.ge [sflag:s17], $0x4000  }
0xe9: {  	[sflag:s17] =	ssyncset.done $0x0  }
0xea: {  	s9 =	rddreg [dreg:$0x5];
	[sflag:s17] =	ssyncadd.s32 $0xFFFFC000  }
0xeb: {  	[tilespmem:s16], [sflag:$0x1] =	stream.indirect.gather [hbm4b:s4+s19], $0x80, s9, s19, $0xb8;
	[tilespmem:$0x1D000] =	vst v63  }
0xec: {  	_ =	swait.ge [sflag:s22], $0x4000  }
0xed: {  	[sflag:s22] =	ssyncset.done $0x0  }
0xee: {  	s9 =	rddreg [dreg:$0x6];
	[sflag:s22] =	ssyncadd.s32 $0xFFFFC000  }
0xef: {  	[spmem:s2] =	stream.indirect.scatter.add.f32 [tilespmem:s20], [sflag:$0x3], $0x80, s9, s19, $0xb8;
	[tilespmem:$0x1D000] =	vst v63  }
0xf0: {  	_ =	swait.ge [sflag:s17], $0x4000  }
0xf1: {  	[sflag:s17] =	ssyncset.done $0x0  }
0xf2: {  	s9 =	rddreg [dreg:$0x7];
	[sflag:s17] =	ssyncadd.s32 $0xFFFFC000  }
0xf3: {  	[tilespmem:s20], [sflag:$0x2] =	stream.indirect.gather [hbm4b:s4+s19], $0x80, s9, s19, $0xb8;
	[tilespmem:$0x1D000] =	vst v63  }
0xf4: {  	_ =	swait.ge [sflag:s21], $0x4000  }
0xf5: {  	[sflag:s21] =	ssyncset.done $0x0  }
0xf6: {  	s9 =	rddreg [dreg:$0x8];
	[sflag:s21] =	ssyncadd.s32 $0xFFFFC000  }
0xf7: {  	[spmem:s2] =	stream.indirect.scatter.add.f32 [tilespmem:s16], [sflag:$0x3], $0x80, s9, s19, $0xb8;
	[tilespmem:$0x1D000] =	vst v63  }
0xf8: {  	_ =	swait.ge [sflag:s17], $0x4000  }
0xf9: {  	[sflag:s17] =	ssyncset.done $0x0  }
0xfa: {  	s9 =	rddreg [dreg:$0x9];
	[sflag:s17] =	ssyncadd.s32 $0xFFFFC000  }
0xfb: {  	[tilespmem:s16], [sflag:$0x1] =	stream.indirect.gather [hbm4b:s4+s19], $0x80, s9, s19, $0xb8;
	[tilespmem:$0x1D000] =	vst v63  }
0xfc: {  	_ =	swait.ge [sflag:s22], $0x4000  }
0xfd: {  	[sflag:s22] =	ssyncset.done $0x0  }
0xfe: {  	s9 =	rddreg [dreg:$0xa];
	[sflag:s22] =	ssyncadd.s32 $0xFFFFC000  }
0xff: {  	[spmem:s2] =	stream.indirect.scatter.add.f32 [tilespmem:s20], [sflag:$0x3], $0x80, s9, s19, $0xb8;
	[tilespmem:$0x1D000] =	vst v63  }
0x100: {  	_ =	swait.ge [sflag:s17], $0x4000  }
0x101: {  	[sflag:s17] =	ssyncset.done $0x0  }
0x102: {  	s9 =	rddreg [dreg:$0xb];
	[sflag:s17] =	ssyncadd.s32 $0xFFFFC000  }
0x103: {  	[tilespmem:s20], [sflag:$0x2] =	stream.indirect.gather [hbm4b:s4+s19], $0x80, s9, s19, $0xb8;
	[tilespmem:$0x1D000] =	vst v63  }
0x104: {  	_ =	swait.ge [sflag:s21], $0x4000  }
0x105: {  	[sflag:s21] =	ssyncset.done $0x0  }
0x106: {  	s9 =	rddreg [dreg:$0xc];
	[sflag:s21] =	ssyncadd.s32 $0xFFFFC000  }
0x107: {  	[spmem:s2] =	stream.indirect.scatter.add.f32 [tilespmem:s16], [sflag:$0x3], $0x80, s9, s19, $0xb8;
	[tilespmem:$0x1D000] =	vst v63  }
0x108: {  	_ =	swait.ge [sflag:s17], $0x4000  }
0x109: {  	[sflag:s17] =	ssyncset.done $0x0  }
0x10a: {  	s9 =	rddreg [dreg:$0xd];
	[sflag:s17] =	ssyncadd.s32 $0xFFFFC000  }
0x10b: {  	[tilespmem:s16], [sflag:$0x1] =	stream.indirect.gather [hbm4b:s4+s19], $0x80, s9, s19, $0xb8;
	[tilespmem:$0x1D000] =	vst v63  }
0x10c: {  	_ =	swait.ge [sflag:s22], $0x4000  }
0x10d: {  	[sflag:s22] =	ssyncset.done $0x0  }
0x10e: {  	s9 =	rddreg [dreg:$0xe];
	[sflag:s22] =	ssyncadd.s32 $0xFFFFC000  }
0x10f: {  	[spmem:s2] =	stream.indirect.scatter.add.f32 [tilespmem:s20], [sflag:$0x3], $0x80, s9, s19, $0xb8;
	[tilespmem:$0x1D000] =	vst v63  }
0x110: {  	_ =	swait.ge [sflag:s17], $0x4000  }
0x111: {  	[sflag:s17] =	ssyncset.done $0x0  }
0x112: {  	s9 =	rddreg [dreg:$0xf];
	[sflag:s17] =	ssyncadd.s32 $0xFFFFC000  }
0x113: {  	[tilespmem:s20], [sflag:$0x2] =	stream.indirect.gather [hbm4b:s4+s19], $0x80, s9, s19, $0xb8;
	[tilespmem:$0x1D000] =	vst v63  }
0x114: {  	_ =	swait.ge [sflag:s21], $0x4000  }
0x115: {  	[sflag:s21] =	ssyncset.done $0x0  }
0x116: {  	s9 =	rddreg [dreg:$0x10];
	[sflag:s21] =	ssyncadd.s32 $0xFFFFC000  }
0x117: {  	[spmem:s2] =	stream.indirect.scatter.add.f32 [tilespmem:s16], [sflag:$0x3], $0x80, s9, s19, $0xb8;
	[tilespmem:$0x1D000] =	vst v63  }
0x118: {  	_ =	swait.ge [sflag:s17], $0x4000  }
0x119: {  	[sflag:s17] =	ssyncset.done $0x0  }
0x11a: {  	[sflag:s17] =	ssyncadd.s32 $0xFFFFC000  }
0x11b: {  	[tilespmem:s16], [sflag:$0x1] =	stream.indirect.gather [hbm4b:s4+s19], $0x80, s23, s19, $0xb8;
	[tilespmem:$0x1D000] =	vst v63  }
0x11c: {  	_ =	swait.ge [sflag:s22], $0x4000  }
0x11d: {  	[sflag:s22] =	ssyncset.done $0x0  }
0x11e: {  	[sflag:s22] =	ssyncadd.s32 $0xFFFFC000  }
0x11f: {  	[spmem:s2] =	stream.indirect.scatter.add.f32 [tilespmem:s20], [sflag:$0x3], $0x80, s24, s19, $0xb8;
	[tilespmem:$0x1D000] =	vst v63  }
0x120: {  	_ =	swait.ge [sflag:s17], $0x4000  }
0x121: {  	[sflag:s17] =	ssyncset.done $0x0  }
0x122: {  	[sflag:s17] =	ssyncadd.s32 $0xFFFFC000  }
0x123: {  	[tilespmem:s20], [sflag:$0x2] =	stream.indirect.gather [hbm4b:s4+s19], $0x80, s25, s19, $0xb8;
	[tilespmem:$0x1D000] =	vst v63  }
0x124: {  	_ =	swait.ge [sflag:s21], $0x4000  }
0x125: {  	[sflag:s21] =	ssyncset.done $0x0  }
0x126: {  	[sflag:s21] =	ssyncadd.s32 $0xFFFFC000  }
0x127: {  	[spmem:s2] =	stream.indirect.scatter.add.f32 [tilespmem:s16], [sflag:$0x3], $0x80, s26, s19, $0xb8;
	[tilespmem:$0x1D000] =	vst v63  }
0x128: {  	_ =	swait.ge [sflag:s17], $0x4000  }
0x129: {  	[sflag:s17] =	ssyncset.done $0x0  }
0x12a: {  	[sflag:s17] =	ssyncadd.s32 $0xFFFFC000  }
0x12b: {  	[tilespmem:s16], [sflag:$0x1] =	stream.indirect.gather [hbm4b:s4+s19], $0x80, s28, s19, $0xb8;
	[tilespmem:$0x1D000] =	vst v63  }
0x12c: {  	_ =	swait.ge [sflag:s22], $0x4000  }
0x12d: {  	[sflag:s22] =	ssyncset.done $0x0  }
0x12e: {  	[sflag:s22] =	ssyncadd.s32 $0xFFFFC000  }
0x12f: {  	[spmem:s2] =	stream.indirect.scatter.add.f32 [tilespmem:s20], [sflag:$0x3], $0x80, s29, s19, $0xb8;
	[tilespmem:$0x1D000] =	vst v63  }
0x130: {  	_ =	swait.ge [sflag:s17], $0x4000  }
0x131: {  	[sflag:s17] =	ssyncset.done $0x0  }
0x132: {  	[sflag:s17] =	ssyncadd.s32 $0xFFFFC000  }
0x133: {  	[tilespmem:s20], [sflag:$0x2] =	stream.indirect.gather [hbm4b:s4+s19], $0x80, s30, s19, $0xb8;
	[tilespmem:$0x1D000] =	vst v63  }
0x134: {  	_ =	swait.ge [sflag:s21], $0x4000  }
0x135: {  	[sflag:s21] =	ssyncset.done $0x0  }
0x136: {  	[sflag:s21] =	ssyncadd.s32 $0xFFFFC000  }
0x137: {  	[spmem:s2] =	stream.indirect.scatter.add.f32 [tilespmem:s16], [sflag:$0x3], $0x80, s31, s19, $0xb8;
	[tilespmem:$0x1D000] =	vst v63  }
0x138: {  	_ =	swait.ge [sflag:s17], $0x4000  }
0x139: {  	[sflag:s17] =	ssyncset.done $0x0  }
0x13a: {  	[sflag:s17] =	ssyncadd.s32 $0xFFFFC000  }
0x13b: {  	[tilespmem:s16], [sflag:$0x1] =	stream.indirect.gather [hbm4b:s4+s19], $0x80, s1, s19, $0xb8;
	[tilespmem:$0x1D000] =	vst v63  }
0x13c: {  	_ =	swait.ge [sflag:s22], $0x4000  }
0x13d: {  	[sflag:s22] =	ssyncset.done $0x0  }
0x13e: {  	[sflag:s22] =	ssyncadd.s32 $0xFFFFC000  }
0x13f: {  	[spmem:s2] =	stream.indirect.scatter.add.f32 [tilespmem:s20], [sflag:$0x3], $0x80, s0, s19, $0xb8;
	[tilespmem:$0x1D000] =	vst v63  }
0x140: {  	_ =	swait.ge [sflag:s17], $0x4000  }
0x141: {  	[sflag:s17] =	ssyncset.done $0x0  }
0x142: {  	[sflag:s17] =	ssyncadd.s32 $0xFFFFC000  }
0x143: {  	[tilespmem:s20], [sflag:$0x2] =	stream.indirect.gather [hbm4b:s4+s19], $0x80, s10, s19, $0xb8;
	[tilespmem:$0x1D000] =	vst v63  }
0x144: {  	_ =	swait.ge [sflag:s21], $0x4000  }
0x145: {  	[sflag:s21] =	ssyncset.done $0x0  }
0x146: {  	[sflag:s21] =	ssyncadd.s32 $0xFFFFC000  }
0x147: {  	[spmem:s2] =	stream.indirect.scatter.add.f32 [tilespmem:s16], [sflag:$0x3], $0x80, s11, s19, $0xb8;
	[tilespmem:$0x1D000] =	vst v63  }
0x148: {  	_ =	swait.ge [sflag:s17], $0x4000  }
0x149: {  	[sflag:s17] =	ssyncset.done $0x0  }
0x14a: {  	[sflag:s17] =	ssyncadd.s32 $0xFFFFC000  }
0x14b: {  	[tilespmem:s16], [sflag:$0x1] =	stream.indirect.gather [hbm4b:s4+s19], $0x80, s12, s19, $0xb8;
	[tilespmem:$0x1D000] =	vst v63  }
0x14c: {  	_ =	swait.ge [sflag:s22], $0x4000  }
0x14d: {  	[sflag:s22] =	ssyncset.done $0x0  }
0x14e: {  	[sflag:s22] =	ssyncadd.s32 $0xFFFFC000  }
0x14f: {  	[spmem:s2] =	stream.indirect.scatter.add.f32 [tilespmem:s20], [sflag:$0x3], $0x80, s13, s19, $0xb8;
	[tilespmem:$0x1D000] =	vst v63  }
0x150: {  	_ =	swait.ge [sflag:s17], $0x4000  }
0x151: {  	[sflag:s17] =	ssyncset.done $0x0  }
0x152: {  	[sflag:s17] =	ssyncadd.s32 $0xFFFFC000  }
0x153: {  	[tilespmem:s20], [sflag:$0x2] =	stream.indirect.gather [hbm4b:s4+s19], $0x80, s14, s19, $0xb8;
	[tilespmem:$0x1D000] =	vst v63  }
0x154: {  	_ =	swait.ge [sflag:s21], $0x4000  }
0x155: {  	[sflag:s21] =	ssyncset.done $0x0  }
0x156: {  	[sflag:s21] =	ssyncadd.s32 $0xFFFFC000  }
0x157: {  	[spmem:s2] =	stream.indirect.scatter.add.f32 [tilespmem:s16], [sflag:$0x3], $0x80, s15, s19, $0xb8;
	[tilespmem:$0x1D000] =	vst v63  }
0x158: {  	_ =	swait.ge [sflag:s17], $0x4000  }
0x159: {  	[sflag:s17] =	ssyncset.done $0x0  }
0x15a: {  	[sflag:s17] =	ssyncadd.s32 $0xFFFFC000  }
0x15b: {  	p0 =	sne.s32 s8, $0x400;
	_ =	swait.ge [sflag:s22], $0x4000  }
.Ltmp1:
0x15c: {  	[sflag:s22] =	ssyncset.done $0x0;
	(pc) =	sbr.rel @p0 .LBB2_4-.Ltmp1, $4  }
0x15d: {  	[sflag:s22] =	ssyncadd.s32 $0xFFFFC000  }
0x15e: {  	[spmem:s2] =	stream.indirect.scatter.add.f32 [tilespmem:s20], [sflag:$0x3], $0x80, s5, s19, $0xb8;
	[tilespmem:$0x1D000] =	vst v63  }
0x15f: {  	s6 =	smov.u32 s8;
	s8 =	sadd.s32 $0x100, s8;
	_ =	swait.ge [sflag:s17], $0x4000  }
0x160: {  	s7 =	smov.u32 s6;
	s9 =	rddreg [dreg:$0x4];
	[sflag:s17] =	ssyncset.done $0x0  }
0x161: {  	[sflag:s17] =	ssyncadd.s32 $0xFFFFC000;
	s6 =	sadd.s32 s7, s9  }
0x162: {  	[tilespmem:s3], [sflag:$0x3] =	stream.linear.gather [hbm4b:s6+s3], $0x800, $0x38;
	[tilespmem:$0x1D000] =	vst v63  }
0x163: {  	_ =	swait.ge [sflag:s17], $0x800  }
0x164: {  	s9 =	rddreg [dreg:$0x3];
	[sflag:s17] =	ssyncset.done $0x0  }
0x165: {  	s6 =	sadd.s32 s7, s9;
	[sflag:s17] =	ssyncadd.s32 $0xFFFFF800  }
0x166: {  	[tilespmem:s18], [sflag:$0x3] =	stream.linear.gather [hbm4b:s6+s3], $0x800, $0x38;
	[tilespmem:$0x1D000] =	vst v63  }
0x167: {  	_ =	swait.ge [sflag:s17], $0x800  }
0x168: {  	[sflag:s17] =	ssyncset.done $0x0  }
0x169: {  	[sflag:s17] =	ssyncadd.s32 $0xFFFFF800  }
0x16a: {  	[tilespmem:s16], [sflag:$0x1] =	stream.indirect.gather [hbm4b:s4+s19], $0x80, s3, s19, $0xb8;
	[tilespmem:$0x1D000] =	vst v63  }
0x16b: {  	_ = 	snop  }
0x16c: {  	[tilespmem:s20], [sflag:$0x2] =	stream.indirect.gather [hbm4b:s4+s19], $0x80, s19, s19, $0xb8;
	[tilespmem:$0x1D000] =	vst v63  }
0x16d: {  	_ =	swait.ge [sflag:s21], $0x4000  }
0x16e: {  	[sflag:s21] =	ssyncset.done $0x0  }
0x16f: {  	[sflag:s21] =	ssyncadd.s32 $0xFFFFC000  }
0x170: {  	[spmem:s2] =	stream.indirect.scatter.add.f32 [tilespmem:s16], [sflag:$0x3], $0x80, s18, s19, $0xb8;
	[tilespmem:$0x1D000] =	vst v63  }
0x171: {  	_ =	swait.ge [sflag:s17], $0x4000  }
0x172: {  	[sflag:s17] =	ssyncset.done $0x0  }
0x173: {  	s7 =	rddreg [dreg:$0x5];
	[sflag:s17] =	ssyncadd.s32 $0xFFFFC000  }
0x174: {  	[tilespmem:s16], [sflag:$0x1] =	stream.indirect.gather [hbm4b:s4+s19], $0x80, s7, s19, $0xb8;
	[tilespmem:$0x1D000] =	vst v63  }
0x175: {  	_ =	swait.ge [sflag:s22], $0x4000  }
0x176: {  	[sflag:s22] =	ssyncset.done $0x0  }
0x177: {  	s8 =	rddreg [dreg:$0x6];
	[sflag:s22] =	ssyncadd.s32 $0xFFFFC000  }
0x178: {  	[spmem:s2] =	stream.indirect.scatter.add.f32 [tilespmem:s20], [sflag:$0x3], $0x80, s8, s19, $0xb8;
	[tilespmem:$0x1D000] =	vst v63  }
0x179: {  	_ =	swait.ge [sflag:s17], $0x4000  }
0x17a: {  	[sflag:s17] =	ssyncset.done $0x0  }
0x17b: {  	s9 =	rddreg [dreg:$0x7];
	[sflag:s17] =	ssyncadd.s32 $0xFFFFC000  }
0x17c: {  	[tilespmem:s20], [sflag:$0x2] =	stream.indirect.gather [hbm4b:s4+s19], $0x80, s9, s19, $0xb8;
	[tilespmem:$0x1D000] =	vst v63  }
0x17d: {  	_ =	swait.ge [sflag:s21], $0x4000  }
0x17e: {  	[sflag:s21] =	ssyncset.done $0x0  }
0x17f: {  	s7 =	rddreg [dreg:$0x8];
	[sflag:s21] =	ssyncadd.s32 $0xFFFFC000  }
0x180: {  	[spmem:s2] =	stream.indirect.scatter.add.f32 [tilespmem:s16], [sflag:$0x3], $0x80, s7, s19, $0xb8;
	[tilespmem:$0x1D000] =	vst v63  }
0x181: {  	_ =	swait.ge [sflag:s17], $0x4000  }
0x182: {  	[sflag:s17] =	ssyncset.done $0x0  }
0x183: {  	s8 =	rddreg [dreg:$0x9];
	[sflag:s17] =	ssyncadd.s32 $0xFFFFC000  }
0x184: {  	[tilespmem:s16], [sflag:$0x1] =	stream.indirect.gather [hbm4b:s4+s19], $0x80, s8, s19, $0xb8;
	[tilespmem:$0x1D000] =	vst v63  }
0x185: {  	_ =	swait.ge [sflag:s22], $0x4000  }
0x186: {  	[sflag:s22] =	ssyncset.done $0x0  }
0x187: {  	s9 =	rddreg [dreg:$0xa];
	[sflag:s22] =	ssyncadd.s32 $0xFFFFC000  }
0x188: {  	[spmem:s2] =	stream.indirect.scatter.add.f32 [tilespmem:s20], [sflag:$0x3], $0x80, s9, s19, $0xb8;
	[tilespmem:$0x1D000] =	vst v63  }
0x189: {  	_ =	swait.ge [sflag:s17], $0x4000  }
0x18a: {  	[sflag:s17] =	ssyncset.done $0x0  }
0x18b: {  	s7 =	rddreg [dreg:$0xb];
	[sflag:s17] =	ssyncadd.s32 $0xFFFFC000  }
0x18c: {  	[tilespmem:s20], [sflag:$0x2] =	stream.indirect.gather [hbm4b:s4+s19], $0x80, s7, s19, $0xb8;
	[tilespmem:$0x1D000] =	vst v63  }
0x18d: {  	_ =	swait.ge [sflag:s21], $0x4000  }
0x18e: {  	[sflag:s21] =	ssyncset.done $0x0  }
0x18f: {  	s8 =	rddreg [dreg:$0xc];
	[sflag:s21] =	ssyncadd.s32 $0xFFFFC000  }
0x190: {  	[spmem:s2] =	stream.indirect.scatter.add.f32 [tilespmem:s16], [sflag:$0x3], $0x80, s8, s19, $0xb8;
	[tilespmem:$0x1D000] =	vst v63  }
0x191: {  	_ =	swait.ge [sflag:s17], $0x4000  }
0x192: {  	[sflag:s17] =	ssyncset.done $0x0  }
0x193: {  	s9 =	rddreg [dreg:$0xd];
	[sflag:s17] =	ssyncadd.s32 $0xFFFFC000  }
0x194: {  	[tilespmem:s16], [sflag:$0x1] =	stream.indirect.gather [hbm4b:s4+s19], $0x80, s9, s19, $0xb8;
	[tilespmem:$0x1D000] =	vst v63  }
0x195: {  	_ =	swait.ge [sflag:s22], $0x4000  }
0x196: {  	[sflag:s22] =	ssyncset.done $0x0  }
0x197: {  	s7 =	rddreg [dreg:$0xe];
	[sflag:s22] =	ssyncadd.s32 $0xFFFFC000  }
0x198: {  	[spmem:s2] =	stream.indirect.scatter.add.f32 [tilespmem:s20], [sflag:$0x3], $0x80, s7, s19, $0xb8;
	[tilespmem:$0x1D000] =	vst v63  }
0x199: {  	_ =	swait.ge [sflag:s17], $0x4000  }
0x19a: {  	[sflag:s17] =	ssyncset.done $0x0  }
0x19b: {  	s8 =	rddreg [dreg:$0xf];
	[sflag:s17] =	ssyncadd.s32 $0xFFFFC000  }
0x19c: {  	[tilespmem:s20], [sflag:$0x2] =	stream.indirect.gather [hbm4b:s4+s19], $0x80, s8, s19, $0xb8;
	[tilespmem:$0x1D000] =	vst v63  }
0x19d: {  	_ =	swait.ge [sflag:s21], $0x4000  }
0x19e: {  	[sflag:s21] =	ssyncset.done $0x0  }
0x19f: {  	s9 =	rddreg [dreg:$0x10];
	[sflag:s21] =	ssyncadd.s32 $0xFFFFC000  }
0x1a0: {  	[spmem:s2] =	stream.indirect.scatter.add.f32 [tilespmem:s16], [sflag:$0x3], $0x80, s9, s19, $0xb8;
	[tilespmem:$0x1D000] =	vst v63  }
0x1a1: {  	_ =	swait.ge [sflag:s17], $0x4000  }
0x1a2: {  	[sflag:s17] =	ssyncset.done $0x0  }
0x1a3: {  	[sflag:s17] =	ssyncadd.s32 $0xFFFFC000  }
0x1a4: {  	[tilespmem:s16], [sflag:$0x1] =	stream.indirect.gather [hbm4b:s4+s19], $0x80, s23, s19, $0xb8;
	[tilespmem:$0x1D000] =	vst v63  }
0x1a5: {  	_ =	swait.ge [sflag:s22], $0x4000  }
0x1a6: {  	[sflag:s22] =	ssyncset.done $0x0  }
0x1a7: {  	[sflag:s22] =	ssyncadd.s32 $0xFFFFC000  }
0x1a8: {  	[spmem:s2] =	stream.indirect.scatter.add.f32 [tilespmem:s20], [sflag:$0x3], $0x80, s24, s19, $0xb8;
	[tilespmem:$0x1D000] =	vst v63  }
0x1a9: {  	_ =	swait.ge [sflag:s17], $0x4000  }
0x1aa: {  	[sflag:s17] =	ssyncset.done $0x0  }
0x1ab: {  	[sflag:s17] =	ssyncadd.s32 $0xFFFFC000  }
0x1ac: {  	[tilespmem:s20], [sflag:$0x2] =	stream.indirect.gather [hbm4b:s4+s19], $0x80, s25, s19, $0xb8;
	[tilespmem:$0x1D000] =	vst v63  }
0x1ad: {  	_ =	swait.ge [sflag:s21], $0x4000  }
0x1ae: {  	[sflag:s21] =	ssyncset.done $0x0  }
0x1af: {  	[sflag:s21] =	ssyncadd.s32 $0xFFFFC000  }
0x1b0: {  	[spmem:s2] =	stream.indirect.scatter.add.f32 [tilespmem:s16], [sflag:$0x3], $0x80, s26, s19, $0xb8;
	[tilespmem:$0x1D000] =	vst v63  }
0x1b1: {  	_ =	swait.ge [sflag:s17], $0x4000  }
0x1b2: {  	[sflag:s17] =	ssyncset.done $0x0  }
0x1b3: {  	[sflag:s17] =	ssyncadd.s32 $0xFFFFC000  }
0x1b4: {  	[tilespmem:s16], [sflag:$0x1] =	stream.indirect.gather [hbm4b:s4+s19], $0x80, s28, s19, $0xb8;
	[tilespmem:$0x1D000] =	vst v63  }
0x1b5: {  	_ =	swait.ge [sflag:s22], $0x4000  }
0x1b6: {  	[sflag:s22] =	ssyncset.done $0x0  }
0x1b7: {  	[sflag:s22] =	ssyncadd.s32 $0xFFFFC000  }
0x1b8: {  	[spmem:s2] =	stream.indirect.scatter.add.f32 [tilespmem:s20], [sflag:$0x3], $0x80, s29, s19, $0xb8;
	[tilespmem:$0x1D000] =	vst v63  }
0x1b9: {  	_ =	swait.ge [sflag:s17], $0x4000  }
0x1ba: {  	[sflag:s17] =	ssyncset.done $0x0  }
0x1bb: {  	[sflag:s17] =	ssyncadd.s32 $0xFFFFC000  }
0x1bc: {  	[tilespmem:s20], [sflag:$0x2] =	stream.indirect.gather [hbm4b:s4+s19], $0x80, s30, s19, $0xb8;
	[tilespmem:$0x1D000] =	vst v63  }
0x1bd: {  	_ =	swait.ge [sflag:s21], $0x4000  }
0x1be: {  	[sflag:s21] =	ssyncset.done $0x0  }
0x1bf: {  	[sflag:s21] =	ssyncadd.s32 $0xFFFFC000  }
0x1c0: {  	[spmem:s2] =	stream.indirect.scatter.add.f32 [tilespmem:s16], [sflag:$0x3], $0x80, s31, s19, $0xb8;
	[tilespmem:$0x1D000] =	vst v63  }
0x1c1: {  	_ =	swait.ge [sflag:s17], $0x4000  }
0x1c2: {  	[sflag:s17] =	ssyncset.done $0x0  }
0x1c3: {  	[sflag:s17] =	ssyncadd.s32 $0xFFFFC000  }
0x1c4: {  	[tilespmem:s16], [sflag:$0x1] =	stream.indirect.gather [hbm4b:s4+s19], $0x80, s1, s19, $0xb8;
	[tilespmem:$0x1D000] =	vst v63  }
0x1c5: {  	_ =	swait.ge [sflag:s22], $0x4000  }
0x1c6: {  	[sflag:s22] =	ssyncset.done $0x0  }
0x1c7: {  	[sflag:s22] =	ssyncadd.s32 $0xFFFFC000  }
0x1c8: {  	[spmem:s2] =	stream.indirect.scatter.add.f32 [tilespmem:s20], [sflag:$0x3], $0x80, s0, s19, $0xb8;
	[tilespmem:$0x1D000] =	vst v63  }
0x1c9: {  	_ =	swait.ge [sflag:s17], $0x4000  }
0x1ca: {  	[sflag:s17] =	ssyncset.done $0x0  }
0x1cb: {  	[sflag:s17] =	ssyncadd.s32 $0xFFFFC000  }
0x1cc: {  	[tilespmem:s20], [sflag:$0x2] =	stream.indirect.gather [hbm4b:s4+s19], $0x80, s10, s19, $0xb8;
	[tilespmem:$0x1D000] =	vst v63  }
0x1cd: {  	_ =	swait.ge [sflag:s21], $0x4000  }
0x1ce: {  	[sflag:s21] =	ssyncset.done $0x0  }
0x1cf: {  	[sflag:s21] =	ssyncadd.s32 $0xFFFFC000  }
0x1d0: {  	[spmem:s2] =	stream.indirect.scatter.add.f32 [tilespmem:s16], [sflag:$0x3], $0x80, s11, s19, $0xb8;
	[tilespmem:$0x1D000] =	vst v63  }
0x1d1: {  	_ =	swait.ge [sflag:s17], $0x4000  }
0x1d2: {  	[sflag:s17] =	ssyncset.done $0x0  }
0x1d3: {  	[sflag:s17] =	ssyncadd.s32 $0xFFFFC000  }
0x1d4: {  	[tilespmem:s16], [sflag:$0x1] =	stream.indirect.gather [hbm4b:s4+s19], $0x80, s12, s19, $0xb8;
	[tilespmem:$0x1D000] =	vst v63  }
0x1d5: {  	_ =	swait.ge [sflag:s22], $0x4000  }
0x1d6: {  	[sflag:s22] =	ssyncset.done $0x0  }
0x1d7: {  	[sflag:s22] =	ssyncadd.s32 $0xFFFFC000  }
0x1d8: {  	[spmem:s2] =	stream.indirect.scatter.add.f32 [tilespmem:s20], [sflag:$0x3], $0x80, s13, s19, $0xb8;
	[tilespmem:$0x1D000] =	vst v63  }
0x1d9: {  	_ =	swait.ge [sflag:s17], $0x4000  }
0x1da: {  	[sflag:s17] =	ssyncset.done $0x0  }
0x1db: {  	[sflag:s17] =	ssyncadd.s32 $0xFFFFC000  }
0x1dc: {  	[tilespmem:s20], [sflag:$0x2] =	stream.indirect.gather [hbm4b:s4+s19], $0x80, s14, s19, $0xb8;
	[tilespmem:$0x1D000] =	vst v63  }
0x1dd: {  	_ =	swait.ge [sflag:s21], $0x4000  }
0x1de: {  	[sflag:s21] =	ssyncset.done $0x0  }
0x1df: {  	[sflag:s21] =	ssyncadd.s32 $0xFFFFC000  }
0x1e0: {  	[spmem:s2] =	stream.indirect.scatter.add.f32 [tilespmem:s16], [sflag:$0x3], $0x80, s15, s19, $0xb8;
	[tilespmem:$0x1D000] =	vst v63  }
0x1e1: {  	_ =	swait.ge [sflag:s17], $0x4000  }
0x1e2: {  	[sflag:s17] =	ssyncset.done $0x0  }
0x1e3: {  	[sflag:s17] =	ssyncadd.s32 $0xFFFFC000  }
0x1e4: {  	_ =	swait.ge [sflag:s22], $0x4000  }
0x1e5: {  	[sflag:s22] =	ssyncset.done $0x0  }
0x1e6: {  	[sflag:s22] =	ssyncadd.s32 $0xFFFFC000  }
0x1e7: {  	[spmem:s2] =	stream.indirect.scatter.add.f32 [tilespmem:s20], [sflag:$0x3], $0x80, s5, s19, $0xb8;
	[tilespmem:$0x1D000] =	vst v63  }
0x1e8: {  	_ =	swait.ge [sflag:s17], $0x4000  }
0x1e9: {  	[sflag:s17] =	ssyncset.done $0x0  }
0x1ea: {  	[sflag:s17] =	ssyncadd.s32 $0xFFFFC000  }
0x1eb: {  	[bflag:$0x0] =	sbarrier.arrive $0xFFFF  }
0x1ec: {  	s7 =	rddreg [dreg:$0x11]  }
0x1ed: {  	[tilespmem:s16], [sflag:$0x3] =	stream.linear.gather [spmem:s7], $0x4000, $0x38;
	[tilespmem:$0x1D000] =	vst v63  }
0x1ee: {  	_ =	swait.ge [sflag:s17], $0x4000  }
0x1ef: {  	[sflag:s17] =	ssyncset.done $0x0  }
0x1f0: {  	s8 =	rddreg [dreg:$0x16];
	[sflag:s17] =	ssyncadd.s32 $0xFFFFC000  }
0x1f1: {  	[hbm4b:s8+s3] =	stream.linear.scatter [tilespmem:s16], [sflag:$0x3], $0x4000, $0x38;
	[tilespmem:$0x1D000] =	vst v63  }
0x1f2: {  	_ =	swait.ge [sflag:s17], $0x4000  }
0x1f3: {  	[sflag:s17] =	ssyncset.done $0x0  }
0x1f4: {  	s9 =	rddreg [dreg:$0x12];
	[sflag:s17] =	ssyncadd.s32 $0xFFFFC000  }
0x1f5: {  	[tilespmem:s16], [sflag:$0x3] =	stream.linear.gather [spmem:s9], $0x4000, $0x38;
	[tilespmem:$0x1D000] =	vst v63  }
0x1f6: {  	_ =	swait.ge [sflag:s17], $0x4000  }
0x1f7: {  	[sflag:s17] =	ssyncset.done $0x0  }
0x1f8: {  	s7 =	rddreg [dreg:$0x17];
	[sflag:s17] =	ssyncadd.s32 $0xFFFFC000  }
0x1f9: {  	[hbm4b:s7+s3] =	stream.linear.scatter [tilespmem:s16], [sflag:$0x3], $0x4000, $0x38;
	[tilespmem:$0x1D000] =	vst v63  }
0x1fa: {  	_ =	swait.ge [sflag:s17], $0x4000  }
0x1fb: {  	[sflag:s17] =	ssyncset.done $0x0  }
0x1fc: {  	s8 =	rddreg [dreg:$0x13];
	[sflag:s17] =	ssyncadd.s32 $0xFFFFC000  }
0x1fd: {  	[tilespmem:s16], [sflag:$0x3] =	stream.linear.gather [spmem:s8], $0x4000, $0x38;
	[tilespmem:$0x1D000] =	vst v63  }
0x1fe: {  	_ =	swait.ge [sflag:s17], $0x4000  }
0x1ff: {  	[sflag:s17] =	ssyncset.done $0x0  }
0x200: {  	s9 =	rddreg [dreg:$0x18];
	[sflag:s17] =	ssyncadd.s32 $0xFFFFC000  }
0x201: {  	[hbm4b:s9+s3] =	stream.linear.scatter [tilespmem:s16], [sflag:$0x3], $0x4000, $0x38;
	[tilespmem:$0x1D000] =	vst v63  }
0x202: {  	_ =	swait.ge [sflag:s17], $0x4000  }
0x203: {  	[sflag:s17] =	ssyncset.done $0x0  }
0x204: {  	s7 =	rddreg [dreg:$0x14];
	[sflag:s17] =	ssyncadd.s32 $0xFFFFC000  }
0x205: {  	[tilespmem:s16], [sflag:$0x3] =	stream.linear.gather [spmem:s7], $0x4000, $0x38;
	[tilespmem:$0x1D000] =	vst v63  }
0x206: {  	_ =	swait.ge [sflag:s17], $0x4000  }
0x207: {  	[sflag:s17] =	ssyncset.done $0x0  }
0x208: {  	s8 =	rddreg [dreg:$0x19];
	[sflag:s17] =	ssyncadd.s32 $0xFFFFC000  }
0x209: {  	[hbm4b:s8+s3] =	stream.linear.scatter [tilespmem:s16], [sflag:$0x3], $0x4000, $0x38;
	[tilespmem:$0x1D000] =	vst v63  }
0x20a: {  	_ =	swait.ge [sflag:s17], $0x4000  }
0x20b: {  	[sflag:s17] =	ssyncset.done $0x0  }
0x20c: {  	s9 =	rddreg [dreg:$0x15];
	[sflag:s17] =	ssyncadd.s32 $0xFFFFC000  }
0x20d: {  	[tilespmem:s16], [sflag:$0x3] =	stream.linear.gather [spmem:s9], $0x4000, $0x38;
	[tilespmem:$0x1D000] =	vst v63  }
0x20e: {  	_ =	swait.ge [sflag:s17], $0x4000  }
0x20f: {  	[sflag:s17] =	ssyncset.done $0x0  }
0x210: {  	s7 =	rddreg [dreg:$0x1a];
	[sflag:s17] =	ssyncadd.s32 $0xFFFFC000  }
0x211: {  	[hbm4b:s7+s3] =	stream.linear.scatter [tilespmem:s16], [sflag:$0x3], $0x4000, $0x38;
	[tilespmem:$0x1D000] =	vst v63  }
0x212: {  	_ =	swait.ge [sflag:s17], $0x4000  }
0x213: {  	s8 =	rddreg [dreg:$0x1c]  }
0x214: {  	s9 =	rddreg [dreg:$0x1b];
	s7 =	sadd.s32 $0x1, s8  }
0x215: {  	p0 =	sne.s32 s7, s9  }
.Ltmp2:
0x216: {  	_ = 	snop;
	(pc) =	sbr.rel @p0 .LBB2_1-.Ltmp2, $3  }
0x217: {  	_ =	sdelay $0x1  }
0x218: {  	[sflag:s17] =	ssyncset.done $0x0  }
0x219: {  	[sflag:s17] =	ssyncadd.s32 $0xFFFFC000  }
0x21a: {  	_ =	sfence.sel $0x180000  }
0x21b: {  	[bflag:$0x0] =	sbarrier.arrive $0xFFFF  }
0x21c: {  	_ =	strace $0x9000004D  }
0x21d: {  	s0 =	stileid.u32;
	[bflag:$0x2] =	sbarrier.arrive $0xFFFF  }
0x21e: {  	p0 =	sne.s32 s0, $0x0;
	s0 =	rddreg [dreg:$0x2]  }
0x21f: {  	s0 =	sadd.s32 @!p0 $0x100000, s0  }
0x220: {  	[sflag:s0] =	ssyncadd.tile.s32 @!p0 $0x1;
	_ =	shalt  }
.Lfunc_end2:
_tile_overlayer_lowered:
.L_overlay_start_2:
0x221: {  	(tag) =	ssettag $0x2  }
0x222: {  	s0 =	rddreg [dreg:$0x0];
	s2 =	stileid.u32  }
0x223: {  	s1 =	rddreg [dreg:$0x1];
	p0 =	sne.s32 s2, $0x0  }
0x224: {  	s3 =	rddreg [dreg:$0x2];
	[bflag:$0x3] =	sbarrier.arrive $0xFFFF;
	s2 =	simm.s32 @!p0 $0x1C03  }
0x225: {  	[timem:s3], [sflag:s2] =	dma.local @!p0 [hbm:s0], s1  }
0x226: {  	s0 =	simm.s32 @!p0 $0x3  }
0x227: {  	_ =	swait.ge @!p0 [sflag:s0], s1  }
0x228: {  	s1 =	ssub.s32 @!p0 $0x0, s1;
	[sflag:s0] =	ssyncset.done @!p0 $0x0  }
0x229: {  	[sflag:s0] =	ssyncadd.s32 @!p0 s1  }
0x22a: {  	[bflag:$0x3] =	sbarrier.arrive $0xFFFF  }
0x22b: {  	_ =	shalt  }

// kernel: kernel.19.cloned.1.call-start
scs
__scs_entry_jumppad:
0x0: {  	(pc) =	sbr.rel $0x88, $3  }
0x1: {  	(tag) =	ssettag $0x0;
	lr =	simm.s32 $0x1  }
0x2: {  	[smem:$0x3F99] =	sst lr;
	_ =	strace $0xD0000000  }
0x3: {  	_ = 	snop  }
0x4: {  	_ = 	snop  }
0x5: {  	_ = 	snop  }
0x6: {  	_ = 	snop  }
0x7: {  	_ = 	snop  }
__scs_overlays_trampoline_lowered:
0x8: {  	[smem:$0x3FA8] =	sst s0  }
0x9: {  	[smem:$0x3FA9] =	sst s1  }
0xa: {  	[smem:$0x3FAA] =	sst s2  }
0xb: {  	[smem:$0x3FAB] =	sst s3  }
0xc: {  	[smem:$0x3FAC] =	sst s4  }
0xd: {  	[smem:$0x3FAD] =	sst s5  }
0xe: {  	[smem:$0x3FAE] =	sst s6  }
0xf: {  	[smem:$0x3FAF] =	sst s7  }
0x10: {  	[smem:$0x3FB0] =	sst s8  }
0x11: {  	[smem:$0x3FB1] =	sst s9;
	s0 =	simm.s32 @!p0 $0x0  }
0x12: {  	s1 =	sld [smem:$0x3F97];
	s0 =	simm.s32 @p0 $0x1  }
0x13: {  	[smem:$0x3FB2] =	sst s0;
	s0 =	simm.s32 @!p1 $0x0  }
0x14: {  	s2 =	sld [smem:$0x3F96];
	s0 =	simm.s32 @p1 $0x1  }
0x15: {  	[smem:$0x3FB3] =	sst s0;
	s0 =	simm.s32 @!p2 $0x0  }
0x16: {  	s3 =	sld [smem:$0x3FDB];
	s0 =	simm.s32 @p2 $0x1  }
0x17: {  	s4 =	simm.s32 $0x1BF5;
	[smem:$0x3FB5] =	sst s0  }
0x18: {  	s0 =	sld [smem:$0x3F98];
	_ =	swait.ge [sflag:s4], $0x0  }
0x19: {  	s7 =	sld [smem:$0x3F99]  }
0x1a: {  	s8 =	sadd.s32 $0xFFFFE003, lr  }
0x1b: {  	s9 =	sadd.s32 $0xFFFFFEF7, lr;
	s5 =	simm.s32 $0xFFFFFFFF;
	p2 =	slt.u32 s8, $0xFFFFF086  }
0x1c: {  	p1 =	slt.u32 s9, $0xF7A;
	s5 =	simm.s32 @!p2 $0x0  }
0x1d: {  	s5 =	simm.s32 @p1 $0x1;
	p0 =	seq.s32 s7, s2  }
0x1e: {  	s7 =	smul.u32 @!p0 $0xF7A, s2;
	p2 =	seq.s32 @!p0 s5, $0x0  }
0x1f: {  	s9 =	smul.u32 $0xF7A, s1;
	s8 =	simm.s32 @!p0 $0x1BF5;
	p2 =	por !p2, p0  }
0x20: {  	[sflag:s8] =	ssyncset.s32 @!p0 $0xFFFFF086;
	s6 =	sadd.s32 @!p0 s3, s7;
	s7 =	simm.s32 @!p0 $0x108  }
0x21: {  	s3 =	sadd.s32 s3, s9;
	s6 =	sadd.s32 @!p0 $0x88, s6;
	s7 =	simm.s32 @p2 $0x1082  }
0x22: {  	[simem:s7], [sflag:s8] =	dma.local @!p0 [hbm:s6], $0xF7A  }
0x23: {  	s9 =	sor.u32 $0xD0000000, s2;
	s6 =	simm.s32 $0x108;
	_ =	swait.ge @!p0 [sflag:s8], $0x0  }
0x24: {  	s3 =	sadd.s32 $0x88, s3;
	s6 =	simm.s32 @!p1 $0x1082;
	[sflag:s4] =	ssyncset.s32 $0xFFFFF086  }
0x25: {  	[simem:s6], [sflag:s4] =	dma.local [hbm:s3], $0xF7A  }
0x26: {  	[smem:$0x3F99] =	sst s1;
	(tag) =	ssettag s2;
	_ =	strace s9  }
0x27: {  	s1 =	sld [smem:$0x3FA9]  }
0x28: {  	s2 =	sld [smem:$0x3FAA]  }
0x29: {  	s4 =	sld [smem:$0x3FAC]  }
0x2a: {  	p0 =	seq.s32 s5, $0x0;
	s5 =	sld [smem:$0x3FAD]  }
0x2b: {  	s6 =	sld [smem:$0x3FAE]  }
0x2c: {  	s7 =	sld [smem:$0x3FAF]  }
0x2d: {  	s3 =	simm.s32 $0x108;
	s8 =	sld [smem:$0x3FB0]  }
0x2e: {  	s3 =	simm.s32 @!p0 $0x1082;
	s9 =	sld [smem:$0x3FB1]  }
0x2f: {  	lr =	sadd.s32 s0, s3;
	s0 =	sld [smem:$0x3FA8]  }
0x30: {  	s3 =	sld [smem:$0x3FAB]  }
0x31: {  	[smem:$0x3FB4] =	sst s10  }
0x32: {  	s10 =	sld [smem:$0x3FB2];
	_ =	sdelay $0x3  }
0x33: {  	p0 =	seq.s32 s10, $0x1;
	s10 =	sld [smem:$0x3FB4];
	_ =	sdelay $0x3  }
0x34: {  	[smem:$0x3FB4] =	sst s10  }
0x35: {  	s10 =	sld [smem:$0x3FB3];
	_ =	sdelay $0x3  }
0x36: {  	p1 =	seq.s32 s10, $0x1;
	s10 =	sld [smem:$0x3FB4];
	_ =	sdelay $0x3  }
0x37: {  	[smem:$0x3FB4] =	sst s10  }
0x38: {  	s10 =	sld [smem:$0x3FB5]  }
0x39: {  	_ = 	snop;
	(pc) =	sbr.ind lr, $3  }
0x3a: {  	_ = 	snop  }
0x3b: {  	_ = 	snop  }
0x3c: {  	p2 =	seq.s32 s10, $0x1;
	s10 =	sld [smem:$0x3FB4]  }
0x3d: {  	_ =	shalt  }
0x3e: {  	_ =	shalt  }
0x3f: {  	_ =	shalt  }
0x40: {  	_ =	shalt  }
0x41: {  	_ =	shalt  }
0x42: {  	_ =	shalt  }
0x43: {  	_ =	shalt  }
0x44: {  	_ =	shalt  }
0x45: {  	_ =	shalt  }
0x46: {  	_ =	shalt  }
0x47: {  	_ =	shalt  }
0x48: {  	_ =	shalt  }
0x49: {  	_ =	shalt  }
0x4a: {  	_ =	shalt  }
0x4b: {  	_ =	shalt  }
0x4c: {  	_ =	shalt  }
0x4d: {  	_ =	shalt  }
0x4e: {  	_ =	shalt  }
0x4f: {  	_ =	shalt  }
0x50: {  	_ =	shalt  }
0x51: {  	_ =	shalt  }
0x52: {  	_ =	shalt  }
0x53: {  	_ =	shalt  }
0x54: {  	_ =	shalt  }
0x55: {  	_ =	shalt  }
0x56: {  	_ =	shalt  }
0x57: {  	_ =	shalt  }
0x58: {  	_ =	shalt  }
0x59: {  	_ =	shalt  }
0x5a: {  	_ =	shalt  }
0x5b: {  	_ =	shalt  }
0x5c: {  	_ =	shalt  }
0x5d: {  	_ =	shalt  }
0x5e: {  	_ =	shalt  }
0x5f: {  	_ =	shalt  }
0x60: {  	_ =	shalt  }
0x61: {  	_ =	shalt  }
0x62: {  	_ =	shalt  }
0x63: {  	_ =	shalt  }
0x64: {  	_ =	shalt  }
0x65: {  	_ =	shalt  }
0x66: {  	_ =	shalt  }
0x67: {  	_ =	shalt  }
0x68: {  	_ =	shalt  }
0x69: {  	_ =	shalt  }
0x6a: {  	_ =	shalt  }
0x6b: {  	_ =	shalt  }
0x6c: {  	_ =	shalt  }
0x6d: {  	_ =	shalt  }
0x6e: {  	_ =	shalt  }
0x6f: {  	_ =	shalt  }
0x70: {  	_ =	shalt  }
0x71: {  	_ =	shalt  }
0x72: {  	_ =	shalt  }
0x73: {  	_ =	shalt  }
0x74: {  	_ =	shalt  }
0x75: {  	_ =	shalt  }
0x76: {  	_ =	shalt  }
0x77: {  	_ =	shalt  }
0x78: {  	_ =	shalt  }
0x79: {  	_ =	shalt  }
0x7a: {  	_ =	shalt  }
0x7b: {  	_ =	shalt  }
0x7c: {  	_ =	shalt  }
0x7d: {  	_ =	shalt  }
0x7e: {  	_ =	shalt  }
0x7f: {  	_ =	shalt  }
0x80: {  	_ =	shalt  }
0x81: {  	_ =	shalt  }
0x82: {  	_ =	shalt  }
0x83: {  	_ =	shalt  }
0x84: {  	_ =	shalt  }
0x85: {  	_ =	shalt  }
0x86: {  	_ =	shalt  }
0x87: {  	_ =	shalt  }
.Lfunc_end0:
.L_simem_size_0:
called_computation.3_lowered:
.L_overlay_start_0:
0x88: {  	s2 =	sld [smem:$0x3FD9]  }
0x89: {  	s3 =	sld [smem:$0x3FFE];
	_ =	sdelay $0x1  }
0x8a: {  	s1 =	srdreg.scid  }
0x8b: {  	s0 =	sand.u32 $0x1, s1  }
0x8c: {  	s16 =	sshll.u32 s0, $0xA;
	s2 =	sadd.s32 s3, s2  }
0x8d: {  	s2 =	sadd.s32 s2, s16  }
0x8e: {  	[smem:$0x3FC0] =	sst s2  }
0x8f: {  	_ = 	snop  }
0x90: {  	(tm) =	ssettm $0x1  }
0x91: {  	s17 =	sld [smem:$0x3FFB];
	_ =	sdelay $0x3  }
0x92: {  	_ =	strace s17  }
0x93: {  	s2 =	sld [smem:$0x3FFC];
	_ =	sdelay $0x3  }
0x94: {  	_ =	strace s2  }
0x95: {  	s2 =	sld [smem:$0x3FFD];
	_ =	sdelay $0x3  }
0x96: {  	_ =	strace s2  }
0x97: {  	_ =	strace $0x8FFFFFFF  }
0x98: {  	s18 =	sld [smem:$0x3FDB];
	_ =	sdelay $0x1  }
0x99: {  	s19 =	simm.s32 $_scs_section_size  }
0x9a: {  	s4 =	simm.s32 $_size__tile_overlayer_lowered;
	s5 =	simm.s32 $_tile_overlayer_lowered  }
0x9b: {  	s22 =	simm.s32 $0x1BFF;
	s21 =	sshll.u32 s5, $0x1;
	s2 =	sadd.s32 s19, s18  }
0x9c: {  	s6 =	simm.s32 $0x0;
	s20 =	sshll.u32 s4, $0x1;
	s4 =	sadd.s32 s21, s2  }
0x9d: {  	[timem:s6], [sflag:s22] =	dma.local [hbm:s4], s20  }
0x9e: {  	_ =	swait.ge [sflag:s22], s20  }
0x9f: {  	s3 =	ssub.s32 $0x0, s20;
	[sflag:s22] =	ssyncset.done $0x0  }
0xa0: {  	[sflag:s22] =	ssyncadd.s32 s3;
	_ =	sdelay $0x1  }
0xa1: {  	s23 =	simm.s32 $0x1B8B  }
0xa2: {  	_ =	swait.ge [sflag:s23], $0x1  }
0xa3: {  	[sflag:s23] =	ssyncset.done $0x0  }
0xa4: {  	s25 =	simm.s32 $0x1B8E;
	s24 =	sld [smem:$0x3FFE];
	[sflag:s23] =	ssyncadd.s32 $0xFFFFFFFF  }
0xa5: {  	s26 =	simm.s32 $execute0_lowered;
	[smem:$0x3FD2] =	sst s25  }
0xa6: {  	s4 =	sshll.u32 s26, $0x1;
	_ =	strace $0x8000004F;
	[dreg:$0x1] =	wrdreg $0xFFFFFFFF  }
0xa7: {  	s28 =	simm.s32 $_size_execute0_lowered;
	s2 =	sadd.s32 s2, s4;
	[dreg:$0x0] =	wrdreg $0x0  }
0xa8: {  	s4 =	sshll.u32 s28, $0x1;
	[dreg:$0x2] =	wrdreg s2  }
0xa9: {  	[dreg:$0x3] =	wrdreg s4  }
0xaa: {  	[dreg:$0x4] =	wrdreg $0xC0  }
0xab: {  	_ =	task [dreg:s6], $0x5FFFF  }
0xac: {  	[dreg:$0x1] =	wrdreg $0xFFFFFFFF  }
0xad: {  	[dreg:$0x0] =	wrdreg $0x60  }
0xae: {  	[dreg:$0x2] =	wrdreg s24  }
0xaf: {  	[dreg:$0x3] =	wrdreg $0x90000  }
0xb0: {  	[dreg:$0x4] =	wrdreg $0x9  }
0xb1: {  	_ =	task.clear_ibuf [dreg:s6], $0x5FFFF;
	_ =	strace $0x9000004F  }
0xb2: {  	s29 =	simm.s32 $0x9;
	_ =	strace $0x80000051  }
0xb3: {  	_ =	swait.ge [sflag:s29], $0x1  }
0xb4: {  	[sflag:s29] =	ssyncadd.s32 $0xFFFFFFFF  }
0xb5: {  	_ =	strace $0x90000051  }
0xb6: {  	_ =	sfence  }
0xb7: {  	s30 =	sld [smem:$0x0];
	_ =	sdelay $0x2  }
0xb8: {  	s31 =	sshll.u32 s1, $0xD;
	s1 =	sshrl.u32 s1, $0x2  }
0xb9: {  	s3 =	sand.u32 $0x4000, s31;
	s1 =	sadd.s32 s1, s30  }
0xba: {  	s0 =	sor.u32 s3, s0;
	s1 =	sshll.u32 s1, $0x11  }
0xbb: {  	s0 =	sor.u32 s1, s0  }
0xbc: {  	s0 =	sadd.s32 $0x8F2B, s0  }
0xbd: {  	[sflag:s0] =	ssyncadd.remote.s32 $0x1  }
0xbe: {  	_ =	sfence.sel $0xFFFF  }
0xbf: {  	[dreg:$0x0] =	wrdreg $0xFFFFFFFF;
	(pc) =	sbr.abs _section_cstart, $3  }
0xc0: {  	[dreg:$0x1] =	wrdreg $0xFFFFFFFF  }
0xc1: {  	_ =	task.clear_ibuf [dreg:s6], $0x2FFFF;
	_ =	strace $0x9FFFFFFF  }
0xc2: {  	(tm) =	ssettm $0x7FFFFFFF  }
0xc3: {  	_ =	shalt  }
tec
execute0_lowered:
.L_overlay_start_1:
0x0: {  	(tag) =	ssettag $0x1  }
0x1: {  	s0 =	rddreg [dreg:$0x0]  }
0x2: {  	s2 =	rddreg [dreg:$0x1]  }
0x3: {  	s9 =	stileid.u32;
	s1 =	srdreg.scid  }
0x4: {  	s3 =	simm.s32 $0x0;
	s14 =	simm.s32 $0x100;
	s15 =	simm.s32 $0x880  }
0x5: {  	s16 =	simm.s32 $0x180;
	s17 =	simm.s32 $0x900;
	s18 =	simm.s32 $0x200  }
0x6: {  	s19 =	simm.s32 $0x980;
	s21 =	simm.s32 $0x280;
	[smem:$0x7FF] =	sst s3  }
0x7: {  	s28 =	simm.s32 $0x500;
	_ =	strace $0x80000050;
	[dreg:$0x5] =	wrdreg s14  }
0x8: {  	s29 =	simm.s32 $0xC80;
	s30 =	simm.s32 $0x580;
	[dreg:$0x6] =	wrdreg s15  }
0x9: {  	s31 =	simm.s32 $0xD00;
	s4 =	smul.u32 $0x2800, s9;
	[dreg:$0x7] =	wrdreg s16  }
0xa: {  	s1 =	sand.u32 $0x1, s1;
	s6 =	smul.u32 $0x50000, s9;
	[dreg:$0x8] =	wrdreg s17  }
0xb: {  	s9 =	smul.u32 $0x14000, s9;
	p0 =	seq.s32 s1, $0x0;
	[dreg:$0x9] =	wrdreg s18  }
0xc: {  	s7 =	ssub.s32 $0x2, s1;
	s1 =	smul.u32 $0x140000, s1;
	[dreg:$0xa] =	wrdreg s19  }
0xd: {  	s16 =	simm.s32 $0x1000;
	[dreg:$0xb] =	wrdreg s21;
	s17 =	simm.s32 $0x3  }
0xe: {  	s18 =	simm.s32 $0x800;
	s19 =	simm.s32 $0x80;
	s21 =	simm.s32 $0x1  }
0xf: {  	s14 =	simm.s32 $0x780;
	s15 =	simm.s32 $0xF00;
	s5 =	sadd.s32 $0x28000, s4  }
0x10: {  	s8 =	sshrl.u32 s7, $0x1;
	s6 =	sshrl.u32 s6, $0x2;
	s22 =	sadd.s32 $0x4000, s9  }
0x11: {  	s23 =	sadd.s32 $0x8000, s9;
	s25 =	sadd.s32 $0xC000, s9;
	s26 =	sadd.s32 $0x10000, s9  }
0x12: {  	s5 =	smov.u32 @p0 s4;
	s4 =	sadd.s32 $0x16E00, s0;
	s7 =	ssub.s32 s7, s8  }
0x13: {  	s6 =	sadd.s32 s6, s2;
	s10 =	sadd.s32 s22, s2;
	s24 =	sadd.s32 s23, s2  }
0x14: {  	s11 =	sadd.s32 s25, s2;
	s9 =	sadd.s32 s9, s1;
	[dreg:$0x11] =	wrdreg s6  }
0x15: {  	s12 =	sadd.s32 s26, s2;
	s8 =	sadd.s32 s1, s23;
	[dreg:$0x12] =	wrdreg s10  }
0x16: {  	s13 =	sadd.s32 s1, s25;
	s23 =	simm.s32 $0x300;
	[dreg:$0x13] =	wrdreg s24  }
0x17: {  	s25 =	simm.s32 $0x380;
	s5 =	sshrl.u32 s5, $0x3;
	[dreg:$0x14] =	wrdreg s11  }
0x18: {  	[dreg:$0x15] =	wrdreg s12;
	s9 =	sshrl.u32 s9, $0x3;
	s6 =	sadd.s32 s1, s22  }
0x19: {  	s1 =	sadd.s32 s1, s26;
	s20 =	smax.u32 s7, $0x1;
	[dreg:$0xd] =	wrdreg s23  }
0x1a: {  	s22 =	simm.s32 $0xA00;
	s24 =	simm.s32 $0xA80;
	[dreg:$0xf] =	wrdreg s25  }
0x1b: {  	s26 =	simm.s32 $0xB00;
	s23 =	simm.s32 $0x400;
	s25 =	simm.s32 $0x480  }
0x1c: {  	s10 =	simm.s32 $0x680;
	s11 =	simm.s32 $0xE00;
	[dreg:$0x1b] =	wrdreg s20  }
0x1d: {  	s7 =	simm.s32 $0x0;
	s5 =	sadd.s32 s5, s0;
	[dreg:$0xc] =	wrdreg s22  }
0x1e: {  	s0 =	sadd.s32 $0x3EE00, s0;
	s6 =	sshrl.u32 s6, $0x3;
	[dreg:$0xe] =	wrdreg s24  }
0x1f: {  	s1 =	sshrl.u32 s1, $0x3;
	[dreg:$0x10] =	wrdreg s26;
	s9 =	sadd.s32 s0, s9  }
0x20: {  	s20 =	simm.s32 $0x5000;
	s6 =	sadd.s32 s0, s6;
	[dreg:$0x16] =	wrdreg s9  }
0x21: {  	s22 =	simm.s32 $0x2;
	s12 =	sadd.s32 $0xCE00, s5;
	[dreg:$0x17] =	wrdreg s6  }
0x22: {  	s5 =	sadd.s32 $0x2E00, s5;
	s9 =	sshrl.u32 s8, $0x3;
	[dreg:$0x3] =	wrdreg s12  }
0x23: {  	s24 =	simm.s32 $0xB80;
	[dreg:$0x4] =	wrdreg s5;
	s6 =	sadd.s32 s0, s9  }
0x24: {  	s26 =	simm.s32 $0xC00;
	[dreg:$0x18] =	wrdreg s6;
	s6 =	sshrl.u32 s13, $0x3  }
0x25: {  	s12 =	simm.s32 $0x700;
	s5 =	simm.s32 $0xF80;
	s6 =	sadd.s32 s0, s6  }
0x26: {  	s13 =	simm.s32 $0xE80;
	s0 =	sadd.s32 s0, s1;
	[dreg:$0x19] =	wrdreg s6  }
0x27: {  	v0 =	vimm.f32 $0.0e+00;
	s1 =	simm.s32 $0x600;
	[dreg:$0x1a] =	wrdreg s0;
	s0 =	simm.s32 $0xD80  }
.LBB2_1:
0x28: {  	[dreg:$0x1c] =	wrdreg s7;
	s7 =	simm.s32 $0x0;
	s8 =	simm.s32 $0x200  }
.LBB2_2:
0x29: {  	p0 =	sne.s32 s8, $0xFE00;
	[tilespmem:s7+$0x1070] =	vst v0  }
0x2a: {  	[tilespmem:s7+$0x1000] =	vst v0  }
0x2b: {  	[tilespmem:s7+$0x1010] =	vst v0  }
.Ltmp0:
0x2c: {  	[tilespmem:s7+$0x1020] =	vst v0;
	(pc) =	sbr.rel @p0 .LBB2_2-.Ltmp0, $4  }
0x2d: {  	[tilespmem:s7+$0x1030] =	vst v0  }
0x2e: {  	[tilespmem:s7+$0x1040] =	vst v0  }
0x2f: {  	[tilespmem:s7+$0x1050] =	vst v0  }
0x30: {  	[tilespmem:s7+$0x1060] =	vst v0;
	s7 =	sshra.s32 s8, $0x2;
	s8 =	sadd.s32 $0x200, s8  }
0x31: {  	[tilespmem:s7+$0x1070] =	vst v0  }
0x32: {  	[tilespmem:s7+$0x1000] =	vst v0  }
0x33: {  	[tilespmem:s7+$0x1010] =	vst v0  }
0x34: {  	[tilespmem:s7+$0x1020] =	vst v0  }
0x35: {  	[tilespmem:s7+$0x1030] =	vst v0  }
0x36: {  	[tilespmem:s7+$0x1040] =	vst v0  }
0x37: {  	[tilespmem:s7+$0x1050] =	vst v0  }
0x38: {  	[tilespmem:s7+$0x1060] =	vst v0;
	s6 =	rddreg [dreg:$0x11]  }
0x39: {  	[spmem:s6] =	stream.linear.scatter [tilespmem:s16], [sflag:$0x3], $0x4000, $0x38;
	[tilespmem:$0x1D000] =	vst v63  }
0x3a: {  	_ =	swait.ge [sflag:s17], $0x4000  }
0x3b: {  	[sflag:s17] =	ssyncset.done $0x0  }
0x3c: {  	s7 =	rddreg [dreg:$0x12];
	[sflag:s17] =	ssyncadd.s32 $0xFFFFC000  }
0x3d: {  	[spmem:s7] =	stream.linear.scatter [tilespmem:s16], [sflag:$0x3], $0x4000, $0x38;
	[tilespmem:$0x1D000] =	vst v63  }
0x3e: {  	_ =	swait.ge [sflag:s17], $0x4000  }
0x3f: {  	[sflag:s17] =	ssyncset.done $0x0  }
0x40: {  	s8 =	rddreg [dreg:$0x13];
	[sflag:s17] =	ssyncadd.s32 $0xFFFFC000  }
0x41: {  	[spmem:s8] =	stream.linear.scatter [tilespmem:s16], [sflag:$0x3], $0x4000, $0x38;
	[tilespmem:$0x1D000] =	vst v63  }
0x42: {  	_ =	swait.ge [sflag:s17], $0x4000  }
0x43: {  	[sflag:s17] =	ssyncset.done $0x0  }
0x44: {  	s9 =	rddreg [dreg:$0x14];
	[sflag:s17] =	ssyncadd.s32 $0xFFFFC000  }
0x45: {  	[spmem:s9] =	stream.linear.scatter [tilespmem:s16], [sflag:$0x3], $0x4000, $0x38;
	[tilespmem:$0x1D000] =	vst v63  }
0x46: {  	_ =	swait.ge [sflag:s17], $0x4000  }
0x47: {  	[sflag:s17] =	ssyncset.done $0x0  }
0x48: {  	s7 =	rddreg [dreg:$0x15];
	[sflag:s17] =	ssyncadd.s32 $0xFFFFC000  }
0x49: {  	[spmem:s7] =	stream.linear.scatter [tilespmem:s16], [sflag:$0x3], $0x4000, $0x38;
	[tilespmem:$0x1D000] =	vst v63  }
0x4a: {  	_ =	swait.ge [sflag:s17], $0x4000  }
0x4b: {  	[sflag:s17] =	ssyncset.done $0x0  }
0x4c: {  	[sflag:s17] =	ssyncadd.s32 $0xFFFFC000  }
0x4d: {  	[bflag:$0x0] =	sbarrier.arrive $0xFFFF  }
0x4e: {  	s8 =	rddreg [dreg:$0x4]  }
0x4f: {  	s7 =	sadd.s32 $0x0, s8  }
0x50: {  	[tilespmem:s3], [sflag:$0x3] =	stream.linear.gather [hbm4b:s7+s3], $0x800, $0x38;
	[tilespmem:$0x1D000] =	vst v63  }
0x51: {  	_ =	swait.ge [sflag:s17], $0x800  }
0x52: {  	s9 =	rddreg [dreg:$0x3];
	[sflag:s17] =	ssyncset.done $0x0  }
0x53: {  	[sflag:s17] =	ssyncadd.s32 $0xFFFFF800;
	s7 =	sadd.s32 $0x0, s9  }
0x54: {  	[tilespmem:s18], [sflag:$0x3] =	stream.linear.gather [hbm4b:s7+s3], $0x800, $0x38;
	[tilespmem:$0x1D000] =	vst v63  }
0x55: {  	_ =	swait.ge [sflag:s17], $0x800  }
0x56: {  	[sflag:s17] =	ssyncset.done $0x0  }
0x57: {  	[sflag:s17] =	ssyncadd.s32 $0xFFFFF800  }
0x58: {  	[tilespmem:s16], [sflag:$0x1] =	stream.indirect.gather [hbm4b:s4+s19], $0x80, s3, s19, $0xb8;
	[tilespmem:$0x1D000] =	vst v63  }
0x59: {  	_ = 	snop  }
0x5a: {  	[tilespmem:s20], [sflag:$0x2] =	stream.indirect.gather [hbm4b:s4+s19], $0x80, s19, s19, $0xb8;
	[tilespmem:$0x1D000] =	vst v63  }
0x5b: {  	_ =	swait.ge [sflag:s21], $0x4000  }
0x5c: {  	[sflag:s21] =	ssyncset.done $0x0  }
0x5d: {  	[sflag:s21] =	ssyncadd.s32 $0xFFFFC000  }
0x5e: {  	[spmem:s2] =	stream.indirect.scatter.add.f32 [tilespmem:s16], [sflag:$0x3], $0x80, s18, s19, $0xb8;
	[tilespmem:$0x1D000] =	vst v63  }
0x5f: {  	_ =	swait.ge [sflag:s17], $0x4000  }
0x60: {  	[sflag:s17] =	ssyncset.done $0x0  }
0x61: {  	s6 =	rddreg [dreg:$0x5];
	[sflag:s17] =	ssyncadd.s32 $0xFFFFC000  }
0x62: {  	[tilespmem:s16], [sflag:$0x1] =	stream.indirect.gather [hbm4b:s4+s19], $0x80, s6, s19, $0xb8;
	[tilespmem:$0x1D000] =	vst v63  }
0x63: {  	_ =	swait.ge [sflag:s22], $0x4000  }
0x64: {  	[sflag:s22] =	ssyncset.done $0x0  }
0x65: {  	s8 =	rddreg [dreg:$0x6];
	[sflag:s22] =	ssyncadd.s32 $0xFFFFC000  }
0x66: {  	[spmem:s2] =	stream.indirect.scatter.add.f32 [tilespmem:s20], [sflag:$0x3], $0x80, s8, s19, $0xb8;
	[tilespmem:$0x1D000] =	vst v63  }
0x67: {  	_ =	swait.ge [sflag:s17], $0x4000  }
0x68: {  	[sflag:s17] =	ssyncset.done $0x0  }
0x69: {  	s9 =	rddreg [dreg:$0x7];
	[sflag:s17] =	ssyncadd.s32 $0xFFFFC000  }
0x6a: {  	[tilespmem:s20], [sflag:$0x2] =	stream.indirect.gather [hbm4b:s4+s19], $0x80, s9, s19, $0xb8;
	[tilespmem:$0x1D000] =	vst v63  }
0x6b: {  	_ =	swait.ge [sflag:s21], $0x4000  }
0x6c: {  	[sflag:s21] =	ssyncset.done $0x0  }
0x6d: {  	s6 =	rddreg [dreg:$0x8];
	[sflag:s21] =	ssyncadd.s32 $0xFFFFC000  }
0x6e: {  	[spmem:s2] =	stream.indirect.scatter.add.f32 [tilespmem:s16], [sflag:$0x3], $0x80, s6, s19, $0xb8;
	[tilespmem:$0x1D000] =	vst v63  }
0x6f: {  	_ =	swait.ge [sflag:s17], $0x4000  }
0x70: {  	[sflag:s17] =	ssyncset.done $0x0  }
0x71: {  	s8 =	rddreg [dreg:$0x9];
	[sflag:s17] =	ssyncadd.s32 $0xFFFFC000  }
0x72: {  	[tilespmem:s16], [sflag:$0x1] =	stream.indirect.gather [hbm4b:s4+s19], $0x80, s8, s19, $0xb8;
	[tilespmem:$0x1D000] =	vst v63  }
0x73: {  	_ =	swait.ge [sflag:s22], $0x4000  }
0x74: {  	[sflag:s22] =	ssyncset.done $0x0  }
0x75: {  	s9 =	rddreg [dreg:$0xa];
	[sflag:s22] =	ssyncadd.s32 $0xFFFFC000  }
0x76: {  	[spmem:s2] =	stream.indirect.scatter.add.f32 [tilespmem:s20], [sflag:$0x3], $0x80, s9, s19, $0xb8;
	[tilespmem:$0x1D000] =	vst v63  }
0x77: {  	_ =	swait.ge [sflag:s17], $0x4000  }
0x78: {  	[sflag:s17] =	ssyncset.done $0x0  }
0x79: {  	s6 =	rddreg [dreg:$0xb];
	[sflag:s17] =	ssyncadd.s32 $0xFFFFC000  }
0x7a: {  	[tilespmem:s20], [sflag:$0x2] =	stream.indirect.gather [hbm4b:s4+s19], $0x80, s6, s19, $0xb8;
	[tilespmem:$0x1D000] =	vst v63  }
0x7b: {  	_ =	swait.ge [sflag:s21], $0x4000  }
0x7c: {  	[sflag:s21] =	ssyncset.done $0x0  }
0x7d: {  	s8 =	rddreg [dreg:$0xc];
	[sflag:s21] =	ssyncadd.s32 $0xFFFFC000  }
0x7e: {  	[spmem:s2] =	stream.indirect.scatter.add.f32 [tilespmem:s16], [sflag:$0x3], $0x80, s8, s19, $0xb8;
	[tilespmem:$0x1D000] =	vst v63  }
0x7f: {  	_ =	swait.ge [sflag:s17], $0x4000  }
0x80: {  	[sflag:s17] =	ssyncset.done $0x0  }
0x81: {  	s9 =	rddreg [dreg:$0xd];
	[sflag:s17] =	ssyncadd.s32 $0xFFFFC000  }
0x82: {  	[tilespmem:s16], [sflag:$0x1] =	stream.indirect.gather [hbm4b:s4+s19], $0x80, s9, s19, $0xb8;
	[tilespmem:$0x1D000] =	vst v63  }
0x83: {  	_ =	swait.ge [sflag:s22], $0x4000  }
0x84: {  	[sflag:s22] =	ssyncset.done $0x0  }
0x85: {  	s6 =	rddreg [dreg:$0xe];
	[sflag:s22] =	ssyncadd.s32 $0xFFFFC000  }
0x86: {  	[spmem:s2] =	stream.indirect.scatter.add.f32 [tilespmem:s20], [sflag:$0x3], $0x80, s6, s19, $0xb8;
	[tilespmem:$0x1D000] =	vst v63  }
0x87: {  	_ =	swait.ge [sflag:s17], $0x4000  }
0x88: {  	[sflag:s17] =	ssyncset.done $0x0  }
0x89: {  	s8 =	rddreg [dreg:$0xf];
	[sflag:s17] =	ssyncadd.s32 $0xFFFFC000  }
0x8a: {  	[tilespmem:s20], [sflag:$0x2] =	stream.indirect.gather [hbm4b:s4+s19], $0x80, s8, s19, $0xb8;
	[tilespmem:$0x1D000] =	vst v63  }
0x8b: {  	_ =	swait.ge [sflag:s21], $0x4000  }
0x8c: {  	[sflag:s21] =	ssyncset.done $0x0  }
0x8d: {  	s9 =	rddreg [dreg:$0x10];
	[sflag:s21] =	ssyncadd.s32 $0xFFFFC000  }
0x8e: {  	[spmem:s2] =	stream.indirect.scatter.add.f32 [tilespmem:s16], [sflag:$0x3], $0x80, s9, s19, $0xb8;
	[tilespmem:$0x1D000] =	vst v63  }
0x8f: {  	_ =	swait.ge [sflag:s17], $0x4000  }
0x90: {  	[sflag:s17] =	ssyncset.done $0x0  }
0x91: {  	[sflag:s17] =	ssyncadd.s32 $0xFFFFC000  }
0x92: {  	[tilespmem:s16], [sflag:$0x1] =	stream.indirect.gather [hbm4b:s4+s19], $0x80, s23, s19, $0xb8;
	[tilespmem:$0x1D000] =	vst v63  }
0x93: {  	_ =	swait.ge [sflag:s22], $0x4000  }
0x94: {  	[sflag:s22] =	ssyncset.done $0x0  }
0x95: {  	[sflag:s22] =	ssyncadd.s32 $0xFFFFC000  }
0x96: {  	[spmem:s2] =	stream.indirect.scatter.add.f32 [tilespmem:s20], [sflag:$0x3], $0x80, s24, s19, $0xb8;
	[tilespmem:$0x1D000] =	vst v63  }
0x97: {  	_ =	swait.ge [sflag:s17], $0x4000  }
0x98: {  	[sflag:s17] =	ssyncset.done $0x0  }
0x99: {  	[sflag:s17] =	ssyncadd.s32 $0xFFFFC000  }
0x9a: {  	[tilespmem:s20], [sflag:$0x2] =	stream.indirect.gather [hbm4b:s4+s19], $0x80, s25, s19, $0xb8;
	[tilespmem:$0x1D000] =	vst v63  }
0x9b: {  	_ =	swait.ge [sflag:s21], $0x4000  }
0x9c: {  	[sflag:s21] =	ssyncset.done $0x0  }
0x9d: {  	[sflag:s21] =	ssyncadd.s32 $0xFFFFC000  }
0x9e: {  	[spmem:s2] =	stream.indirect.scatter.add.f32 [tilespmem:s16], [sflag:$0x3], $0x80, s26, s19, $0xb8;
	[tilespmem:$0x1D000] =	vst v63  }
0x9f: {  	_ =	swait.ge [sflag:s17], $0x4000  }
0xa0: {  	[sflag:s17] =	ssyncset.done $0x0  }
0xa1: {  	[sflag:s17] =	ssyncadd.s32 $0xFFFFC000  }
0xa2: {  	[tilespmem:s16], [sflag:$0x1] =	stream.indirect.gather [hbm4b:s4+s19], $0x80, s28, s19, $0xb8;
	[tilespmem:$0x1D000] =	vst v63  }
0xa3: {  	_ =	swait.ge [sflag:s22], $0x4000  }
0xa4: {  	[sflag:s22] =	ssyncset.done $0x0  }
0xa5: {  	[sflag:s22] =	ssyncadd.s32 $0xFFFFC000  }
0xa6: {  	[spmem:s2] =	stream.indirect.scatter.add.f32 [tilespmem:s20], [sflag:$0x3], $0x80, s29, s19, $0xb8;
	[tilespmem:$0x1D000] =	vst v63  }
0xa7: {  	_ =	swait.ge [sflag:s17], $0x4000  }
0xa8: {  	[sflag:s17] =	ssyncset.done $0x0  }
0xa9: {  	[sflag:s17] =	ssyncadd.s32 $0xFFFFC000  }
0xaa: {  	[tilespmem:s20], [sflag:$0x2] =	stream.indirect.gather [hbm4b:s4+s19], $0x80, s30, s19, $0xb8;
	[tilespmem:$0x1D000] =	vst v63  }
0xab: {  	_ =	swait.ge [sflag:s21], $0x4000  }
0xac: {  	[sflag:s21] =	ssyncset.done $0x0  }
0xad: {  	[sflag:s21] =	ssyncadd.s32 $0xFFFFC000  }
0xae: {  	[spmem:s2] =	stream.indirect.scatter.add.f32 [tilespmem:s16], [sflag:$0x3], $0x80, s31, s19, $0xb8;
	[tilespmem:$0x1D000] =	vst v63  }
0xaf: {  	_ =	swait.ge [sflag:s17], $0x4000  }
0xb0: {  	[sflag:s17] =	ssyncset.done $0x0  }
0xb1: {  	[sflag:s17] =	ssyncadd.s32 $0xFFFFC000  }
0xb2: {  	[tilespmem:s16], [sflag:$0x1] =	stream.indirect.gather [hbm4b:s4+s19], $0x80, s1, s19, $0xb8;
	[tilespmem:$0x1D000] =	vst v63  }
0xb3: {  	_ =	swait.ge [sflag:s22], $0x4000  }
0xb4: {  	[sflag:s22] =	ssyncset.done $0x0  }
0xb5: {  	[sflag:s22] =	ssyncadd.s32 $0xFFFFC000  }
0xb6: {  	[spmem:s2] =	stream.indirect.scatter.add.f32 [tilespmem:s20], [sflag:$0x3], $0x80, s0, s19, $0xb8;
	[tilespmem:$0x1D000] =	vst v63  }
0xb7: {  	_ =	swait.ge [sflag:s17], $0x4000  }
0xb8: {  	[sflag:s17] =	ssyncset.done $0x0  }
0xb9: {  	[sflag:s17] =	ssyncadd.s32 $0xFFFFC000  }
0xba: {  	[tilespmem:s20], [sflag:$0x2] =	stream.indirect.gather [hbm4b:s4+s19], $0x80, s10, s19, $0xb8;
	[tilespmem:$0x1D000] =	vst v63  }
0xbb: {  	_ =	swait.ge [sflag:s21], $0x4000  }
0xbc: {  	[sflag:s21] =	ssyncset.done $0x0  }
0xbd: {  	[sflag:s21] =	ssyncadd.s32 $0xFFFFC000  }
0xbe: {  	[spmem:s2] =	stream.indirect.scatter.add.f32 [tilespmem:s16], [sflag:$0x3], $0x80, s11, s19, $0xb8;
	[tilespmem:$0x1D000] =	vst v63  }
0xbf: {  	_ =	swait.ge [sflag:s17], $0x4000  }
0xc0: {  	[sflag:s17] =	ssyncset.done $0x0  }
0xc1: {  	[sflag:s17] =	ssyncadd.s32 $0xFFFFC000  }
0xc2: {  	[tilespmem:s16], [sflag:$0x1] =	stream.indirect.gather [hbm4b:s4+s19], $0x80, s12, s19, $0xb8;
	[tilespmem:$0x1D000] =	vst v63  }
0xc3: {  	_ =	swait.ge [sflag:s22], $0x4000  }
0xc4: {  	[sflag:s22] =	ssyncset.done $0x0  }
0xc5: {  	[sflag:s22] =	ssyncadd.s32 $0xFFFFC000  }
0xc6: {  	[spmem:s2] =	stream.indirect.scatter.add.f32 [tilespmem:s20], [sflag:$0x3], $0x80, s13, s19, $0xb8;
	[tilespmem:$0x1D000] =	vst v63  }
0xc7: {  	_ =	swait.ge [sflag:s17], $0x4000  }
0xc8: {  	[sflag:s17] =	ssyncset.done $0x0  }
0xc9: {  	[sflag:s17] =	ssyncadd.s32 $0xFFFFC000  }
0xca: {  	[tilespmem:s20], [sflag:$0x2] =	stream.indirect.gather [hbm4b:s4+s19], $0x80, s14, s19, $0xb8;
	[tilespmem:$0x1D000] =	vst v63  }
0xcb: {  	_ =	swait.ge [sflag:s21], $0x4000  }
0xcc: {  	[sflag:s21] =	ssyncset.done $0x0  }
0xcd: {  	[sflag:s21] =	ssyncadd.s32 $0xFFFFC000  }
0xce: {  	[spmem:s2] =	stream.indirect.scatter.add.f32 [tilespmem:s16], [sflag:$0x3], $0x80, s15, s19, $0xb8;
	[tilespmem:$0x1D000] =	vst v63  }
0xcf: {  	_ =	swait.ge [sflag:s17], $0x4000  }
0xd0: {  	[sflag:s17] =	ssyncset.done $0x0  }
0xd1: {  	[sflag:s17] =	ssyncadd.s32 $0xFFFFC000  }
0xd2: {  	_ =	swait.ge [sflag:s22], $0x4000  }
0xd3: {  	[sflag:s22] =	ssyncset.done $0x0  }
0xd4: {  	[sflag:s22] =	ssyncadd.s32 $0xFFFFC000  }
0xd5: {  	[spmem:s2] =	stream.indirect.scatter.add.f32 [tilespmem:s20], [sflag:$0x3], $0x80, s5, s19, $0xb8;
	[tilespmem:$0x1D000] =	vst v63  }
0xd6: {  	s7 =	simm.s32 $0x100;
	_ =	swait.ge [sflag:s17], $0x4000  }
0xd7: {  	s8 =	simm.s32 $0x200;
	s9 =	rddreg [dreg:$0x4];
	[sflag:s17] =	ssyncset.done $0x0  }
.LBB2_4:
0xd8: {  	[sflag:s17] =	ssyncadd.s32 $0xFFFFC000;
	s9 =	sadd.s32 s7, s9  }
0xd9: {  	[tilespmem:s3], [sflag:$0x3] =	stream.linear.gather [hbm4b:s9+s3], $0x800, $0x38;
	[tilespmem:$0x1D000] =	vst v63  }
0xda: {  	_ =	swait.ge [sflag:s17], $0x800  }
0xdb: {  	s9 =	rddreg [dreg:$0x3];
	[sflag:s17] =	ssyncset.done $0x0  }
0xdc: {  	[sflag:s17] =	ssyncadd.s32 $0xFFFFF800;
	s9 =	sadd.s32 s7, s9  }
0xdd: {  	[tilespmem:s18], [sflag:$0x3] =	stream.linear.gather [hbm4b:s9+s3], $0x800, $0x38;
	[tilespmem:$0x1D000] =	vst v63  }
0xde: {  	_ =	swait.ge [sflag:s17], $0x800  }
0xdf: {  	[sflag:s17] =	ssyncset.done $0x0  }
0xe0: {  	[sflag:s17] =	ssyncadd.s32 $0xFFFFF800  }
0xe1: {  	[tilespmem:s16], [sflag:$0x1] =	stream.indirect.gather [hbm4b:s4+s19], $0x80, s3, s19, $0xb8;
	[tilespmem:$0x1D000] =	vst v63  }
0xe2: {  	_ = 	snop  }
0xe3: {  	[tilespmem:s20], [sflag:$0x2] =	stream.indirect.gather [hbm4b:s4+s19], $0x80, s19, s19, $0xb8;
	[tilespmem:$0x1D000] =	vst v63  }
0xe4: {  	_ =	swait.ge [sflag:s21], $0x4000  }
0xe5: {  	[sflag:s21] =	ssyncset.done $0x0  }
0xe6: {  	[sflag:s21] =	ssyncadd.s32 $0xFFFFC000  }
0xe7: {  	[spmem:s2] =	stream.indirect.scatter.add.f32 [tilespmem:s16], [sflag:$0x3], $0x80, s18, s19, $0xb8;
	[tilespmem:$0x1D000] =	vst v63  }
0xe8: {  	_ =	swait.ge [sflag:s17], $0x4000  }
0xe9: {  	[sflag:s17] =	ssyncset.done $0x0  }
0xea: {  	s9 =	rddreg [dreg:$0x5];
	[sflag:s17] =	ssyncadd.s32 $0xFFFFC000  }
0xeb: {  	[tilespmem:s16], [sflag:$0x1] =	stream.indirect.gather [hbm4b:s4+s19], $0x80, s9, s19, $0xb8;
	[tilespmem:$0x1D000] =	vst v63  }
0xec: {  	_ =	swait.ge [sflag:s22], $0x4000  }
0xed: {  	[sflag:s22] =	ssyncset.done $0x0  }
0xee: {  	s9 =	rddreg [dreg:$0x6];
	[sflag:s22] =	ssyncadd.s32 $0xFFFFC000  }
0xef: {  	[spmem:s2] =	stream.indirect.scatter.add.f32 [tilespmem:s20], [sflag:$0x3], $0x80, s9, s19, $0xb8;
	[tilespmem:$0x1D000] =	vst v63  }
0xf0: {  	_ =	swait.ge [sflag:s17], $0x4000  }
0xf1: {  	[sflag:s17] =	ssyncset.done $0x0  }
0xf2: {  	s9 =	rddreg [dreg:$0x7];
	[sflag:s17] =	ssyncadd.s32 $0xFFFFC000  }
0xf3: {  	[tilespmem:s20], [sflag:$0x2] =	stream.indirect.gather [hbm4b:s4+s19], $0x80, s9, s19, $0xb8;
	[tilespmem:$0x1D000] =	vst v63  }
0xf4: {  	_ =	swait.ge [sflag:s21], $0x4000  }
0xf5: {  	[sflag:s21] =	ssyncset.done $0x0  }
0xf6: {  	s9 =	rddreg [dreg:$0x8];
	[sflag:s21] =	ssyncadd.s32 $0xFFFFC000  }
0xf7: {  	[spmem:s2] =	stream.indirect.scatter.add.f32 [tilespmem:s16], [sflag:$0x3], $0x80, s9, s19, $0xb8;
	[tilespmem:$0x1D000] =	vst v63  }
0xf8: {  	_ =	swait.ge [sflag:s17], $0x4000  }
0xf9: {  	[sflag:s17] =	ssyncset.done $0x0  }
0xfa: {  	s9 =	rddreg [dreg:$0x9];
	[sflag:s17] =	ssyncadd.s32 $0xFFFFC000  }
0xfb: {  	[tilespmem:s16], [sflag:$0x1] =	stream.indirect.gather [hbm4b:s4+s19], $0x80, s9, s19, $0xb8;
	[tilespmem:$0x1D000] =	vst v63  }
0xfc: {  	_ =	swait.ge [sflag:s22], $0x4000  }
0xfd: {  	[sflag:s22] =	ssyncset.done $0x0  }
0xfe: {  	s9 =	rddreg [dreg:$0xa];
	[sflag:s22] =	ssyncadd.s32 $0xFFFFC000  }
0xff: {  	[spmem:s2] =	stream.indirect.scatter.add.f32 [tilespmem:s20], [sflag:$0x3], $0x80, s9, s19, $0xb8;
	[tilespmem:$0x1D000] =	vst v63  }
0x100: {  	_ =	swait.ge [sflag:s17], $0x4000  }
0x101: {  	[sflag:s17] =	ssyncset.done $0x0  }
0x102: {  	s9 =	rddreg [dreg:$0xb];
	[sflag:s17] =	ssyncadd.s32 $0xFFFFC000  }
0x103: {  	[tilespmem:s20], [sflag:$0x2] =	stream.indirect.gather [hbm4b:s4+s19], $0x80, s9, s19, $0xb8;
	[tilespmem:$0x1D000] =	vst v63  }
0x104: {  	_ =	swait.ge [sflag:s21], $0x4000  }
0x105: {  	[sflag:s21] =	ssyncset.done $0x0  }
0x106: {  	s9 =	rddreg [dreg:$0xc];
	[sflag:s21] =	ssyncadd.s32 $0xFFFFC000  }
0x107: {  	[spmem:s2] =	stream.indirect.scatter.add.f32 [tilespmem:s16], [sflag:$0x3], $0x80, s9, s19, $0xb8;
	[tilespmem:$0x1D000] =	vst v63  }
0x108: {  	_ =	swait.ge [sflag:s17], $0x4000  }
0x109: {  	[sflag:s17] =	ssyncset.done $0x0  }
0x10a: {  	s9 =	rddreg [dreg:$0xd];
	[sflag:s17] =	ssyncadd.s32 $0xFFFFC000  }
0x10b: {  	[tilespmem:s16], [sflag:$0x1] =	stream.indirect.gather [hbm4b:s4+s19], $0x80, s9, s19, $0xb8;
	[tilespmem:$0x1D000] =	vst v63  }
0x10c: {  	_ =	swait.ge [sflag:s22], $0x4000  }
0x10d: {  	[sflag:s22] =	ssyncset.done $0x0  }
0x10e: {  	s9 =	rddreg [dreg:$0xe];
	[sflag:s22] =	ssyncadd.s32 $0xFFFFC000  }
0x10f: {  	[spmem:s2] =	stream.indirect.scatter.add.f32 [tilespmem:s20], [sflag:$0x3], $0x80, s9, s19, $0xb8;
	[tilespmem:$0x1D000] =	vst v63  }
0x110: {  	_ =	swait.ge [sflag:s17], $0x4000  }
0x111: {  	[sflag:s17] =	ssyncset.done $0x0  }
0x112: {  	s9 =	rddreg [dreg:$0xf];
	[sflag:s17] =	ssyncadd.s32 $0xFFFFC000  }
0x113: {  	[tilespmem:s20], [sflag:$0x2] =	stream.indirect.gather [hbm4b:s4+s19], $0x80, s9, s19, $0xb8;
	[tilespmem:$0x1D000] =	vst v63  }
0x114: {  	_ =	swait.ge [sflag:s21], $0x4000  }
0x115: {  	[sflag:s21] =	ssyncset.done $0x0  }
0x116: {  	s9 =	rddreg [dreg:$0x10];
	[sflag:s21] =	ssyncadd.s32 $0xFFFFC000  }
0x117: {  	[spmem:s2] =	stream.indirect.scatter.add.f32 [tilespmem:s16], [sflag:$0x3], $0x80, s9, s19, $0xb8;
	[tilespmem:$0x1D000] =	vst v63  }
0x118: {  	_ =	swait.ge [sflag:s17], $0x4000  }
0x119: {  	[sflag:s17] =	ssyncset.done $0x0  }
0x11a: {  	[sflag:s17] =	ssyncadd.s32 $0xFFFFC000  }
0x11b: {  	[tilespmem:s16], [sflag:$0x1] =	stream.indirect.gather [hbm4b:s4+s19], $0x80, s23, s19, $0xb8;
	[tilespmem:$0x1D000] =	vst v63  }
0x11c: {  	_ =	swait.ge [sflag:s22], $0x4000  }
0x11d: {  	[sflag:s22] =	ssyncset.done $0x0  }
0x11e: {  	[sflag:s22] =	ssyncadd.s32 $0xFFFFC000  }
0x11f: {  	[spmem:s2] =	stream.indirect.scatter.add.f32 [tilespmem:s20], [sflag:$0x3], $0x80, s24, s19, $0xb8;
	[tilespmem:$0x1D000] =	vst v63  }
0x120: {  	_ =	swait.ge [sflag:s17], $0x4000  }
0x121: {  	[sflag:s17] =	ssyncset.done $0x0  }
0x122: {  	[sflag:s17] =	ssyncadd.s32 $0xFFFFC000  }
0x123: {  	[tilespmem:s20], [sflag:$0x2] =	stream.indirect.gather [hbm4b:s4+s19], $0x80, s25, s19, $0xb8;
	[tilespmem:$0x1D000] =	vst v63  }
0x124: {  	_ =	swait.ge [sflag:s21], $0x4000  }
0x125: {  	[sflag:s21] =	ssyncset.done $0x0  }
0x126: {  	[sflag:s21] =	ssyncadd.s32 $0xFFFFC000  }
0x127: {  	[spmem:s2] =	stream.indirect.scatter.add.f32 [tilespmem:s16], [sflag:$0x3], $0x80, s26, s19, $0xb8;
	[tilespmem:$0x1D000] =	vst v63  }
0x128: {  	_ =	swait.ge [sflag:s17], $0x4000  }
0x129: {  	[sflag:s17] =	ssyncset.done $0x0  }
0x12a: {  	[sflag:s17] =	ssyncadd.s32 $0xFFFFC000  }
0x12b: {  	[tilespmem:s16], [sflag:$0x1] =	stream.indirect.gather [hbm4b:s4+s19], $0x80, s28, s19, $0xb8;
	[tilespmem:$0x1D000] =	vst v63  }
0x12c: {  	_ =	swait.ge [sflag:s22], $0x4000  }
0x12d: {  	[sflag:s22] =	ssyncset.done $0x0  }
0x12e: {  	[sflag:s22] =	ssyncadd.s32 $0xFFFFC000  }
0x12f: {  	[spmem:s2] =	stream.indirect.scatter.add.f32 [tilespmem:s20], [sflag:$0x3], $0x80, s29, s19, $0xb8;
	[tilespmem:$0x1D000] =	vst v63  }
0x130: {  	_ =	swait.ge [sflag:s17], $0x4000  }
0x131: {  	[sflag:s17] =	ssyncset.done $0x0  }
0x132: {  	[sflag:s17] =	ssyncadd.s32 $0xFFFFC000  }
0x133: {  	[tilespmem:s20], [sflag:$0x2] =	stream.indirect.gather [hbm4b:s4+s19], $0x80, s30, s19, $0xb8;
	[tilespmem:$0x1D000] =	vst v63  }
0x134: {  	_ =	swait.ge [sflag:s21], $0x4000  }
0x135: {  	[sflag:s21] =	ssyncset.done $0x0  }
0x136: {  	[sflag:s21] =	ssyncadd.s32 $0xFFFFC000  }
0x137: {  	[spmem:s2] =	stream.indirect.scatter.add.f32 [tilespmem:s16], [sflag:$0x3], $0x80, s31, s19, $0xb8;
	[tilespmem:$0x1D000] =	vst v63  }
0x138: {  	_ =	swait.ge [sflag:s17], $0x4000  }
0x139: {  	[sflag:s17] =	ssyncset.done $0x0  }
0x13a: {  	[sflag:s17] =	ssyncadd.s32 $0xFFFFC000  }
0x13b: {  	[tilespmem:s16], [sflag:$0x1] =	stream.indirect.gather [hbm4b:s4+s19], $0x80, s1, s19, $0xb8;
	[tilespmem:$0x1D000] =	vst v63  }
0x13c: {  	_ =	swait.ge [sflag:s22], $0x4000  }
0x13d: {  	[sflag:s22] =	ssyncset.done $0x0  }
0x13e: {  	[sflag:s22] =	ssyncadd.s32 $0xFFFFC000  }
0x13f: {  	[spmem:s2] =	stream.indirect.scatter.add.f32 [tilespmem:s20], [sflag:$0x3], $0x80, s0, s19, $0xb8;
	[tilespmem:$0x1D000] =	vst v63  }
0x140: {  	_ =	swait.ge [sflag:s17], $0x4000  }
0x141: {  	[sflag:s17] =	ssyncset.done $0x0  }
0x142: {  	[sflag:s17] =	ssyncadd.s32 $0xFFFFC000  }
0x143: {  	[tilespmem:s20], [sflag:$0x2] =	stream.indirect.gather [hbm4b:s4+s19], $0x80, s10, s19, $0xb8;
	[tilespmem:$0x1D000] =	vst v63  }
0x144: {  	_ =	swait.ge [sflag:s21], $0x4000  }
0x145: {  	[sflag:s21] =	ssyncset.done $0x0  }
0x146: {  	[sflag:s21] =	ssyncadd.s32 $0xFFFFC000  }
0x147: {  	[spmem:s2] =	stream.indirect.scatter.add.f32 [tilespmem:s16], [sflag:$0x3], $0x80, s11, s19, $0xb8;
	[tilespmem:$0x1D000] =	vst v63  }
0x148: {  	_ =	swait.ge [sflag:s17], $0x4000  }
0x149: {  	[sflag:s17] =	ssyncset.done $0x0  }
0x14a: {  	[sflag:s17] =	ssyncadd.s32 $0xFFFFC000  }
0x14b: {  	[tilespmem:s16], [sflag:$0x1] =	stream.indirect.gather [hbm4b:s4+s19], $0x80, s12, s19, $0xb8;
	[tilespmem:$0x1D000] =	vst v63  }
0x14c: {  	_ =	swait.ge [sflag:s22], $0x4000  }
0x14d: {  	[sflag:s22] =	ssyncset.done $0x0  }
0x14e: {  	[sflag:s22] =	ssyncadd.s32 $0xFFFFC000  }
0x14f: {  	[spmem:s2] =	stream.indirect.scatter.add.f32 [tilespmem:s20], [sflag:$0x3], $0x80, s13, s19, $0xb8;
	[tilespmem:$0x1D000] =	vst v63  }
0x150: {  	_ =	swait.ge [sflag:s17], $0x4000  }
0x151: {  	[sflag:s17] =	ssyncset.done $0x0  }
0x152: {  	[sflag:s17] =	ssyncadd.s32 $0xFFFFC000  }
0x153: {  	[tilespmem:s20], [sflag:$0x2] =	stream.indirect.gather [hbm4b:s4+s19], $0x80, s14, s19, $0xb8;
	[tilespmem:$0x1D000] =	vst v63  }
0x154: {  	_ =	swait.ge [sflag:s21], $0x4000  }
0x155: {  	[sflag:s21] =	ssyncset.done $0x0  }
0x156: {  	[sflag:s21] =	ssyncadd.s32 $0xFFFFC000  }
0x157: {  	[spmem:s2] =	stream.indirect.scatter.add.f32 [tilespmem:s16], [sflag:$0x3], $0x80, s15, s19, $0xb8;
	[tilespmem:$0x1D000] =	vst v63  }
0x158: {  	_ =	swait.ge [sflag:s17], $0x4000  }
0x159: {  	[sflag:s17] =	ssyncset.done $0x0  }
0x15a: {  	[sflag:s17] =	ssyncadd.s32 $0xFFFFC000  }
0x15b: {  	p0 =	sne.s32 s8, $0x400;
	_ =	swait.ge [sflag:s22], $0x4000  }
.Ltmp1:
0x15c: {  	[sflag:s22] =	ssyncset.done $0x0;
	(pc) =	sbr.rel @p0 .LBB2_4-.Ltmp1, $4  }
0x15d: {  	[sflag:s22] =	ssyncadd.s32 $0xFFFFC000  }
0x15e: {  	[spmem:s2] =	stream.indirect.scatter.add.f32 [tilespmem:s20], [sflag:$0x3], $0x80, s5, s19, $0xb8;
	[tilespmem:$0x1D000] =	vst v63  }
0x15f: {  	s6 =	smov.u32 s8;
	s8 =	sadd.s32 $0x100, s8;
	_ =	swait.ge [sflag:s17], $0x4000  }
0x160: {  	s7 =	smov.u32 s6;
	s9 =	rddreg [dreg:$0x4];
	[sflag:s17] =	ssyncset.done $0x0  }
0x161: {  	[sflag:s17] =	ssyncadd.s32 $0xFFFFC000;
	s6 =	sadd.s32 s7, s9  }
0x162: {  	[tilespmem:s3], [sflag:$0x3] =	stream.linear.gather [hbm4b:s6+s3], $0x800, $0x38;
	[tilespmem:$0x1D000] =	vst v63  }
0x163: {  	_ =	swait.ge [sflag:s17], $0x800  }
0x164: {  	s9 =	rddreg [dreg:$0x3];
	[sflag:s17] =	ssyncset.done $0x0  }
0x165: {  	s6 =	sadd.s32 s7, s9;
	[sflag:s17] =	ssyncadd.s32 $0xFFFFF800  }
0x166: {  	[tilespmem:s18], [sflag:$0x3] =	stream.linear.gather [hbm4b:s6+s3], $0x800, $0x38;
	[tilespmem:$0x1D000] =	vst v63  }
0x167: {  	_ =	swait.ge [sflag:s17], $0x800  }
0x168: {  	[sflag:s17] =	ssyncset.done $0x0  }
0x169: {  	[sflag:s17] =	ssyncadd.s32 $0xFFFFF800  }
0x16a: {  	[tilespmem:s16], [sflag:$0x1] =	stream.indirect.gather [hbm4b:s4+s19], $0x80, s3, s19, $0xb8;
	[tilespmem:$0x1D000] =	vst v63  }
0x16b: {  	_ = 	snop  }
0x16c: {  	[tilespmem:s20], [sflag:$0x2] =	stream.indirect.gather [hbm4b:s4+s19], $0x80, s19, s19, $0xb8;
	[tilespmem:$0x1D000] =	vst v63  }
0x16d: {  	_ =	swait.ge [sflag:s21], $0x4000  }
0x16e: {  	[sflag:s21] =	ssyncset.done $0x0  }
0x16f: {  	[sflag:s21] =	ssyncadd.s32 $0xFFFFC000  }
0x170: {  	[spmem:s2] =	stream.indirect.scatter.add.f32 [tilespmem:s16], [sflag:$0x3], $0x80, s18, s19, $0xb8;
	[tilespmem:$0x1D000] =	vst v63  }
0x171: {  	_ =	swait.ge [sflag:s17], $0x4000  }
0x172: {  	[sflag:s17] =	ssyncset.done $0x0  }
0x173: {  	s7 =	rddreg [dreg:$0x5];
	[sflag:s17] =	ssyncadd.s32 $0xFFFFC000  }
0x174: {  	[tilespmem:s16], [sflag:$0x1] =	stream.indirect.gather [hbm4b:s4+s19], $0x80, s7, s19, $0xb8;
	[tilespmem:$0x1D000] =	vst v63  }
0x175: {  	_ =	swait.ge [sflag:s22], $0x4000  }
0x176: {  	[sflag:s22] =	ssyncset.done $0x0  }
0x177: {  	s8 =	rddreg [dreg:$0x6];
	[sflag:s22] =	ssyncadd.s32 $0xFFFFC000  }
0x178: {  	[spmem:s2] =	stream.indirect.scatter.add.f32 [tilespmem:s20], [sflag:$0x3], $0x80, s8, s19, $0xb8;
	[tilespmem:$0x1D000] =	vst v63  }
0x179: {  	_ =	swait.ge [sflag:s17], $0x4000  }
0x17a: {  	[sflag:s17] =	ssyncset.done $0x0  }
0x17b: {  	s9 =	rddreg [dreg:$0x7];
	[sflag:s17] =	ssyncadd.s32 $0xFFFFC000  }
0x17c: {  	[tilespmem:s20], [sflag:$0x2] =	stream.indirect.gather [hbm4b:s4+s19], $0x80, s9, s19, $0xb8;
	[tilespmem:$0x1D000] =	vst v63  }
0x17d: {  	_ =	swait.ge [sflag:s21], $0x4000  }
0x17e: {  	[sflag:s21] =	ssyncset.done $0x0  }
0x17f: {  	s7 =	rddreg [dreg:$0x8];
	[sflag:s21] =	ssyncadd.s32 $0xFFFFC000  }
0x180: {  	[spmem:s2] =	stream.indirect.scatter.add.f32 [tilespmem:s16], [sflag:$0x3], $0x80, s7, s19, $0xb8;
	[tilespmem:$0x1D000] =	vst v63  }
0x181: {  	_ =	swait.ge [sflag:s17], $0x4000  }
0x182: {  	[sflag:s17] =	ssyncset.done $0x0  }
0x183: {  	s8 =	rddreg [dreg:$0x9];
	[sflag:s17] =	ssyncadd.s32 $0xFFFFC000  }
0x184: {  	[tilespmem:s16], [sflag:$0x1] =	stream.indirect.gather [hbm4b:s4+s19], $0x80, s8, s19, $0xb8;
	[tilespmem:$0x1D000] =	vst v63  }
0x185: {  	_ =	swait.ge [sflag:s22], $0x4000  }
0x186: {  	[sflag:s22] =	ssyncset.done $0x0  }
0x187: {  	s9 =	rddreg [dreg:$0xa];
	[sflag:s22] =	ssyncadd.s32 $0xFFFFC000  }
0x188: {  	[spmem:s2] =	stream.indirect.scatter.add.f32 [tilespmem:s20], [sflag:$0x3], $0x80, s9, s19, $0xb8;
	[tilespmem:$0x1D000] =	vst v63  }
0x189: {  	_ =	swait.ge [sflag:s17], $0x4000  }
0x18a: {  	[sflag:s17] =	ssyncset.done $0x0  }
0x18b: {  	s7 =	rddreg [dreg:$0xb];
	[sflag:s17] =	ssyncadd.s32 $0xFFFFC000  }
0x18c: {  	[tilespmem:s20], [sflag:$0x2] =	stream.indirect.gather [hbm4b:s4+s19], $0x80, s7, s19, $0xb8;
	[tilespmem:$0x1D000] =	vst v63  }
0x18d: {  	_ =	swait.ge [sflag:s21], $0x4000  }
0x18e: {  	[sflag:s21] =	ssyncset.done $0x0  }
0x18f: {  	s8 =	rddreg [dreg:$0xc];
	[sflag:s21] =	ssyncadd.s32 $0xFFFFC000  }
0x190: {  	[spmem:s2] =	stream.indirect.scatter.add.f32 [tilespmem:s16], [sflag:$0x3], $0x80, s8, s19, $0xb8;
	[tilespmem:$0x1D000] =	vst v63  }
0x191: {  	_ =	swait.ge [sflag:s17], $0x4000  }
0x192: {  	[sflag:s17] =	ssyncset.done $0x0  }
0x193: {  	s9 =	rddreg [dreg:$0xd];
	[sflag:s17] =	ssyncadd.s32 $0xFFFFC000  }
0x194: {  	[tilespmem:s16], [sflag:$0x1] =	stream.indirect.gather [hbm4b:s4+s19], $0x80, s9, s19, $0xb8;
	[tilespmem:$0x1D000] =	vst v63  }
0x195: {  	_ =	swait.ge [sflag:s22], $0x4000  }
0x196: {  	[sflag:s22] =	ssyncset.done $0x0  }
0x197: {  	s7 =	rddreg [dreg:$0xe];
	[sflag:s22] =	ssyncadd.s32 $0xFFFFC000  }
0x198: {  	[spmem:s2] =	stream.indirect.scatter.add.f32 [tilespmem:s20], [sflag:$0x3], $0x80, s7, s19, $0xb8;
	[tilespmem:$0x1D000] =	vst v63  }
0x199: {  	_ =	swait.ge [sflag:s17], $0x4000  }
0x19a: {  	[sflag:s17] =	ssyncset.done $0x0  }
0x19b: {  	s8 =	rddreg [dreg:$0xf];
	[sflag:s17] =	ssyncadd.s32 $0xFFFFC000  }
0x19c: {  	[tilespmem:s20], [sflag:$0x2] =	stream.indirect.gather [hbm4b:s4+s19], $0x80, s8, s19, $0xb8;
	[tilespmem:$0x1D000] =	vst v63  }
0x19d: {  	_ =	swait.ge [sflag:s21], $0x4000  }
0x19e: {  	[sflag:s21] =	ssyncset.done $0x0  }
0x19f: {  	s9 =	rddreg [dreg:$0x10];
	[sflag:s21] =	ssyncadd.s32 $0xFFFFC000  }
0x1a0: {  	[spmem:s2] =	stream.indirect.scatter.add.f32 [tilespmem:s16], [sflag:$0x3], $0x80, s9, s19, $0xb8;
	[tilespmem:$0x1D000] =	vst v63  }
0x1a1: {  	_ =	swait.ge [sflag:s17], $0x4000  }
0x1a2: {  	[sflag:s17] =	ssyncset.done $0x0  }
0x1a3: {  	[sflag:s17] =	ssyncadd.s32 $0xFFFFC000  }
0x1a4: {  	[tilespmem:s16], [sflag:$0x1] =	stream.indirect.gather [hbm4b:s4+s19], $0x80, s23, s19, $0xb8;
	[tilespmem:$0x1D000] =	vst v63  }
0x1a5: {  	_ =	swait.ge [sflag:s22], $0x4000  }
0x1a6: {  	[sflag:s22] =	ssyncset.done $0x0  }
0x1a7: {  	[sflag:s22] =	ssyncadd.s32 $0xFFFFC000  }
0x1a8: {  	[spmem:s2] =	stream.indirect.scatter.add.f32 [tilespmem:s20], [sflag:$0x3], $0x80, s24, s19, $0xb8;
	[tilespmem:$0x1D000] =	vst v63  }
0x1a9: {  	_ =	swait.ge [sflag:s17], $0x4000  }
0x1aa: {  	[sflag:s17] =	ssyncset.done $0x0  }
0x1ab: {  	[sflag:s17] =	ssyncadd.s32 $0xFFFFC000  }
0x1ac: {  	[tilespmem:s20], [sflag:$0x2] =	stream.indirect.gather [hbm4b:s4+s19], $0x80, s25, s19, $0xb8;
	[tilespmem:$0x1D000] =	vst v63  }
0x1ad: {  	_ =	swait.ge [sflag:s21], $0x4000  }
0x1ae: {  	[sflag:s21] =	ssyncset.done $0x0  }
0x1af: {  	[sflag:s21] =	ssyncadd.s32 $0xFFFFC000  }
0x1b0: {  	[spmem:s2] =	stream.indirect.scatter.add.f32 [tilespmem:s16], [sflag:$0x3], $0x80, s26, s19, $0xb8;
	[tilespmem:$0x1D000] =	vst v63  }
0x1b1: {  	_ =	swait.ge [sflag:s17], $0x4000  }
0x1b2: {  	[sflag:s17] =	ssyncset.done $0x0  }
0x1b3: {  	[sflag:s17] =	ssyncadd.s32 $0xFFFFC000  }
0x1b4: {  	[tilespmem:s16], [sflag:$0x1] =	stream.indirect.gather [hbm4b:s4+s19], $0x80, s28, s19, $0xb8;
	[tilespmem:$0x1D000] =	vst v63  }
0x1b5: {  	_ =	swait.ge [sflag:s22], $0x4000  }
0x1b6: {  	[sflag:s22] =	ssyncset.done $0x0  }
0x1b7: {  	[sflag:s22] =	ssyncadd.s32 $0xFFFFC000  }
0x1b8: {  	[spmem:s2] =	stream.indirect.scatter.add.f32 [tilespmem:s20], [sflag:$0x3], $0x80, s29, s19, $0xb8;
	[tilespmem:$0x1D000] =	vst v63  }
0x1b9: {  	_ =	swait.ge [sflag:s17], $0x4000  }
0x1ba: {  	[sflag:s17] =	ssyncset.done $0x0  }
0x1bb: {  	[sflag:s17] =	ssyncadd.s32 $0xFFFFC000  }
0x1bc: {  	[tilespmem:s20], [sflag:$0x2] =	stream.indirect.gather [hbm4b:s4+s19], $0x80, s30, s19, $0xb8;
	[tilespmem:$0x1D000] =	vst v63  }
0x1bd: {  	_ =	swait.ge [sflag:s21], $0x4000  }
0x1be: {  	[sflag:s21] =	ssyncset.done $0x0  }
0x1bf: {  	[sflag:s21] =	ssyncadd.s32 $0xFFFFC000  }
0x1c0: {  	[spmem:s2] =	stream.indirect.scatter.add.f32 [tilespmem:s16], [sflag:$0x3], $0x80, s31, s19, $0xb8;
	[tilespmem:$0x1D000] =	vst v63  }
0x1c1: {  	_ =	swait.ge [sflag:s17], $0x4000  }
0x1c2: {  	[sflag:s17] =	ssyncset.done $0x0  }
0x1c3: {  	[sflag:s17] =	ssyncadd.s32 $0xFFFFC000  }
0x1c4: {  	[tilespmem:s16], [sflag:$0x1] =	stream.indirect.gather [hbm4b:s4+s19], $0x80, s1, s19, $0xb8;
	[tilespmem:$0x1D000] =	vst v63  }
0x1c5: {  	_ =	swait.ge [sflag:s22], $0x4000  }
0x1c6: {  	[sflag:s22] =	ssyncset.done $0x0  }
0x1c7: {  	[sflag:s22] =	ssyncadd.s32 $0xFFFFC000  }
0x1c8: {  	[spmem:s2] =	stream.indirect.scatter.add.f32 [tilespmem:s20], [sflag:$0x3], $0x80, s0, s19, $0xb8;
	[tilespmem:$0x1D000] =	vst v63  }
0x1c9: {  	_ =	swait.ge [sflag:s17], $0x4000  }
0x1ca: {  	[sflag:s17] =	ssyncset.done $0x0  }
0x1cb: {  	[sflag:s17] =	ssyncadd.s32 $0xFFFFC000  }
0x1cc: {  	[tilespmem:s20], [sflag:$0x2] =	stream.indirect.gather [hbm4b:s4+s19], $0x80, s10, s19, $0xb8;
	[tilespmem:$0x1D000] =	vst v63  }
0x1cd: {  	_ =	swait.ge [sflag:s21], $0x4000  }
0x1ce: {  	[sflag:s21] =	ssyncset.done $0x0  }
0x1cf: {  	[sflag:s21] =	ssyncadd.s32 $0xFFFFC000  }
0x1d0: {  	[spmem:s2] =	stream.indirect.scatter.add.f32 [tilespmem:s16], [sflag:$0x3], $0x80, s11, s19, $0xb8;
	[tilespmem:$0x1D000] =	vst v63  }
0x1d1: {  	_ =	swait.ge [sflag:s17], $0x4000  }
0x1d2: {  	[sflag:s17] =	ssyncset.done $0x0  }
0x1d3: {  	[sflag:s17] =	ssyncadd.s32 $0xFFFFC000  }
0x1d4: {  	[tilespmem:s16], [sflag:$0x1] =	stream.indirect.gather [hbm4b:s4+s19], $0x80, s12, s19, $0xb8;
	[tilespmem:$0x1D000] =	vst v63  }
0x1d5: {  	_ =	swait.ge [sflag:s22], $0x4000  }
0x1d6: {  	[sflag:s22] =	ssyncset.done $0x0  }
0x1d7: {  	[sflag:s22] =	ssyncadd.s32 $0xFFFFC000  }
0x1d8: {  	[spmem:s2] =	stream.indirect.scatter.add.f32 [tilespmem:s20], [sflag:$0x3], $0x80, s13, s19, $0xb8;
	[tilespmem:$0x1D000] =	vst v63  }
0x1d9: {  	_ =	swait.ge [sflag:s17], $0x4000  }
0x1da: {  	[sflag:s17] =	ssyncset.done $0x0  }
0x1db: {  	[sflag:s17] =	ssyncadd.s32 $0xFFFFC000  }
0x1dc: {  	[tilespmem:s20], [sflag:$0x2] =	stream.indirect.gather [hbm4b:s4+s19], $0x80, s14, s19, $0xb8;
	[tilespmem:$0x1D000] =	vst v63  }
0x1dd: {  	_ =	swait.ge [sflag:s21], $0x4000  }
0x1de: {  	[sflag:s21] =	ssyncset.done $0x0  }
0x1df: {  	[sflag:s21] =	ssyncadd.s32 $0xFFFFC000  }
0x1e0: {  	[spmem:s2] =	stream.indirect.scatter.add.f32 [tilespmem:s16], [sflag:$0x3], $0x80, s15, s19, $0xb8;
	[tilespmem:$0x1D000] =	vst v63  }
0x1e1: {  	_ =	swait.ge [sflag:s17], $0x4000  }
0x1e2: {  	[sflag:s17] =	ssyncset.done $0x0  }
0x1e3: {  	[sflag:s17] =	ssyncadd.s32 $0xFFFFC000  }
0x1e4: {  	_ =	swait.ge [sflag:s22], $0x4000  }
0x1e5: {  	[sflag:s22] =	ssyncset.done $0x0  }
0x1e6: {  	[sflag:s22] =	ssyncadd.s32 $0xFFFFC000  }
0x1e7: {  	[spmem:s2] =	stream.indirect.scatter.add.f32 [tilespmem:s20], [sflag:$0x3], $0x80, s5, s19, $0xb8;
	[tilespmem:$0x1D000] =	vst v63  }
0x1e8: {  	_ =	swait.ge [sflag:s17], $0x4000  }
0x1e9: {  	[sflag:s17] =	ssyncset.done $0x0  }
0x1ea: {  	[sflag:s17] =	ssyncadd.s32 $0xFFFFC000  }
0x1eb: {  	[bflag:$0x0] =	sbarrier.arrive $0xFFFF  }
0x1ec: {  	s7 =	rddreg [dreg:$0x11]  }
0x1ed: {  	[tilespmem:s16], [sflag:$0x3] =	stream.linear.gather [spmem:s7], $0x4000, $0x38;
	[tilespmem:$0x1D000] =	vst v63  }
0x1ee: {  	_ =	swait.ge [sflag:s17], $0x4000  }
0x1ef: {  	[sflag:s17] =	ssyncset.done $0x0  }
0x1f0: {  	s8 =	rddreg [dreg:$0x16];
	[sflag:s17] =	ssyncadd.s32 $0xFFFFC000  }
0x1f1: {  	[hbm4b:s8+s3] =	stream.linear.scatter [tilespmem:s16], [sflag:$0x3], $0x4000, $0x38;
	[tilespmem:$0x1D000] =	vst v63  }
0x1f2: {  	_ =	swait.ge [sflag:s17], $0x4000  }
0x1f3: {  	[sflag:s17] =	ssyncset.done $0x0  }
0x1f4: {  	s9 =	rddreg [dreg:$0x12];
	[sflag:s17] =	ssyncadd.s32 $0xFFFFC000  }
0x1f5: {  	[tilespmem:s16], [sflag:$0x3] =	stream.linear.gather [spmem:s9], $0x4000, $0x38;
	[tilespmem:$0x1D000] =	vst v63  }
0x1f6: {  	_ =	swait.ge [sflag:s17], $0x4000  }
0x1f7: {  	[sflag:s17] =	ssyncset.done $0x0  }
0x1f8: {  	s7 =	rddreg [dreg:$0x17];
	[sflag:s17] =	ssyncadd.s32 $0xFFFFC000  }
0x1f9: {  	[hbm4b:s7+s3] =	stream.linear.scatter [tilespmem:s16], [sflag:$0x3], $0x4000, $0x38;
	[tilespmem:$0x1D000] =	vst v63  }
0x1fa: {  	_ =	swait.ge [sflag:s17], $0x4000  }
0x1fb: {  	[sflag:s17] =	ssyncset.done $0x0  }
0x1fc: {  	s8 =	rddreg [dreg:$0x13];
	[sflag:s17] =	ssyncadd.s32 $0xFFFFC000  }
0x1fd: {  	[tilespmem:s16], [sflag:$0x3] =	stream.linear.gather [spmem:s8], $0x4000, $0x38;
	[tilespmem:$0x1D000] =	vst v63  }
0x1fe: {  	_ =	swait.ge [sflag:s17], $0x4000  }
0x1ff: {  	[sflag:s17] =	ssyncset.done $0x0  }
0x200: {  	s9 =	rddreg [dreg:$0x18];
	[sflag:s17] =	ssyncadd.s32 $0xFFFFC000  }
0x201: {  	[hbm4b:s9+s3] =	stream.linear.scatter [tilespmem:s16], [sflag:$0x3], $0x4000, $0x38;
	[tilespmem:$0x1D000] =	vst v63  }
0x202: {  	_ =	swait.ge [sflag:s17], $0x4000  }
0x203: {  	[sflag:s17] =	ssyncset.done $0x0  }
0x204: {  	s7 =	rddreg [dreg:$0x14];
	[sflag:s17] =	ssyncadd.s32 $0xFFFFC000  }
0x205: {  	[tilespmem:s16], [sflag:$0x3] =	stream.linear.gather [spmem:s7], $0x4000, $0x38;
	[tilespmem:$0x1D000] =	vst v63  }
0x206: {  	_ =	swait.ge [sflag:s17], $0x4000  }
0x207: {  	[sflag:s17] =	ssyncset.done $0x0  }
0x208: {  	s8 =	rddreg [dreg:$0x19];
	[sflag:s17] =	ssyncadd.s32 $0xFFFFC000  }
0x209: {  	[hbm4b:s8+s3] =	stream.linear.scatter [tilespmem:s16], [sflag:$0x3], $0x4000, $0x38;
	[tilespmem:$0x1D000] =	vst v63  }
0x20a: {  	_ =	swait.ge [sflag:s17], $0x4000  }
0x20b: {  	[sflag:s17] =	ssyncset.done $0x0  }
0x20c: {  	s9 =	rddreg [dreg:$0x15];
	[sflag:s17] =	ssyncadd.s32 $0xFFFFC000  }
0x20d: {  	[tilespmem:s16], [sflag:$0x3] =	stream.linear.gather [spmem:s9], $0x4000, $0x38;
	[tilespmem:$0x1D000] =	vst v63  }
0x20e: {  	_ =	swait.ge [sflag:s17], $0x4000  }
0x20f: {  	[sflag:s17] =	ssyncset.done $0x0  }
0x210: {  	s7 =	rddreg [dreg:$0x1a];
	[sflag:s17] =	ssyncadd.s32 $0xFFFFC000  }
0x211: {  	[hbm4b:s7+s3] =	stream.linear.scatter [tilespmem:s16], [sflag:$0x3], $0x4000, $0x38;
	[tilespmem:$0x1D000] =	vst v63  }
0x212: {  	_ =	swait.ge [sflag:s17], $0x4000  }
0x213: {  	s8 =	rddreg [dreg:$0x1c]  }
0x214: {  	s9 =	rddreg [dreg:$0x1b];
	s7 =	sadd.s32 $0x1, s8  }
0x215: {  	p0 =	sne.s32 s7, s9  }
.Ltmp2:
0x216: {  	_ = 	snop;
	(pc) =	sbr.rel @p0 .LBB2_1-.Ltmp2, $3  }
0x217: {  	_ =	sdelay $0x1  }
0x218: {  	[sflag:s17] =	ssyncset.done $0x0  }
0x219: {  	[sflag:s17] =	ssyncadd.s32 $0xFFFFC000  }
0x21a: {  	_ =	sfence.sel $0x180000  }
0x21b: {  	[bflag:$0x0] =	sbarrier.arrive $0xFFFF  }
0x21c: {  	_ =	strace $0x90000050  }
0x21d: {  	s0 =	stileid.u32;
	[bflag:$0x2] =	sbarrier.arrive $0xFFFF  }
0x21e: {  	p0 =	sne.s32 s0, $0x0;
	s0 =	rddreg [dreg:$0x2]  }
0x21f: {  	s0 =	sadd.s32 @!p0 $0x100000, s0  }
0x220: {  	[sflag:s0] =	ssyncadd.tile.s32 @!p0 $0x1;
	_ =	shalt  }
.Lfunc_end2:
_tile_overlayer_lowered:
.L_overlay_start_2:
0x221: {  	(tag) =	ssettag $0x2  }
0x222: {  	s0 =	rddreg [dreg:$0x0];
	s2 =	stileid.u32  }
0x223: {  	s1 =	rddreg [dreg:$0x1];
	p0 =	sne.s32 s2, $0x0  }
0x224: {  	s3 =	rddreg [dreg:$0x2];
	[bflag:$0x3] =	sbarrier.arrive $0xFFFF;
	s2 =	simm.s32 @!p0 $0x1C03  }
0x225: {  	[timem:s3], [sflag:s2] =	dma.local @!p0 [hbm:s0], s1  }
0x226: {  	s0 =	simm.s32 @!p0 $0x3  }
0x227: {  	_ =	swait.ge @!p0 [sflag:s0], s1  }
0x228: {  	s1 =	ssub.s32 @!p0 $0x0, s1;
	[sflag:s0] =	ssyncset.done @!p0 $0x0  }
0x229: {  	[sflag:s0] =	ssyncadd.s32 @!p0 s1  }
0x22a: {  	[bflag:$0x3] =	sbarrier.arrive $0xFFFF  }
0x22b: {  	_ =	shalt  }

</sc_bundles>
